<compile_context>
chip_gen: v7x
topology: tpu7x:2x2x1
jax: 0.10.2.dev20260603
libtpu: 0.0.44.dev20260713+nightly
codegen_flags: <defaults>
</compile_context>

<pallas_src>
import functools

import jax
import jax.numpy as jnp
from jax import lax
from jax.experimental import pallas as pl
from jax.experimental.pallas import tpu as pltpu
from jax.experimental.pallas import tpu_sc as plsc

N_TOK = 16384
HID = 4096
NE = 8
TOPK = 2

BT = 512


def _logits_body(xa_ref, xb_ref, w_ref, *out_refs):
    dims = (((1,), (1,)), ((), ()))
    blka_t = lax.dot_general(
        xa_ref[...], w_ref[...], dims, preferred_element_type=jnp.float32
    ).T
    blkb_t = lax.dot_general(
        xb_ref[...], w_ref[...], dims, preferred_element_type=jnp.float32
    ).T
    for e in range(NE):
        out_refs[e][pl.ds(0, BT)] = blka_t[e : e + 1, :].reshape(BT)
        out_refs[e][pl.ds(BT, BT)] = blkb_t[e : e + 1, :].reshape(BT)


def _logits_tc(x, w):
    return pl.pallas_call(
        _logits_body,
        grid=(N_TOK // (2 * BT),),
        in_specs=[
            pl.BlockSpec((BT, HID), lambda i: (2 * i, 0)),
            pl.BlockSpec((BT, HID), lambda i: (2 * i + 1, 0)),
            pl.BlockSpec((NE, HID), lambda i: (0, 0)),
        ],
        out_specs=[
            pl.BlockSpec((2 * BT,), lambda i: (i,)) for _ in range(NE)
        ],
        out_shape=[
            jax.ShapeDtypeStruct((N_TOK,), jnp.float32) for _ in range(NE)
        ],
    )(x, x, w)


NSUB = 16
TPW = N_TOK // NSUB
NCH = TPW // 16
UNROLL = 8


def _sc_route_body(*refs):
    logit_hbm = refs[:NE]
    s1_hbm, s2_hbm, i1_hbm, i2_hbm, cnt_hbm = refs[NE : NE + 5]
    lg_v, s1_v, s2_v, i1_v, i2_v, cnt_v, gat_v, part_sh, sem = refs[NE + 5 :]

    wid = lax.axis_index("s")
    base = wid * TPW
    copies = [
        pltpu.make_async_copy(
            logit_hbm[e].at[pl.ds(base, TPW)],
            lg_v.at[pl.ds(e * TPW, TPW)],
            sem,
        )
        for e in range(NE)
    ]
    for c in copies:
        c.start()
    for c in copies:
        c.wait()

    lanes = lax.iota(jnp.int32, 16)

    def chunk(tok0, pk):
        m1 = lg_v[pl.ds(tok0, 16)]
        i1 = jnp.zeros((16,), jnp.int32)
        m2 = jnp.full((16,), -jnp.inf, jnp.float32)
        i2 = jnp.zeros((16,), jnp.int32)
        for e in range(1, NE):
            v = lg_v[pl.ds(e * TPW + tok0, 16)]
            gt1 = v > m1
            gt2 = jnp.logical_and(jnp.logical_not(gt1), v > m2)
            m2 = jnp.where(gt1, m1, jnp.where(gt2, v, m2))
            i2 = jnp.where(gt1, i1, jnp.where(gt2, e, i2))
            m1 = jnp.where(gt1, v, m1)
            i1 = jnp.where(gt1, e, i1)
        d = jnp.exp(m2 - m1)
        r = 1.0 / (1.0 + d)
        sl = pl.ds(tok0, 16)
        s1_v[sl] = r
        s2_v[sl] = d * r
        i1_v[sl] = i1
        i2_v[sl] = i2
        one = jnp.int32(1)
        pk = pk + (one << (i1 * 4)) + (one << (i2 * 4))
        return pk

    def group(g, accs):
        pk = jnp.zeros((16,), jnp.int32)
        for j in range(UNROLL):
            pk = chunk(g * (16 * UNROLL) + j * 16, pk)
        return tuple(
            accs[e] + ((pk >> (4 * e)) & 0xF).astype(jnp.float32)
            for e in range(NE)
        )

    acc0 = tuple(jnp.zeros((16,), jnp.float32) for _ in range(NE))
    accs = lax.fori_loop(0, NCH // UNROLL, group, acc0)

    out_copies = [
        pltpu.make_async_copy(v, h.at[pl.ds(base, TPW)], sem)
        for v, h in (
            (s1_v, s1_hbm), (s2_v, s2_hbm), (i1_v, i1_hbm), (i2_v, i2_hbm)
        )
    ]
    for c in out_copies:
        c.start()
    for c in out_copies:
        c.wait()

    cv = jnp.zeros((16,), jnp.float32)
    for e in range(NE):
        cv = jnp.where(lanes == e, jnp.sum(accs[e]), cv)
    cnt_v[...] = cv
    pltpu.sync_copy(cnt_v, part_sh.at[pl.ds(wid * 16, 16)])
    plsc.subcore_barrier()

    @pl.when(wid == 0)
    def _():
        pltpu.sync_copy(part_sh, gat_v)
        tot = gat_v[pl.ds(0, 16)]
        for w in range(1, NSUB):
            tot = tot + gat_v[pl.ds(w * 16, 16)]
        cnt_v[...] = tot
        pltpu.sync_copy(cnt_v, cnt_hbm)


@functools.lru_cache(maxsize=1)
def _get_sc_route():
    mesh = plsc.VectorSubcoreMesh(
        core_axis_name="c", subcore_axis_name="s",
        num_cores=1, num_subcores=NSUB,
    )
    return pl.kernel(
        _sc_route_body,
        out_type=(
            jax.ShapeDtypeStruct((N_TOK,), jnp.float32),
            jax.ShapeDtypeStruct((N_TOK,), jnp.float32),
            jax.ShapeDtypeStruct((N_TOK,), jnp.int32),
            jax.ShapeDtypeStruct((N_TOK,), jnp.int32),
            jax.ShapeDtypeStruct((16,), jnp.float32),
        ),
        mesh=mesh,
        scratch_types=(
            pltpu.VMEM((NE * TPW,), jnp.float32),
            pltpu.VMEM((TPW,), jnp.float32),
            pltpu.VMEM((TPW,), jnp.float32),
            pltpu.VMEM((TPW,), jnp.int32),
            pltpu.VMEM((TPW,), jnp.int32),
            pltpu.VMEM((16,), jnp.float32),
            pltpu.VMEM((NSUB * 16,), jnp.float32),
            pltpu.VMEM_SHARED((NSUB * 16,), jnp.float32),
            pltpu.SemaphoreType.DMA,
        ),
        compiler_params=pltpu.CompilerParams(needs_layout_passes=False),
    )


def kernel(input, W):
    x = input.reshape(N_TOK, HID)
    logit_list = _logits_tc(x, W)
    s1, s2, i1, i2, cnt = _get_sc_route()(*logit_list)
    return (
        jnp.stack([s1, s2], axis=1),
        jnp.stack([i1, i2], axis=1),
        cnt[:NE],
    )

# --- scband reference (transcript-rebuilt; emitter-appended) ---
"""Pipeline reference for scband-top-krouter-80247168958768 (READ-ONLY COPY).

The authoritative reference and input builder live on the scoring server;
editing this copy changes nothing except your own understanding.
"""

import jax, jax.numpy as jnp
import numpy as np

NUM_EXPERTS = 8
TOP_K = 2
HIDDEN = 4096
N_TOKENS = 16384


def setup_inputs(seed: int = 0) -> dict:
    key = jax.random.key(seed)
    k1, k2 = jax.random.split(key)
    x = jax.random.normal(k1, (N_TOKENS, HIDDEN), dtype=jnp.float32)
    # router weight [num_experts, hidden], trunc-normal-like init
    W = jax.random.normal(k2, (NUM_EXPERTS, HIDDEN), dtype=jnp.float32) * 0.02
    return {"input": x, "W": W}


def reference(input, W):
    # gating: linear without bias -> logits [N, E]
    logits = input @ W.T
    logits = logits.reshape(-1, NUM_EXPERTS)
    # apply_z_loss is identity on logits in forward (loss is auxiliary,
    # attached via autograd hooks in training framework); values unchanged.
    top_logits, top_indices = jax.lax.top_k(logits, TOP_K)
    scores = jax.nn.softmax(top_logits.astype(jnp.float32), axis=-1).astype(logits.dtype)
    # tokens_per_expert via histogram over top_indices
    flat_idx = top_indices.reshape(-1)
    tokens_per_expert = jnp.bincount(flat_idx, length=NUM_EXPERTS).astype(jnp.float32)
    # apply_aux_loss returns scores unchanged in forward (aux loss attached to grads)
    return (scores, top_indices, tokens_per_expert)

if __name__ == "__main__":
    import jax
    _d = setup_inputs()
    print(jax.jit(kernel)(*tuple(_d.values())))

</pallas_src>

<mosaic_0001>
#map = affine_map<(d0, d1) -> (0)>
module attributes {stable_mosaic.version = 14 : i64} {
  func.func @_sc_route_body(%arg0: i32, %arg1: i32, %arg2: memref<16384xf32, #tpu.memory_space<hbm>>, %arg3: memref<16384xf32, #tpu.memory_space<hbm>>, %arg4: memref<16384xf32, #tpu.memory_space<hbm>>, %arg5: memref<16384xf32, #tpu.memory_space<hbm>>, %arg6: memref<16384xf32, #tpu.memory_space<hbm>>, %arg7: memref<16384xf32, #tpu.memory_space<hbm>>, %arg8: memref<16384xf32, #tpu.memory_space<hbm>>, %arg9: memref<16384xf32, #tpu.memory_space<hbm>>, %arg10: memref<16384xf32, #tpu.memory_space<hbm>>, %arg11: memref<16384xf32, #tpu.memory_space<hbm>>, %arg12: memref<16384xi32, #tpu.memory_space<hbm>>, %arg13: memref<16384xi32, #tpu.memory_space<hbm>>, %arg14: memref<16xf32, #tpu.memory_space<hbm>>, %arg15: memref<8192xf32, #tpu.memory_space<vmem>>, %arg16: memref<1024xf32, #tpu.memory_space<vmem>>, %arg17: memref<1024xf32, #tpu.memory_space<vmem>>, %arg18: memref<1024xi32, #tpu.memory_space<vmem>>, %arg19: memref<1024xi32, #tpu.memory_space<vmem>>, %arg20: memref<16xf32, #tpu.memory_space<vmem>>, %arg21: memref<256xf32, #tpu.memory_space<vmem>>, %arg22: memref<256xf32, #tpu.memory_space<vmem_shared>>, %arg23: memref<!tpu.dma_semaphore, #tpu.memory_space<semaphore_mem>>) attributes {dimension_semantics = [#tpu.dimension_semantics<core_parallel>, #tpu.dimension_semantics<subcore_parallel>], iteration_bounds = array<i64: 1, 16>, scalar_prefetch = 0 : i64, scratch_operands = 9 : i64, tpu.core_type = #tpu.core_type<sc_vector_subcore>, window_params = [{transform_indices = #map}, {transform_indices = #map}, {transform_indices = #map}, {transform_indices = #map}, {transform_indices = #map}, {transform_indices = #map}, {transform_indices = #map}, {transform_indices = #map}, {transform_indices = #map}, {transform_indices = #map}, {transform_indices = #map}, {transform_indices = #map}, {transform_indices = #map}]} {
    %mul3A = arith.constant 1024 : i32
    %mul3A_0 = arith.muli %arg1, %mul3A : i32
    %dma_start3A = arith.constant 0 : i32
    %dma_start3A_1 = tpu.memref_slice %arg15[%dma_start3A] : memref<8192xf32, #tpu.memory_space<vmem>> -> memref<1024xf32, #tpu.memory_space<vmem>>
    %dma_start3A_2 = tpu.memref_slice %arg2[%mul3A_0] : memref<16384xf32, #tpu.memory_space<hbm>> -> memref<1024xf32, #tpu.memory_space<hbm>>
    %dma_start3A_3 = arith.constant 0 : i32
    %dma_start3A_4 = tpu.memref_slice %arg15[%dma_start3A_3] : memref<8192xf32, #tpu.memory_space<vmem>> -> memref<1024xf32, #tpu.memory_space<vmem>>
    %dma_start3A_5 = tpu.memref_slice %arg2[%mul3A_0] : memref<16384xf32, #tpu.memory_space<hbm>> -> memref<1024xf32, #tpu.memory_space<hbm>>
    tpu.enqueue_dma source(%dma_start3A_5 : memref<1024xf32, #tpu.memory_space<hbm>>) target(%dma_start3A_4 : memref<1024xf32, #tpu.memory_space<vmem>>) target_semaphore(%arg23 : memref<!tpu.dma_semaphore, #tpu.memory_space<semaphore_mem>>)
    %dma_start3A_6 = arith.constant 1024 : i32
    %dma_start3A_7 = tpu.memref_slice %arg15[%dma_start3A_6] : memref<8192xf32, #tpu.memory_space<vmem>> -> memref<1024xf32, #tpu.memory_space<vmem>>
    %dma_start3A_8 = tpu.memref_slice %arg3[%mul3A_0] : memref<16384xf32, #tpu.memory_space<hbm>> -> memref<1024xf32, #tpu.memory_space<hbm>>
    %dma_start3A_9 = arith.constant 1024 : i32
    %dma_start3A_10 = tpu.memref_slice %arg15[%dma_start3A_9] : memref<8192xf32, #tpu.memory_space<vmem>> -> memref<1024xf32, #tpu.memory_space<vmem>>
    %dma_start3A_11 = tpu.memref_slice %arg3[%mul3A_0] : memref<16384xf32, #tpu.memory_space<hbm>> -> memref<1024xf32, #tpu.memory_space<hbm>>
    tpu.enqueue_dma source(%dma_start3A_11 : memref<1024xf32, #tpu.memory_space<hbm>>) target(%dma_start3A_10 : memref<1024xf32, #tpu.memory_space<vmem>>) target_semaphore(%arg23 : memref<!tpu.dma_semaphore, #tpu.memory_space<semaphore_mem>>)
    %dma_start3A_12 = arith.constant 2048 : i32
    %dma_start3A_13 = tpu.memref_slice %arg15[%dma_start3A_12] : memref<8192xf32, #tpu.memory_space<vmem>> -> memref<1024xf32, #tpu.memory_space<vmem>>
    %dma_start3A_14 = tpu.memref_slice %arg4[%mul3A_0] : memref<16384xf32, #tpu.memory_space<hbm>> -> memref<1024xf32, #tpu.memory_space<hbm>>
    %dma_start3A_15 = arith.constant 2048 : i32
    %dma_start3A_16 = tpu.memref_slice %arg15[%dma_start3A_15] : memref<8192xf32, #tpu.memory_space<vmem>> -> memref<1024xf32, #tpu.memory_space<vmem>>
    %dma_start3A_17 = tpu.memref_slice %arg4[%mul3A_0] : memref<16384xf32, #tpu.memory_space<hbm>> -> memref<1024xf32, #tpu.memory_space<hbm>>
    tpu.enqueue_dma source(%dma_start3A_17 : memref<1024xf32, #tpu.memory_space<hbm>>) target(%dma_start3A_16 : memref<1024xf32, #tpu.memory_space<vmem>>) target_semaphore(%arg23 : memref<!tpu.dma_semaphore, #tpu.memory_space<semaphore_mem>>)
    %dma_start3A_18 = arith.constant 3072 : i32
    %dma_start3A_19 = tpu.memref_slice %arg15[%dma_start3A_18] : memref<8192xf32, #tpu.memory_space<vmem>> -> memref<1024xf32, #tpu.memory_space<vmem>>
    %dma_start3A_20 = tpu.memref_slice %arg5[%mul3A_0] : memref<16384xf32, #tpu.memory_space<hbm>> -> memref<1024xf32, #tpu.memory_space<hbm>>
    %dma_start3A_21 = arith.constant 3072 : i32
    %dma_start3A_22 = tpu.memref_slice %arg15[%dma_start3A_21] : memref<8192xf32, #tpu.memory_space<vmem>> -> memref<1024xf32, #tpu.memory_space<vmem>>
    %dma_start3A_23 = tpu.memref_slice %arg5[%mul3A_0] : memref<16384xf32, #tpu.memory_space<hbm>> -> memref<1024xf32, #tpu.memory_space<hbm>>
    tpu.enqueue_dma source(%dma_start3A_23 : memref<1024xf32, #tpu.memory_space<hbm>>) target(%dma_start3A_22 : memref<1024xf32, #tpu.memory_space<vmem>>) target_semaphore(%arg23 : memref<!tpu.dma_semaphore, #tpu.memory_space<semaphore_mem>>)
    %dma_start3A_24 = arith.constant 4096 : i32
    %dma_start3A_25 = tpu.memref_slice %arg15[%dma_start3A_24] : memref<8192xf32, #tpu.memory_space<vmem>> -> memref<1024xf32, #tpu.memory_space<vmem>>
    %dma_start3A_26 = tpu.memref_slice %arg6[%mul3A_0] : memref<16384xf32, #tpu.memory_space<hbm>> -> memref<1024xf32, #tpu.memory_space<hbm>>
    %dma_start3A_27 = arith.constant 4096 : i32
    %dma_start3A_28 = tpu.memref_slice %arg15[%dma_start3A_27] : memref<8192xf32, #tpu.memory_space<vmem>> -> memref<1024xf32, #tpu.memory_space<vmem>>
    %dma_start3A_29 = tpu.memref_slice %arg6[%mul3A_0] : memref<16384xf32, #tpu.memory_space<hbm>> -> memref<1024xf32, #tpu.memory_space<hbm>>
    tpu.enqueue_dma source(%dma_start3A_29 : memref<1024xf32, #tpu.memory_space<hbm>>) target(%dma_start3A_28 : memref<1024xf32, #tpu.memory_space<vmem>>) target_semaphore(%arg23 : memref<!tpu.dma_semaphore, #tpu.memory_space<semaphore_mem>>)
    %dma_start3A_30 = arith.constant 5120 : i32
    %dma_start3A_31 = tpu.memref_slice %arg15[%dma_start3A_30] : memref<8192xf32, #tpu.memory_space<vmem>> -> memref<1024xf32, #tpu.memory_space<vmem>>
    %dma_start3A_32 = tpu.memref_slice %arg7[%mul3A_0] : memref<16384xf32, #tpu.memory_space<hbm>> -> memref<1024xf32, #tpu.memory_space<hbm>>
    %dma_start3A_33 = arith.constant 5120 : i32
    %dma_start3A_34 = tpu.memref_slice %arg15[%dma_start3A_33] : memref<8192xf32, #tpu.memory_space<vmem>> -> memref<1024xf32, #tpu.memory_space<vmem>>
    %dma_start3A_35 = tpu.memref_slice %arg7[%mul3A_0] : memref<16384xf32, #tpu.memory_space<hbm>> -> memref<1024xf32, #tpu.memory_space<hbm>>
    tpu.enqueue_dma source(%dma_start3A_35 : memref<1024xf32, #tpu.memory_space<hbm>>) target(%dma_start3A_34 : memref<1024xf32, #tpu.memory_space<vmem>>) target_semaphore(%arg23 : memref<!tpu.dma_semaphore, #tpu.memory_space<semaphore_mem>>)
    %dma_start3A_36 = arith.constant 6144 : i32
    %dma_start3A_37 = tpu.memref_slice %arg15[%dma_start3A_36] : memref<8192xf32, #tpu.memory_space<vmem>> -> memref<1024xf32, #tpu.memory_space<vmem>>
    %dma_start3A_38 = tpu.memref_slice %arg8[%mul3A_0] : memref<16384xf32, #tpu.memory_space<hbm>> -> memref<1024xf32, #tpu.memory_space<hbm>>
    %dma_start3A_39 = arith.constant 6144 : i32
    %dma_start3A_40 = tpu.memref_slice %arg15[%dma_start3A_39] : memref<8192xf32, #tpu.memory_space<vmem>> -> memref<1024xf32, #tpu.memory_space<vmem>>
    %dma_start3A_41 = tpu.memref_slice %arg8[%mul3A_0] : memref<16384xf32, #tpu.memory_space<hbm>> -> memref<1024xf32, #tpu.memory_space<hbm>>
    tpu.enqueue_dma source(%dma_start3A_41 : memref<1024xf32, #tpu.memory_space<hbm>>) target(%dma_start3A_40 : memref<1024xf32, #tpu.memory_space<vmem>>) target_semaphore(%arg23 : memref<!tpu.dma_semaphore, #tpu.memory_space<semaphore_mem>>)
    %dma_start3A_42 = arith.constant 7168 : i32
    %dma_start3A_43 = tpu.memref_slice %arg15[%dma_start3A_42] : memref<8192xf32, #tpu.memory_space<vmem>> -> memref<1024xf32, #tpu.memory_space<vmem>>
    %dma_start3A_44 = tpu.memref_slice %arg9[%mul3A_0] : memref<16384xf32, #tpu.memory_space<hbm>> -> memref<1024xf32, #tpu.memory_space<hbm>>
    %dma_start3A_45 = arith.constant 7168 : i32
    %dma_start3A_46 = tpu.memref_slice %arg15[%dma_start3A_45] : memref<8192xf32, #tpu.memory_space<vmem>> -> memref<1024xf32, #tpu.memory_space<vmem>>
    %dma_start3A_47 = tpu.memref_slice %arg9[%mul3A_0] : memref<16384xf32, #tpu.memory_space<hbm>> -> memref<1024xf32, #tpu.memory_space<hbm>>
    tpu.enqueue_dma source(%dma_start3A_47 : memref<1024xf32, #tpu.memory_space<hbm>>) target(%dma_start3A_46 : memref<1024xf32, #tpu.memory_space<vmem>>) target_semaphore(%arg23 : memref<!tpu.dma_semaphore, #tpu.memory_space<semaphore_mem>>)
    %dma_wait3A = arith.constant 0 : i32
    %dma_wait3A_48 = tpu.memref_slice %arg15[%dma_wait3A] : memref<8192xf32, #tpu.memory_space<vmem>> -> memref<1024xf32, #tpu.memory_space<vmem>>
    %dma_wait3A_49 = tpu.memref_slice %arg2[%mul3A_0] : memref<16384xf32, #tpu.memory_space<hbm>> -> memref<1024xf32, #tpu.memory_space<hbm>>
    %dma_wait3A_50 = arith.constant 0 : i32
    %dma_wait3A_51 = tpu.memref_slice %arg15[%dma_wait3A_50] : memref<8192xf32, #tpu.memory_space<vmem>> -> memref<1024xf32, #tpu.memory_space<vmem>>
    %dma_wait3A_52 = tpu.memref_slice %arg2[%mul3A_0] : memref<16384xf32, #tpu.memory_space<hbm>> -> memref<1024xf32, #tpu.memory_space<hbm>>
    tpu.wait_dma2 semaphore(%arg23 : memref<!tpu.dma_semaphore, #tpu.memory_space<semaphore_mem>>) src(%dma_wait3A_52 : memref<1024xf32, #tpu.memory_space<hbm>>) dst(%dma_wait3A_51 : memref<1024xf32, #tpu.memory_space<vmem>>)
    %dma_wait3A_53 = arith.constant 1024 : i32
    %dma_wait3A_54 = tpu.memref_slice %arg15[%dma_wait3A_53] : memref<8192xf32, #tpu.memory_space<vmem>> -> memref<1024xf32, #tpu.memory_space<vmem>>
    %dma_wait3A_55 = tpu.memref_slice %arg3[%mul3A_0] : memref<16384xf32, #tpu.memory_space<hbm>> -> memref<1024xf32, #tpu.memory_space<hbm>>
    %dma_wait3A_56 = arith.constant 1024 : i32
    %dma_wait3A_57 = tpu.memref_slice %arg15[%dma_wait3A_56] : memref<8192xf32, #tpu.memory_space<vmem>> -> memref<1024xf32, #tpu.memory_space<vmem>>
    %dma_wait3A_58 = tpu.memref_slice %arg3[%mul3A_0] : memref<16384xf32, #tpu.memory_space<hbm>> -> memref<1024xf32, #tpu.memory_space<hbm>>
    tpu.wait_dma2 semaphore(%arg23 : memref<!tpu.dma_semaphore, #tpu.memory_space<semaphore_mem>>) src(%dma_wait3A_58 : memref<1024xf32, #tpu.memory_space<hbm>>) dst(%dma_wait3A_57 : memref<1024xf32, #tpu.memory_space<vmem>>)
    %dma_wait3A_59 = arith.constant 2048 : i32
    %dma_wait3A_60 = tpu.memref_slice %arg15[%dma_wait3A_59] : memref<8192xf32, #tpu.memory_space<vmem>> -> memref<1024xf32, #tpu.memory_space<vmem>>
    %dma_wait3A_61 = tpu.memref_slice %arg4[%mul3A_0] : memref<16384xf32, #tpu.memory_space<hbm>> -> memref<1024xf32, #tpu.memory_space<hbm>>
    %dma_wait3A_62 = arith.constant 2048 : i32
    %dma_wait3A_63 = tpu.memref_slice %arg15[%dma_wait3A_62] : memref<8192xf32, #tpu.memory_space<vmem>> -> memref<1024xf32, #tpu.memory_space<vmem>>
    %dma_wait3A_64 = tpu.memref_slice %arg4[%mul3A_0] : memref<16384xf32, #tpu.memory_space<hbm>> -> memref<1024xf32, #tpu.memory_space<hbm>>
    tpu.wait_dma2 semaphore(%arg23 : memref<!tpu.dma_semaphore, #tpu.memory_space<semaphore_mem>>) src(%dma_wait3A_64 : memref<1024xf32, #tpu.memory_space<hbm>>) dst(%dma_wait3A_63 : memref<1024xf32, #tpu.memory_space<vmem>>)
    %dma_wait3A_65 = arith.constant 3072 : i32
    %dma_wait3A_66 = tpu.memref_slice %arg15[%dma_wait3A_65] : memref<8192xf32, #tpu.memory_space<vmem>> -> memref<1024xf32, #tpu.memory_space<vmem>>
    %dma_wait3A_67 = tpu.memref_slice %arg5[%mul3A_0] : memref<16384xf32, #tpu.memory_space<hbm>> -> memref<1024xf32, #tpu.memory_space<hbm>>
    %dma_wait3A_68 = arith.constant 3072 : i32
    %dma_wait3A_69 = tpu.memref_slice %arg15[%dma_wait3A_68] : memref<8192xf32, #tpu.memory_space<vmem>> -> memref<1024xf32, #tpu.memory_space<vmem>>
    %dma_wait3A_70 = tpu.memref_slice %arg5[%mul3A_0] : memref<16384xf32, #tpu.memory_space<hbm>> -> memref<1024xf32, #tpu.memory_space<hbm>>
    tpu.wait_dma2 semaphore(%arg23 : memref<!tpu.dma_semaphore, #tpu.memory_space<semaphore_mem>>) src(%dma_wait3A_70 : memref<1024xf32, #tpu.memory_space<hbm>>) dst(%dma_wait3A_69 : memref<1024xf32, #tpu.memory_space<vmem>>)
    %dma_wait3A_71 = arith.constant 4096 : i32
    %dma_wait3A_72 = tpu.memref_slice %arg15[%dma_wait3A_71] : memref<8192xf32, #tpu.memory_space<vmem>> -> memref<1024xf32, #tpu.memory_space<vmem>>
    %dma_wait3A_73 = tpu.memref_slice %arg6[%mul3A_0] : memref<16384xf32, #tpu.memory_space<hbm>> -> memref<1024xf32, #tpu.memory_space<hbm>>
    %dma_wait3A_74 = arith.constant 4096 : i32
    %dma_wait3A_75 = tpu.memref_slice %arg15[%dma_wait3A_74] : memref<8192xf32, #tpu.memory_space<vmem>> -> memref<1024xf32, #tpu.memory_space<vmem>>
    %dma_wait3A_76 = tpu.memref_slice %arg6[%mul3A_0] : memref<16384xf32, #tpu.memory_space<hbm>> -> memref<1024xf32, #tpu.memory_space<hbm>>
    tpu.wait_dma2 semaphore(%arg23 : memref<!tpu.dma_semaphore, #tpu.memory_space<semaphore_mem>>) src(%dma_wait3A_76 : memref<1024xf32, #tpu.memory_space<hbm>>) dst(%dma_wait3A_75 : memref<1024xf32, #tpu.memory_space<vmem>>)
    %dma_wait3A_77 = arith.constant 5120 : i32
    %dma_wait3A_78 = tpu.memref_slice %arg15[%dma_wait3A_77] : memref<8192xf32, #tpu.memory_space<vmem>> -> memref<1024xf32, #tpu.memory_space<vmem>>
    %dma_wait3A_79 = tpu.memref_slice %arg7[%mul3A_0] : memref<16384xf32, #tpu.memory_space<hbm>> -> memref<1024xf32, #tpu.memory_space<hbm>>
    %dma_wait3A_80 = arith.constant 5120 : i32
    %dma_wait3A_81 = tpu.memref_slice %arg15[%dma_wait3A_80] : memref<8192xf32, #tpu.memory_space<vmem>> -> memref<1024xf32, #tpu.memory_space<vmem>>
    %dma_wait3A_82 = tpu.memref_slice %arg7[%mul3A_0] : memref<16384xf32, #tpu.memory_space<hbm>> -> memref<1024xf32, #tpu.memory_space<hbm>>
    tpu.wait_dma2 semaphore(%arg23 : memref<!tpu.dma_semaphore, #tpu.memory_space<semaphore_mem>>) src(%dma_wait3A_82 : memref<1024xf32, #tpu.memory_space<hbm>>) dst(%dma_wait3A_81 : memref<1024xf32, #tpu.memory_space<vmem>>)
    %dma_wait3A_83 = arith.constant 6144 : i32
    %dma_wait3A_84 = tpu.memref_slice %arg15[%dma_wait3A_83] : memref<8192xf32, #tpu.memory_space<vmem>> -> memref<1024xf32, #tpu.memory_space<vmem>>
    %dma_wait3A_85 = tpu.memref_slice %arg8[%mul3A_0] : memref<16384xf32, #tpu.memory_space<hbm>> -> memref<1024xf32, #tpu.memory_space<hbm>>
    %dma_wait3A_86 = arith.constant 6144 : i32
    %dma_wait3A_87 = tpu.memref_slice %arg15[%dma_wait3A_86] : memref<8192xf32, #tpu.memory_space<vmem>> -> memref<1024xf32, #tpu.memory_space<vmem>>
    %dma_wait3A_88 = tpu.memref_slice %arg8[%mul3A_0] : memref<16384xf32, #tpu.memory_space<hbm>> -> memref<1024xf32, #tpu.memory_space<hbm>>
    tpu.wait_dma2 semaphore(%arg23 : memref<!tpu.dma_semaphore, #tpu.memory_space<semaphore_mem>>) src(%dma_wait3A_88 : memref<1024xf32, #tpu.memory_space<hbm>>) dst(%dma_wait3A_87 : memref<1024xf32, #tpu.memory_space<vmem>>)
    %dma_wait3A_89 = arith.constant 7168 : i32
    %dma_wait3A_90 = tpu.memref_slice %arg15[%dma_wait3A_89] : memref<8192xf32, #tpu.memory_space<vmem>> -> memref<1024xf32, #tpu.memory_space<vmem>>
    %dma_wait3A_91 = tpu.memref_slice %arg9[%mul3A_0] : memref<16384xf32, #tpu.memory_space<hbm>> -> memref<1024xf32, #tpu.memory_space<hbm>>
    %dma_wait3A_92 = arith.constant 7168 : i32
    %dma_wait3A_93 = tpu.memref_slice %arg15[%dma_wait3A_92] : memref<8192xf32, #tpu.memory_space<vmem>> -> memref<1024xf32, #tpu.memory_space<vmem>>
    %dma_wait3A_94 = tpu.memref_slice %arg9[%mul3A_0] : memref<16384xf32, #tpu.memory_space<hbm>> -> memref<1024xf32, #tpu.memory_space<hbm>>
    tpu.wait_dma2 semaphore(%arg23 : memref<!tpu.dma_semaphore, #tpu.memory_space<semaphore_mem>>) src(%dma_wait3A_94 : memref<1024xf32, #tpu.memory_space<hbm>>) dst(%dma_wait3A_93 : memref<1024xf32, #tpu.memory_space<vmem>>)
    %iota3A = tpu.iota {dimensions = array<i32: 0>} : vector<16xi32>
    %broadcast_in_dim3A = arith.constant 0.000000e+00 : f32
    %broadcast_in_dim3A_95 = vector.broadcast %broadcast_in_dim3A : f32 to vector<16xf32>
    %broadcast_in_dim3A_96 = arith.constant 0.000000e+00 : f32
    %broadcast_in_dim3A_97 = vector.broadcast %broadcast_in_dim3A_96 : f32 to vector<16xf32>
    %broadcast_in_dim3A_98 = arith.constant 0.000000e+00 : f32
    %broadcast_in_dim3A_99 = vector.broadcast %broadcast_in_dim3A_98 : f32 to vector<16xf32>
    %broadcast_in_dim3A_100 = arith.constant 0.000000e+00 : f32
    %broadcast_in_dim3A_101 = vector.broadcast %broadcast_in_dim3A_100 : f32 to vector<16xf32>
    %broadcast_in_dim3A_102 = arith.constant 0.000000e+00 : f32
    %broadcast_in_dim3A_103 = vector.broadcast %broadcast_in_dim3A_102 : f32 to vector<16xf32>
    %broadcast_in_dim3A_104 = arith.constant 0.000000e+00 : f32
    %broadcast_in_dim3A_105 = vector.broadcast %broadcast_in_dim3A_104 : f32 to vector<16xf32>
    %broadcast_in_dim3A_106 = arith.constant 0.000000e+00 : f32
    %broadcast_in_dim3A_107 = vector.broadcast %broadcast_in_dim3A_106 : f32 to vector<16xf32>
    %broadcast_in_dim3A_108 = arith.constant 0.000000e+00 : f32
    %broadcast_in_dim3A_109 = vector.broadcast %broadcast_in_dim3A_108 : f32 to vector<16xf32>
    %scan3A = arith.constant 0 : i32
    %scan3A_110 = arith.constant 8 : i32
    %scan3A_111 = arith.addi %scan3A, %scan3A_110 : i32
    %scan3A_112 = arith.constant 1 : i32
    %scan3A_113:8 = scf.for %scan3A_208 = %scan3A to %scan3A_111 step %scan3A_112 iter_args(%scan3A_209 = %broadcast_in_dim3A_95, %scan3A_210 = %broadcast_in_dim3A_97, %scan3A_211 = %broadcast_in_dim3A_99, %scan3A_212 = %broadcast_in_dim3A_101, %scan3A_213 = %broadcast_in_dim3A_103, %scan3A_214 = %broadcast_in_dim3A_105, %scan3A_215 = %broadcast_in_dim3A_107, %scan3A_216 = %broadcast_in_dim3A_109) -> (vector<16xf32>, vector<16xf32>, vector<16xf32>, vector<16xf32>, vector<16xf32>, vector<16xf32>, vector<16xf32>, vector<16xf32>)  : i32 {
      %broadcast_in_dim3A_217 = arith.constant 0 : i32
      %broadcast_in_dim3A_218 = vector.broadcast %broadcast_in_dim3A_217 : i32 to vector<16xi32>
      %mul3A_219 = arith.constant 128 : i32
      %mul3A_220 = arith.muli %scan3A_208, %mul3A_219 : i32
      %add3A = arith.constant 0 : i32
      %add3A_221 = arith.addi %mul3A_220, %add3A : i32
      %get3A = arith.index_cast %add3A_221 : i32 to index
      %get3A_222 = tpu.vector_load %arg15[%get3A] {strides = array<i32>} : memref<8192xf32, #tpu.memory_space<vmem>>, vector<16xf32>,
      %broadcast_in_dim3A_223 = arith.constant 0 : i32
      %broadcast_in_dim3A_224 = vector.broadcast %broadcast_in_dim3A_223 : i32 to vector<16xi32>
      %broadcast_in_dim3A_225 = arith.constant 0xFF800000 : f32
      %broadcast_in_dim3A_226 = vector.broadcast %broadcast_in_dim3A_225 : f32 to vector<16xf32>
      %broadcast_in_dim3A_227 = arith.constant 0 : i32
      %broadcast_in_dim3A_228 = vector.broadcast %broadcast_in_dim3A_227 : i32 to vector<16xi32>
      %add3A_229 = arith.constant 1024 : i32
      %add3A_230 = arith.addi %add3A_229, %add3A_221 : i32
      %get3A_231 = arith.index_cast %add3A_230 : i32 to index
      %get3A_232 = tpu.vector_load %arg15[%get3A_231] {strides = array<i32>} : memref<8192xf32, #tpu.memory_space<vmem>>, vector<16xf32>,
      %gt3A = arith.cmpf ogt, %get3A_232, %get3A_222 : vector<16xf32>
      %not3A = arith.constant dense<true> : vector<16xi1>
      %not3A_233 = arith.xori %gt3A, %not3A : vector<16xi1>
      %gt3A_234 = arith.cmpf ogt, %get3A_232, %broadcast_in_dim3A_226 : vector<16xf32>
      %and3A = arith.andi %not3A_233, %gt3A_234 : vector<16xi1>
      %select_n3A_235 = arith.select %and3A, %get3A_232, %broadcast_in_dim3A_226 : vector<16xi1>, vector<16xf32>
      %select_n3A_236 = arith.select %gt3A, %get3A_222, %select_n3A_235 : vector<16xi1>, vector<16xf32>
      %jit3A = arith.constant 1 : i32
      %broadcast_in_dim3A_237 = vector.broadcast %jit3A : i32 to vector<16xi32>
      %select_n3A_238 = arith.select %and3A, %broadcast_in_dim3A_237, %broadcast_in_dim3A_228 : vector<16xi1>, vector<16xi32>
      %select_n3A_239 = arith.select %gt3A, %broadcast_in_dim3A_224, %select_n3A_238 : vector<16xi1>, vector<16xi32>
      %select_n3A_240 = arith.select %gt3A, %get3A_232, %get3A_222 : vector<16xi1>, vector<16xf32>
      %jit3A_241 = arith.constant 1 : i32
      %broadcast_in_dim3A_242 = vector.broadcast %jit3A_241 : i32 to vector<16xi32>
      %select_n3A_243 = arith.select %gt3A, %broadcast_in_dim3A_242, %broadcast_in_dim3A_224 : vector<16xi1>, vector<16xi32>
      %add3A_244 = arith.constant 2048 : i32
      %add3A_245 = arith.addi %add3A_244, %add3A_221 : i32
      %get3A_246 = arith.index_cast %add3A_245 : i32 to index
      %get3A_247 = tpu.vector_load %arg15[%get3A_246] {strides = array<i32>} : memref<8192xf32, #tpu.memory_space<vmem>>, vector<16xf32>,
      %gt3A_248 = arith.cmpf ogt, %get3A_247, %select_n3A_240 : vector<16xf32>
      %not3A_249 = arith.constant dense<true> : vector<16xi1>
      %not3A_250 = arith.xori %gt3A_248, %not3A_249 : vector<16xi1>
      %gt3A_251 = arith.cmpf ogt, %get3A_247, %select_n3A_236 : vector<16xf32>
      %and3A_252 = arith.andi %not3A_250, %gt3A_251 : vector<16xi1>
      %select_n3A_253 = arith.select %and3A_252, %get3A_247, %select_n3A_236 : vector<16xi1>, vector<16xf32>
      %select_n3A_254 = arith.select %gt3A_248, %select_n3A_240, %select_n3A_253 : vector<16xi1>, vector<16xf32>
      %jit3A_255 = arith.constant 2 : i32
      %broadcast_in_dim3A_256 = vector.broadcast %jit3A_255 : i32 to vector<16xi32>
      %select_n3A_257 = arith.select %and3A_252, %broadcast_in_dim3A_256, %select_n3A_239 : vector<16xi1>, vector<16xi32>
      %select_n3A_258 = arith.select %gt3A_248, %select_n3A_243, %select_n3A_257 : vector<16xi1>, vector<16xi32>
      %select_n3A_259 = arith.select %gt3A_248, %get3A_247, %select_n3A_240 : vector<16xi1>, vector<16xf32>
      %jit3A_260 = arith.constant 2 : i32
      %broadcast_in_dim3A_261 = vector.broadcast %jit3A_260 : i32 to vector<16xi32>
      %select_n3A_262 = arith.select %gt3A_248, %broadcast_in_dim3A_261, %select_n3A_243 : vector<16xi1>, vector<16xi32>
      %add3A_263 = arith.constant 3072 : i32
      %add3A_264 = arith.addi %add3A_263, %add3A_221 : i32
      %get3A_265 = arith.index_cast %add3A_264 : i32 to index
      %get3A_266 = tpu.vector_load %arg15[%get3A_265] {strides = array<i32>} : memref<8192xf32, #tpu.memory_space<vmem>>, vector<16xf32>,
      %gt3A_267 = arith.cmpf ogt, %get3A_266, %select_n3A_259 : vector<16xf32>
      %not3A_268 = arith.constant dense<true> : vector<16xi1>
      %not3A_269 = arith.xori %gt3A_267, %not3A_268 : vector<16xi1>
      %gt3A_270 = arith.cmpf ogt, %get3A_266, %select_n3A_254 : vector<16xf32>
      %and3A_271 = arith.andi %not3A_269, %gt3A_270 : vector<16xi1>
      %select_n3A_272 = arith.select %and3A_271, %get3A_266, %select_n3A_254 : vector<16xi1>, vector<16xf32>
      %select_n3A_273 = arith.select %gt3A_267, %select_n3A_259, %select_n3A_272 : vector<16xi1>, vector<16xf32>
      %jit3A_274 = arith.constant 3 : i32
      %broadcast_in_dim3A_275 = vector.broadcast %jit3A_274 : i32 to vector<16xi32>
      %select_n3A_276 = arith.select %and3A_271, %broadcast_in_dim3A_275, %select_n3A_258 : vector<16xi1>, vector<16xi32>
      %select_n3A_277 = arith.select %gt3A_267, %select_n3A_262, %select_n3A_276 : vector<16xi1>, vector<16xi32>
      %select_n3A_278 = arith.select %gt3A_267, %get3A_266, %select_n3A_259 : vector<16xi1>, vector<16xf32>
      %jit3A_279 = arith.constant 3 : i32
      %broadcast_in_dim3A_280 = vector.broadcast %jit3A_279 : i32 to vector<16xi32>
      %select_n3A_281 = arith.select %gt3A_267, %broadcast_in_dim3A_280, %select_n3A_262 : vector<16xi1>, vector<16xi32>
      %add3A_282 = arith.constant 4096 : i32
      %add3A_283 = arith.addi %add3A_282, %add3A_221 : i32
      %get3A_284 = arith.index_cast %add3A_283 : i32 to index
      %get3A_285 = tpu.vector_load %arg15[%get3A_284] {strides = array<i32>} : memref<8192xf32, #tpu.memory_space<vmem>>, vector<16xf32>,
      %gt3A_286 = arith.cmpf ogt, %get3A_285, %select_n3A_278 : vector<16xf32>
      %not3A_287 = arith.constant dense<true> : vector<16xi1>
      %not3A_288 = arith.xori %gt3A_286, %not3A_287 : vector<16xi1>
      %gt3A_289 = arith.cmpf ogt, %get3A_285, %select_n3A_273 : vector<16xf32>
      %and3A_290 = arith.andi %not3A_288, %gt3A_289 : vector<16xi1>
      %select_n3A_291 = arith.select %and3A_290, %get3A_285, %select_n3A_273 : vector<16xi1>, vector<16xf32>
      %select_n3A_292 = arith.select %gt3A_286, %select_n3A_278, %select_n3A_291 : vector<16xi1>, vector<16xf32>
      %jit3A_293 = arith.constant 4 : i32
      %broadcast_in_dim3A_294 = vector.broadcast %jit3A_293 : i32 to vector<16xi32>
      %select_n3A_295 = arith.select %and3A_290, %broadcast_in_dim3A_294, %select_n3A_277 : vector<16xi1>, vector<16xi32>
      %select_n3A_296 = arith.select %gt3A_286, %select_n3A_281, %select_n3A_295 : vector<16xi1>, vector<16xi32>
      %select_n3A_297 = arith.select %gt3A_286, %get3A_285, %select_n3A_278 : vector<16xi1>, vector<16xf32>
      %jit3A_298 = arith.constant 4 : i32
      %broadcast_in_dim3A_299 = vector.broadcast %jit3A_298 : i32 to vector<16xi32>
      %select_n3A_300 = arith.select %gt3A_286, %broadcast_in_dim3A_299, %select_n3A_281 : vector<16xi1>, vector<16xi32>
      %add3A_301 = arith.constant 5120 : i32
      %add3A_302 = arith.addi %add3A_301, %add3A_221 : i32
      %get3A_303 = arith.index_cast %add3A_302 : i32 to index
      %get3A_304 = tpu.vector_load %arg15[%get3A_303] {strides = array<i32>} : memref<8192xf32, #tpu.memory_space<vmem>>, vector<16xf32>,
      %gt3A_305 = arith.cmpf ogt, %get3A_304, %select_n3A_297 : vector<16xf32>
      %not3A_306 = arith.constant dense<true> : vector<16xi1>
      %not3A_307 = arith.xori %gt3A_305, %not3A_306 : vector<16xi1>
      %gt3A_308 = arith.cmpf ogt, %get3A_304, %select_n3A_292 : vector<16xf32>
      %and3A_309 = arith.andi %not3A_307, %gt3A_308 : vector<16xi1>
      %select_n3A_310 = arith.select %and3A_309, %get3A_304, %select_n3A_292 : vector<16xi1>, vector<16xf32>
      %select_n3A_311 = arith.select %gt3A_305, %select_n3A_297, %select_n3A_310 : vector<16xi1>, vector<16xf32>
      %jit3A_312 = arith.constant 5 : i32
      %broadcast_in_dim3A_313 = vector.broadcast %jit3A_312 : i32 to vector<16xi32>
      %select_n3A_314 = arith.select %and3A_309, %broadcast_in_dim3A_313, %select_n3A_296 : vector<16xi1>, vector<16xi32>
      %select_n3A_315 = arith.select %gt3A_305, %select_n3A_300, %select_n3A_314 : vector<16xi1>, vector<16xi32>
      %select_n3A_316 = arith.select %gt3A_305, %get3A_304, %select_n3A_297 : vector<16xi1>, vector<16xf32>
      %jit3A_317 = arith.constant 5 : i32
      %broadcast_in_dim3A_318 = vector.broadcast %jit3A_317 : i32 to vector<16xi32>
      %select_n3A_319 = arith.select %gt3A_305, %broadcast_in_dim3A_318, %select_n3A_300 : vector<16xi1>, vector<16xi32>
      %add3A_320 = arith.constant 6144 : i32
      %add3A_321 = arith.addi %add3A_320, %add3A_221 : i32
      %get3A_322 = arith.index_cast %add3A_321 : i32 to index
      %get3A_323 = tpu.vector_load %arg15[%get3A_322] {strides = array<i32>} : memref<8192xf32, #tpu.memory_space<vmem>>, vector<16xf32>,
      %gt3A_324 = arith.cmpf ogt, %get3A_323, %select_n3A_316 : vector<16xf32>
      %not3A_325 = arith.constant dense<true> : vector<16xi1>
      %not3A_326 = arith.xori %gt3A_324, %not3A_325 : vector<16xi1>
      %gt3A_327 = arith.cmpf ogt, %get3A_323, %select_n3A_311 : vector<16xf32>
      %and3A_328 = arith.andi %not3A_326, %gt3A_327 : vector<16xi1>
      %select_n3A_329 = arith.select %and3A_328, %get3A_323, %select_n3A_311 : vector<16xi1>, vector<16xf32>
      %select_n3A_330 = arith.select %gt3A_324, %select_n3A_316, %select_n3A_329 : vector<16xi1>, vector<16xf32>
      %jit3A_331 = arith.constant 6 : i32
      %broadcast_in_dim3A_332 = vector.broadcast %jit3A_331 : i32 to vector<16xi32>
      %select_n3A_333 = arith.select %and3A_328, %broadcast_in_dim3A_332, %select_n3A_315 : vector<16xi1>, vector<16xi32>
      %select_n3A_334 = arith.select %gt3A_324, %select_n3A_319, %select_n3A_333 : vector<16xi1>, vector<16xi32>
      %select_n3A_335 = arith.select %gt3A_324, %get3A_323, %select_n3A_316 : vector<16xi1>, vector<16xf32>
      %jit3A_336 = arith.constant 6 : i32
      %broadcast_in_dim3A_337 = vector.broadcast %jit3A_336 : i32 to vector<16xi32>
      %select_n3A_338 = arith.select %gt3A_324, %broadcast_in_dim3A_337, %select_n3A_319 : vector<16xi1>, vector<16xi32>
      %add3A_339 = arith.constant 7168 : i32
      %add3A_340 = arith.addi %add3A_339, %add3A_221 : i32
      %get3A_341 = arith.index_cast %add3A_340 : i32 to index
      %get3A_342 = tpu.vector_load %arg15[%get3A_341] {strides = array<i32>} : memref<8192xf32, #tpu.memory_space<vmem>>, vector<16xf32>,
      %gt3A_343 = arith.cmpf ogt, %get3A_342, %select_n3A_335 : vector<16xf32>
      %not3A_344 = arith.constant dense<true> : vector<16xi1>
      %not3A_345 = arith.xori %gt3A_343, %not3A_344 : vector<16xi1>
      %gt3A_346 = arith.cmpf ogt, %get3A_342, %select_n3A_330 : vector<16xf32>
      %and3A_347 = arith.andi %not3A_345, %gt3A_346 : vector<16xi1>
      %select_n3A_348 = arith.select %and3A_347, %get3A_342, %select_n3A_330 : vector<16xi1>, vector<16xf32>
      %select_n3A_349 = arith.select %gt3A_343, %select_n3A_335, %select_n3A_348 : vector<16xi1>, vector<16xf32>
      %jit3A_350 = arith.constant 7 : i32
      %broadcast_in_dim3A_351 = vector.broadcast %jit3A_350 : i32 to vector<16xi32>
      %select_n3A_352 = arith.select %and3A_347, %broadcast_in_dim3A_351, %select_n3A_334 : vector<16xi1>, vector<16xi32>
      %select_n3A_353 = arith.select %gt3A_343, %select_n3A_338, %select_n3A_352 : vector<16xi1>, vector<16xi32>
      %select_n3A_354 = arith.select %gt3A_343, %get3A_342, %select_n3A_335 : vector<16xi1>, vector<16xf32>
      %jit3A_355 = arith.constant 7 : i32
      %broadcast_in_dim3A_356 = vector.broadcast %jit3A_355 : i32 to vector<16xi32>
      %select_n3A_357 = arith.select %gt3A_343, %broadcast_in_dim3A_356, %select_n3A_338 : vector<16xi1>, vector<16xi32>
      %sub3A = arith.subf %select_n3A_349, %select_n3A_354 : vector<16xf32>
      %exp3A = math.exp %sub3A : vector<16xf32>
      %add3A_358 = arith.constant 1.000000e+00 : f32
      %add3A_359 = vector.broadcast %add3A_358 : f32 to vector<16xf32>
      %add3A_360 = arith.addf %add3A_359, %exp3A : vector<16xf32>
      %div3A = arith.constant 1.000000e+00 : f32
      %div3A_361 = vector.broadcast %div3A : f32 to vector<16xf32>
      %div3A_362 = arith.divf %div3A_361, %add3A_360 : vector<16xf32>
      %swap3A_363 = arith.index_cast %add3A_221 : i32 to index
      %swap3A_364 = tpu.vector_load %arg16[%swap3A_363] {strides = array<i32>} : memref<1024xf32, #tpu.memory_space<vmem>>, vector<16xf32>,
      tpu.vector_store %arg16[%swap3A_363], %div3A_362 {strides = array<i32>} : memref<1024xf32, #tpu.memory_space<vmem>>, vector<16xf32>,
      %mul3A_365 = arith.mulf %exp3A, %div3A_362 : vector<16xf32>
      %swap3A_366 = arith.index_cast %add3A_221 : i32 to index
      %swap3A_367 = tpu.vector_load %arg17[%swap3A_366] {strides = array<i32>} : memref<1024xf32, #tpu.memory_space<vmem>>, vector<16xf32>,
      tpu.vector_store %arg17[%swap3A_366], %mul3A_365 {strides = array<i32>} : memref<1024xf32, #tpu.memory_space<vmem>>, vector<16xf32>,
      %swap3A_368 = arith.index_cast %add3A_221 : i32 to index
      %swap3A_369 = tpu.vector_load %arg18[%swap3A_368] {strides = array<i32>} : memref<1024xi32, #tpu.memory_space<vmem>>, vector<16xi32>,
      tpu.vector_store %arg18[%swap3A_368], %select_n3A_357 {strides = array<i32>} : memref<1024xi32, #tpu.memory_space<vmem>>, vector<16xi32>,
      %swap3A_370 = arith.index_cast %add3A_221 : i32 to index
      %swap3A_371 = tpu.vector_load %arg19[%swap3A_370] {strides = array<i32>} : memref<1024xi32, #tpu.memory_space<vmem>>, vector<16xi32>,
      tpu.vector_store %arg19[%swap3A_370], %select_n3A_353 {strides = array<i32>} : memref<1024xi32, #tpu.memory_space<vmem>>, vector<16xi32>,
      %mul3A_372 = arith.constant 4 : i32
      %mul3A_373 = vector.broadcast %mul3A_372 : i32 to vector<16xi32>
      %mul3A_374 = arith.muli %select_n3A_357, %mul3A_373 : vector<16xi32>
      %shift_left3A = arith.constant 1 : i32
      %shift_left3A_375 = vector.broadcast %shift_left3A : i32 to vector<16xi32>
      %shift_left3A_376 = arith.shli %shift_left3A_375, %mul3A_374 : vector<16xi32>
      %add3A_377 = arith.addi %broadcast_in_dim3A_218, %shift_left3A_376 : vector<16xi32>
      %mul3A_378 = arith.constant 4 : i32
      %mul3A_379 = vector.broadcast %mul3A_378 : i32 to vector<16xi32>
      %mul3A_380 = arith.muli %select_n3A_353, %mul3A_379 : vector<16xi32>
      %shift_left3A_381 = arith.constant 1 : i32
      %shift_left3A_382 = vector.broadcast %shift_left3A_381 : i32 to vector<16xi32>
      %shift_left3A_383 = arith.shli %shift_left3A_382, %mul3A_380 : vector<16xi32>
      %add3A_384 = arith.addi %add3A_377, %shift_left3A_383 : vector<16xi32>
      %mul3A_385 = arith.constant 128 : i32
      %mul3A_386 = arith.muli %scan3A_208, %mul3A_385 : i32
      %add3A_387 = arith.constant 16 : i32
      %add3A_388 = arith.addi %mul3A_386, %add3A_387 : i32
      %get3A_389 = arith.index_cast %add3A_388 : i32 to index
      %get3A_390 = tpu.vector_load %arg15[%get3A_389] {strides = array<i32>} : memref<8192xf32, #tpu.memory_space<vmem>>, vector<16xf32>,
      %broadcast_in_dim3A_391 = arith.constant 0 : i32
      %broadcast_in_dim3A_392 = vector.broadcast %broadcast_in_dim3A_391 : i32 to vector<16xi32>
      %broadcast_in_dim3A_393 = arith.constant 0xFF800000 : f32
      %broadcast_in_dim3A_394 = vector.broadcast %broadcast_in_dim3A_393 : f32 to vector<16xf32>
      %broadcast_in_dim3A_395 = arith.constant 0 : i32
      %broadcast_in_dim3A_396 = vector.broadcast %broadcast_in_dim3A_395 : i32 to vector<16xi32>
      %add3A_397 = arith.constant 1024 : i32
      %add3A_398 = arith.addi %add3A_397, %add3A_388 : i32
      %get3A_399 = arith.index_cast %add3A_398 : i32 to index
      %get3A_400 = tpu.vector_load %arg15[%get3A_399] {strides = array<i32>} : memref<8192xf32, #tpu.memory_space<vmem>>, vector<16xf32>,
      %gt3A_401 = arith.cmpf ogt, %get3A_400, %get3A_390 : vector<16xf32>
      %not3A_402 = arith.constant dense<true> : vector<16xi1>
      %not3A_403 = arith.xori %gt3A_401, %not3A_402 : vector<16xi1>
      %gt3A_404 = arith.cmpf ogt, %get3A_400, %broadcast_in_dim3A_394 : vector<16xf32>
      %and3A_405 = arith.andi %not3A_403, %gt3A_404 : vector<16xi1>
      %select_n3A_406 = arith.select %and3A_405, %get3A_400, %broadcast_in_dim3A_394 : vector<16xi1>, vector<16xf32>
      %select_n3A_407 = arith.select %gt3A_401, %get3A_390, %select_n3A_406 : vector<16xi1>, vector<16xf32>
      %jit3A_408 = arith.constant 1 : i32
      %broadcast_in_dim3A_409 = vector.broadcast %jit3A_408 : i32 to vector<16xi32>
      %select_n3A_410 = arith.select %and3A_405, %broadcast_in_dim3A_409, %broadcast_in_dim3A_396 : vector<16xi1>, vector<16xi32>
      %select_n3A_411 = arith.select %gt3A_401, %broadcast_in_dim3A_392, %select_n3A_410 : vector<16xi1>, vector<16xi32>
      %select_n3A_412 = arith.select %gt3A_401, %get3A_400, %get3A_390 : vector<16xi1>, vector<16xf32>
      %jit3A_413 = arith.constant 1 : i32
      %broadcast_in_dim3A_414 = vector.broadcast %jit3A_413 : i32 to vector<16xi32>
      %select_n3A_415 = arith.select %gt3A_401, %broadcast_in_dim3A_414, %broadcast_in_dim3A_392 : vector<16xi1>, vector<16xi32>
      %add3A_416 = arith.constant 2048 : i32
      %add3A_417 = arith.addi %add3A_416, %add3A_388 : i32
      %get3A_418 = arith.index_cast %add3A_417 : i32 to index
      %get3A_419 = tpu.vector_load %arg15[%get3A_418] {strides = array<i32>} : memref<8192xf32, #tpu.memory_space<vmem>>, vector<16xf32>,
      %gt3A_420 = arith.cmpf ogt, %get3A_419, %select_n3A_412 : vector<16xf32>
      %not3A_421 = arith.constant dense<true> : vector<16xi1>
      %not3A_422 = arith.xori %gt3A_420, %not3A_421 : vector<16xi1>
      %gt3A_423 = arith.cmpf ogt, %get3A_419, %select_n3A_407 : vector<16xf32>
      %and3A_424 = arith.andi %not3A_422, %gt3A_423 : vector<16xi1>
      %select_n3A_425 = arith.select %and3A_424, %get3A_419, %select_n3A_407 : vector<16xi1>, vector<16xf32>
      %select_n3A_426 = arith.select %gt3A_420, %select_n3A_412, %select_n3A_425 : vector<16xi1>, vector<16xf32>
      %jit3A_427 = arith.constant 2 : i32
      %broadcast_in_dim3A_428 = vector.broadcast %jit3A_427 : i32 to vector<16xi32>
      %select_n3A_429 = arith.select %and3A_424, %broadcast_in_dim3A_428, %select_n3A_411 : vector<16xi1>, vector<16xi32>
      %select_n3A_430 = arith.select %gt3A_420, %select_n3A_415, %select_n3A_429 : vector<16xi1>, vector<16xi32>
      %select_n3A_431 = arith.select %gt3A_420, %get3A_419, %select_n3A_412 : vector<16xi1>, vector<16xf32>
      %jit3A_432 = arith.constant 2 : i32
      %broadcast_in_dim3A_433 = vector.broadcast %jit3A_432 : i32 to vector<16xi32>
      %select_n3A_434 = arith.select %gt3A_420, %broadcast_in_dim3A_433, %select_n3A_415 : vector<16xi1>, vector<16xi32>
      %add3A_435 = arith.constant 3072 : i32
      %add3A_436 = arith.addi %add3A_435, %add3A_388 : i32
      %get3A_437 = arith.index_cast %add3A_436 : i32 to index
      %get3A_438 = tpu.vector_load %arg15[%get3A_437] {strides = array<i32>} : memref<8192xf32, #tpu.memory_space<vmem>>, vector<16xf32>,
      %gt3A_439 = arith.cmpf ogt, %get3A_438, %select_n3A_431 : vector<16xf32>
      %not3A_440 = arith.constant dense<true> : vector<16xi1>
      %not3A_441 = arith.xori %gt3A_439, %not3A_440 : vector<16xi1>
      %gt3A_442 = arith.cmpf ogt, %get3A_438, %select_n3A_426 : vector<16xf32>
      %and3A_443 = arith.andi %not3A_441, %gt3A_442 : vector<16xi1>
      %select_n3A_444 = arith.select %and3A_443, %get3A_438, %select_n3A_426 : vector<16xi1>, vector<16xf32>
      %select_n3A_445 = arith.select %gt3A_439, %select_n3A_431, %select_n3A_444 : vector<16xi1>, vector<16xf32>
      %jit3A_446 = arith.constant 3 : i32
      %broadcast_in_dim3A_447 = vector.broadcast %jit3A_446 : i32 to vector<16xi32>
      %select_n3A_448 = arith.select %and3A_443, %broadcast_in_dim3A_447, %select_n3A_430 : vector<16xi1>, vector<16xi32>
      %select_n3A_449 = arith.select %gt3A_439, %select_n3A_434, %select_n3A_448 : vector<16xi1>, vector<16xi32>
      %select_n3A_450 = arith.select %gt3A_439, %get3A_438, %select_n3A_431 : vector<16xi1>, vector<16xf32>
      %jit3A_451 = arith.constant 3 : i32
      %broadcast_in_dim3A_452 = vector.broadcast %jit3A_451 : i32 to vector<16xi32>
      %select_n3A_453 = arith.select %gt3A_439, %broadcast_in_dim3A_452, %select_n3A_434 : vector<16xi1>, vector<16xi32>
      %add3A_454 = arith.constant 4096 : i32
      %add3A_455 = arith.addi %add3A_454, %add3A_388 : i32
      %get3A_456 = arith.index_cast %add3A_455 : i32 to index
      %get3A_457 = tpu.vector_load %arg15[%get3A_456] {strides = array<i32>} : memref<8192xf32, #tpu.memory_space<vmem>>, vector<16xf32>,
      %gt3A_458 = arith.cmpf ogt, %get3A_457, %select_n3A_450 : vector<16xf32>
      %not3A_459 = arith.constant dense<true> : vector<16xi1>
      %not3A_460 = arith.xori %gt3A_458, %not3A_459 : vector<16xi1>
      %gt3A_461 = arith.cmpf ogt, %get3A_457, %select_n3A_445 : vector<16xf32>
      %and3A_462 = arith.andi %not3A_460, %gt3A_461 : vector<16xi1>
      %select_n3A_463 = arith.select %and3A_462, %get3A_457, %select_n3A_445 : vector<16xi1>, vector<16xf32>
      %select_n3A_464 = arith.select %gt3A_458, %select_n3A_450, %select_n3A_463 : vector<16xi1>, vector<16xf32>
      %jit3A_465 = arith.constant 4 : i32
      %broadcast_in_dim3A_466 = vector.broadcast %jit3A_465 : i32 to vector<16xi32>
      %select_n3A_467 = arith.select %and3A_462, %broadcast_in_dim3A_466, %select_n3A_449 : vector<16xi1>, vector<16xi32>
      %select_n3A_468 = arith.select %gt3A_458, %select_n3A_453, %select_n3A_467 : vector<16xi1>, vector<16xi32>
      %select_n3A_469 = arith.select %gt3A_458, %get3A_457, %select_n3A_450 : vector<16xi1>, vector<16xf32>
      %jit3A_470 = arith.constant 4 : i32
      %broadcast_in_dim3A_471 = vector.broadcast %jit3A_470 : i32 to vector<16xi32>
      %select_n3A_472 = arith.select %gt3A_458, %broadcast_in_dim3A_471, %select_n3A_453 : vector<16xi1>, vector<16xi32>
      %add3A_473 = arith.constant 5120 : i32
      %add3A_474 = arith.addi %add3A_473, %add3A_388 : i32
      %get3A_475 = arith.index_cast %add3A_474 : i32 to index
      %get3A_476 = tpu.vector_load %arg15[%get3A_475] {strides = array<i32>} : memref<8192xf32, #tpu.memory_space<vmem>>, vector<16xf32>,
      %gt3A_477 = arith.cmpf ogt, %get3A_476, %select_n3A_469 : vector<16xf32>
      %not3A_478 = arith.constant dense<true> : vector<16xi1>
      %not3A_479 = arith.xori %gt3A_477, %not3A_478 : vector<16xi1>
      %gt3A_480 = arith.cmpf ogt, %get3A_476, %select_n3A_464 : vector<16xf32>
      %and3A_481 = arith.andi %not3A_479, %gt3A_480 : vector<16xi1>
      %select_n3A_482 = arith.select %and3A_481, %get3A_476, %select_n3A_464 : vector<16xi1>, vector<16xf32>
      %select_n3A_483 = arith.select %gt3A_477, %select_n3A_469, %select_n3A_482 : vector<16xi1>, vector<16xf32>
      %jit3A_484 = arith.constant 5 : i32
      %broadcast_in_dim3A_485 = vector.broadcast %jit3A_484 : i32 to vector<16xi32>
      %select_n3A_486 = arith.select %and3A_481, %broadcast_in_dim3A_485, %select_n3A_468 : vector<16xi1>, vector<16xi32>
      %select_n3A_487 = arith.select %gt3A_477, %select_n3A_472, %select_n3A_486 : vector<16xi1>, vector<16xi32>
      %select_n3A_488 = arith.select %gt3A_477, %get3A_476, %select_n3A_469 : vector<16xi1>, vector<16xf32>
      %jit3A_489 = arith.constant 5 : i32
      %broadcast_in_dim3A_490 = vector.broadcast %jit3A_489 : i32 to vector<16xi32>
      %select_n3A_491 = arith.select %gt3A_477, %broadcast_in_dim3A_490, %select_n3A_472 : vector<16xi1>, vector<16xi32>
      %add3A_492 = arith.constant 6144 : i32
      %add3A_493 = arith.addi %add3A_492, %add3A_388 : i32
      %get3A_494 = arith.index_cast %add3A_493 : i32 to index
      %get3A_495 = tpu.vector_load %arg15[%get3A_494] {strides = array<i32>} : memref<8192xf32, #tpu.memory_space<vmem>>, vector<16xf32>,
      %gt3A_496 = arith.cmpf ogt, %get3A_495, %select_n3A_488 : vector<16xf32>
      %not3A_497 = arith.constant dense<true> : vector<16xi1>
      %not3A_498 = arith.xori %gt3A_496, %not3A_497 : vector<16xi1>
      %gt3A_499 = arith.cmpf ogt, %get3A_495, %select_n3A_483 : vector<16xf32>
      %and3A_500 = arith.andi %not3A_498, %gt3A_499 : vector<16xi1>
      %select_n3A_501 = arith.select %and3A_500, %get3A_495, %select_n3A_483 : vector<16xi1>, vector<16xf32>
      %select_n3A_502 = arith.select %gt3A_496, %select_n3A_488, %select_n3A_501 : vector<16xi1>, vector<16xf32>
      %jit3A_503 = arith.constant 6 : i32
      %broadcast_in_dim3A_504 = vector.broadcast %jit3A_503 : i32 to vector<16xi32>
      %select_n3A_505 = arith.select %and3A_500, %broadcast_in_dim3A_504, %select_n3A_487 : vector<16xi1>, vector<16xi32>
      %select_n3A_506 = arith.select %gt3A_496, %select_n3A_491, %select_n3A_505 : vector<16xi1>, vector<16xi32>
      %select_n3A_507 = arith.select %gt3A_496, %get3A_495, %select_n3A_488 : vector<16xi1>, vector<16xf32>
      %jit3A_508 = arith.constant 6 : i32
      %broadcast_in_dim3A_509 = vector.broadcast %jit3A_508 : i32 to vector<16xi32>
      %select_n3A_510 = arith.select %gt3A_496, %broadcast_in_dim3A_509, %select_n3A_491 : vector<16xi1>, vector<16xi32>
      %add3A_511 = arith.constant 7168 : i32
      %add3A_512 = arith.addi %add3A_511, %add3A_388 : i32
      %get3A_513 = arith.index_cast %add3A_512 : i32 to index
      %get3A_514 = tpu.vector_load %arg15[%get3A_513] {strides = array<i32>} : memref<8192xf32, #tpu.memory_space<vmem>>, vector<16xf32>,
      %gt3A_515 = arith.cmpf ogt, %get3A_514, %select_n3A_507 : vector<16xf32>
      %not3A_516 = arith.constant dense<true> : vector<16xi1>
      %not3A_517 = arith.xori %gt3A_515, %not3A_516 : vector<16xi1>
      %gt3A_518 = arith.cmpf ogt, %get3A_514, %select_n3A_502 : vector<16xf32>
      %and3A_519 = arith.andi %not3A_517, %gt3A_518 : vector<16xi1>
      %select_n3A_520 = arith.select %and3A_519, %get3A_514, %select_n3A_502 : vector<16xi1>, vector<16xf32>
      %select_n3A_521 = arith.select %gt3A_515, %select_n3A_507, %select_n3A_520 : vector<16xi1>, vector<16xf32>
      %jit3A_522 = arith.constant 7 : i32
      %broadcast_in_dim3A_523 = vector.broadcast %jit3A_522 : i32 to vector<16xi32>
      %select_n3A_524 = arith.select %and3A_519, %broadcast_in_dim3A_523, %select_n3A_506 : vector<16xi1>, vector<16xi32>
      %select_n3A_525 = arith.select %gt3A_515, %select_n3A_510, %select_n3A_524 : vector<16xi1>, vector<16xi32>
      %select_n3A_526 = arith.select %gt3A_515, %get3A_514, %select_n3A_507 : vector<16xi1>, vector<16xf32>
      %jit3A_527 = arith.constant 7 : i32
      %broadcast_in_dim3A_528 = vector.broadcast %jit3A_527 : i32 to vector<16xi32>
      %select_n3A_529 = arith.select %gt3A_515, %broadcast_in_dim3A_528, %select_n3A_510 : vector<16xi1>, vector<16xi32>
      %sub3A_530 = arith.subf %select_n3A_521, %select_n3A_526 : vector<16xf32>
      %exp3A_531 = math.exp %sub3A_530 : vector<16xf32>
      %add3A_532 = arith.constant 1.000000e+00 : f32
      %add3A_533 = vector.broadcast %add3A_532 : f32 to vector<16xf32>
      %add3A_534 = arith.addf %add3A_533, %exp3A_531 : vector<16xf32>
      %div3A_535 = arith.constant 1.000000e+00 : f32
      %div3A_536 = vector.broadcast %div3A_535 : f32 to vector<16xf32>
      %div3A_537 = arith.divf %div3A_536, %add3A_534 : vector<16xf32>
      %swap3A_538 = arith.index_cast %add3A_388 : i32 to index
      %swap3A_539 = tpu.vector_load %arg16[%swap3A_538] {strides = array<i32>} : memref<1024xf32, #tpu.memory_space<vmem>>, vector<16xf32>,
      tpu.vector_store %arg16[%swap3A_538], %div3A_537 {strides = array<i32>} : memref<1024xf32, #tpu.memory_space<vmem>>, vector<16xf32>,
      %mul3A_540 = arith.mulf %exp3A_531, %div3A_537 : vector<16xf32>
      %swap3A_541 = arith.index_cast %add3A_388 : i32 to index
      %swap3A_542 = tpu.vector_load %arg17[%swap3A_541] {strides = array<i32>} : memref<1024xf32, #tpu.memory_space<vmem>>, vector<16xf32>,
      tpu.vector_store %arg17[%swap3A_541], %mul3A_540 {strides = array<i32>} : memref<1024xf32, #tpu.memory_space<vmem>>, vector<16xf32>,
      %swap3A_543 = arith.index_cast %add3A_388 : i32 to index
      %swap3A_544 = tpu.vector_load %arg18[%swap3A_543] {strides = array<i32>} : memref<1024xi32, #tpu.memory_space<vmem>>, vector<16xi32>,
      tpu.vector_store %arg18[%swap3A_543], %select_n3A_529 {strides = array<i32>} : memref<1024xi32, #tpu.memory_space<vmem>>, vector<16xi32>,
      %swap3A_545 = arith.index_cast %add3A_388 : i32 to index
      %swap3A_546 = tpu.vector_load %arg19[%swap3A_545] {strides = array<i32>} : memref<1024xi32, #tpu.memory_space<vmem>>, vector<16xi32>,
      tpu.vector_store %arg19[%swap3A_545], %select_n3A_525 {strides = array<i32>} : memref<1024xi32, #tpu.memory_space<vmem>>, vector<16xi32>,
      %mul3A_547 = arith.constant 4 : i32
      %mul3A_548 = vector.broadcast %mul3A_547 : i32 to vector<16xi32>
      %mul3A_549 = arith.muli %select_n3A_529, %mul3A_548 : vector<16xi32>
      %shift_left3A_550 = arith.constant 1 : i32
      %shift_left3A_551 = vector.broadcast %shift_left3A_550 : i32 to vector<16xi32>
      %shift_left3A_552 = arith.shli %shift_left3A_551, %mul3A_549 : vector<16xi32>
      %add3A_553 = arith.addi %add3A_384, %shift_left3A_552 : vector<16xi32>
      %mul3A_554 = arith.constant 4 : i32
      %mul3A_555 = vector.broadcast %mul3A_554 : i32 to vector<16xi32>
      %mul3A_556 = arith.muli %select_n3A_525, %mul3A_555 : vector<16xi32>
      %shift_left3A_557 = arith.constant 1 : i32
      %shift_left3A_558 = vector.broadcast %shift_left3A_557 : i32 to vector<16xi32>
      %shift_left3A_559 = arith.shli %shift_left3A_558, %mul3A_556 : vector<16xi32>
      %add3A_560 = arith.addi %add3A_553, %shift_left3A_559 : vector<16xi32>
      %mul3A_561 = arith.constant 128 : i32
      %mul3A_562 = arith.muli %scan3A_208, %mul3A_561 : i32
      %add3A_563 = arith.constant 32 : i32
      %add3A_564 = arith.addi %mul3A_562, %add3A_563 : i32
      %get3A_565 = arith.index_cast %add3A_564 : i32 to index
      %get3A_566 = tpu.vector_load %arg15[%get3A_565] {strides = array<i32>} : memref<8192xf32, #tpu.memory_space<vmem>>, vector<16xf32>,
      %broadcast_in_dim3A_567 = arith.constant 0 : i32
      %broadcast_in_dim3A_568 = vector.broadcast %broadcast_in_dim3A_567 : i32 to vector<16xi32>
      %broadcast_in_dim3A_569 = arith.constant 0xFF800000 : f32
      %broadcast_in_dim3A_570 = vector.broadcast %broadcast_in_dim3A_569 : f32 to vector<16xf32>
      %broadcast_in_dim3A_571 = arith.constant 0 : i32
      %broadcast_in_dim3A_572 = vector.broadcast %broadcast_in_dim3A_571 : i32 to vector<16xi32>
      %add3A_573 = arith.constant 1024 : i32
      %add3A_574 = arith.addi %add3A_573, %add3A_564 : i32
      %get3A_575 = arith.index_cast %add3A_574 : i32 to index
      %get3A_576 = tpu.vector_load %arg15[%get3A_575] {strides = array<i32>} : memref<8192xf32, #tpu.memory_space<vmem>>, vector<16xf32>,
      %gt3A_577 = arith.cmpf ogt, %get3A_576, %get3A_566 : vector<16xf32>
      %not3A_578 = arith.constant dense<true> : vector<16xi1>
      %not3A_579 = arith.xori %gt3A_577, %not3A_578 : vector<16xi1>
      %gt3A_580 = arith.cmpf ogt, %get3A_576, %broadcast_in_dim3A_570 : vector<16xf32>
      %and3A_581 = arith.andi %not3A_579, %gt3A_580 : vector<16xi1>
      %select_n3A_582 = arith.select %and3A_581, %get3A_576, %broadcast_in_dim3A_570 : vector<16xi1>, vector<16xf32>
      %select_n3A_583 = arith.select %gt3A_577, %get3A_566, %select_n3A_582 : vector<16xi1>, vector<16xf32>
      %jit3A_584 = arith.constant 1 : i32
      %broadcast_in_dim3A_585 = vector.broadcast %jit3A_584 : i32 to vector<16xi32>
      %select_n3A_586 = arith.select %and3A_581, %broadcast_in_dim3A_585, %broadcast_in_dim3A_572 : vector<16xi1>, vector<16xi32>
      %select_n3A_587 = arith.select %gt3A_577, %broadcast_in_dim3A_568, %select_n3A_586 : vector<16xi1>, vector<16xi32>
      %select_n3A_588 = arith.select %gt3A_577, %get3A_576, %get3A_566 : vector<16xi1>, vector<16xf32>
      %jit3A_589 = arith.constant 1 : i32
      %broadcast_in_dim3A_590 = vector.broadcast %jit3A_589 : i32 to vector<16xi32>
      %select_n3A_591 = arith.select %gt3A_577, %broadcast_in_dim3A_590, %broadcast_in_dim3A_568 : vector<16xi1>, vector<16xi32>
      %add3A_592 = arith.constant 2048 : i32
      %add3A_593 = arith.addi %add3A_592, %add3A_564 : i32
      %get3A_594 = arith.index_cast %add3A_593 : i32 to index
      %get3A_595 = tpu.vector_load %arg15[%get3A_594] {strides = array<i32>} : memref<8192xf32, #tpu.memory_space<vmem>>, vector<16xf32>,
      %gt3A_596 = arith.cmpf ogt, %get3A_595, %select_n3A_588 : vector<16xf32>
      %not3A_597 = arith.constant dense<true> : vector<16xi1>
      %not3A_598 = arith.xori %gt3A_596, %not3A_597 : vector<16xi1>
      %gt3A_599 = arith.cmpf ogt, %get3A_595, %select_n3A_583 : vector<16xf32>
      %and3A_600 = arith.andi %not3A_598, %gt3A_599 : vector<16xi1>
      %select_n3A_601 = arith.select %and3A_600, %get3A_595, %select_n3A_583 : vector<16xi1>, vector<16xf32>
      %select_n3A_602 = arith.select %gt3A_596, %select_n3A_588, %select_n3A_601 : vector<16xi1>, vector<16xf32>
      %jit3A_603 = arith.constant 2 : i32
      %broadcast_in_dim3A_604 = vector.broadcast %jit3A_603 : i32 to vector<16xi32>
      %select_n3A_605 = arith.select %and3A_600, %broadcast_in_dim3A_604, %select_n3A_587 : vector<16xi1>, vector<16xi32>
      %select_n3A_606 = arith.select %gt3A_596, %select_n3A_591, %select_n3A_605 : vector<16xi1>, vector<16xi32>
      %select_n3A_607 = arith.select %gt3A_596, %get3A_595, %select_n3A_588 : vector<16xi1>, vector<16xf32>
      %jit3A_608 = arith.constant 2 : i32
      %broadcast_in_dim3A_609 = vector.broadcast %jit3A_608 : i32 to vector<16xi32>
      %select_n3A_610 = arith.select %gt3A_596, %broadcast_in_dim3A_609, %select_n3A_591 : vector<16xi1>, vector<16xi32>
      %add3A_611 = arith.constant 3072 : i32
      %add3A_612 = arith.addi %add3A_611, %add3A_564 : i32
      %get3A_613 = arith.index_cast %add3A_612 : i32 to index
      %get3A_614 = tpu.vector_load %arg15[%get3A_613] {strides = array<i32>} : memref<8192xf32, #tpu.memory_space<vmem>>, vector<16xf32>,
      %gt3A_615 = arith.cmpf ogt, %get3A_614, %select_n3A_607 : vector<16xf32>
      %not3A_616 = arith.constant dense<true> : vector<16xi1>
      %not3A_617 = arith.xori %gt3A_615, %not3A_616 : vector<16xi1>
      %gt3A_618 = arith.cmpf ogt, %get3A_614, %select_n3A_602 : vector<16xf32>
      %and3A_619 = arith.andi %not3A_617, %gt3A_618 : vector<16xi1>
      %select_n3A_620 = arith.select %and3A_619, %get3A_614, %select_n3A_602 : vector<16xi1>, vector<16xf32>
      %select_n3A_621 = arith.select %gt3A_615, %select_n3A_607, %select_n3A_620 : vector<16xi1>, vector<16xf32>
      %jit3A_622 = arith.constant 3 : i32
      %broadcast_in_dim3A_623 = vector.broadcast %jit3A_622 : i32 to vector<16xi32>
      %select_n3A_624 = arith.select %and3A_619, %broadcast_in_dim3A_623, %select_n3A_606 : vector<16xi1>, vector<16xi32>
      %select_n3A_625 = arith.select %gt3A_615, %select_n3A_610, %select_n3A_624 : vector<16xi1>, vector<16xi32>
      %select_n3A_626 = arith.select %gt3A_615, %get3A_614, %select_n3A_607 : vector<16xi1>, vector<16xf32>
      %jit3A_627 = arith.constant 3 : i32
      %broadcast_in_dim3A_628 = vector.broadcast %jit3A_627 : i32 to vector<16xi32>
      %select_n3A_629 = arith.select %gt3A_615, %broadcast_in_dim3A_628, %select_n3A_610 : vector<16xi1>, vector<16xi32>
      %add3A_630 = arith.constant 4096 : i32
      %add3A_631 = arith.addi %add3A_630, %add3A_564 : i32
      %get3A_632 = arith.index_cast %add3A_631 : i32 to index
      %get3A_633 = tpu.vector_load %arg15[%get3A_632] {strides = array<i32>} : memref<8192xf32, #tpu.memory_space<vmem>>, vector<16xf32>,
      %gt3A_634 = arith.cmpf ogt, %get3A_633, %select_n3A_626 : vector<16xf32>
      %not3A_635 = arith.constant dense<true> : vector<16xi1>
      %not3A_636 = arith.xori %gt3A_634, %not3A_635 : vector<16xi1>
      %gt3A_637 = arith.cmpf ogt, %get3A_633, %select_n3A_621 : vector<16xf32>
      %and3A_638 = arith.andi %not3A_636, %gt3A_637 : vector<16xi1>
      %select_n3A_639 = arith.select %and3A_638, %get3A_633, %select_n3A_621 : vector<16xi1>, vector<16xf32>
      %select_n3A_640 = arith.select %gt3A_634, %select_n3A_626, %select_n3A_639 : vector<16xi1>, vector<16xf32>
      %jit3A_641 = arith.constant 4 : i32
      %broadcast_in_dim3A_642 = vector.broadcast %jit3A_641 : i32 to vector<16xi32>
      %select_n3A_643 = arith.select %and3A_638, %broadcast_in_dim3A_642, %select_n3A_625 : vector<16xi1>, vector<16xi32>
      %select_n3A_644 = arith.select %gt3A_634, %select_n3A_629, %select_n3A_643 : vector<16xi1>, vector<16xi32>
      %select_n3A_645 = arith.select %gt3A_634, %get3A_633, %select_n3A_626 : vector<16xi1>, vector<16xf32>
      %jit3A_646 = arith.constant 4 : i32
      %broadcast_in_dim3A_647 = vector.broadcast %jit3A_646 : i32 to vector<16xi32>
      %select_n3A_648 = arith.select %gt3A_634, %broadcast_in_dim3A_647, %select_n3A_629 : vector<16xi1>, vector<16xi32>
      %add3A_649 = arith.constant 5120 : i32
      %add3A_650 = arith.addi %add3A_649, %add3A_564 : i32
      %get3A_651 = arith.index_cast %add3A_650 : i32 to index
      %get3A_652 = tpu.vector_load %arg15[%get3A_651] {strides = array<i32>} : memref<8192xf32, #tpu.memory_space<vmem>>, vector<16xf32>,
      %gt3A_653 = arith.cmpf ogt, %get3A_652, %select_n3A_645 : vector<16xf32>
      %not3A_654 = arith.constant dense<true> : vector<16xi1>
      %not3A_655 = arith.xori %gt3A_653, %not3A_654 : vector<16xi1>
      %gt3A_656 = arith.cmpf ogt, %get3A_652, %select_n3A_640 : vector<16xf32>
      %and3A_657 = arith.andi %not3A_655, %gt3A_656 : vector<16xi1>
      %select_n3A_658 = arith.select %and3A_657, %get3A_652, %select_n3A_640 : vector<16xi1>, vector<16xf32>
      %select_n3A_659 = arith.select %gt3A_653, %select_n3A_645, %select_n3A_658 : vector<16xi1>, vector<16xf32>
      %jit3A_660 = arith.constant 5 : i32
      %broadcast_in_dim3A_661 = vector.broadcast %jit3A_660 : i32 to vector<16xi32>
      %select_n3A_662 = arith.select %and3A_657, %broadcast_in_dim3A_661, %select_n3A_644 : vector<16xi1>, vector<16xi32>
      %select_n3A_663 = arith.select %gt3A_653, %select_n3A_648, %select_n3A_662 : vector<16xi1>, vector<16xi32>
      %select_n3A_664 = arith.select %gt3A_653, %get3A_652, %select_n3A_645 : vector<16xi1>, vector<16xf32>
      %jit3A_665 = arith.constant 5 : i32
      %broadcast_in_dim3A_666 = vector.broadcast %jit3A_665 : i32 to vector<16xi32>
      %select_n3A_667 = arith.select %gt3A_653, %broadcast_in_dim3A_666, %select_n3A_648 : vector<16xi1>, vector<16xi32>
      %add3A_668 = arith.constant 6144 : i32
      %add3A_669 = arith.addi %add3A_668, %add3A_564 : i32
      %get3A_670 = arith.index_cast %add3A_669 : i32 to index
      %get3A_671 = tpu.vector_load %arg15[%get3A_670] {strides = array<i32>} : memref<8192xf32, #tpu.memory_space<vmem>>, vector<16xf32>,
      %gt3A_672 = arith.cmpf ogt, %get3A_671, %select_n3A_664 : vector<16xf32>
      %not3A_673 = arith.constant dense<true> : vector<16xi1>
      %not3A_674 = arith.xori %gt3A_672, %not3A_673 : vector<16xi1>
      %gt3A_675 = arith.cmpf ogt, %get3A_671, %select_n3A_659 : vector<16xf32>
      %and3A_676 = arith.andi %not3A_674, %gt3A_675 : vector<16xi1>
      %select_n3A_677 = arith.select %and3A_676, %get3A_671, %select_n3A_659 : vector<16xi1>, vector<16xf32>
      %select_n3A_678 = arith.select %gt3A_672, %select_n3A_664, %select_n3A_677 : vector<16xi1>, vector<16xf32>
      %jit3A_679 = arith.constant 6 : i32
      %broadcast_in_dim3A_680 = vector.broadcast %jit3A_679 : i32 to vector<16xi32>
      %select_n3A_681 = arith.select %and3A_676, %broadcast_in_dim3A_680, %select_n3A_663 : vector<16xi1>, vector<16xi32>
      %select_n3A_682 = arith.select %gt3A_672, %select_n3A_667, %select_n3A_681 : vector<16xi1>, vector<16xi32>
      %select_n3A_683 = arith.select %gt3A_672, %get3A_671, %select_n3A_664 : vector<16xi1>, vector<16xf32>
      %jit3A_684 = arith.constant 6 : i32
      %broadcast_in_dim3A_685 = vector.broadcast %jit3A_684 : i32 to vector<16xi32>
      %select_n3A_686 = arith.select %gt3A_672, %broadcast_in_dim3A_685, %select_n3A_667 : vector<16xi1>, vector<16xi32>
      %add3A_687 = arith.constant 7168 : i32
      %add3A_688 = arith.addi %add3A_687, %add3A_564 : i32
      %get3A_689 = arith.index_cast %add3A_688 : i32 to index
      %get3A_690 = tpu.vector_load %arg15[%get3A_689] {strides = array<i32>} : memref<8192xf32, #tpu.memory_space<vmem>>, vector<16xf32>,
      %gt3A_691 = arith.cmpf ogt, %get3A_690, %select_n3A_683 : vector<16xf32>
      %not3A_692 = arith.constant dense<true> : vector<16xi1>
      %not3A_693 = arith.xori %gt3A_691, %not3A_692 : vector<16xi1>
      %gt3A_694 = arith.cmpf ogt, %get3A_690, %select_n3A_678 : vector<16xf32>
      %and3A_695 = arith.andi %not3A_693, %gt3A_694 : vector<16xi1>
      %select_n3A_696 = arith.select %and3A_695, %get3A_690, %select_n3A_678 : vector<16xi1>, vector<16xf32>
      %select_n3A_697 = arith.select %gt3A_691, %select_n3A_683, %select_n3A_696 : vector<16xi1>, vector<16xf32>
      %jit3A_698 = arith.constant 7 : i32
      %broadcast_in_dim3A_699 = vector.broadcast %jit3A_698 : i32 to vector<16xi32>
      %select_n3A_700 = arith.select %and3A_695, %broadcast_in_dim3A_699, %select_n3A_682 : vector<16xi1>, vector<16xi32>
      %select_n3A_701 = arith.select %gt3A_691, %select_n3A_686, %select_n3A_700 : vector<16xi1>, vector<16xi32>
      %select_n3A_702 = arith.select %gt3A_691, %get3A_690, %select_n3A_683 : vector<16xi1>, vector<16xf32>
      %jit3A_703 = arith.constant 7 : i32
      %broadcast_in_dim3A_704 = vector.broadcast %jit3A_703 : i32 to vector<16xi32>
      %select_n3A_705 = arith.select %gt3A_691, %broadcast_in_dim3A_704, %select_n3A_686 : vector<16xi1>, vector<16xi32>
      %sub3A_706 = arith.subf %select_n3A_697, %select_n3A_702 : vector<16xf32>
      %exp3A_707 = math.exp %sub3A_706 : vector<16xf32>
      %add3A_708 = arith.constant 1.000000e+00 : f32
      %add3A_709 = vector.broadcast %add3A_708 : f32 to vector<16xf32>
      %add3A_710 = arith.addf %add3A_709, %exp3A_707 : vector<16xf32>
      %div3A_711 = arith.constant 1.000000e+00 : f32
      %div3A_712 = vector.broadcast %div3A_711 : f32 to vector<16xf32>
      %div3A_713 = arith.divf %div3A_712, %add3A_710 : vector<16xf32>
      %swap3A_714 = arith.index_cast %add3A_564 : i32 to index
      %swap3A_715 = tpu.vector_load %arg16[%swap3A_714] {strides = array<i32>} : memref<1024xf32, #tpu.memory_space<vmem>>, vector<16xf32>,
      tpu.vector_store %arg16[%swap3A_714], %div3A_713 {strides = array<i32>} : memref<1024xf32, #tpu.memory_space<vmem>>, vector<16xf32>,
      %mul3A_716 = arith.mulf %exp3A_707, %div3A_713 : vector<16xf32>
      %swap3A_717 = arith.index_cast %add3A_564 : i32 to index
      %swap3A_718 = tpu.vector_load %arg17[%swap3A_717] {strides = array<i32>} : memref<1024xf32, #tpu.memory_space<vmem>>, vector<16xf32>,
      tpu.vector_store %arg17[%swap3A_717], %mul3A_716 {strides = array<i32>} : memref<1024xf32, #tpu.memory_space<vmem>>, vector<16xf32>,
      %swap3A_719 = arith.index_cast %add3A_564 : i32 to index
      %swap3A_720 = tpu.vector_load %arg18[%swap3A_719] {strides = array<i32>} : memref<1024xi32, #tpu.memory_space<vmem>>, vector<16xi32>,
      tpu.vector_store %arg18[%swap3A_719], %select_n3A_705 {strides = array<i32>} : memref<1024xi32, #tpu.memory_space<vmem>>, vector<16xi32>,
      %swap3A_721 = arith.index_cast %add3A_564 : i32 to index
      %swap3A_722 = tpu.vector_load %arg19[%swap3A_721] {strides = array<i32>} : memref<1024xi32, #tpu.memory_space<vmem>>, vector<16xi32>,
      tpu.vector_store %arg19[%swap3A_721], %select_n3A_701 {strides = array<i32>} : memref<1024xi32, #tpu.memory_space<vmem>>, vector<16xi32>,
      %mul3A_723 = arith.constant 4 : i32
      %mul3A_724 = vector.broadcast %mul3A_723 : i32 to vector<16xi32>
      %mul3A_725 = arith.muli %select_n3A_705, %mul3A_724 : vector<16xi32>
      %shift_left3A_726 = arith.constant 1 : i32
      %shift_left3A_727 = vector.broadcast %shift_left3A_726 : i32 to vector<16xi32>
      %shift_left3A_728 = arith.shli %shift_left3A_727, %mul3A_725 : vector<16xi32>
      %add3A_729 = arith.addi %add3A_560, %shift_left3A_728 : vector<16xi32>
      %mul3A_730 = arith.constant 4 : i32
      %mul3A_731 = vector.broadcast %mul3A_730 : i32 to vector<16xi32>
      %mul3A_732 = arith.muli %select_n3A_701, %mul3A_731 : vector<16xi32>
      %shift_left3A_733 = arith.constant 1 : i32
      %shift_left3A_734 = vector.broadcast %shift_left3A_733 : i32 to vector<16xi32>
      %shift_left3A_735 = arith.shli %shift_left3A_734, %mul3A_732 : vector<16xi32>
      %add3A_736 = arith.addi %add3A_729, %shift_left3A_735 : vector<16xi32>
      %mul3A_737 = arith.constant 128 : i32
      %mul3A_738 = arith.muli %scan3A_208, %mul3A_737 : i32
      %add3A_739 = arith.constant 48 : i32
      %add3A_740 = arith.addi %mul3A_738, %add3A_739 : i32
      %get3A_741 = arith.index_cast %add3A_740 : i32 to index
      %get3A_742 = tpu.vector_load %arg15[%get3A_741] {strides = array<i32>} : memref<8192xf32, #tpu.memory_space<vmem>>, vector<16xf32>,
      %broadcast_in_dim3A_743 = arith.constant 0 : i32
      %broadcast_in_dim3A_744 = vector.broadcast %broadcast_in_dim3A_743 : i32 to vector<16xi32>
      %broadcast_in_dim3A_745 = arith.constant 0xFF800000 : f32
      %broadcast_in_dim3A_746 = vector.broadcast %broadcast_in_dim3A_745 : f32 to vector<16xf32>
      %broadcast_in_dim3A_747 = arith.constant 0 : i32
      %broadcast_in_dim3A_748 = vector.broadcast %broadcast_in_dim3A_747 : i32 to vector<16xi32>
      %add3A_749 = arith.constant 1024 : i32
      %add3A_750 = arith.addi %add3A_749, %add3A_740 : i32
      %get3A_751 = arith.index_cast %add3A_750 : i32 to index
      %get3A_752 = tpu.vector_load %arg15[%get3A_751] {strides = array<i32>} : memref<8192xf32, #tpu.memory_space<vmem>>, vector<16xf32>,
      %gt3A_753 = arith.cmpf ogt, %get3A_752, %get3A_742 : vector<16xf32>
      %not3A_754 = arith.constant dense<true> : vector<16xi1>
      %not3A_755 = arith.xori %gt3A_753, %not3A_754 : vector<16xi1>
      %gt3A_756 = arith.cmpf ogt, %get3A_752, %broadcast_in_dim3A_746 : vector<16xf32>
      %and3A_757 = arith.andi %not3A_755, %gt3A_756 : vector<16xi1>
      %select_n3A_758 = arith.select %and3A_757, %get3A_752, %broadcast_in_dim3A_746 : vector<16xi1>, vector<16xf32>
      %select_n3A_759 = arith.select %gt3A_753, %get3A_742, %select_n3A_758 : vector<16xi1>, vector<16xf32>
      %jit3A_760 = arith.constant 1 : i32
      %broadcast_in_dim3A_761 = vector.broadcast %jit3A_760 : i32 to vector<16xi32>
      %select_n3A_762 = arith.select %and3A_757, %broadcast_in_dim3A_761, %broadcast_in_dim3A_748 : vector<16xi1>, vector<16xi32>
      %select_n3A_763 = arith.select %gt3A_753, %broadcast_in_dim3A_744, %select_n3A_762 : vector<16xi1>, vector<16xi32>
      %select_n3A_764 = arith.select %gt3A_753, %get3A_752, %get3A_742 : vector<16xi1>, vector<16xf32>
      %jit3A_765 = arith.constant 1 : i32
      %broadcast_in_dim3A_766 = vector.broadcast %jit3A_765 : i32 to vector<16xi32>
      %select_n3A_767 = arith.select %gt3A_753, %broadcast_in_dim3A_766, %broadcast_in_dim3A_744 : vector<16xi1>, vector<16xi32>
      %add3A_768 = arith.constant 2048 : i32
      %add3A_769 = arith.addi %add3A_768, %add3A_740 : i32
      %get3A_770 = arith.index_cast %add3A_769 : i32 to index
      %get3A_771 = tpu.vector_load %arg15[%get3A_770] {strides = array<i32>} : memref<8192xf32, #tpu.memory_space<vmem>>, vector<16xf32>,
      %gt3A_772 = arith.cmpf ogt, %get3A_771, %select_n3A_764 : vector<16xf32>
      %not3A_773 = arith.constant dense<true> : vector<16xi1>
      %not3A_774 = arith.xori %gt3A_772, %not3A_773 : vector<16xi1>
      %gt3A_775 = arith.cmpf ogt, %get3A_771, %select_n3A_759 : vector<16xf32>
      %and3A_776 = arith.andi %not3A_774, %gt3A_775 : vector<16xi1>
      %select_n3A_777 = arith.select %and3A_776, %get3A_771, %select_n3A_759 : vector<16xi1>, vector<16xf32>
      %select_n3A_778 = arith.select %gt3A_772, %select_n3A_764, %select_n3A_777 : vector<16xi1>, vector<16xf32>
      %jit3A_779 = arith.constant 2 : i32
      %broadcast_in_dim3A_780 = vector.broadcast %jit3A_779 : i32 to vector<16xi32>
      %select_n3A_781 = arith.select %and3A_776, %broadcast_in_dim3A_780, %select_n3A_763 : vector<16xi1>, vector<16xi32>
      %select_n3A_782 = arith.select %gt3A_772, %select_n3A_767, %select_n3A_781 : vector<16xi1>, vector<16xi32>
      %select_n3A_783 = arith.select %gt3A_772, %get3A_771, %select_n3A_764 : vector<16xi1>, vector<16xf32>
      %jit3A_784 = arith.constant 2 : i32
      %broadcast_in_dim3A_785 = vector.broadcast %jit3A_784 : i32 to vector<16xi32>
      %select_n3A_786 = arith.select %gt3A_772, %broadcast_in_dim3A_785, %select_n3A_767 : vector<16xi1>, vector<16xi32>
      %add3A_787 = arith.constant 3072 : i32
      %add3A_788 = arith.addi %add3A_787, %add3A_740 : i32
      %get3A_789 = arith.index_cast %add3A_788 : i32 to index
      %get3A_790 = tpu.vector_load %arg15[%get3A_789] {strides = array<i32>} : memref<8192xf32, #tpu.memory_space<vmem>>, vector<16xf32>,
      %gt3A_791 = arith.cmpf ogt, %get3A_790, %select_n3A_783 : vector<16xf32>
      %not3A_792 = arith.constant dense<true> : vector<16xi1>
      %not3A_793 = arith.xori %gt3A_791, %not3A_792 : vector<16xi1>
      %gt3A_794 = arith.cmpf ogt, %get3A_790, %select_n3A_778 : vector<16xf32>
      %and3A_795 = arith.andi %not3A_793, %gt3A_794 : vector<16xi1>
      %select_n3A_796 = arith.select %and3A_795, %get3A_790, %select_n3A_778 : vector<16xi1>, vector<16xf32>
      %select_n3A_797 = arith.select %gt3A_791, %select_n3A_783, %select_n3A_796 : vector<16xi1>, vector<16xf32>
      %jit3A_798 = arith.constant 3 : i32
      %broadcast_in_dim3A_799 = vector.broadcast %jit3A_798 : i32 to vector<16xi32>
      %select_n3A_800 = arith.select %and3A_795, %broadcast_in_dim3A_799, %select_n3A_782 : vector<16xi1>, vector<16xi32>
      %select_n3A_801 = arith.select %gt3A_791, %select_n3A_786, %select_n3A_800 : vector<16xi1>, vector<16xi32>
      %select_n3A_802 = arith.select %gt3A_791, %get3A_790, %select_n3A_783 : vector<16xi1>, vector<16xf32>
      %jit3A_803 = arith.constant 3 : i32
      %broadcast_in_dim3A_804 = vector.broadcast %jit3A_803 : i32 to vector<16xi32>
      %select_n3A_805 = arith.select %gt3A_791, %broadcast_in_dim3A_804, %select_n3A_786 : vector<16xi1>, vector<16xi32>
      %add3A_806 = arith.constant 4096 : i32
      %add3A_807 = arith.addi %add3A_806, %add3A_740 : i32
      %get3A_808 = arith.index_cast %add3A_807 : i32 to index
      %get3A_809 = tpu.vector_load %arg15[%get3A_808] {strides = array<i32>} : memref<8192xf32, #tpu.memory_space<vmem>>, vector<16xf32>,
      %gt3A_810 = arith.cmpf ogt, %get3A_809, %select_n3A_802 : vector<16xf32>
      %not3A_811 = arith.constant dense<true> : vector<16xi1>
      %not3A_812 = arith.xori %gt3A_810, %not3A_811 : vector<16xi1>
      %gt3A_813 = arith.cmpf ogt, %get3A_809, %select_n3A_797 : vector<16xf32>
      %and3A_814 = arith.andi %not3A_812, %gt3A_813 : vector<16xi1>
      %select_n3A_815 = arith.select %and3A_814, %get3A_809, %select_n3A_797 : vector<16xi1>, vector<16xf32>
      %select_n3A_816 = arith.select %gt3A_810, %select_n3A_802, %select_n3A_815 : vector<16xi1>, vector<16xf32>
      %jit3A_817 = arith.constant 4 : i32
      %broadcast_in_dim3A_818 = vector.broadcast %jit3A_817 : i32 to vector<16xi32>
      %select_n3A_819 = arith.select %and3A_814, %broadcast_in_dim3A_818, %select_n3A_801 : vector<16xi1>, vector<16xi32>
      %select_n3A_820 = arith.select %gt3A_810, %select_n3A_805, %select_n3A_819 : vector<16xi1>, vector<16xi32>
      %select_n3A_821 = arith.select %gt3A_810, %get3A_809, %select_n3A_802 : vector<16xi1>, vector<16xf32>
      %jit3A_822 = arith.constant 4 : i32
      %broadcast_in_dim3A_823 = vector.broadcast %jit3A_822 : i32 to vector<16xi32>
      %select_n3A_824 = arith.select %gt3A_810, %broadcast_in_dim3A_823, %select_n3A_805 : vector<16xi1>, vector<16xi32>
      %add3A_825 = arith.constant 5120 : i32
      %add3A_826 = arith.addi %add3A_825, %add3A_740 : i32
      %get3A_827 = arith.index_cast %add3A_826 : i32 to index
      %get3A_828 = tpu.vector_load %arg15[%get3A_827] {strides = array<i32>} : memref<8192xf32, #tpu.memory_space<vmem>>, vector<16xf32>,
      %gt3A_829 = arith.cmpf ogt, %get3A_828, %select_n3A_821 : vector<16xf32>
      %not3A_830 = arith.constant dense<true> : vector<16xi1>
      %not3A_831 = arith.xori %gt3A_829, %not3A_830 : vector<16xi1>
      %gt3A_832 = arith.cmpf ogt, %get3A_828, %select_n3A_816 : vector<16xf32>
      %and3A_833 = arith.andi %not3A_831, %gt3A_832 : vector<16xi1>
      %select_n3A_834 = arith.select %and3A_833, %get3A_828, %select_n3A_816 : vector<16xi1>, vector<16xf32>
      %select_n3A_835 = arith.select %gt3A_829, %select_n3A_821, %select_n3A_834 : vector<16xi1>, vector<16xf32>
      %jit3A_836 = arith.constant 5 : i32
      %broadcast_in_dim3A_837 = vector.broadcast %jit3A_836 : i32 to vector<16xi32>
      %select_n3A_838 = arith.select %and3A_833, %broadcast_in_dim3A_837, %select_n3A_820 : vector<16xi1>, vector<16xi32>
      %select_n3A_839 = arith.select %gt3A_829, %select_n3A_824, %select_n3A_838 : vector<16xi1>, vector<16xi32>
      %select_n3A_840 = arith.select %gt3A_829, %get3A_828, %select_n3A_821 : vector<16xi1>, vector<16xf32>
      %jit3A_841 = arith.constant 5 : i32
      %broadcast_in_dim3A_842 = vector.broadcast %jit3A_841 : i32 to vector<16xi32>
      %select_n3A_843 = arith.select %gt3A_829, %broadcast_in_dim3A_842, %select_n3A_824 : vector<16xi1>, vector<16xi32>
      %add3A_844 = arith.constant 6144 : i32
      %add3A_845 = arith.addi %add3A_844, %add3A_740 : i32
      %get3A_846 = arith.index_cast %add3A_845 : i32 to index
      %get3A_847 = tpu.vector_load %arg15[%get3A_846] {strides = array<i32>} : memref<8192xf32, #tpu.memory_space<vmem>>, vector<16xf32>,
      %gt3A_848 = arith.cmpf ogt, %get3A_847, %select_n3A_840 : vector<16xf32>
      %not3A_849 = arith.constant dense<true> : vector<16xi1>
      %not3A_850 = arith.xori %gt3A_848, %not3A_849 : vector<16xi1>
      %gt3A_851 = arith.cmpf ogt, %get3A_847, %select_n3A_835 : vector<16xf32>
      %and3A_852 = arith.andi %not3A_850, %gt3A_851 : vector<16xi1>
      %select_n3A_853 = arith.select %and3A_852, %get3A_847, %select_n3A_835 : vector<16xi1>, vector<16xf32>
      %select_n3A_854 = arith.select %gt3A_848, %select_n3A_840, %select_n3A_853 : vector<16xi1>, vector<16xf32>
      %jit3A_855 = arith.constant 6 : i32
      %broadcast_in_dim3A_856 = vector.broadcast %jit3A_855 : i32 to vector<16xi32>
      %select_n3A_857 = arith.select %and3A_852, %broadcast_in_dim3A_856, %select_n3A_839 : vector<16xi1>, vector<16xi32>
      %select_n3A_858 = arith.select %gt3A_848, %select_n3A_843, %select_n3A_857 : vector<16xi1>, vector<16xi32>
      %select_n3A_859 = arith.select %gt3A_848, %get3A_847, %select_n3A_840 : vector<16xi1>, vector<16xf32>
      %jit3A_860 = arith.constant 6 : i32
      %broadcast_in_dim3A_861 = vector.broadcast %jit3A_860 : i32 to vector<16xi32>
      %select_n3A_862 = arith.select %gt3A_848, %broadcast_in_dim3A_861, %select_n3A_843 : vector<16xi1>, vector<16xi32>
      %add3A_863 = arith.constant 7168 : i32
      %add3A_864 = arith.addi %add3A_863, %add3A_740 : i32
      %get3A_865 = arith.index_cast %add3A_864 : i32 to index
      %get3A_866 = tpu.vector_load %arg15[%get3A_865] {strides = array<i32>} : memref<8192xf32, #tpu.memory_space<vmem>>, vector<16xf32>,
      %gt3A_867 = arith.cmpf ogt, %get3A_866, %select_n3A_859 : vector<16xf32>
      %not3A_868 = arith.constant dense<true> : vector<16xi1>
      %not3A_869 = arith.xori %gt3A_867, %not3A_868 : vector<16xi1>
      %gt3A_870 = arith.cmpf ogt, %get3A_866, %select_n3A_854 : vector<16xf32>
      %and3A_871 = arith.andi %not3A_869, %gt3A_870 : vector<16xi1>
      %select_n3A_872 = arith.select %and3A_871, %get3A_866, %select_n3A_854 : vector<16xi1>, vector<16xf32>
      %select_n3A_873 = arith.select %gt3A_867, %select_n3A_859, %select_n3A_872 : vector<16xi1>, vector<16xf32>
      %jit3A_874 = arith.constant 7 : i32
      %broadcast_in_dim3A_875 = vector.broadcast %jit3A_874 : i32 to vector<16xi32>
      %select_n3A_876 = arith.select %and3A_871, %broadcast_in_dim3A_875, %select_n3A_858 : vector<16xi1>, vector<16xi32>
      %select_n3A_877 = arith.select %gt3A_867, %select_n3A_862, %select_n3A_876 : vector<16xi1>, vector<16xi32>
      %select_n3A_878 = arith.select %gt3A_867, %get3A_866, %select_n3A_859 : vector<16xi1>, vector<16xf32>
      %jit3A_879 = arith.constant 7 : i32
      %broadcast_in_dim3A_880 = vector.broadcast %jit3A_879 : i32 to vector<16xi32>
      %select_n3A_881 = arith.select %gt3A_867, %broadcast_in_dim3A_880, %select_n3A_862 : vector<16xi1>, vector<16xi32>
      %sub3A_882 = arith.subf %select_n3A_873, %select_n3A_878 : vector<16xf32>
      %exp3A_883 = math.exp %sub3A_882 : vector<16xf32>
      %add3A_884 = arith.constant 1.000000e+00 : f32
      %add3A_885 = vector.broadcast %add3A_884 : f32 to vector<16xf32>
      %add3A_886 = arith.addf %add3A_885, %exp3A_883 : vector<16xf32>
      %div3A_887 = arith.constant 1.000000e+00 : f32
      %div3A_888 = vector.broadcast %div3A_887 : f32 to vector<16xf32>
      %div3A_889 = arith.divf %div3A_888, %add3A_886 : vector<16xf32>
      %swap3A_890 = arith.index_cast %add3A_740 : i32 to index
      %swap3A_891 = tpu.vector_load %arg16[%swap3A_890] {strides = array<i32>} : memref<1024xf32, #tpu.memory_space<vmem>>, vector<16xf32>,
      tpu.vector_store %arg16[%swap3A_890], %div3A_889 {strides = array<i32>} : memref<1024xf32, #tpu.memory_space<vmem>>, vector<16xf32>,
      %mul3A_892 = arith.mulf %exp3A_883, %div3A_889 : vector<16xf32>
      %swap3A_893 = arith.index_cast %add3A_740 : i32 to index
      %swap3A_894 = tpu.vector_load %arg17[%swap3A_893] {strides = array<i32>} : memref<1024xf32, #tpu.memory_space<vmem>>, vector<16xf32>,
      tpu.vector_store %arg17[%swap3A_893], %mul3A_892 {strides = array<i32>} : memref<1024xf32, #tpu.memory_space<vmem>>, vector<16xf32>,
      %swap3A_895 = arith.index_cast %add3A_740 : i32 to index
      %swap3A_896 = tpu.vector_load %arg18[%swap3A_895] {strides = array<i32>} : memref<1024xi32, #tpu.memory_space<vmem>>, vector<16xi32>,
      tpu.vector_store %arg18[%swap3A_895], %select_n3A_881 {strides = array<i32>} : memref<1024xi32, #tpu.memory_space<vmem>>, vector<16xi32>,
      %swap3A_897 = arith.index_cast %add3A_740 : i32 to index
      %swap3A_898 = tpu.vector_load %arg19[%swap3A_897] {strides = array<i32>} : memref<1024xi32, #tpu.memory_space<vmem>>, vector<16xi32>,
      tpu.vector_store %arg19[%swap3A_897], %select_n3A_877 {strides = array<i32>} : memref<1024xi32, #tpu.memory_space<vmem>>, vector<16xi32>,
      %mul3A_899 = arith.constant 4 : i32
      %mul3A_900 = vector.broadcast %mul3A_899 : i32 to vector<16xi32>
      %mul3A_901 = arith.muli %select_n3A_881, %mul3A_900 : vector<16xi32>
      %shift_left3A_902 = arith.constant 1 : i32
      %shift_left3A_903 = vector.broadcast %shift_left3A_902 : i32 to vector<16xi32>
      %shift_left3A_904 = arith.shli %shift_left3A_903, %mul3A_901 : vector<16xi32>
      %add3A_905 = arith.addi %add3A_736, %shift_left3A_904 : vector<16xi32>
      %mul3A_906 = arith.constant 4 : i32
      %mul3A_907 = vector.broadcast %mul3A_906 : i32 to vector<16xi32>
      %mul3A_908 = arith.muli %select_n3A_877, %mul3A_907 : vector<16xi32>
      %shift_left3A_909 = arith.constant 1 : i32
      %shift_left3A_910 = vector.broadcast %shift_left3A_909 : i32 to vector<16xi32>
      %shift_left3A_911 = arith.shli %shift_left3A_910, %mul3A_908 : vector<16xi32>
      %add3A_912 = arith.addi %add3A_905, %shift_left3A_911 : vector<16xi32>
      %mul3A_913 = arith.constant 128 : i32
      %mul3A_914 = arith.muli %scan3A_208, %mul3A_913 : i32
      %add3A_915 = arith.constant 64 : i32
      %add3A_916 = arith.addi %mul3A_914, %add3A_915 : i32
      %get3A_917 = arith.index_cast %add3A_916 : i32 to index
      %get3A_918 = tpu.vector_load %arg15[%get3A_917] {strides = array<i32>} : memref<8192xf32, #tpu.memory_space<vmem>>, vector<16xf32>,
      %broadcast_in_dim3A_919 = arith.constant 0 : i32
      %broadcast_in_dim3A_920 = vector.broadcast %broadcast_in_dim3A_919 : i32 to vector<16xi32>
      %broadcast_in_dim3A_921 = arith.constant 0xFF800000 : f32
      %broadcast_in_dim3A_922 = vector.broadcast %broadcast_in_dim3A_921 : f32 to vector<16xf32>
      %broadcast_in_dim3A_923 = arith.constant 0 : i32
      %broadcast_in_dim3A_924 = vector.broadcast %broadcast_in_dim3A_923 : i32 to vector<16xi32>
      %add3A_925 = arith.constant 1024 : i32
      %add3A_926 = arith.addi %add3A_925, %add3A_916 : i32
      %get3A_927 = arith.index_cast %add3A_926 : i32 to index
      %get3A_928 = tpu.vector_load %arg15[%get3A_927] {strides = array<i32>} : memref<8192xf32, #tpu.memory_space<vmem>>, vector<16xf32>,
      %gt3A_929 = arith.cmpf ogt, %get3A_928, %get3A_918 : vector<16xf32>
      %not3A_930 = arith.constant dense<true> : vector<16xi1>
      %not3A_931 = arith.xori %gt3A_929, %not3A_930 : vector<16xi1>
      %gt3A_932 = arith.cmpf ogt, %get3A_928, %broadcast_in_dim3A_922 : vector<16xf32>
      %and3A_933 = arith.andi %not3A_931, %gt3A_932 : vector<16xi1>
      %select_n3A_934 = arith.select %and3A_933, %get3A_928, %broadcast_in_dim3A_922 : vector<16xi1>, vector<16xf32>
      %select_n3A_935 = arith.select %gt3A_929, %get3A_918, %select_n3A_934 : vector<16xi1>, vector<16xf32>
      %jit3A_936 = arith.constant 1 : i32
      %broadcast_in_dim3A_937 = vector.broadcast %jit3A_936 : i32 to vector<16xi32>
      %select_n3A_938 = arith.select %and3A_933, %broadcast_in_dim3A_937, %broadcast_in_dim3A_924 : vector<16xi1>, vector<16xi32>
      %select_n3A_939 = arith.select %gt3A_929, %broadcast_in_dim3A_920, %select_n3A_938 : vector<16xi1>, vector<16xi32>
      %select_n3A_940 = arith.select %gt3A_929, %get3A_928, %get3A_918 : vector<16xi1>, vector<16xf32>
      %jit3A_941 = arith.constant 1 : i32
      %broadcast_in_dim3A_942 = vector.broadcast %jit3A_941 : i32 to vector<16xi32>
      %select_n3A_943 = arith.select %gt3A_929, %broadcast_in_dim3A_942, %broadcast_in_dim3A_920 : vector<16xi1>, vector<16xi32>
      %add3A_944 = arith.constant 2048 : i32
      %add3A_945 = arith.addi %add3A_944, %add3A_916 : i32
      %get3A_946 = arith.index_cast %add3A_945 : i32 to index
      %get3A_947 = tpu.vector_load %arg15[%get3A_946] {strides = array<i32>} : memref<8192xf32, #tpu.memory_space<vmem>>, vector<16xf32>,
      %gt3A_948 = arith.cmpf ogt, %get3A_947, %select_n3A_940 : vector<16xf32>
      %not3A_949 = arith.constant dense<true> : vector<16xi1>
      %not3A_950 = arith.xori %gt3A_948, %not3A_949 : vector<16xi1>
      %gt3A_951 = arith.cmpf ogt, %get3A_947, %select_n3A_935 : vector<16xf32>
      %and3A_952 = arith.andi %not3A_950, %gt3A_951 : vector<16xi1>
      %select_n3A_953 = arith.select %and3A_952, %get3A_947, %select_n3A_935 : vector<16xi1>, vector<16xf32>
      %select_n3A_954 = arith.select %gt3A_948, %select_n3A_940, %select_n3A_953 : vector<16xi1>, vector<16xf32>
      %jit3A_955 = arith.constant 2 : i32
      %broadcast_in_dim3A_956 = vector.broadcast %jit3A_955 : i32 to vector<16xi32>
      %select_n3A_957 = arith.select %and3A_952, %broadcast_in_dim3A_956, %select_n3A_939 : vector<16xi1>, vector<16xi32>
      %select_n3A_958 = arith.select %gt3A_948, %select_n3A_943, %select_n3A_957 : vector<16xi1>, vector<16xi32>
      %select_n3A_959 = arith.select %gt3A_948, %get3A_947, %select_n3A_940 : vector<16xi1>, vector<16xf32>
      %jit3A_960 = arith.constant 2 : i32
      %broadcast_in_dim3A_961 = vector.broadcast %jit3A_960 : i32 to vector<16xi32>
      %select_n3A_962 = arith.select %gt3A_948, %broadcast_in_dim3A_961, %select_n3A_943 : vector<16xi1>, vector<16xi32>
      %add3A_963 = arith.constant 3072 : i32
      %add3A_964 = arith.addi %add3A_963, %add3A_916 : i32
      %get3A_965 = arith.index_cast %add3A_964 : i32 to index
      %get3A_966 = tpu.vector_load %arg15[%get3A_965] {strides = array<i32>} : memref<8192xf32, #tpu.memory_space<vmem>>, vector<16xf32>,
      %gt3A_967 = arith.cmpf ogt, %get3A_966, %select_n3A_959 : vector<16xf32>
      %not3A_968 = arith.constant dense<true> : vector<16xi1>
      %not3A_969 = arith.xori %gt3A_967, %not3A_968 : vector<16xi1>
      %gt3A_970 = arith.cmpf ogt, %get3A_966, %select_n3A_954 : vector<16xf32>
      %and3A_971 = arith.andi %not3A_969, %gt3A_970 : vector<16xi1>
      %select_n3A_972 = arith.select %and3A_971, %get3A_966, %select_n3A_954 : vector<16xi1>, vector<16xf32>
      %select_n3A_973 = arith.select %gt3A_967, %select_n3A_959, %select_n3A_972 : vector<16xi1>, vector<16xf32>
      %jit3A_974 = arith.constant 3 : i32
      %broadcast_in_dim3A_975 = vector.broadcast %jit3A_974 : i32 to vector<16xi32>
      %select_n3A_976 = arith.select %and3A_971, %broadcast_in_dim3A_975, %select_n3A_958 : vector<16xi1>, vector<16xi32>
      %select_n3A_977 = arith.select %gt3A_967, %select_n3A_962, %select_n3A_976 : vector<16xi1>, vector<16xi32>
      %select_n3A_978 = arith.select %gt3A_967, %get3A_966, %select_n3A_959 : vector<16xi1>, vector<16xf32>
      %jit3A_979 = arith.constant 3 : i32
      %broadcast_in_dim3A_980 = vector.broadcast %jit3A_979 : i32 to vector<16xi32>
      %select_n3A_981 = arith.select %gt3A_967, %broadcast_in_dim3A_980, %select_n3A_962 : vector<16xi1>, vector<16xi32>
      %add3A_982 = arith.constant 4096 : i32
      %add3A_983 = arith.addi %add3A_982, %add3A_916 : i32
      %get3A_984 = arith.index_cast %add3A_983 : i32 to index
      %get3A_985 = tpu.vector_load %arg15[%get3A_984] {strides = array<i32>} : memref<8192xf32, #tpu.memory_space<vmem>>, vector<16xf32>,
      %gt3A_986 = arith.cmpf ogt, %get3A_985, %select_n3A_978 : vector<16xf32>
      %not3A_987 = arith.constant dense<true> : vector<16xi1>
      %not3A_988 = arith.xori %gt3A_986, %not3A_987 : vector<16xi1>
      %gt3A_989 = arith.cmpf ogt, %get3A_985, %select_n3A_973 : vector<16xf32>
      %and3A_990 = arith.andi %not3A_988, %gt3A_989 : vector<16xi1>
      %select_n3A_991 = arith.select %and3A_990, %get3A_985, %select_n3A_973 : vector<16xi1>, vector<16xf32>
      %select_n3A_992 = arith.select %gt3A_986, %select_n3A_978, %select_n3A_991 : vector<16xi1>, vector<16xf32>
      %jit3A_993 = arith.constant 4 : i32
      %broadcast_in_dim3A_994 = vector.broadcast %jit3A_993 : i32 to vector<16xi32>
      %select_n3A_995 = arith.select %and3A_990, %broadcast_in_dim3A_994, %select_n3A_977 : vector<16xi1>, vector<16xi32>
      %select_n3A_996 = arith.select %gt3A_986, %select_n3A_981, %select_n3A_995 : vector<16xi1>, vector<16xi32>
      %select_n3A_997 = arith.select %gt3A_986, %get3A_985, %select_n3A_978 : vector<16xi1>, vector<16xf32>
      %jit3A_998 = arith.constant 4 : i32
      %broadcast_in_dim3A_999 = vector.broadcast %jit3A_998 : i32 to vector<16xi32>
      %select_n3A_1000 = arith.select %gt3A_986, %broadcast_in_dim3A_999, %select_n3A_981 : vector<16xi1>, vector<16xi32>
      %add3A_1001 = arith.constant 5120 : i32
      %add3A_1002 = arith.addi %add3A_1001, %add3A_916 : i32
      %get3A_1003 = arith.index_cast %add3A_1002 : i32 to index
      %get3A_1004 = tpu.vector_load %arg15[%get3A_1003] {strides = array<i32>} : memref<8192xf32, #tpu.memory_space<vmem>>, vector<16xf32>,
      %gt3A_1005 = arith.cmpf ogt, %get3A_1004, %select_n3A_997 : vector<16xf32>
      %not3A_1006 = arith.constant dense<true> : vector<16xi1>
      %not3A_1007 = arith.xori %gt3A_1005, %not3A_1006 : vector<16xi1>
      %gt3A_1008 = arith.cmpf ogt, %get3A_1004, %select_n3A_992 : vector<16xf32>
      %and3A_1009 = arith.andi %not3A_1007, %gt3A_1008 : vector<16xi1>
      %select_n3A_1010 = arith.select %and3A_1009, %get3A_1004, %select_n3A_992 : vector<16xi1>, vector<16xf32>
      %select_n3A_1011 = arith.select %gt3A_1005, %select_n3A_997, %select_n3A_1010 : vector<16xi1>, vector<16xf32>
      %jit3A_1012 = arith.constant 5 : i32
      %broadcast_in_dim3A_1013 = vector.broadcast %jit3A_1012 : i32 to vector<16xi32>
      %select_n3A_1014 = arith.select %and3A_1009, %broadcast_in_dim3A_1013, %select_n3A_996 : vector<16xi1>, vector<16xi32>
      %select_n3A_1015 = arith.select %gt3A_1005, %select_n3A_1000, %select_n3A_1014 : vector<16xi1>, vector<16xi32>
      %select_n3A_1016 = arith.select %gt3A_1005, %get3A_1004, %select_n3A_997 : vector<16xi1>, vector<16xf32>
      %jit3A_1017 = arith.constant 5 : i32
      %broadcast_in_dim3A_1018 = vector.broadcast %jit3A_1017 : i32 to vector<16xi32>
      %select_n3A_1019 = arith.select %gt3A_1005, %broadcast_in_dim3A_1018, %select_n3A_1000 : vector<16xi1>, vector<16xi32>
      %add3A_1020 = arith.constant 6144 : i32
      %add3A_1021 = arith.addi %add3A_1020, %add3A_916 : i32
      %get3A_1022 = arith.index_cast %add3A_1021 : i32 to index
      %get3A_1023 = tpu.vector_load %arg15[%get3A_1022] {strides = array<i32>} : memref<8192xf32, #tpu.memory_space<vmem>>, vector<16xf32>,
      %gt3A_1024 = arith.cmpf ogt, %get3A_1023, %select_n3A_1016 : vector<16xf32>
      %not3A_1025 = arith.constant dense<true> : vector<16xi1>
      %not3A_1026 = arith.xori %gt3A_1024, %not3A_1025 : vector<16xi1>
      %gt3A_1027 = arith.cmpf ogt, %get3A_1023, %select_n3A_1011 : vector<16xf32>
      %and3A_1028 = arith.andi %not3A_1026, %gt3A_1027 : vector<16xi1>
      %select_n3A_1029 = arith.select %and3A_1028, %get3A_1023, %select_n3A_1011 : vector<16xi1>, vector<16xf32>
      %select_n3A_1030 = arith.select %gt3A_1024, %select_n3A_1016, %select_n3A_1029 : vector<16xi1>, vector<16xf32>
      %jit3A_1031 = arith.constant 6 : i32
      %broadcast_in_dim3A_1032 = vector.broadcast %jit3A_1031 : i32 to vector<16xi32>
      %select_n3A_1033 = arith.select %and3A_1028, %broadcast_in_dim3A_1032, %select_n3A_1015 : vector<16xi1>, vector<16xi32>
      %select_n3A_1034 = arith.select %gt3A_1024, %select_n3A_1019, %select_n3A_1033 : vector<16xi1>, vector<16xi32>
      %select_n3A_1035 = arith.select %gt3A_1024, %get3A_1023, %select_n3A_1016 : vector<16xi1>, vector<16xf32>
      %jit3A_1036 = arith.constant 6 : i32
      %broadcast_in_dim3A_1037 = vector.broadcast %jit3A_1036 : i32 to vector<16xi32>
      %select_n3A_1038 = arith.select %gt3A_1024, %broadcast_in_dim3A_1037, %select_n3A_1019 : vector<16xi1>, vector<16xi32>
      %add3A_1039 = arith.constant 7168 : i32
      %add3A_1040 = arith.addi %add3A_1039, %add3A_916 : i32
      %get3A_1041 = arith.index_cast %add3A_1040 : i32 to index
      %get3A_1042 = tpu.vector_load %arg15[%get3A_1041] {strides = array<i32>} : memref<8192xf32, #tpu.memory_space<vmem>>, vector<16xf32>,
      %gt3A_1043 = arith.cmpf ogt, %get3A_1042, %select_n3A_1035 : vector<16xf32>
      %not3A_1044 = arith.constant dense<true> : vector<16xi1>
      %not3A_1045 = arith.xori %gt3A_1043, %not3A_1044 : vector<16xi1>
      %gt3A_1046 = arith.cmpf ogt, %get3A_1042, %select_n3A_1030 : vector<16xf32>
      %and3A_1047 = arith.andi %not3A_1045, %gt3A_1046 : vector<16xi1>
      %select_n3A_1048 = arith.select %and3A_1047, %get3A_1042, %select_n3A_1030 : vector<16xi1>, vector<16xf32>
      %select_n3A_1049 = arith.select %gt3A_1043, %select_n3A_1035, %select_n3A_1048 : vector<16xi1>, vector<16xf32>
      %jit3A_1050 = arith.constant 7 : i32
      %broadcast_in_dim3A_1051 = vector.broadcast %jit3A_1050 : i32 to vector<16xi32>
      %select_n3A_1052 = arith.select %and3A_1047, %broadcast_in_dim3A_1051, %select_n3A_1034 : vector<16xi1>, vector<16xi32>
      %select_n3A_1053 = arith.select %gt3A_1043, %select_n3A_1038, %select_n3A_1052 : vector<16xi1>, vector<16xi32>
      %select_n3A_1054 = arith.select %gt3A_1043, %get3A_1042, %select_n3A_1035 : vector<16xi1>, vector<16xf32>
      %jit3A_1055 = arith.constant 7 : i32
      %broadcast_in_dim3A_1056 = vector.broadcast %jit3A_1055 : i32 to vector<16xi32>
      %select_n3A_1057 = arith.select %gt3A_1043, %broadcast_in_dim3A_1056, %select_n3A_1038 : vector<16xi1>, vector<16xi32>
      %sub3A_1058 = arith.subf %select_n3A_1049, %select_n3A_1054 : vector<16xf32>
      %exp3A_1059 = math.exp %sub3A_1058 : vector<16xf32>
      %add3A_1060 = arith.constant 1.000000e+00 : f32
      %add3A_1061 = vector.broadcast %add3A_1060 : f32 to vector<16xf32>
      %add3A_1062 = arith.addf %add3A_1061, %exp3A_1059 : vector<16xf32>
      %div3A_1063 = arith.constant 1.000000e+00 : f32
      %div3A_1064 = vector.broadcast %div3A_1063 : f32 to vector<16xf32>
      %div3A_1065 = arith.divf %div3A_1064, %add3A_1062 : vector<16xf32>
      %swap3A_1066 = arith.index_cast %add3A_916 : i32 to index
      %swap3A_1067 = tpu.vector_load %arg16[%swap3A_1066] {strides = array<i32>} : memref<1024xf32, #tpu.memory_space<vmem>>, vector<16xf32>,
      tpu.vector_store %arg16[%swap3A_1066], %div3A_1065 {strides = array<i32>} : memref<1024xf32, #tpu.memory_space<vmem>>, vector<16xf32>,
      %mul3A_1068 = arith.mulf %exp3A_1059, %div3A_1065 : vector<16xf32>
      %swap3A_1069 = arith.index_cast %add3A_916 : i32 to index
      %swap3A_1070 = tpu.vector_load %arg17[%swap3A_1069] {strides = array<i32>} : memref<1024xf32, #tpu.memory_space<vmem>>, vector<16xf32>,
      tpu.vector_store %arg17[%swap3A_1069], %mul3A_1068 {strides = array<i32>} : memref<1024xf32, #tpu.memory_space<vmem>>, vector<16xf32>,
      %swap3A_1071 = arith.index_cast %add3A_916 : i32 to index
      %swap3A_1072 = tpu.vector_load %arg18[%swap3A_1071] {strides = array<i32>} : memref<1024xi32, #tpu.memory_space<vmem>>, vector<16xi32>,
      tpu.vector_store %arg18[%swap3A_1071], %select_n3A_1057 {strides = array<i32>} : memref<1024xi32, #tpu.memory_space<vmem>>, vector<16xi32>,
      %swap3A_1073 = arith.index_cast %add3A_916 : i32 to index
      %swap3A_1074 = tpu.vector_load %arg19[%swap3A_1073] {strides = array<i32>} : memref<1024xi32, #tpu.memory_space<vmem>>, vector<16xi32>,
      tpu.vector_store %arg19[%swap3A_1073], %select_n3A_1053 {strides = array<i32>} : memref<1024xi32, #tpu.memory_space<vmem>>, vector<16xi32>,
      %mul3A_1075 = arith.constant 4 : i32
      %mul3A_1076 = vector.broadcast %mul3A_1075 : i32 to vector<16xi32>
      %mul3A_1077 = arith.muli %select_n3A_1057, %mul3A_1076 : vector<16xi32>
      %shift_left3A_1078 = arith.constant 1 : i32
      %shift_left3A_1079 = vector.broadcast %shift_left3A_1078 : i32 to vector<16xi32>
      %shift_left3A_1080 = arith.shli %shift_left3A_1079, %mul3A_1077 : vector<16xi32>
      %add3A_1081 = arith.addi %add3A_912, %shift_left3A_1080 : vector<16xi32>
      %mul3A_1082 = arith.constant 4 : i32
      %mul3A_1083 = vector.broadcast %mul3A_1082 : i32 to vector<16xi32>
      %mul3A_1084 = arith.muli %select_n3A_1053, %mul3A_1083 : vector<16xi32>
      %shift_left3A_1085 = arith.constant 1 : i32
      %shift_left3A_1086 = vector.broadcast %shift_left3A_1085 : i32 to vector<16xi32>
      %shift_left3A_1087 = arith.shli %shift_left3A_1086, %mul3A_1084 : vector<16xi32>
      %add3A_1088 = arith.addi %add3A_1081, %shift_left3A_1087 : vector<16xi32>
      %mul3A_1089 = arith.constant 128 : i32
      %mul3A_1090 = arith.muli %scan3A_208, %mul3A_1089 : i32
      %add3A_1091 = arith.constant 80 : i32
      %add3A_1092 = arith.addi %mul3A_1090, %add3A_1091 : i32
      %get3A_1093 = arith.index_cast %add3A_1092 : i32 to index
      %get3A_1094 = tpu.vector_load %arg15[%get3A_1093] {strides = array<i32>} : memref<8192xf32, #tpu.memory_space<vmem>>, vector<16xf32>,
      %broadcast_in_dim3A_1095 = arith.constant 0 : i32
      %broadcast_in_dim3A_1096 = vector.broadcast %broadcast_in_dim3A_1095 : i32 to vector<16xi32>
      %broadcast_in_dim3A_1097 = arith.constant 0xFF800000 : f32
      %broadcast_in_dim3A_1098 = vector.broadcast %broadcast_in_dim3A_1097 : f32 to vector<16xf32>
      %broadcast_in_dim3A_1099 = arith.constant 0 : i32
      %broadcast_in_dim3A_1100 = vector.broadcast %broadcast_in_dim3A_1099 : i32 to vector<16xi32>
      %add3A_1101 = arith.constant 1024 : i32
      %add3A_1102 = arith.addi %add3A_1101, %add3A_1092 : i32
      %get3A_1103 = arith.index_cast %add3A_1102 : i32 to index
      %get3A_1104 = tpu.vector_load %arg15[%get3A_1103] {strides = array<i32>} : memref<8192xf32, #tpu.memory_space<vmem>>, vector<16xf32>,
      %gt3A_1105 = arith.cmpf ogt, %get3A_1104, %get3A_1094 : vector<16xf32>
      %not3A_1106 = arith.constant dense<true> : vector<16xi1>
      %not3A_1107 = arith.xori %gt3A_1105, %not3A_1106 : vector<16xi1>
      %gt3A_1108 = arith.cmpf ogt, %get3A_1104, %broadcast_in_dim3A_1098 : vector<16xf32>
      %and3A_1109 = arith.andi %not3A_1107, %gt3A_1108 : vector<16xi1>
      %select_n3A_1110 = arith.select %and3A_1109, %get3A_1104, %broadcast_in_dim3A_1098 : vector<16xi1>, vector<16xf32>
      %select_n3A_1111 = arith.select %gt3A_1105, %get3A_1094, %select_n3A_1110 : vector<16xi1>, vector<16xf32>
      %jit3A_1112 = arith.constant 1 : i32
      %broadcast_in_dim3A_1113 = vector.broadcast %jit3A_1112 : i32 to vector<16xi32>
      %select_n3A_1114 = arith.select %and3A_1109, %broadcast_in_dim3A_1113, %broadcast_in_dim3A_1100 : vector<16xi1>, vector<16xi32>
      %select_n3A_1115 = arith.select %gt3A_1105, %broadcast_in_dim3A_1096, %select_n3A_1114 : vector<16xi1>, vector<16xi32>
      %select_n3A_1116 = arith.select %gt3A_1105, %get3A_1104, %get3A_1094 : vector<16xi1>, vector<16xf32>
      %jit3A_1117 = arith.constant 1 : i32
      %broadcast_in_dim3A_1118 = vector.broadcast %jit3A_1117 : i32 to vector<16xi32>
      %select_n3A_1119 = arith.select %gt3A_1105, %broadcast_in_dim3A_1118, %broadcast_in_dim3A_1096 : vector<16xi1>, vector<16xi32>
      %add3A_1120 = arith.constant 2048 : i32
      %add3A_1121 = arith.addi %add3A_1120, %add3A_1092 : i32
      %get3A_1122 = arith.index_cast %add3A_1121 : i32 to index
      %get3A_1123 = tpu.vector_load %arg15[%get3A_1122] {strides = array<i32>} : memref<8192xf32, #tpu.memory_space<vmem>>, vector<16xf32>,
      %gt3A_1124 = arith.cmpf ogt, %get3A_1123, %select_n3A_1116 : vector<16xf32>
      %not3A_1125 = arith.constant dense<true> : vector<16xi1>
      %not3A_1126 = arith.xori %gt3A_1124, %not3A_1125 : vector<16xi1>
      %gt3A_1127 = arith.cmpf ogt, %get3A_1123, %select_n3A_1111 : vector<16xf32>
      %and3A_1128 = arith.andi %not3A_1126, %gt3A_1127 : vector<16xi1>
      %select_n3A_1129 = arith.select %and3A_1128, %get3A_1123, %select_n3A_1111 : vector<16xi1>, vector<16xf32>
      %select_n3A_1130 = arith.select %gt3A_1124, %select_n3A_1116, %select_n3A_1129 : vector<16xi1>, vector<16xf32>
      %jit3A_1131 = arith.constant 2 : i32
      %broadcast_in_dim3A_1132 = vector.broadcast %jit3A_1131 : i32 to vector<16xi32>
      %select_n3A_1133 = arith.select %and3A_1128, %broadcast_in_dim3A_1132, %select_n3A_1115 : vector<16xi1>, vector<16xi32>
      %select_n3A_1134 = arith.select %gt3A_1124, %select_n3A_1119, %select_n3A_1133 : vector<16xi1>, vector<16xi32>
      %select_n3A_1135 = arith.select %gt3A_1124, %get3A_1123, %select_n3A_1116 : vector<16xi1>, vector<16xf32>
      %jit3A_1136 = arith.constant 2 : i32
      %broadcast_in_dim3A_1137 = vector.broadcast %jit3A_1136 : i32 to vector<16xi32>
      %select_n3A_1138 = arith.select %gt3A_1124, %broadcast_in_dim3A_1137, %select_n3A_1119 : vector<16xi1>, vector<16xi32>
      %add3A_1139 = arith.constant 3072 : i32
      %add3A_1140 = arith.addi %add3A_1139, %add3A_1092 : i32
      %get3A_1141 = arith.index_cast %add3A_1140 : i32 to index
      %get3A_1142 = tpu.vector_load %arg15[%get3A_1141] {strides = array<i32>} : memref<8192xf32, #tpu.memory_space<vmem>>, vector<16xf32>,
      %gt3A_1143 = arith.cmpf ogt, %get3A_1142, %select_n3A_1135 : vector<16xf32>
      %not3A_1144 = arith.constant dense<true> : vector<16xi1>
      %not3A_1145 = arith.xori %gt3A_1143, %not3A_1144 : vector<16xi1>
      %gt3A_1146 = arith.cmpf ogt, %get3A_1142, %select_n3A_1130 : vector<16xf32>
      %and3A_1147 = arith.andi %not3A_1145, %gt3A_1146 : vector<16xi1>
      %select_n3A_1148 = arith.select %and3A_1147, %get3A_1142, %select_n3A_1130 : vector<16xi1>, vector<16xf32>
      %select_n3A_1149 = arith.select %gt3A_1143, %select_n3A_1135, %select_n3A_1148 : vector<16xi1>, vector<16xf32>
      %jit3A_1150 = arith.constant 3 : i32
      %broadcast_in_dim3A_1151 = vector.broadcast %jit3A_1150 : i32 to vector<16xi32>
      %select_n3A_1152 = arith.select %and3A_1147, %broadcast_in_dim3A_1151, %select_n3A_1134 : vector<16xi1>, vector<16xi32>
      %select_n3A_1153 = arith.select %gt3A_1143, %select_n3A_1138, %select_n3A_1152 : vector<16xi1>, vector<16xi32>
      %select_n3A_1154 = arith.select %gt3A_1143, %get3A_1142, %select_n3A_1135 : vector<16xi1>, vector<16xf32>
      %jit3A_1155 = arith.constant 3 : i32
      %broadcast_in_dim3A_1156 = vector.broadcast %jit3A_1155 : i32 to vector<16xi32>
      %select_n3A_1157 = arith.select %gt3A_1143, %broadcast_in_dim3A_1156, %select_n3A_1138 : vector<16xi1>, vector<16xi32>
      %add3A_1158 = arith.constant 4096 : i32
      %add3A_1159 = arith.addi %add3A_1158, %add3A_1092 : i32
      %get3A_1160 = arith.index_cast %add3A_1159 : i32 to index
      %get3A_1161 = tpu.vector_load %arg15[%get3A_1160] {strides = array<i32>} : memref<8192xf32, #tpu.memory_space<vmem>>, vector<16xf32>,
      %gt3A_1162 = arith.cmpf ogt, %get3A_1161, %select_n3A_1154 : vector<16xf32>
      %not3A_1163 = arith.constant dense<true> : vector<16xi1>
      %not3A_1164 = arith.xori %gt3A_1162, %not3A_1163 : vector<16xi1>
      %gt3A_1165 = arith.cmpf ogt, %get3A_1161, %select_n3A_1149 : vector<16xf32>
      %and3A_1166 = arith.andi %not3A_1164, %gt3A_1165 : vector<16xi1>
      %select_n3A_1167 = arith.select %and3A_1166, %get3A_1161, %select_n3A_1149 : vector<16xi1>, vector<16xf32>
      %select_n3A_1168 = arith.select %gt3A_1162, %select_n3A_1154, %select_n3A_1167 : vector<16xi1>, vector<16xf32>
      %jit3A_1169 = arith.constant 4 : i32
      %broadcast_in_dim3A_1170 = vector.broadcast %jit3A_1169 : i32 to vector<16xi32>
      %select_n3A_1171 = arith.select %and3A_1166, %broadcast_in_dim3A_1170, %select_n3A_1153 : vector<16xi1>, vector<16xi32>
      %select_n3A_1172 = arith.select %gt3A_1162, %select_n3A_1157, %select_n3A_1171 : vector<16xi1>, vector<16xi32>
      %select_n3A_1173 = arith.select %gt3A_1162, %get3A_1161, %select_n3A_1154 : vector<16xi1>, vector<16xf32>
      %jit3A_1174 = arith.constant 4 : i32
      %broadcast_in_dim3A_1175 = vector.broadcast %jit3A_1174 : i32 to vector<16xi32>
      %select_n3A_1176 = arith.select %gt3A_1162, %broadcast_in_dim3A_1175, %select_n3A_1157 : vector<16xi1>, vector<16xi32>
      %add3A_1177 = arith.constant 5120 : i32
      %add3A_1178 = arith.addi %add3A_1177, %add3A_1092 : i32
      %get3A_1179 = arith.index_cast %add3A_1178 : i32 to index
      %get3A_1180 = tpu.vector_load %arg15[%get3A_1179] {strides = array<i32>} : memref<8192xf32, #tpu.memory_space<vmem>>, vector<16xf32>,
      %gt3A_1181 = arith.cmpf ogt, %get3A_1180, %select_n3A_1173 : vector<16xf32>
      %not3A_1182 = arith.constant dense<true> : vector<16xi1>
      %not3A_1183 = arith.xori %gt3A_1181, %not3A_1182 : vector<16xi1>
      %gt3A_1184 = arith.cmpf ogt, %get3A_1180, %select_n3A_1168 : vector<16xf32>
      %and3A_1185 = arith.andi %not3A_1183, %gt3A_1184 : vector<16xi1>
      %select_n3A_1186 = arith.select %and3A_1185, %get3A_1180, %select_n3A_1168 : vector<16xi1>, vector<16xf32>
      %select_n3A_1187 = arith.select %gt3A_1181, %select_n3A_1173, %select_n3A_1186 : vector<16xi1>, vector<16xf32>
      %jit3A_1188 = arith.constant 5 : i32
      %broadcast_in_dim3A_1189 = vector.broadcast %jit3A_1188 : i32 to vector<16xi32>
      %select_n3A_1190 = arith.select %and3A_1185, %broadcast_in_dim3A_1189, %select_n3A_1172 : vector<16xi1>, vector<16xi32>
      %select_n3A_1191 = arith.select %gt3A_1181, %select_n3A_1176, %select_n3A_1190 : vector<16xi1>, vector<16xi32>
      %select_n3A_1192 = arith.select %gt3A_1181, %get3A_1180, %select_n3A_1173 : vector<16xi1>, vector<16xf32>
      %jit3A_1193 = arith.constant 5 : i32
      %broadcast_in_dim3A_1194 = vector.broadcast %jit3A_1193 : i32 to vector<16xi32>
      %select_n3A_1195 = arith.select %gt3A_1181, %broadcast_in_dim3A_1194, %select_n3A_1176 : vector<16xi1>, vector<16xi32>
      %add3A_1196 = arith.constant 6144 : i32
      %add3A_1197 = arith.addi %add3A_1196, %add3A_1092 : i32
      %get3A_1198 = arith.index_cast %add3A_1197 : i32 to index
      %get3A_1199 = tpu.vector_load %arg15[%get3A_1198] {strides = array<i32>} : memref<8192xf32, #tpu.memory_space<vmem>>, vector<16xf32>,
      %gt3A_1200 = arith.cmpf ogt, %get3A_1199, %select_n3A_1192 : vector<16xf32>
      %not3A_1201 = arith.constant dense<true> : vector<16xi1>
      %not3A_1202 = arith.xori %gt3A_1200, %not3A_1201 : vector<16xi1>
      %gt3A_1203 = arith.cmpf ogt, %get3A_1199, %select_n3A_1187 : vector<16xf32>
      %and3A_1204 = arith.andi %not3A_1202, %gt3A_1203 : vector<16xi1>
      %select_n3A_1205 = arith.select %and3A_1204, %get3A_1199, %select_n3A_1187 : vector<16xi1>, vector<16xf32>
      %select_n3A_1206 = arith.select %gt3A_1200, %select_n3A_1192, %select_n3A_1205 : vector<16xi1>, vector<16xf32>
      %jit3A_1207 = arith.constant 6 : i32
      %broadcast_in_dim3A_1208 = vector.broadcast %jit3A_1207 : i32 to vector<16xi32>
      %select_n3A_1209 = arith.select %and3A_1204, %broadcast_in_dim3A_1208, %select_n3A_1191 : vector<16xi1>, vector<16xi32>
      %select_n3A_1210 = arith.select %gt3A_1200, %select_n3A_1195, %select_n3A_1209 : vector<16xi1>, vector<16xi32>
      %select_n3A_1211 = arith.select %gt3A_1200, %get3A_1199, %select_n3A_1192 : vector<16xi1>, vector<16xf32>
      %jit3A_1212 = arith.constant 6 : i32
      %broadcast_in_dim3A_1213 = vector.broadcast %jit3A_1212 : i32 to vector<16xi32>
      %select_n3A_1214 = arith.select %gt3A_1200, %broadcast_in_dim3A_1213, %select_n3A_1195 : vector<16xi1>, vector<16xi32>
      %add3A_1215 = arith.constant 7168 : i32
      %add3A_1216 = arith.addi %add3A_1215, %add3A_1092 : i32
      %get3A_1217 = arith.index_cast %add3A_1216 : i32 to index
      %get3A_1218 = tpu.vector_load %arg15[%get3A_1217] {strides = array<i32>} : memref<8192xf32, #tpu.memory_space<vmem>>, vector<16xf32>,
      %gt3A_1219 = arith.cmpf ogt, %get3A_1218, %select_n3A_1211 : vector<16xf32>
      %not3A_1220 = arith.constant dense<true> : vector<16xi1>
      %not3A_1221 = arith.xori %gt3A_1219, %not3A_1220 : vector<16xi1>
      %gt3A_1222 = arith.cmpf ogt, %get3A_1218, %select_n3A_1206 : vector<16xf32>
      %and3A_1223 = arith.andi %not3A_1221, %gt3A_1222 : vector<16xi1>
      %select_n3A_1224 = arith.select %and3A_1223, %get3A_1218, %select_n3A_1206 : vector<16xi1>, vector<16xf32>
      %select_n3A_1225 = arith.select %gt3A_1219, %select_n3A_1211, %select_n3A_1224 : vector<16xi1>, vector<16xf32>
      %jit3A_1226 = arith.constant 7 : i32
      %broadcast_in_dim3A_1227 = vector.broadcast %jit3A_1226 : i32 to vector<16xi32>
      %select_n3A_1228 = arith.select %and3A_1223, %broadcast_in_dim3A_1227, %select_n3A_1210 : vector<16xi1>, vector<16xi32>
      %select_n3A_1229 = arith.select %gt3A_1219, %select_n3A_1214, %select_n3A_1228 : vector<16xi1>, vector<16xi32>
      %select_n3A_1230 = arith.select %gt3A_1219, %get3A_1218, %select_n3A_1211 : vector<16xi1>, vector<16xf32>
      %jit3A_1231 = arith.constant 7 : i32
      %broadcast_in_dim3A_1232 = vector.broadcast %jit3A_1231 : i32 to vector<16xi32>
      %select_n3A_1233 = arith.select %gt3A_1219, %broadcast_in_dim3A_1232, %select_n3A_1214 : vector<16xi1>, vector<16xi32>
      %sub3A_1234 = arith.subf %select_n3A_1225, %select_n3A_1230 : vector<16xf32>
      %exp3A_1235 = math.exp %sub3A_1234 : vector<16xf32>
      %add3A_1236 = arith.constant 1.000000e+00 : f32
      %add3A_1237 = vector.broadcast %add3A_1236 : f32 to vector<16xf32>
      %add3A_1238 = arith.addf %add3A_1237, %exp3A_1235 : vector<16xf32>
      %div3A_1239 = arith.constant 1.000000e+00 : f32
      %div3A_1240 = vector.broadcast %div3A_1239 : f32 to vector<16xf32>
      %div3A_1241 = arith.divf %div3A_1240, %add3A_1238 : vector<16xf32>
      %swap3A_1242 = arith.index_cast %add3A_1092 : i32 to index
      %swap3A_1243 = tpu.vector_load %arg16[%swap3A_1242] {strides = array<i32>} : memref<1024xf32, #tpu.memory_space<vmem>>, vector<16xf32>,
      tpu.vector_store %arg16[%swap3A_1242], %div3A_1241 {strides = array<i32>} : memref<1024xf32, #tpu.memory_space<vmem>>, vector<16xf32>,
      %mul3A_1244 = arith.mulf %exp3A_1235, %div3A_1241 : vector<16xf32>
      %swap3A_1245 = arith.index_cast %add3A_1092 : i32 to index
      %swap3A_1246 = tpu.vector_load %arg17[%swap3A_1245] {strides = array<i32>} : memref<1024xf32, #tpu.memory_space<vmem>>, vector<16xf32>,
      tpu.vector_store %arg17[%swap3A_1245], %mul3A_1244 {strides = array<i32>} : memref<1024xf32, #tpu.memory_space<vmem>>, vector<16xf32>,
      %swap3A_1247 = arith.index_cast %add3A_1092 : i32 to index
      %swap3A_1248 = tpu.vector_load %arg18[%swap3A_1247] {strides = array<i32>} : memref<1024xi32, #tpu.memory_space<vmem>>, vector<16xi32>,
      tpu.vector_store %arg18[%swap3A_1247], %select_n3A_1233 {strides = array<i32>} : memref<1024xi32, #tpu.memory_space<vmem>>, vector<16xi32>,
      %swap3A_1249 = arith.index_cast %add3A_1092 : i32 to index
      %swap3A_1250 = tpu.vector_load %arg19[%swap3A_1249] {strides = array<i32>} : memref<1024xi32, #tpu.memory_space<vmem>>, vector<16xi32>,
      tpu.vector_store %arg19[%swap3A_1249], %select_n3A_1229 {strides = array<i32>} : memref<1024xi32, #tpu.memory_space<vmem>>, vector<16xi32>,
      %mul3A_1251 = arith.constant 4 : i32
      %mul3A_1252 = vector.broadcast %mul3A_1251 : i32 to vector<16xi32>
      %mul3A_1253 = arith.muli %select_n3A_1233, %mul3A_1252 : vector<16xi32>
      %shift_left3A_1254 = arith.constant 1 : i32
      %shift_left3A_1255 = vector.broadcast %shift_left3A_1254 : i32 to vector<16xi32>
      %shift_left3A_1256 = arith.shli %shift_left3A_1255, %mul3A_1253 : vector<16xi32>
      %add3A_1257 = arith.addi %add3A_1088, %shift_left3A_1256 : vector<16xi32>
      %mul3A_1258 = arith.constant 4 : i32
      %mul3A_1259 = vector.broadcast %mul3A_1258 : i32 to vector<16xi32>
      %mul3A_1260 = arith.muli %select_n3A_1229, %mul3A_1259 : vector<16xi32>
      %shift_left3A_1261 = arith.constant 1 : i32
      %shift_left3A_1262 = vector.broadcast %shift_left3A_1261 : i32 to vector<16xi32>
      %shift_left3A_1263 = arith.shli %shift_left3A_1262, %mul3A_1260 : vector<16xi32>
      %add3A_1264 = arith.addi %add3A_1257, %shift_left3A_1263 : vector<16xi32>
      %mul3A_1265 = arith.constant 128 : i32
      %mul3A_1266 = arith.muli %scan3A_208, %mul3A_1265 : i32
      %add3A_1267 = arith.constant 96 : i32
      %add3A_1268 = arith.addi %mul3A_1266, %add3A_1267 : i32
      %get3A_1269 = arith.index_cast %add3A_1268 : i32 to index
      %get3A_1270 = tpu.vector_load %arg15[%get3A_1269] {strides = array<i32>} : memref<8192xf32, #tpu.memory_space<vmem>>, vector<16xf32>,
      %broadcast_in_dim3A_1271 = arith.constant 0 : i32
      %broadcast_in_dim3A_1272 = vector.broadcast %broadcast_in_dim3A_1271 : i32 to vector<16xi32>
      %broadcast_in_dim3A_1273 = arith.constant 0xFF800000 : f32
      %broadcast_in_dim3A_1274 = vector.broadcast %broadcast_in_dim3A_1273 : f32 to vector<16xf32>
      %broadcast_in_dim3A_1275 = arith.constant 0 : i32
      %broadcast_in_dim3A_1276 = vector.broadcast %broadcast_in_dim3A_1275 : i32 to vector<16xi32>
      %add3A_1277 = arith.constant 1024 : i32
      %add3A_1278 = arith.addi %add3A_1277, %add3A_1268 : i32
      %get3A_1279 = arith.index_cast %add3A_1278 : i32 to index
      %get3A_1280 = tpu.vector_load %arg15[%get3A_1279] {strides = array<i32>} : memref<8192xf32, #tpu.memory_space<vmem>>, vector<16xf32>,
      %gt3A_1281 = arith.cmpf ogt, %get3A_1280, %get3A_1270 : vector<16xf32>
      %not3A_1282 = arith.constant dense<true> : vector<16xi1>
      %not3A_1283 = arith.xori %gt3A_1281, %not3A_1282 : vector<16xi1>
      %gt3A_1284 = arith.cmpf ogt, %get3A_1280, %broadcast_in_dim3A_1274 : vector<16xf32>
      %and3A_1285 = arith.andi %not3A_1283, %gt3A_1284 : vector<16xi1>
      %select_n3A_1286 = arith.select %and3A_1285, %get3A_1280, %broadcast_in_dim3A_1274 : vector<16xi1>, vector<16xf32>
      %select_n3A_1287 = arith.select %gt3A_1281, %get3A_1270, %select_n3A_1286 : vector<16xi1>, vector<16xf32>
      %jit3A_1288 = arith.constant 1 : i32
      %broadcast_in_dim3A_1289 = vector.broadcast %jit3A_1288 : i32 to vector<16xi32>
      %select_n3A_1290 = arith.select %and3A_1285, %broadcast_in_dim3A_1289, %broadcast_in_dim3A_1276 : vector<16xi1>, vector<16xi32>
      %select_n3A_1291 = arith.select %gt3A_1281, %broadcast_in_dim3A_1272, %select_n3A_1290 : vector<16xi1>, vector<16xi32>
      %select_n3A_1292 = arith.select %gt3A_1281, %get3A_1280, %get3A_1270 : vector<16xi1>, vector<16xf32>
      %jit3A_1293 = arith.constant 1 : i32
      %broadcast_in_dim3A_1294 = vector.broadcast %jit3A_1293 : i32 to vector<16xi32>
      %select_n3A_1295 = arith.select %gt3A_1281, %broadcast_in_dim3A_1294, %broadcast_in_dim3A_1272 : vector<16xi1>, vector<16xi32>
      %add3A_1296 = arith.constant 2048 : i32
      %add3A_1297 = arith.addi %add3A_1296, %add3A_1268 : i32
      %get3A_1298 = arith.index_cast %add3A_1297 : i32 to index
      %get3A_1299 = tpu.vector_load %arg15[%get3A_1298] {strides = array<i32>} : memref<8192xf32, #tpu.memory_space<vmem>>, vector<16xf32>,
      %gt3A_1300 = arith.cmpf ogt, %get3A_1299, %select_n3A_1292 : vector<16xf32>
      %not3A_1301 = arith.constant dense<true> : vector<16xi1>
      %not3A_1302 = arith.xori %gt3A_1300, %not3A_1301 : vector<16xi1>
      %gt3A_1303 = arith.cmpf ogt, %get3A_1299, %select_n3A_1287 : vector<16xf32>
      %and3A_1304 = arith.andi %not3A_1302, %gt3A_1303 : vector<16xi1>
      %select_n3A_1305 = arith.select %and3A_1304, %get3A_1299, %select_n3A_1287 : vector<16xi1>, vector<16xf32>
      %select_n3A_1306 = arith.select %gt3A_1300, %select_n3A_1292, %select_n3A_1305 : vector<16xi1>, vector<16xf32>
      %jit3A_1307 = arith.constant 2 : i32
      %broadcast_in_dim3A_1308 = vector.broadcast %jit3A_1307 : i32 to vector<16xi32>
      %select_n3A_1309 = arith.select %and3A_1304, %broadcast_in_dim3A_1308, %select_n3A_1291 : vector<16xi1>, vector<16xi32>
      %select_n3A_1310 = arith.select %gt3A_1300, %select_n3A_1295, %select_n3A_1309 : vector<16xi1>, vector<16xi32>
      %select_n3A_1311 = arith.select %gt3A_1300, %get3A_1299, %select_n3A_1292 : vector<16xi1>, vector<16xf32>
      %jit3A_1312 = arith.constant 2 : i32
      %broadcast_in_dim3A_1313 = vector.broadcast %jit3A_1312 : i32 to vector<16xi32>
      %select_n3A_1314 = arith.select %gt3A_1300, %broadcast_in_dim3A_1313, %select_n3A_1295 : vector<16xi1>, vector<16xi32>
      %add3A_1315 = arith.constant 3072 : i32
      %add3A_1316 = arith.addi %add3A_1315, %add3A_1268 : i32
      %get3A_1317 = arith.index_cast %add3A_1316 : i32 to index
      %get3A_1318 = tpu.vector_load %arg15[%get3A_1317] {strides = array<i32>} : memref<8192xf32, #tpu.memory_space<vmem>>, vector<16xf32>,
      %gt3A_1319 = arith.cmpf ogt, %get3A_1318, %select_n3A_1311 : vector<16xf32>
      %not3A_1320 = arith.constant dense<true> : vector<16xi1>
      %not3A_1321 = arith.xori %gt3A_1319, %not3A_1320 : vector<16xi1>
      %gt3A_1322 = arith.cmpf ogt, %get3A_1318, %select_n3A_1306 : vector<16xf32>
      %and3A_1323 = arith.andi %not3A_1321, %gt3A_1322 : vector<16xi1>
      %select_n3A_1324 = arith.select %and3A_1323, %get3A_1318, %select_n3A_1306 : vector<16xi1>, vector<16xf32>
      %select_n3A_1325 = arith.select %gt3A_1319, %select_n3A_1311, %select_n3A_1324 : vector<16xi1>, vector<16xf32>
      %jit3A_1326 = arith.constant 3 : i32
      %broadcast_in_dim3A_1327 = vector.broadcast %jit3A_1326 : i32 to vector<16xi32>
      %select_n3A_1328 = arith.select %and3A_1323, %broadcast_in_dim3A_1327, %select_n3A_1310 : vector<16xi1>, vector<16xi32>
      %select_n3A_1329 = arith.select %gt3A_1319, %select_n3A_1314, %select_n3A_1328 : vector<16xi1>, vector<16xi32>
      %select_n3A_1330 = arith.select %gt3A_1319, %get3A_1318, %select_n3A_1311 : vector<16xi1>, vector<16xf32>
      %jit3A_1331 = arith.constant 3 : i32
      %broadcast_in_dim3A_1332 = vector.broadcast %jit3A_1331 : i32 to vector<16xi32>
      %select_n3A_1333 = arith.select %gt3A_1319, %broadcast_in_dim3A_1332, %select_n3A_1314 : vector<16xi1>, vector<16xi32>
      %add3A_1334 = arith.constant 4096 : i32
      %add3A_1335 = arith.addi %add3A_1334, %add3A_1268 : i32
      %get3A_1336 = arith.index_cast %add3A_1335 : i32 to index
      %get3A_1337 = tpu.vector_load %arg15[%get3A_1336] {strides = array<i32>} : memref<8192xf32, #tpu.memory_space<vmem>>, vector<16xf32>,
      %gt3A_1338 = arith.cmpf ogt, %get3A_1337, %select_n3A_1330 : vector<16xf32>
      %not3A_1339 = arith.constant dense<true> : vector<16xi1>
      %not3A_1340 = arith.xori %gt3A_1338, %not3A_1339 : vector<16xi1>
      %gt3A_1341 = arith.cmpf ogt, %get3A_1337, %select_n3A_1325 : vector<16xf32>
      %and3A_1342 = arith.andi %not3A_1340, %gt3A_1341 : vector<16xi1>
      %select_n3A_1343 = arith.select %and3A_1342, %get3A_1337, %select_n3A_1325 : vector<16xi1>, vector<16xf32>
      %select_n3A_1344 = arith.select %gt3A_1338, %select_n3A_1330, %select_n3A_1343 : vector<16xi1>, vector<16xf32>
      %jit3A_1345 = arith.constant 4 : i32
      %broadcast_in_dim3A_1346 = vector.broadcast %jit3A_1345 : i32 to vector<16xi32>
      %select_n3A_1347 = arith.select %and3A_1342, %broadcast_in_dim3A_1346, %select_n3A_1329 : vector<16xi1>, vector<16xi32>
      %select_n3A_1348 = arith.select %gt3A_1338, %select_n3A_1333, %select_n3A_1347 : vector<16xi1>, vector<16xi32>
      %select_n3A_1349 = arith.select %gt3A_1338, %get3A_1337, %select_n3A_1330 : vector<16xi1>, vector<16xf32>
      %jit3A_1350 = arith.constant 4 : i32
      %broadcast_in_dim3A_1351 = vector.broadcast %jit3A_1350 : i32 to vector<16xi32>
      %select_n3A_1352 = arith.select %gt3A_1338, %broadcast_in_dim3A_1351, %select_n3A_1333 : vector<16xi1>, vector<16xi32>
      %add3A_1353 = arith.constant 5120 : i32
      %add3A_1354 = arith.addi %add3A_1353, %add3A_1268 : i32
      %get3A_1355 = arith.index_cast %add3A_1354 : i32 to index
      %get3A_1356 = tpu.vector_load %arg15[%get3A_1355] {strides = array<i32>} : memref<8192xf32, #tpu.memory_space<vmem>>, vector<16xf32>,
      %gt3A_1357 = arith.cmpf ogt, %get3A_1356, %select_n3A_1349 : vector<16xf32>
      %not3A_1358 = arith.constant dense<true> : vector<16xi1>
      %not3A_1359 = arith.xori %gt3A_1357, %not3A_1358 : vector<16xi1>
      %gt3A_1360 = arith.cmpf ogt, %get3A_1356, %select_n3A_1344 : vector<16xf32>
      %and3A_1361 = arith.andi %not3A_1359, %gt3A_1360 : vector<16xi1>
      %select_n3A_1362 = arith.select %and3A_1361, %get3A_1356, %select_n3A_1344 : vector<16xi1>, vector<16xf32>
      %select_n3A_1363 = arith.select %gt3A_1357, %select_n3A_1349, %select_n3A_1362 : vector<16xi1>, vector<16xf32>
      %jit3A_1364 = arith.constant 5 : i32
      %broadcast_in_dim3A_1365 = vector.broadcast %jit3A_1364 : i32 to vector<16xi32>
      %select_n3A_1366 = arith.select %and3A_1361, %broadcast_in_dim3A_1365, %select_n3A_1348 : vector<16xi1>, vector<16xi32>
      %select_n3A_1367 = arith.select %gt3A_1357, %select_n3A_1352, %select_n3A_1366 : vector<16xi1>, vector<16xi32>
      %select_n3A_1368 = arith.select %gt3A_1357, %get3A_1356, %select_n3A_1349 : vector<16xi1>, vector<16xf32>
      %jit3A_1369 = arith.constant 5 : i32
      %broadcast_in_dim3A_1370 = vector.broadcast %jit3A_1369 : i32 to vector<16xi32>
      %select_n3A_1371 = arith.select %gt3A_1357, %broadcast_in_dim3A_1370, %select_n3A_1352 : vector<16xi1>, vector<16xi32>
      %add3A_1372 = arith.constant 6144 : i32
      %add3A_1373 = arith.addi %add3A_1372, %add3A_1268 : i32
      %get3A_1374 = arith.index_cast %add3A_1373 : i32 to index
      %get3A_1375 = tpu.vector_load %arg15[%get3A_1374] {strides = array<i32>} : memref<8192xf32, #tpu.memory_space<vmem>>, vector<16xf32>,
      %gt3A_1376 = arith.cmpf ogt, %get3A_1375, %select_n3A_1368 : vector<16xf32>
      %not3A_1377 = arith.constant dense<true> : vector<16xi1>
      %not3A_1378 = arith.xori %gt3A_1376, %not3A_1377 : vector<16xi1>
      %gt3A_1379 = arith.cmpf ogt, %get3A_1375, %select_n3A_1363 : vector<16xf32>
      %and3A_1380 = arith.andi %not3A_1378, %gt3A_1379 : vector<16xi1>
      %select_n3A_1381 = arith.select %and3A_1380, %get3A_1375, %select_n3A_1363 : vector<16xi1>, vector<16xf32>
      %select_n3A_1382 = arith.select %gt3A_1376, %select_n3A_1368, %select_n3A_1381 : vector<16xi1>, vector<16xf32>
      %jit3A_1383 = arith.constant 6 : i32
      %broadcast_in_dim3A_1384 = vector.broadcast %jit3A_1383 : i32 to vector<16xi32>
      %select_n3A_1385 = arith.select %and3A_1380, %broadcast_in_dim3A_1384, %select_n3A_1367 : vector<16xi1>, vector<16xi32>
      %select_n3A_1386 = arith.select %gt3A_1376, %select_n3A_1371, %select_n3A_1385 : vector<16xi1>, vector<16xi32>
      %select_n3A_1387 = arith.select %gt3A_1376, %get3A_1375, %select_n3A_1368 : vector<16xi1>, vector<16xf32>
      %jit3A_1388 = arith.constant 6 : i32
      %broadcast_in_dim3A_1389 = vector.broadcast %jit3A_1388 : i32 to vector<16xi32>
      %select_n3A_1390 = arith.select %gt3A_1376, %broadcast_in_dim3A_1389, %select_n3A_1371 : vector<16xi1>, vector<16xi32>
      %add3A_1391 = arith.constant 7168 : i32
      %add3A_1392 = arith.addi %add3A_1391, %add3A_1268 : i32
      %get3A_1393 = arith.index_cast %add3A_1392 : i32 to index
      %get3A_1394 = tpu.vector_load %arg15[%get3A_1393] {strides = array<i32>} : memref<8192xf32, #tpu.memory_space<vmem>>, vector<16xf32>,
      %gt3A_1395 = arith.cmpf ogt, %get3A_1394, %select_n3A_1387 : vector<16xf32>
      %not3A_1396 = arith.constant dense<true> : vector<16xi1>
      %not3A_1397 = arith.xori %gt3A_1395, %not3A_1396 : vector<16xi1>
      %gt3A_1398 = arith.cmpf ogt, %get3A_1394, %select_n3A_1382 : vector<16xf32>
      %and3A_1399 = arith.andi %not3A_1397, %gt3A_1398 : vector<16xi1>
      %select_n3A_1400 = arith.select %and3A_1399, %get3A_1394, %select_n3A_1382 : vector<16xi1>, vector<16xf32>
      %select_n3A_1401 = arith.select %gt3A_1395, %select_n3A_1387, %select_n3A_1400 : vector<16xi1>, vector<16xf32>
      %jit3A_1402 = arith.constant 7 : i32
      %broadcast_in_dim3A_1403 = vector.broadcast %jit3A_1402 : i32 to vector<16xi32>
      %select_n3A_1404 = arith.select %and3A_1399, %broadcast_in_dim3A_1403, %select_n3A_1386 : vector<16xi1>, vector<16xi32>
      %select_n3A_1405 = arith.select %gt3A_1395, %select_n3A_1390, %select_n3A_1404 : vector<16xi1>, vector<16xi32>
      %select_n3A_1406 = arith.select %gt3A_1395, %get3A_1394, %select_n3A_1387 : vector<16xi1>, vector<16xf32>
      %jit3A_1407 = arith.constant 7 : i32
      %broadcast_in_dim3A_1408 = vector.broadcast %jit3A_1407 : i32 to vector<16xi32>
      %select_n3A_1409 = arith.select %gt3A_1395, %broadcast_in_dim3A_1408, %select_n3A_1390 : vector<16xi1>, vector<16xi32>
      %sub3A_1410 = arith.subf %select_n3A_1401, %select_n3A_1406 : vector<16xf32>
      %exp3A_1411 = math.exp %sub3A_1410 : vector<16xf32>
      %add3A_1412 = arith.constant 1.000000e+00 : f32
      %add3A_1413 = vector.broadcast %add3A_1412 : f32 to vector<16xf32>
      %add3A_1414 = arith.addf %add3A_1413, %exp3A_1411 : vector<16xf32>
      %div3A_1415 = arith.constant 1.000000e+00 : f32
      %div3A_1416 = vector.broadcast %div3A_1415 : f32 to vector<16xf32>
      %div3A_1417 = arith.divf %div3A_1416, %add3A_1414 : vector<16xf32>
      %swap3A_1418 = arith.index_cast %add3A_1268 : i32 to index
      %swap3A_1419 = tpu.vector_load %arg16[%swap3A_1418] {strides = array<i32>} : memref<1024xf32, #tpu.memory_space<vmem>>, vector<16xf32>,
      tpu.vector_store %arg16[%swap3A_1418], %div3A_1417 {strides = array<i32>} : memref<1024xf32, #tpu.memory_space<vmem>>, vector<16xf32>,
      %mul3A_1420 = arith.mulf %exp3A_1411, %div3A_1417 : vector<16xf32>
      %swap3A_1421 = arith.index_cast %add3A_1268 : i32 to index
      %swap3A_1422 = tpu.vector_load %arg17[%swap3A_1421] {strides = array<i32>} : memref<1024xf32, #tpu.memory_space<vmem>>, vector<16xf32>,
      tpu.vector_store %arg17[%swap3A_1421], %mul3A_1420 {strides = array<i32>} : memref<1024xf32, #tpu.memory_space<vmem>>, vector<16xf32>,
      %swap3A_1423 = arith.index_cast %add3A_1268 : i32 to index
      %swap3A_1424 = tpu.vector_load %arg18[%swap3A_1423] {strides = array<i32>} : memref<1024xi32, #tpu.memory_space<vmem>>, vector<16xi32>,
      tpu.vector_store %arg18[%swap3A_1423], %select_n3A_1409 {strides = array<i32>} : memref<1024xi32, #tpu.memory_space<vmem>>, vector<16xi32>,
      %swap3A_1425 = arith.index_cast %add3A_1268 : i32 to index
      %swap3A_1426 = tpu.vector_load %arg19[%swap3A_1425] {strides = array<i32>} : memref<1024xi32, #tpu.memory_space<vmem>>, vector<16xi32>,
      tpu.vector_store %arg19[%swap3A_1425], %select_n3A_1405 {strides = array<i32>} : memref<1024xi32, #tpu.memory_space<vmem>>, vector<16xi32>,
      %mul3A_1427 = arith.constant 4 : i32
      %mul3A_1428 = vector.broadcast %mul3A_1427 : i32 to vector<16xi32>
      %mul3A_1429 = arith.muli %select_n3A_1409, %mul3A_1428 : vector<16xi32>
      %shift_left3A_1430 = arith.constant 1 : i32
      %shift_left3A_1431 = vector.broadcast %shift_left3A_1430 : i32 to vector<16xi32>
      %shift_left3A_1432 = arith.shli %shift_left3A_1431, %mul3A_1429 : vector<16xi32>
      %add3A_1433 = arith.addi %add3A_1264, %shift_left3A_1432 : vector<16xi32>
      %mul3A_1434 = arith.constant 4 : i32
      %mul3A_1435 = vector.broadcast %mul3A_1434 : i32 to vector<16xi32>
      %mul3A_1436 = arith.muli %select_n3A_1405, %mul3A_1435 : vector<16xi32>
      %shift_left3A_1437 = arith.constant 1 : i32
      %shift_left3A_1438 = vector.broadcast %shift_left3A_1437 : i32 to vector<16xi32>
      %shift_left3A_1439 = arith.shli %shift_left3A_1438, %mul3A_1436 : vector<16xi32>
      %add3A_1440 = arith.addi %add3A_1433, %shift_left3A_1439 : vector<16xi32>
      %mul3A_1441 = arith.constant 128 : i32
      %mul3A_1442 = arith.muli %scan3A_208, %mul3A_1441 : i32
      %add3A_1443 = arith.constant 112 : i32
      %add3A_1444 = arith.addi %mul3A_1442, %add3A_1443 : i32
      %get3A_1445 = arith.index_cast %add3A_1444 : i32 to index
      %get3A_1446 = tpu.vector_load %arg15[%get3A_1445] {strides = array<i32>} : memref<8192xf32, #tpu.memory_space<vmem>>, vector<16xf32>,
      %broadcast_in_dim3A_1447 = arith.constant 0 : i32
      %broadcast_in_dim3A_1448 = vector.broadcast %broadcast_in_dim3A_1447 : i32 to vector<16xi32>
      %broadcast_in_dim3A_1449 = arith.constant 0xFF800000 : f32
      %broadcast_in_dim3A_1450 = vector.broadcast %broadcast_in_dim3A_1449 : f32 to vector<16xf32>
      %broadcast_in_dim3A_1451 = arith.constant 0 : i32
      %broadcast_in_dim3A_1452 = vector.broadcast %broadcast_in_dim3A_1451 : i32 to vector<16xi32>
      %add3A_1453 = arith.constant 1024 : i32
      %add3A_1454 = arith.addi %add3A_1453, %add3A_1444 : i32
      %get3A_1455 = arith.index_cast %add3A_1454 : i32 to index
      %get3A_1456 = tpu.vector_load %arg15[%get3A_1455] {strides = array<i32>} : memref<8192xf32, #tpu.memory_space<vmem>>, vector<16xf32>,
      %gt3A_1457 = arith.cmpf ogt, %get3A_1456, %get3A_1446 : vector<16xf32>
      %not3A_1458 = arith.constant dense<true> : vector<16xi1>
      %not3A_1459 = arith.xori %gt3A_1457, %not3A_1458 : vector<16xi1>
      %gt3A_1460 = arith.cmpf ogt, %get3A_1456, %broadcast_in_dim3A_1450 : vector<16xf32>
      %and3A_1461 = arith.andi %not3A_1459, %gt3A_1460 : vector<16xi1>
      %select_n3A_1462 = arith.select %and3A_1461, %get3A_1456, %broadcast_in_dim3A_1450 : vector<16xi1>, vector<16xf32>
      %select_n3A_1463 = arith.select %gt3A_1457, %get3A_1446, %select_n3A_1462 : vector<16xi1>, vector<16xf32>
      %jit3A_1464 = arith.constant 1 : i32
      %broadcast_in_dim3A_1465 = vector.broadcast %jit3A_1464 : i32 to vector<16xi32>
      %select_n3A_1466 = arith.select %and3A_1461, %broadcast_in_dim3A_1465, %broadcast_in_dim3A_1452 : vector<16xi1>, vector<16xi32>
      %select_n3A_1467 = arith.select %gt3A_1457, %broadcast_in_dim3A_1448, %select_n3A_1466 : vector<16xi1>, vector<16xi32>
      %select_n3A_1468 = arith.select %gt3A_1457, %get3A_1456, %get3A_1446 : vector<16xi1>, vector<16xf32>
      %jit3A_1469 = arith.constant 1 : i32
      %broadcast_in_dim3A_1470 = vector.broadcast %jit3A_1469 : i32 to vector<16xi32>
      %select_n3A_1471 = arith.select %gt3A_1457, %broadcast_in_dim3A_1470, %broadcast_in_dim3A_1448 : vector<16xi1>, vector<16xi32>
      %add3A_1472 = arith.constant 2048 : i32
      %add3A_1473 = arith.addi %add3A_1472, %add3A_1444 : i32
      %get3A_1474 = arith.index_cast %add3A_1473 : i32 to index
      %get3A_1475 = tpu.vector_load %arg15[%get3A_1474] {strides = array<i32>} : memref<8192xf32, #tpu.memory_space<vmem>>, vector<16xf32>,
      %gt3A_1476 = arith.cmpf ogt, %get3A_1475, %select_n3A_1468 : vector<16xf32>
      %not3A_1477 = arith.constant dense<true> : vector<16xi1>
      %not3A_1478 = arith.xori %gt3A_1476, %not3A_1477 : vector<16xi1>
      %gt3A_1479 = arith.cmpf ogt, %get3A_1475, %select_n3A_1463 : vector<16xf32>
      %and3A_1480 = arith.andi %not3A_1478, %gt3A_1479 : vector<16xi1>
      %select_n3A_1481 = arith.select %and3A_1480, %get3A_1475, %select_n3A_1463 : vector<16xi1>, vector<16xf32>
      %select_n3A_1482 = arith.select %gt3A_1476, %select_n3A_1468, %select_n3A_1481 : vector<16xi1>, vector<16xf32>
      %jit3A_1483 = arith.constant 2 : i32
      %broadcast_in_dim3A_1484 = vector.broadcast %jit3A_1483 : i32 to vector<16xi32>
      %select_n3A_1485 = arith.select %and3A_1480, %broadcast_in_dim3A_1484, %select_n3A_1467 : vector<16xi1>, vector<16xi32>
      %select_n3A_1486 = arith.select %gt3A_1476, %select_n3A_1471, %select_n3A_1485 : vector<16xi1>, vector<16xi32>
      %select_n3A_1487 = arith.select %gt3A_1476, %get3A_1475, %select_n3A_1468 : vector<16xi1>, vector<16xf32>
      %jit3A_1488 = arith.constant 2 : i32
      %broadcast_in_dim3A_1489 = vector.broadcast %jit3A_1488 : i32 to vector<16xi32>
      %select_n3A_1490 = arith.select %gt3A_1476, %broadcast_in_dim3A_1489, %select_n3A_1471 : vector<16xi1>, vector<16xi32>
      %add3A_1491 = arith.constant 3072 : i32
      %add3A_1492 = arith.addi %add3A_1491, %add3A_1444 : i32
      %get3A_1493 = arith.index_cast %add3A_1492 : i32 to index
      %get3A_1494 = tpu.vector_load %arg15[%get3A_1493] {strides = array<i32>} : memref<8192xf32, #tpu.memory_space<vmem>>, vector<16xf32>,
      %gt3A_1495 = arith.cmpf ogt, %get3A_1494, %select_n3A_1487 : vector<16xf32>
      %not3A_1496 = arith.constant dense<true> : vector<16xi1>
      %not3A_1497 = arith.xori %gt3A_1495, %not3A_1496 : vector<16xi1>
      %gt3A_1498 = arith.cmpf ogt, %get3A_1494, %select_n3A_1482 : vector<16xf32>
      %and3A_1499 = arith.andi %not3A_1497, %gt3A_1498 : vector<16xi1>
      %select_n3A_1500 = arith.select %and3A_1499, %get3A_1494, %select_n3A_1482 : vector<16xi1>, vector<16xf32>
      %select_n3A_1501 = arith.select %gt3A_1495, %select_n3A_1487, %select_n3A_1500 : vector<16xi1>, vector<16xf32>
      %jit3A_1502 = arith.constant 3 : i32
      %broadcast_in_dim3A_1503 = vector.broadcast %jit3A_1502 : i32 to vector<16xi32>
      %select_n3A_1504 = arith.select %and3A_1499, %broadcast_in_dim3A_1503, %select_n3A_1486 : vector<16xi1>, vector<16xi32>
      %select_n3A_1505 = arith.select %gt3A_1495, %select_n3A_1490, %select_n3A_1504 : vector<16xi1>, vector<16xi32>
      %select_n3A_1506 = arith.select %gt3A_1495, %get3A_1494, %select_n3A_1487 : vector<16xi1>, vector<16xf32>
      %jit3A_1507 = arith.constant 3 : i32
      %broadcast_in_dim3A_1508 = vector.broadcast %jit3A_1507 : i32 to vector<16xi32>
      %select_n3A_1509 = arith.select %gt3A_1495, %broadcast_in_dim3A_1508, %select_n3A_1490 : vector<16xi1>, vector<16xi32>
      %add3A_1510 = arith.constant 4096 : i32
      %add3A_1511 = arith.addi %add3A_1510, %add3A_1444 : i32
      %get3A_1512 = arith.index_cast %add3A_1511 : i32 to index
      %get3A_1513 = tpu.vector_load %arg15[%get3A_1512] {strides = array<i32>} : memref<8192xf32, #tpu.memory_space<vmem>>, vector<16xf32>,
      %gt3A_1514 = arith.cmpf ogt, %get3A_1513, %select_n3A_1506 : vector<16xf32>
      %not3A_1515 = arith.constant dense<true> : vector<16xi1>
      %not3A_1516 = arith.xori %gt3A_1514, %not3A_1515 : vector<16xi1>
      %gt3A_1517 = arith.cmpf ogt, %get3A_1513, %select_n3A_1501 : vector<16xf32>
      %and3A_1518 = arith.andi %not3A_1516, %gt3A_1517 : vector<16xi1>
      %select_n3A_1519 = arith.select %and3A_1518, %get3A_1513, %select_n3A_1501 : vector<16xi1>, vector<16xf32>
      %select_n3A_1520 = arith.select %gt3A_1514, %select_n3A_1506, %select_n3A_1519 : vector<16xi1>, vector<16xf32>
      %jit3A_1521 = arith.constant 4 : i32
      %broadcast_in_dim3A_1522 = vector.broadcast %jit3A_1521 : i32 to vector<16xi32>
      %select_n3A_1523 = arith.select %and3A_1518, %broadcast_in_dim3A_1522, %select_n3A_1505 : vector<16xi1>, vector<16xi32>
      %select_n3A_1524 = arith.select %gt3A_1514, %select_n3A_1509, %select_n3A_1523 : vector<16xi1>, vector<16xi32>
      %select_n3A_1525 = arith.select %gt3A_1514, %get3A_1513, %select_n3A_1506 : vector<16xi1>, vector<16xf32>
      %jit3A_1526 = arith.constant 4 : i32
      %broadcast_in_dim3A_1527 = vector.broadcast %jit3A_1526 : i32 to vector<16xi32>
      %select_n3A_1528 = arith.select %gt3A_1514, %broadcast_in_dim3A_1527, %select_n3A_1509 : vector<16xi1>, vector<16xi32>
      %add3A_1529 = arith.constant 5120 : i32
      %add3A_1530 = arith.addi %add3A_1529, %add3A_1444 : i32
      %get3A_1531 = arith.index_cast %add3A_1530 : i32 to index
      %get3A_1532 = tpu.vector_load %arg15[%get3A_1531] {strides = array<i32>} : memref<8192xf32, #tpu.memory_space<vmem>>, vector<16xf32>,
      %gt3A_1533 = arith.cmpf ogt, %get3A_1532, %select_n3A_1525 : vector<16xf32>
      %not3A_1534 = arith.constant dense<true> : vector<16xi1>
      %not3A_1535 = arith.xori %gt3A_1533, %not3A_1534 : vector<16xi1>
      %gt3A_1536 = arith.cmpf ogt, %get3A_1532, %select_n3A_1520 : vector<16xf32>
      %and3A_1537 = arith.andi %not3A_1535, %gt3A_1536 : vector<16xi1>
      %select_n3A_1538 = arith.select %and3A_1537, %get3A_1532, %select_n3A_1520 : vector<16xi1>, vector<16xf32>
      %select_n3A_1539 = arith.select %gt3A_1533, %select_n3A_1525, %select_n3A_1538 : vector<16xi1>, vector<16xf32>
      %jit3A_1540 = arith.constant 5 : i32
      %broadcast_in_dim3A_1541 = vector.broadcast %jit3A_1540 : i32 to vector<16xi32>
      %select_n3A_1542 = arith.select %and3A_1537, %broadcast_in_dim3A_1541, %select_n3A_1524 : vector<16xi1>, vector<16xi32>
      %select_n3A_1543 = arith.select %gt3A_1533, %select_n3A_1528, %select_n3A_1542 : vector<16xi1>, vector<16xi32>
      %select_n3A_1544 = arith.select %gt3A_1533, %get3A_1532, %select_n3A_1525 : vector<16xi1>, vector<16xf32>
      %jit3A_1545 = arith.constant 5 : i32
      %broadcast_in_dim3A_1546 = vector.broadcast %jit3A_1545 : i32 to vector<16xi32>
      %select_n3A_1547 = arith.select %gt3A_1533, %broadcast_in_dim3A_1546, %select_n3A_1528 : vector<16xi1>, vector<16xi32>
      %add3A_1548 = arith.constant 6144 : i32
      %add3A_1549 = arith.addi %add3A_1548, %add3A_1444 : i32
      %get3A_1550 = arith.index_cast %add3A_1549 : i32 to index
      %get3A_1551 = tpu.vector_load %arg15[%get3A_1550] {strides = array<i32>} : memref<8192xf32, #tpu.memory_space<vmem>>, vector<16xf32>,
      %gt3A_1552 = arith.cmpf ogt, %get3A_1551, %select_n3A_1544 : vector<16xf32>
      %not3A_1553 = arith.constant dense<true> : vector<16xi1>
      %not3A_1554 = arith.xori %gt3A_1552, %not3A_1553 : vector<16xi1>
      %gt3A_1555 = arith.cmpf ogt, %get3A_1551, %select_n3A_1539 : vector<16xf32>
      %and3A_1556 = arith.andi %not3A_1554, %gt3A_1555 : vector<16xi1>
      %select_n3A_1557 = arith.select %and3A_1556, %get3A_1551, %select_n3A_1539 : vector<16xi1>, vector<16xf32>
      %select_n3A_1558 = arith.select %gt3A_1552, %select_n3A_1544, %select_n3A_1557 : vector<16xi1>, vector<16xf32>
      %jit3A_1559 = arith.constant 6 : i32
      %broadcast_in_dim3A_1560 = vector.broadcast %jit3A_1559 : i32 to vector<16xi32>
      %select_n3A_1561 = arith.select %and3A_1556, %broadcast_in_dim3A_1560, %select_n3A_1543 : vector<16xi1>, vector<16xi32>
      %select_n3A_1562 = arith.select %gt3A_1552, %select_n3A_1547, %select_n3A_1561 : vector<16xi1>, vector<16xi32>
      %select_n3A_1563 = arith.select %gt3A_1552, %get3A_1551, %select_n3A_1544 : vector<16xi1>, vector<16xf32>
      %jit3A_1564 = arith.constant 6 : i32
      %broadcast_in_dim3A_1565 = vector.broadcast %jit3A_1564 : i32 to vector<16xi32>
      %select_n3A_1566 = arith.select %gt3A_1552, %broadcast_in_dim3A_1565, %select_n3A_1547 : vector<16xi1>, vector<16xi32>
      %add3A_1567 = arith.constant 7168 : i32
      %add3A_1568 = arith.addi %add3A_1567, %add3A_1444 : i32
      %get3A_1569 = arith.index_cast %add3A_1568 : i32 to index
      %get3A_1570 = tpu.vector_load %arg15[%get3A_1569] {strides = array<i32>} : memref<8192xf32, #tpu.memory_space<vmem>>, vector<16xf32>,
      %gt3A_1571 = arith.cmpf ogt, %get3A_1570, %select_n3A_1563 : vector<16xf32>
      %not3A_1572 = arith.constant dense<true> : vector<16xi1>
      %not3A_1573 = arith.xori %gt3A_1571, %not3A_1572 : vector<16xi1>
      %gt3A_1574 = arith.cmpf ogt, %get3A_1570, %select_n3A_1558 : vector<16xf32>
      %and3A_1575 = arith.andi %not3A_1573, %gt3A_1574 : vector<16xi1>
      %select_n3A_1576 = arith.select %and3A_1575, %get3A_1570, %select_n3A_1558 : vector<16xi1>, vector<16xf32>
      %select_n3A_1577 = arith.select %gt3A_1571, %select_n3A_1563, %select_n3A_1576 : vector<16xi1>, vector<16xf32>
      %jit3A_1578 = arith.constant 7 : i32
      %broadcast_in_dim3A_1579 = vector.broadcast %jit3A_1578 : i32 to vector<16xi32>
      %select_n3A_1580 = arith.select %and3A_1575, %broadcast_in_dim3A_1579, %select_n3A_1562 : vector<16xi1>, vector<16xi32>
      %select_n3A_1581 = arith.select %gt3A_1571, %select_n3A_1566, %select_n3A_1580 : vector<16xi1>, vector<16xi32>
      %select_n3A_1582 = arith.select %gt3A_1571, %get3A_1570, %select_n3A_1563 : vector<16xi1>, vector<16xf32>
      %jit3A_1583 = arith.constant 7 : i32
      %broadcast_in_dim3A_1584 = vector.broadcast %jit3A_1583 : i32 to vector<16xi32>
      %select_n3A_1585 = arith.select %gt3A_1571, %broadcast_in_dim3A_1584, %select_n3A_1566 : vector<16xi1>, vector<16xi32>
      %sub3A_1586 = arith.subf %select_n3A_1577, %select_n3A_1582 : vector<16xf32>
      %exp3A_1587 = math.exp %sub3A_1586 : vector<16xf32>
      %add3A_1588 = arith.constant 1.000000e+00 : f32
      %add3A_1589 = vector.broadcast %add3A_1588 : f32 to vector<16xf32>
      %add3A_1590 = arith.addf %add3A_1589, %exp3A_1587 : vector<16xf32>
      %div3A_1591 = arith.constant 1.000000e+00 : f32
      %div3A_1592 = vector.broadcast %div3A_1591 : f32 to vector<16xf32>
      %div3A_1593 = arith.divf %div3A_1592, %add3A_1590 : vector<16xf32>
      %swap3A_1594 = arith.index_cast %add3A_1444 : i32 to index
      %swap3A_1595 = tpu.vector_load %arg16[%swap3A_1594] {strides = array<i32>} : memref<1024xf32, #tpu.memory_space<vmem>>, vector<16xf32>,
      tpu.vector_store %arg16[%swap3A_1594], %div3A_1593 {strides = array<i32>} : memref<1024xf32, #tpu.memory_space<vmem>>, vector<16xf32>,
      %mul3A_1596 = arith.mulf %exp3A_1587, %div3A_1593 : vector<16xf32>
      %swap3A_1597 = arith.index_cast %add3A_1444 : i32 to index
      %swap3A_1598 = tpu.vector_load %arg17[%swap3A_1597] {strides = array<i32>} : memref<1024xf32, #tpu.memory_space<vmem>>, vector<16xf32>,
      tpu.vector_store %arg17[%swap3A_1597], %mul3A_1596 {strides = array<i32>} : memref<1024xf32, #tpu.memory_space<vmem>>, vector<16xf32>,
      %swap3A_1599 = arith.index_cast %add3A_1444 : i32 to index
      %swap3A_1600 = tpu.vector_load %arg18[%swap3A_1599] {strides = array<i32>} : memref<1024xi32, #tpu.memory_space<vmem>>, vector<16xi32>,
      tpu.vector_store %arg18[%swap3A_1599], %select_n3A_1585 {strides = array<i32>} : memref<1024xi32, #tpu.memory_space<vmem>>, vector<16xi32>,
      %swap3A_1601 = arith.index_cast %add3A_1444 : i32 to index
      %swap3A_1602 = tpu.vector_load %arg19[%swap3A_1601] {strides = array<i32>} : memref<1024xi32, #tpu.memory_space<vmem>>, vector<16xi32>,
      tpu.vector_store %arg19[%swap3A_1601], %select_n3A_1581 {strides = array<i32>} : memref<1024xi32, #tpu.memory_space<vmem>>, vector<16xi32>,
      %mul3A_1603 = arith.constant 4 : i32
      %mul3A_1604 = vector.broadcast %mul3A_1603 : i32 to vector<16xi32>
      %mul3A_1605 = arith.muli %select_n3A_1585, %mul3A_1604 : vector<16xi32>
      %shift_left3A_1606 = arith.constant 1 : i32
      %shift_left3A_1607 = vector.broadcast %shift_left3A_1606 : i32 to vector<16xi32>
      %shift_left3A_1608 = arith.shli %shift_left3A_1607, %mul3A_1605 : vector<16xi32>
      %add3A_1609 = arith.addi %add3A_1440, %shift_left3A_1608 : vector<16xi32>
      %mul3A_1610 = arith.constant 4 : i32
      %mul3A_1611 = vector.broadcast %mul3A_1610 : i32 to vector<16xi32>
      %mul3A_1612 = arith.muli %select_n3A_1581, %mul3A_1611 : vector<16xi32>
      %shift_left3A_1613 = arith.constant 1 : i32
      %shift_left3A_1614 = vector.broadcast %shift_left3A_1613 : i32 to vector<16xi32>
      %shift_left3A_1615 = arith.shli %shift_left3A_1614, %mul3A_1612 : vector<16xi32>
      %add3A_1616 = arith.addi %add3A_1609, %shift_left3A_1615 : vector<16xi32>
      %shift_right_arithmetic3A = arith.constant 0 : i32
      %shift_right_arithmetic3A_1617 = vector.broadcast %shift_right_arithmetic3A : i32 to vector<16xi32>
      %shift_right_arithmetic3A_1618 = arith.shrsi %add3A_1616, %shift_right_arithmetic3A_1617 : vector<16xi32>
      %and3A_1619 = arith.constant 15 : i32
      %and3A_1620 = vector.broadcast %and3A_1619 : i32 to vector<16xi32>
      %and3A_1621 = arith.andi %shift_right_arithmetic3A_1618, %and3A_1620 : vector<16xi32>
      %convert_element_type3A_1622 = arith.sitofp %and3A_1621 : vector<16xi32> to vector<16xf32>
      %add3A_1623 = arith.addf %scan3A_209, %convert_element_type3A_1622 : vector<16xf32>
      %shift_right_arithmetic3A_1624 = arith.constant 4 : i32
      %shift_right_arithmetic3A_1625 = vector.broadcast %shift_right_arithmetic3A_1624 : i32 to vector<16xi32>
      %shift_right_arithmetic3A_1626 = arith.shrsi %add3A_1616, %shift_right_arithmetic3A_1625 : vector<16xi32>
      %and3A_1627 = arith.constant 15 : i32
      %and3A_1628 = vector.broadcast %and3A_1627 : i32 to vector<16xi32>
      %and3A_1629 = arith.andi %shift_right_arithmetic3A_1626, %and3A_1628 : vector<16xi32>
      %convert_element_type3A_1630 = arith.sitofp %and3A_1629 : vector<16xi32> to vector<16xf32>
      %add3A_1631 = arith.addf %scan3A_210, %convert_element_type3A_1630 : vector<16xf32>
      %shift_right_arithmetic3A_1632 = arith.constant 8 : i32
      %shift_right_arithmetic3A_1633 = vector.broadcast %shift_right_arithmetic3A_1632 : i32 to vector<16xi32>
      %shift_right_arithmetic3A_1634 = arith.shrsi %add3A_1616, %shift_right_arithmetic3A_1633 : vector<16xi32>
      %and3A_1635 = arith.constant 15 : i32
      %and3A_1636 = vector.broadcast %and3A_1635 : i32 to vector<16xi32>
      %and3A_1637 = arith.andi %shift_right_arithmetic3A_1634, %and3A_1636 : vector<16xi32>
      %convert_element_type3A_1638 = arith.sitofp %and3A_1637 : vector<16xi32> to vector<16xf32>
      %add3A_1639 = arith.addf %scan3A_211, %convert_element_type3A_1638 : vector<16xf32>
      %shift_right_arithmetic3A_1640 = arith.constant 12 : i32
      %shift_right_arithmetic3A_1641 = vector.broadcast %shift_right_arithmetic3A_1640 : i32 to vector<16xi32>
      %shift_right_arithmetic3A_1642 = arith.shrsi %add3A_1616, %shift_right_arithmetic3A_1641 : vector<16xi32>
      %and3A_1643 = arith.constant 15 : i32
      %and3A_1644 = vector.broadcast %and3A_1643 : i32 to vector<16xi32>
      %and3A_1645 = arith.andi %shift_right_arithmetic3A_1642, %and3A_1644 : vector<16xi32>
      %convert_element_type3A_1646 = arith.sitofp %and3A_1645 : vector<16xi32> to vector<16xf32>
      %add3A_1647 = arith.addf %scan3A_212, %convert_element_type3A_1646 : vector<16xf32>
      %shift_right_arithmetic3A_1648 = arith.constant 16 : i32
      %shift_right_arithmetic3A_1649 = vector.broadcast %shift_right_arithmetic3A_1648 : i32 to vector<16xi32>
      %shift_right_arithmetic3A_1650 = arith.shrsi %add3A_1616, %shift_right_arithmetic3A_1649 : vector<16xi32>
      %and3A_1651 = arith.constant 15 : i32
      %and3A_1652 = vector.broadcast %and3A_1651 : i32 to vector<16xi32>
      %and3A_1653 = arith.andi %shift_right_arithmetic3A_1650, %and3A_1652 : vector<16xi32>
      %convert_element_type3A_1654 = arith.sitofp %and3A_1653 : vector<16xi32> to vector<16xf32>
      %add3A_1655 = arith.addf %scan3A_213, %convert_element_type3A_1654 : vector<16xf32>
      %shift_right_arithmetic3A_1656 = arith.constant 20 : i32
      %shift_right_arithmetic3A_1657 = vector.broadcast %shift_right_arithmetic3A_1656 : i32 to vector<16xi32>
      %shift_right_arithmetic3A_1658 = arith.shrsi %add3A_1616, %shift_right_arithmetic3A_1657 : vector<16xi32>
      %and3A_1659 = arith.constant 15 : i32
      %and3A_1660 = vector.broadcast %and3A_1659 : i32 to vector<16xi32>
      %and3A_1661 = arith.andi %shift_right_arithmetic3A_1658, %and3A_1660 : vector<16xi32>
      %convert_element_type3A_1662 = arith.sitofp %and3A_1661 : vector<16xi32> to vector<16xf32>
      %add3A_1663 = arith.addf %scan3A_214, %convert_element_type3A_1662 : vector<16xf32>
      %shift_right_arithmetic3A_1664 = arith.constant 24 : i32
      %shift_right_arithmetic3A_1665 = vector.broadcast %shift_right_arithmetic3A_1664 : i32 to vector<16xi32>
      %shift_right_arithmetic3A_1666 = arith.shrsi %add3A_1616, %shift_right_arithmetic3A_1665 : vector<16xi32>
      %and3A_1667 = arith.constant 15 : i32
      %and3A_1668 = vector.broadcast %and3A_1667 : i32 to vector<16xi32>
      %and3A_1669 = arith.andi %shift_right_arithmetic3A_1666, %and3A_1668 : vector<16xi32>
      %convert_element_type3A_1670 = arith.sitofp %and3A_1669 : vector<16xi32> to vector<16xf32>
      %add3A_1671 = arith.addf %scan3A_215, %convert_element_type3A_1670 : vector<16xf32>
      %shift_right_arithmetic3A_1672 = arith.constant 28 : i32
      %shift_right_arithmetic3A_1673 = vector.broadcast %shift_right_arithmetic3A_1672 : i32 to vector<16xi32>
      %shift_right_arithmetic3A_1674 = arith.shrsi %add3A_1616, %shift_right_arithmetic3A_1673 : vector<16xi32>
      %and3A_1675 = arith.constant 15 : i32
      %and3A_1676 = vector.broadcast %and3A_1675 : i32 to vector<16xi32>
      %and3A_1677 = arith.andi %shift_right_arithmetic3A_1674, %and3A_1676 : vector<16xi32>
      %convert_element_type3A_1678 = arith.sitofp %and3A_1677 : vector<16xi32> to vector<16xf32>
      %add3A_1679 = arith.addf %scan3A_216, %convert_element_type3A_1678 : vector<16xf32>
      scf.yield %add3A_1623, %add3A_1631, %add3A_1639, %add3A_1647, %add3A_1655, %add3A_1663, %add3A_1671, %add3A_1679 : vector<16xf32>, vector<16xf32>, vector<16xf32>, vector<16xf32>, vector<16xf32>, vector<16xf32>, vector<16xf32>, vector<16xf32>
    }
    %scan3A_114 = arith.constant 8 : i32
    %dma_start3A_115 = tpu.memref_slice %arg10[%mul3A_0] : memref<16384xf32, #tpu.memory_space<hbm>> -> memref<1024xf32, #tpu.memory_space<hbm>>
    %dma_start3A_116 = tpu.memref_slice %arg10[%mul3A_0] : memref<16384xf32, #tpu.memory_space<hbm>> -> memref<1024xf32, #tpu.memory_space<hbm>>
    tpu.enqueue_dma source(%arg16 : memref<1024xf32, #tpu.memory_space<vmem>>) target(%dma_start3A_116 : memref<1024xf32, #tpu.memory_space<hbm>>) target_semaphore(%arg23 : memref<!tpu.dma_semaphore, #tpu.memory_space<semaphore_mem>>)
    %dma_start3A_117 = tpu.memref_slice %arg11[%mul3A_0] : memref<16384xf32, #tpu.memory_space<hbm>> -> memref<1024xf32, #tpu.memory_space<hbm>>
    %dma_start3A_118 = tpu.memref_slice %arg11[%mul3A_0] : memref<16384xf32, #tpu.memory_space<hbm>> -> memref<1024xf32, #tpu.memory_space<hbm>>
    tpu.enqueue_dma source(%arg17 : memref<1024xf32, #tpu.memory_space<vmem>>) target(%dma_start3A_118 : memref<1024xf32, #tpu.memory_space<hbm>>) target_semaphore(%arg23 : memref<!tpu.dma_semaphore, #tpu.memory_space<semaphore_mem>>)
    %dma_start3A_119 = tpu.memref_slice %arg12[%mul3A_0] : memref<16384xi32, #tpu.memory_space<hbm>> -> memref<1024xi32, #tpu.memory_space<hbm>>
    %dma_start3A_120 = tpu.memref_slice %arg12[%mul3A_0] : memref<16384xi32, #tpu.memory_space<hbm>> -> memref<1024xi32, #tpu.memory_space<hbm>>
    tpu.enqueue_dma source(%arg18 : memref<1024xi32, #tpu.memory_space<vmem>>) target(%dma_start3A_120 : memref<1024xi32, #tpu.memory_space<hbm>>) target_semaphore(%arg23 : memref<!tpu.dma_semaphore, #tpu.memory_space<semaphore_mem>>)
    %dma_start3A_121 = tpu.memref_slice %arg13[%mul3A_0] : memref<16384xi32, #tpu.memory_space<hbm>> -> memref<1024xi32, #tpu.memory_space<hbm>>
    %dma_start3A_122 = tpu.memref_slice %arg13[%mul3A_0] : memref<16384xi32, #tpu.memory_space<hbm>> -> memref<1024xi32, #tpu.memory_space<hbm>>
    tpu.enqueue_dma source(%arg19 : memref<1024xi32, #tpu.memory_space<vmem>>) target(%dma_start3A_122 : memref<1024xi32, #tpu.memory_space<hbm>>) target_semaphore(%arg23 : memref<!tpu.dma_semaphore, #tpu.memory_space<semaphore_mem>>)
    %dma_wait3A_123 = tpu.memref_slice %arg10[%mul3A_0] : memref<16384xf32, #tpu.memory_space<hbm>> -> memref<1024xf32, #tpu.memory_space<hbm>>
    %dma_wait3A_124 = tpu.memref_slice %arg10[%mul3A_0] : memref<16384xf32, #tpu.memory_space<hbm>> -> memref<1024xf32, #tpu.memory_space<hbm>>
    tpu.wait_dma2 semaphore(%arg23 : memref<!tpu.dma_semaphore, #tpu.memory_space<semaphore_mem>>) src(%arg16 : memref<1024xf32, #tpu.memory_space<vmem>>) dst(%dma_wait3A_124 : memref<1024xf32, #tpu.memory_space<hbm>>)
    %dma_wait3A_125 = tpu.memref_slice %arg11[%mul3A_0] : memref<16384xf32, #tpu.memory_space<hbm>> -> memref<1024xf32, #tpu.memory_space<hbm>>
    %dma_wait3A_126 = tpu.memref_slice %arg11[%mul3A_0] : memref<16384xf32, #tpu.memory_space<hbm>> -> memref<1024xf32, #tpu.memory_space<hbm>>
    tpu.wait_dma2 semaphore(%arg23 : memref<!tpu.dma_semaphore, #tpu.memory_space<semaphore_mem>>) src(%arg17 : memref<1024xf32, #tpu.memory_space<vmem>>) dst(%dma_wait3A_126 : memref<1024xf32, #tpu.memory_space<hbm>>)
    %dma_wait3A_127 = tpu.memref_slice %arg12[%mul3A_0] : memref<16384xi32, #tpu.memory_space<hbm>> -> memref<1024xi32, #tpu.memory_space<hbm>>
    %dma_wait3A_128 = tpu.memref_slice %arg12[%mul3A_0] : memref<16384xi32, #tpu.memory_space<hbm>> -> memref<1024xi32, #tpu.memory_space<hbm>>
    tpu.wait_dma2 semaphore(%arg23 : memref<!tpu.dma_semaphore, #tpu.memory_space<semaphore_mem>>) src(%arg18 : memref<1024xi32, #tpu.memory_space<vmem>>) dst(%dma_wait3A_128 : memref<1024xi32, #tpu.memory_space<hbm>>)
    %dma_wait3A_129 = tpu.memref_slice %arg13[%mul3A_0] : memref<16384xi32, #tpu.memory_space<hbm>> -> memref<1024xi32, #tpu.memory_space<hbm>>
    %dma_wait3A_130 = tpu.memref_slice %arg13[%mul3A_0] : memref<16384xi32, #tpu.memory_space<hbm>> -> memref<1024xi32, #tpu.memory_space<hbm>>
    tpu.wait_dma2 semaphore(%arg23 : memref<!tpu.dma_semaphore, #tpu.memory_space<semaphore_mem>>) src(%arg19 : memref<1024xi32, #tpu.memory_space<vmem>>) dst(%dma_wait3A_130 : memref<1024xi32, #tpu.memory_space<hbm>>)
    %broadcast_in_dim3A_131 = arith.constant 0.000000e+00 : f32
    %broadcast_in_dim3A_132 = vector.broadcast %broadcast_in_dim3A_131 : f32 to vector<16xf32>
    %eq3A = arith.constant 0 : i32
    %eq3A_133 = vector.broadcast %eq3A : i32 to vector<16xi32>
    %eq3A_134 = arith.cmpi eq, %iota3A, %eq3A_133 : vector<16xi32>
    %reduce_sum3A = arith.constant true
    %reduce_sum3A_135 = vector.broadcast %reduce_sum3A : i1 to vector<16xi1>
    %reduce_sum3A_136 = tpu.scan <sum>, %scan3A_113#0 masked %reduce_sum3A_135 : vector<16xf32>, vector<16xi1> -> vector<16xf32>
    %reduce_sum3A_137 = vector.extract %reduce_sum3A_136[15] : f32 from vector<16xf32>
    %broadcast_in_dim3A_138 = vector.broadcast %reduce_sum3A_137 : f32 to vector<16xf32>
    %select_n3A = arith.select %eq3A_134, %broadcast_in_dim3A_138, %broadcast_in_dim3A_132 : vector<16xi1>, vector<16xf32>
    %eq3A_139 = arith.constant 1 : i32
    %eq3A_140 = vector.broadcast %eq3A_139 : i32 to vector<16xi32>
    %eq3A_141 = arith.cmpi eq, %iota3A, %eq3A_140 : vector<16xi32>
    %reduce_sum3A_142 = arith.constant true
    %reduce_sum3A_143 = vector.broadcast %reduce_sum3A_142 : i1 to vector<16xi1>
    %reduce_sum3A_144 = tpu.scan <sum>, %scan3A_113#1 masked %reduce_sum3A_143 : vector<16xf32>, vector<16xi1> -> vector<16xf32>
    %reduce_sum3A_145 = vector.extract %reduce_sum3A_144[15] : f32 from vector<16xf32>
    %broadcast_in_dim3A_146 = vector.broadcast %reduce_sum3A_145 : f32 to vector<16xf32>
    %select_n3A_147 = arith.select %eq3A_141, %broadcast_in_dim3A_146, %select_n3A : vector<16xi1>, vector<16xf32>
    %eq3A_148 = arith.constant 2 : i32
    %eq3A_149 = vector.broadcast %eq3A_148 : i32 to vector<16xi32>
    %eq3A_150 = arith.cmpi eq, %iota3A, %eq3A_149 : vector<16xi32>
    %reduce_sum3A_151 = arith.constant true
    %reduce_sum3A_152 = vector.broadcast %reduce_sum3A_151 : i1 to vector<16xi1>
    %reduce_sum3A_153 = tpu.scan <sum>, %scan3A_113#2 masked %reduce_sum3A_152 : vector<16xf32>, vector<16xi1> -> vector<16xf32>
    %reduce_sum3A_154 = vector.extract %reduce_sum3A_153[15] : f32 from vector<16xf32>
    %broadcast_in_dim3A_155 = vector.broadcast %reduce_sum3A_154 : f32 to vector<16xf32>
    %select_n3A_156 = arith.select %eq3A_150, %broadcast_in_dim3A_155, %select_n3A_147 : vector<16xi1>, vector<16xf32>
    %eq3A_157 = arith.constant 3 : i32
    %eq3A_158 = vector.broadcast %eq3A_157 : i32 to vector<16xi32>
    %eq3A_159 = arith.cmpi eq, %iota3A, %eq3A_158 : vector<16xi32>
    %reduce_sum3A_160 = arith.constant true
    %reduce_sum3A_161 = vector.broadcast %reduce_sum3A_160 : i1 to vector<16xi1>
    %reduce_sum3A_162 = tpu.scan <sum>, %scan3A_113#3 masked %reduce_sum3A_161 : vector<16xf32>, vector<16xi1> -> vector<16xf32>
    %reduce_sum3A_163 = vector.extract %reduce_sum3A_162[15] : f32 from vector<16xf32>
    %broadcast_in_dim3A_164 = vector.broadcast %reduce_sum3A_163 : f32 to vector<16xf32>
    %select_n3A_165 = arith.select %eq3A_159, %broadcast_in_dim3A_164, %select_n3A_156 : vector<16xi1>, vector<16xf32>
    %eq3A_166 = arith.constant 4 : i32
    %eq3A_167 = vector.broadcast %eq3A_166 : i32 to vector<16xi32>
    %eq3A_168 = arith.cmpi eq, %iota3A, %eq3A_167 : vector<16xi32>
    %reduce_sum3A_169 = arith.constant true
    %reduce_sum3A_170 = vector.broadcast %reduce_sum3A_169 : i1 to vector<16xi1>
    %reduce_sum3A_171 = tpu.scan <sum>, %scan3A_113#4 masked %reduce_sum3A_170 : vector<16xf32>, vector<16xi1> -> vector<16xf32>
    %reduce_sum3A_172 = vector.extract %reduce_sum3A_171[15] : f32 from vector<16xf32>
    %broadcast_in_dim3A_173 = vector.broadcast %reduce_sum3A_172 : f32 to vector<16xf32>
    %select_n3A_174 = arith.select %eq3A_168, %broadcast_in_dim3A_173, %select_n3A_165 : vector<16xi1>, vector<16xf32>
    %eq3A_175 = arith.constant 5 : i32
    %eq3A_176 = vector.broadcast %eq3A_175 : i32 to vector<16xi32>
    %eq3A_177 = arith.cmpi eq, %iota3A, %eq3A_176 : vector<16xi32>
    %reduce_sum3A_178 = arith.constant true
    %reduce_sum3A_179 = vector.broadcast %reduce_sum3A_178 : i1 to vector<16xi1>
    %reduce_sum3A_180 = tpu.scan <sum>, %scan3A_113#5 masked %reduce_sum3A_179 : vector<16xf32>, vector<16xi1> -> vector<16xf32>
    %reduce_sum3A_181 = vector.extract %reduce_sum3A_180[15] : f32 from vector<16xf32>
    %broadcast_in_dim3A_182 = vector.broadcast %reduce_sum3A_181 : f32 to vector<16xf32>
    %select_n3A_183 = arith.select %eq3A_177, %broadcast_in_dim3A_182, %select_n3A_174 : vector<16xi1>, vector<16xf32>
    %eq3A_184 = arith.constant 6 : i32
    %eq3A_185 = vector.broadcast %eq3A_184 : i32 to vector<16xi32>
    %eq3A_186 = arith.cmpi eq, %iota3A, %eq3A_185 : vector<16xi32>
    %reduce_sum3A_187 = arith.constant true
    %reduce_sum3A_188 = vector.broadcast %reduce_sum3A_187 : i1 to vector<16xi1>
    %reduce_sum3A_189 = tpu.scan <sum>, %scan3A_113#6 masked %reduce_sum3A_188 : vector<16xf32>, vector<16xi1> -> vector<16xf32>
    %reduce_sum3A_190 = vector.extract %reduce_sum3A_189[15] : f32 from vector<16xf32>
    %broadcast_in_dim3A_191 = vector.broadcast %reduce_sum3A_190 : f32 to vector<16xf32>
    %select_n3A_192 = arith.select %eq3A_186, %broadcast_in_dim3A_191, %select_n3A_183 : vector<16xi1>, vector<16xf32>
    %eq3A_193 = arith.constant 7 : i32
    %eq3A_194 = vector.broadcast %eq3A_193 : i32 to vector<16xi32>
    %eq3A_195 = arith.cmpi eq, %iota3A, %eq3A_194 : vector<16xi32>
    %reduce_sum3A_196 = arith.constant true
    %reduce_sum3A_197 = vector.broadcast %reduce_sum3A_196 : i1 to vector<16xi1>
    %reduce_sum3A_198 = tpu.scan <sum>, %scan3A_113#7 masked %reduce_sum3A_197 : vector<16xf32>, vector<16xi1> -> vector<16xf32>
    %reduce_sum3A_199 = vector.extract %reduce_sum3A_198[15] : f32 from vector<16xf32>
    %broadcast_in_dim3A_200 = vector.broadcast %reduce_sum3A_199 : f32 to vector<16xf32>
    %select_n3A_201 = arith.select %eq3A_195, %broadcast_in_dim3A_200, %select_n3A_192 : vector<16xi1>, vector<16xf32>
    %swap3A = arith.constant 0 : index
    %swap3A_202 = tpu.vector_load %arg20[%swap3A] {strides = array<i32>} : memref<16xf32, #tpu.memory_space<vmem>>, vector<16xf32>,
    tpu.vector_store %arg20[%swap3A], %select_n3A_201 {strides = array<i32>} : memref<16xf32, #tpu.memory_space<vmem>>, vector<16xf32>,
    %mul3A_203 = arith.constant 16 : i32
    %mul3A_204 = arith.muli %arg1, %mul3A_203 : i32
    "tpu.region"() ({
      %run_scoped3A = tpu.sem_alloc : memref<!tpu.dma_semaphore, #tpu.memory_space<semaphore_mem>>
      %dma_start3A_208 = tpu.memref_slice %arg22[%mul3A_204] : memref<256xf32, #tpu.memory_space<vmem_shared>> -> memref<16xf32, #tpu.memory_space<vmem_shared>>
      %dma_start3A_209 = tpu.memref_slice %arg22[%mul3A_204] : memref<256xf32, #tpu.memory_space<vmem_shared>> -> memref<16xf32, #tpu.memory_space<vmem_shared>>
      tpu.enqueue_dma source(%arg20 : memref<16xf32, #tpu.memory_space<vmem>>) target(%dma_start3A_209 : memref<16xf32, #tpu.memory_space<vmem_shared>>) target_semaphore(%run_scoped3A : memref<!tpu.dma_semaphore, #tpu.memory_space<semaphore_mem>>)
      %dma_wait3A_210 = tpu.memref_slice %arg22[%mul3A_204] : memref<256xf32, #tpu.memory_space<vmem_shared>> -> memref<16xf32, #tpu.memory_space<vmem_shared>>
      %dma_wait3A_211 = tpu.memref_slice %arg22[%mul3A_204] : memref<256xf32, #tpu.memory_space<vmem_shared>> -> memref<16xf32, #tpu.memory_space<vmem_shared>>
      tpu.wait_dma2 semaphore(%run_scoped3A : memref<!tpu.dma_semaphore, #tpu.memory_space<semaphore_mem>>) src(%arg20 : memref<16xf32, #tpu.memory_space<vmem>>) dst(%dma_wait3A_211 : memref<16xf32, #tpu.memory_space<vmem_shared>>)
      tpu.yield
    }) : () -> ()
    %barrier3A = arith.constant 0 : index
    tpu.barrier barrier_id(%barrier3A)
    %eq3A_205 = arith.constant 0 : i32
    %eq3A_206 = arith.cmpi eq, %arg1, %eq3A_205 : i32
    %convert_element_type3A = arith.extui %eq3A_206 : i1 to i32
    %cond3A = arith.constant 0 : i32
    %cond3A_207 = arith.cmpi ne, %convert_element_type3A, %cond3A : i32
    scf.if %cond3A_207 {
      "tpu.region"() ({
        %run_scoped3A = tpu.sem_alloc : memref<!tpu.dma_semaphore, #tpu.memory_space<semaphore_mem>>
        tpu.enqueue_dma source(%arg22 : memref<256xf32, #tpu.memory_space<vmem_shared>>) target(%arg21 : memref<256xf32, #tpu.memory_space<vmem>>) target_semaphore(%run_scoped3A : memref<!tpu.dma_semaphore, #tpu.memory_space<semaphore_mem>>)
        tpu.wait_dma2 semaphore(%run_scoped3A : memref<!tpu.dma_semaphore, #tpu.memory_space<semaphore_mem>>) src(%arg22 : memref<256xf32, #tpu.memory_space<vmem_shared>>) dst(%arg21 : memref<256xf32, #tpu.memory_space<vmem>>)
        tpu.yield
      }) : () -> ()
      %get3A = arith.constant 0 : index
      %get3A_208 = tpu.vector_load %arg21[%get3A] {strides = array<i32>} : memref<256xf32, #tpu.memory_space<vmem>>, vector<16xf32>,
      %get3A_209 = arith.constant 16 : index
      %get3A_210 = tpu.vector_load %arg21[%get3A_209] {strides = array<i32>} : memref<256xf32, #tpu.memory_space<vmem>>, vector<16xf32>,
      %add3A = arith.addf %get3A_208, %get3A_210 : vector<16xf32>
      %get3A_211 = arith.constant 32 : index
      %get3A_212 = tpu.vector_load %arg21[%get3A_211] {strides = array<i32>} : memref<256xf32, #tpu.memory_space<vmem>>, vector<16xf32>,
      %add3A_213 = arith.addf %add3A, %get3A_212 : vector<16xf32>
      %get3A_214 = arith.constant 48 : index
      %get3A_215 = tpu.vector_load %arg21[%get3A_214] {strides = array<i32>} : memref<256xf32, #tpu.memory_space<vmem>>, vector<16xf32>,
      %add3A_216 = arith.addf %add3A_213, %get3A_215 : vector<16xf32>
      %get3A_217 = arith.constant 64 : index
      %get3A_218 = tpu.vector_load %arg21[%get3A_217] {strides = array<i32>} : memref<256xf32, #tpu.memory_space<vmem>>, vector<16xf32>,
      %add3A_219 = arith.addf %add3A_216, %get3A_218 : vector<16xf32>
      %get3A_220 = arith.constant 80 : index
      %get3A_221 = tpu.vector_load %arg21[%get3A_220] {strides = array<i32>} : memref<256xf32, #tpu.memory_space<vmem>>, vector<16xf32>,
      %add3A_222 = arith.addf %add3A_219, %get3A_221 : vector<16xf32>
      %get3A_223 = arith.constant 96 : index
      %get3A_224 = tpu.vector_load %arg21[%get3A_223] {strides = array<i32>} : memref<256xf32, #tpu.memory_space<vmem>>, vector<16xf32>,
      %add3A_225 = arith.addf %add3A_222, %get3A_224 : vector<16xf32>
      %get3A_226 = arith.constant 112 : index
      %get3A_227 = tpu.vector_load %arg21[%get3A_226] {strides = array<i32>} : memref<256xf32, #tpu.memory_space<vmem>>, vector<16xf32>,
      %add3A_228 = arith.addf %add3A_225, %get3A_227 : vector<16xf32>
      %get3A_229 = arith.constant 128 : index
      %get3A_230 = tpu.vector_load %arg21[%get3A_229] {strides = array<i32>} : memref<256xf32, #tpu.memory_space<vmem>>, vector<16xf32>,
      %add3A_231 = arith.addf %add3A_228, %get3A_230 : vector<16xf32>
      %get3A_232 = arith.constant 144 : index
      %get3A_233 = tpu.vector_load %arg21[%get3A_232] {strides = array<i32>} : memref<256xf32, #tpu.memory_space<vmem>>, vector<16xf32>,
      %add3A_234 = arith.addf %add3A_231, %get3A_233 : vector<16xf32>
      %get3A_235 = arith.constant 160 : index
      %get3A_236 = tpu.vector_load %arg21[%get3A_235] {strides = array<i32>} : memref<256xf32, #tpu.memory_space<vmem>>, vector<16xf32>,
      %add3A_237 = arith.addf %add3A_234, %get3A_236 : vector<16xf32>
      %get3A_238 = arith.constant 176 : index
      %get3A_239 = tpu.vector_load %arg21[%get3A_238] {strides = array<i32>} : memref<256xf32, #tpu.memory_space<vmem>>, vector<16xf32>,
      %add3A_240 = arith.addf %add3A_237, %get3A_239 : vector<16xf32>
      %get3A_241 = arith.constant 192 : index
      %get3A_242 = tpu.vector_load %arg21[%get3A_241] {strides = array<i32>} : memref<256xf32, #tpu.memory_space<vmem>>, vector<16xf32>,
      %add3A_243 = arith.addf %add3A_240, %get3A_242 : vector<16xf32>
      %get3A_244 = arith.constant 208 : index
      %get3A_245 = tpu.vector_load %arg21[%get3A_244] {strides = array<i32>} : memref<256xf32, #tpu.memory_space<vmem>>, vector<16xf32>,
      %add3A_246 = arith.addf %add3A_243, %get3A_245 : vector<16xf32>
      %get3A_247 = arith.constant 224 : index
      %get3A_248 = tpu.vector_load %arg21[%get3A_247] {strides = array<i32>} : memref<256xf32, #tpu.memory_space<vmem>>, vector<16xf32>,
      %add3A_249 = arith.addf %add3A_246, %get3A_248 : vector<16xf32>
      %get3A_250 = arith.constant 240 : index
      %get3A_251 = tpu.vector_load %arg21[%get3A_250] {strides = array<i32>} : memref<256xf32, #tpu.memory_space<vmem>>, vector<16xf32>,
      %add3A_252 = arith.addf %add3A_249, %get3A_251 : vector<16xf32>
      %swap3A_253 = arith.constant 0 : index
      %swap3A_254 = tpu.vector_load %arg20[%swap3A_253] {strides = array<i32>} : memref<16xf32, #tpu.memory_space<vmem>>, vector<16xf32>,
      tpu.vector_store %arg20[%swap3A_253], %add3A_252 {strides = array<i32>} : memref<16xf32, #tpu.memory_space<vmem>>, vector<16xf32>,
      "tpu.region"() ({
        %run_scoped3A = tpu.sem_alloc : memref<!tpu.dma_semaphore, #tpu.memory_space<semaphore_mem>>
        tpu.enqueue_dma source(%arg20 : memref<16xf32, #tpu.memory_space<vmem>>) target(%arg14 : memref<16xf32, #tpu.memory_space<hbm>>) target_semaphore(%run_scoped3A : memref<!tpu.dma_semaphore, #tpu.memory_space<semaphore_mem>>)
        tpu.wait_dma2 semaphore(%run_scoped3A : memref<!tpu.dma_semaphore, #tpu.memory_space<semaphore_mem>>) src(%arg20 : memref<16xf32, #tpu.memory_space<vmem>>) dst(%arg14 : memref<16xf32, #tpu.memory_space<hbm>>)
        tpu.yield
      }) : () -> ()
    } else {
    }
    return
  }
}

module attributes {stable_mosaic.version = 14 : i64} {
  func.func @_logits_body(%arg0: i32, %arg1: memref<512x4096xf32, #tpu.memory_space<vmem>>, %arg2: memref<512x4096xf32, #tpu.memory_space<vmem>>, %arg3: memref<8x4096xf32, #tpu.memory_space<vmem>>, %arg4: memref<1024xf32, #tpu.memory_space<vmem>>, %arg5: memref<1024xf32, #tpu.memory_space<vmem>>, %arg6: memref<1024xf32, #tpu.memory_space<vmem>>, %arg7: memref<1024xf32, #tpu.memory_space<vmem>>, %arg8: memref<1024xf32, #tpu.memory_space<vmem>>, %arg9: memref<1024xf32, #tpu.memory_space<vmem>>, %arg10: memref<1024xf32, #tpu.memory_space<vmem>>, %arg11: memref<1024xf32, #tpu.memory_space<vmem>>) attributes {dimension_semantics = [#tpu.dimension_semantics<arbitrary>], iteration_bounds = array<i64: 16>, scalar_prefetch = 0 : i64, scratch_operands = 0 : i64, tpu.core_type = #tpu.core_type<tc>, window_params = [{transform_indices = @transform_0, window_bounds = array<i64: 512, 4096>}, {transform_indices = @transform_1, window_bounds = array<i64: 512, 4096>}, {pipeline_mode = #tpu.pipeline_mode<synchronous>, transform_indices = @transform_2, window_bounds = array<i64: 8, 4096>}, {transform_indices = @transform_3, window_bounds = array<i64: 1024>}, {transform_indices = @transform_4, window_bounds = array<i64: 1024>}, {transform_indices = @transform_5, window_bounds = array<i64: 1024>}, {transform_indices = @transform_6, window_bounds = array<i64: 1024>}, {transform_indices = @transform_7, window_bounds = array<i64: 1024>}, {transform_indices = @transform_8, window_bounds = array<i64: 1024>}, {transform_indices = @transform_9, window_bounds = array<i64: 1024>}, {transform_indices = @transform_10, window_bounds = array<i64: 1024>}]} {
    %get3A = arith.constant 0 : index
    %get3A_0 = arith.constant 0 : index
    %get3A_1 = vector.load %arg1[%get3A, %get3A_0] : memref<512x4096xf32, #tpu.memory_space<vmem>>, vector<512x4096xf32>
    %get3A_2 = arith.constant 0 : index
    %get3A_3 = arith.constant 0 : index
    %get3A_4 = vector.load %arg3[%get3A_2, %get3A_3] : memref<8x4096xf32, #tpu.memory_space<vmem>>, vector<8x4096xf32>
    %dot_general3A = arith.constant dense<0.000000e+00> : vector<512x8xf32>
    %dot_general3A_5 = tpu.matmul %get3A_1, %get3A_4, %dot_general3A {dimension_numbers = #tpu.dot_dimension_numbers<[1], [1], [0], [0], [0, 0, 1, 0], [], []>, transpose_lhs_hint = false} : vector<512x4096xf32>, vector<8x4096xf32>, vector<512x8xf32> -> vector<512x8xf32>
    %transpose3A = tpu.transpose %dot_general3A_5, [1, 0] : vector<512x8xf32> -> vector<8x512xf32>
    %get3A_6 = arith.constant 0 : index
    %get3A_7 = arith.constant 0 : index
    %get3A_8 = vector.load %arg2[%get3A_6, %get3A_7] : memref<512x4096xf32, #tpu.memory_space<vmem>>, vector<512x4096xf32>
    %get3A_9 = arith.constant 0 : index
    %get3A_10 = arith.constant 0 : index
    %get3A_11 = vector.load %arg3[%get3A_9, %get3A_10] : memref<8x4096xf32, #tpu.memory_space<vmem>>, vector<8x4096xf32>
    %dot_general3A_12 = arith.constant dense<0.000000e+00> : vector<512x8xf32>
    %dot_general3A_13 = tpu.matmul %get3A_8, %get3A_11, %dot_general3A_12 {dimension_numbers = #tpu.dot_dimension_numbers<[1], [1], [0], [0], [0, 0, 1, 0], [], []>, transpose_lhs_hint = false} : vector<512x4096xf32>, vector<8x4096xf32>, vector<512x8xf32> -> vector<512x8xf32>
    %transpose3A_14 = tpu.transpose %dot_general3A_13, [1, 0] : vector<512x8xf32> -> vector<8x512xf32>
    %slice3A = vector.extract_strided_slice %transpose3A {offsets = [0, 0], sizes = [1, 512], strides = [1, 1]} : vector<8x512xf32> to vector<1x512xf32>
    %reshape3A = vector.shape_cast %slice3A : vector<1x512xf32> to vector<512xf32>
    %swap3A = arith.constant 0 : index
    %swap3A_15 = vector.load %arg4[%swap3A] : memref<1024xf32, #tpu.memory_space<vmem>>, vector<512xf32>
    tpu.vector_store %arg4[%swap3A], %reshape3A {strides = array<i32>} : memref<1024xf32, #tpu.memory_space<vmem>>, vector<512xf32>,
    %slice3A_16 = vector.extract_strided_slice %transpose3A_14 {offsets = [0, 0], sizes = [1, 512], strides = [1, 1]} : vector<8x512xf32> to vector<1x512xf32>
    %reshape3A_17 = vector.shape_cast %slice3A_16 : vector<1x512xf32> to vector<512xf32>
    %swap3A_18 = arith.constant 512 : index
    %swap3A_19 = vector.load %arg4[%swap3A_18] : memref<1024xf32, #tpu.memory_space<vmem>>, vector<512xf32>
    tpu.vector_store %arg4[%swap3A_18], %reshape3A_17 {strides = array<i32>} : memref<1024xf32, #tpu.memory_space<vmem>>, vector<512xf32>,
    %slice3A_20 = vector.extract_strided_slice %transpose3A {offsets = [1, 0], sizes = [1, 512], strides = [1, 1]} : vector<8x512xf32> to vector<1x512xf32>
    %reshape3A_21 = vector.shape_cast %slice3A_20 : vector<1x512xf32> to vector<512xf32>
    %swap3A_22 = arith.constant 0 : index
    %swap3A_23 = vector.load %arg5[%swap3A_22] : memref<1024xf32, #tpu.memory_space<vmem>>, vector<512xf32>
    tpu.vector_store %arg5[%swap3A_22], %reshape3A_21 {strides = array<i32>} : memref<1024xf32, #tpu.memory_space<vmem>>, vector<512xf32>,
    %slice3A_24 = vector.extract_strided_slice %transpose3A_14 {offsets = [1, 0], sizes = [1, 512], strides = [1, 1]} : vector<8x512xf32> to vector<1x512xf32>
    %reshape3A_25 = vector.shape_cast %slice3A_24 : vector<1x512xf32> to vector<512xf32>
    %swap3A_26 = arith.constant 512 : index
    %swap3A_27 = vector.load %arg5[%swap3A_26] : memref<1024xf32, #tpu.memory_space<vmem>>, vector<512xf32>
    tpu.vector_store %arg5[%swap3A_26], %reshape3A_25 {strides = array<i32>} : memref<1024xf32, #tpu.memory_space<vmem>>, vector<512xf32>,
    %slice3A_28 = vector.extract_strided_slice %transpose3A {offsets = [2, 0], sizes = [1, 512], strides = [1, 1]} : vector<8x512xf32> to vector<1x512xf32>
    %reshape3A_29 = vector.shape_cast %slice3A_28 : vector<1x512xf32> to vector<512xf32>
    %swap3A_30 = arith.constant 0 : index
    %swap3A_31 = vector.load %arg6[%swap3A_30] : memref<1024xf32, #tpu.memory_space<vmem>>, vector<512xf32>
    tpu.vector_store %arg6[%swap3A_30], %reshape3A_29 {strides = array<i32>} : memref<1024xf32, #tpu.memory_space<vmem>>, vector<512xf32>,
    %slice3A_32 = vector.extract_strided_slice %transpose3A_14 {offsets = [2, 0], sizes = [1, 512], strides = [1, 1]} : vector<8x512xf32> to vector<1x512xf32>
    %reshape3A_33 = vector.shape_cast %slice3A_32 : vector<1x512xf32> to vector<512xf32>
    %swap3A_34 = arith.constant 512 : index
    %swap3A_35 = vector.load %arg6[%swap3A_34] : memref<1024xf32, #tpu.memory_space<vmem>>, vector<512xf32>
    tpu.vector_store %arg6[%swap3A_34], %reshape3A_33 {strides = array<i32>} : memref<1024xf32, #tpu.memory_space<vmem>>, vector<512xf32>,
    %slice3A_36 = vector.extract_strided_slice %transpose3A {offsets = [3, 0], sizes = [1, 512], strides = [1, 1]} : vector<8x512xf32> to vector<1x512xf32>
    %reshape3A_37 = vector.shape_cast %slice3A_36 : vector<1x512xf32> to vector<512xf32>
    %swap3A_38 = arith.constant 0 : index
    %swap3A_39 = vector.load %arg7[%swap3A_38] : memref<1024xf32, #tpu.memory_space<vmem>>, vector<512xf32>
    tpu.vector_store %arg7[%swap3A_38], %reshape3A_37 {strides = array<i32>} : memref<1024xf32, #tpu.memory_space<vmem>>, vector<512xf32>,
    %slice3A_40 = vector.extract_strided_slice %transpose3A_14 {offsets = [3, 0], sizes = [1, 512], strides = [1, 1]} : vector<8x512xf32> to vector<1x512xf32>
    %reshape3A_41 = vector.shape_cast %slice3A_40 : vector<1x512xf32> to vector<512xf32>
    %swap3A_42 = arith.constant 512 : index
    %swap3A_43 = vector.load %arg7[%swap3A_42] : memref<1024xf32, #tpu.memory_space<vmem>>, vector<512xf32>
    tpu.vector_store %arg7[%swap3A_42], %reshape3A_41 {strides = array<i32>} : memref<1024xf32, #tpu.memory_space<vmem>>, vector<512xf32>,
    %slice3A_44 = vector.extract_strided_slice %transpose3A {offsets = [4, 0], sizes = [1, 512], strides = [1, 1]} : vector<8x512xf32> to vector<1x512xf32>
    %reshape3A_45 = vector.shape_cast %slice3A_44 : vector<1x512xf32> to vector<512xf32>
    %swap3A_46 = arith.constant 0 : index
    %swap3A_47 = vector.load %arg8[%swap3A_46] : memref<1024xf32, #tpu.memory_space<vmem>>, vector<512xf32>
    tpu.vector_store %arg8[%swap3A_46], %reshape3A_45 {strides = array<i32>} : memref<1024xf32, #tpu.memory_space<vmem>>, vector<512xf32>,
    %slice3A_48 = vector.extract_strided_slice %transpose3A_14 {offsets = [4, 0], sizes = [1, 512], strides = [1, 1]} : vector<8x512xf32> to vector<1x512xf32>
    %reshape3A_49 = vector.shape_cast %slice3A_48 : vector<1x512xf32> to vector<512xf32>
    %swap3A_50 = arith.constant 512 : index
    %swap3A_51 = vector.load %arg8[%swap3A_50] : memref<1024xf32, #tpu.memory_space<vmem>>, vector<512xf32>
    tpu.vector_store %arg8[%swap3A_50], %reshape3A_49 {strides = array<i32>} : memref<1024xf32, #tpu.memory_space<vmem>>, vector<512xf32>,
    %slice3A_52 = vector.extract_strided_slice %transpose3A {offsets = [5, 0], sizes = [1, 512], strides = [1, 1]} : vector<8x512xf32> to vector<1x512xf32>
    %reshape3A_53 = vector.shape_cast %slice3A_52 : vector<1x512xf32> to vector<512xf32>
    %swap3A_54 = arith.constant 0 : index
    %swap3A_55 = vector.load %arg9[%swap3A_54] : memref<1024xf32, #tpu.memory_space<vmem>>, vector<512xf32>
    tpu.vector_store %arg9[%swap3A_54], %reshape3A_53 {strides = array<i32>} : memref<1024xf32, #tpu.memory_space<vmem>>, vector<512xf32>,
    %slice3A_56 = vector.extract_strided_slice %transpose3A_14 {offsets = [5, 0], sizes = [1, 512], strides = [1, 1]} : vector<8x512xf32> to vector<1x512xf32>
    %reshape3A_57 = vector.shape_cast %slice3A_56 : vector<1x512xf32> to vector<512xf32>
    %swap3A_58 = arith.constant 512 : index
    %swap3A_59 = vector.load %arg9[%swap3A_58] : memref<1024xf32, #tpu.memory_space<vmem>>, vector<512xf32>
    tpu.vector_store %arg9[%swap3A_58], %reshape3A_57 {strides = array<i32>} : memref<1024xf32, #tpu.memory_space<vmem>>, vector<512xf32>,
    %slice3A_60 = vector.extract_strided_slice %transpose3A {offsets = [6, 0], sizes = [1, 512], strides = [1, 1]} : vector<8x512xf32> to vector<1x512xf32>
    %reshape3A_61 = vector.shape_cast %slice3A_60 : vector<1x512xf32> to vector<512xf32>
    %swap3A_62 = arith.constant 0 : index
    %swap3A_63 = vector.load %arg10[%swap3A_62] : memref<1024xf32, #tpu.memory_space<vmem>>, vector<512xf32>
    tpu.vector_store %arg10[%swap3A_62], %reshape3A_61 {strides = array<i32>} : memref<1024xf32, #tpu.memory_space<vmem>>, vector<512xf32>,
    %slice3A_64 = vector.extract_strided_slice %transpose3A_14 {offsets = [6, 0], sizes = [1, 512], strides = [1, 1]} : vector<8x512xf32> to vector<1x512xf32>
    %reshape3A_65 = vector.shape_cast %slice3A_64 : vector<1x512xf32> to vector<512xf32>
    %swap3A_66 = arith.constant 512 : index
    %swap3A_67 = vector.load %arg10[%swap3A_66] : memref<1024xf32, #tpu.memory_space<vmem>>, vector<512xf32>
    tpu.vector_store %arg10[%swap3A_66], %reshape3A_65 {strides = array<i32>} : memref<1024xf32, #tpu.memory_space<vmem>>, vector<512xf32>,
    %slice3A_68 = vector.extract_strided_slice %transpose3A {offsets = [7, 0], sizes = [1, 512], strides = [1, 1]} : vector<8x512xf32> to vector<1x512xf32>
    %reshape3A_69 = vector.shape_cast %slice3A_68 : vector<1x512xf32> to vector<512xf32>
    %swap3A_70 = arith.constant 0 : index
    %swap3A_71 = vector.load %arg11[%swap3A_70] : memref<1024xf32, #tpu.memory_space<vmem>>, vector<512xf32>
    tpu.vector_store %arg11[%swap3A_70], %reshape3A_69 {strides = array<i32>} : memref<1024xf32, #tpu.memory_space<vmem>>, vector<512xf32>,
    %slice3A_72 = vector.extract_strided_slice %transpose3A_14 {offsets = [7, 0], sizes = [1, 512], strides = [1, 1]} : vector<8x512xf32> to vector<1x512xf32>
    %reshape3A_73 = vector.shape_cast %slice3A_72 : vector<1x512xf32> to vector<512xf32>
    %swap3A_74 = arith.constant 512 : index
    %swap3A_75 = vector.load %arg11[%swap3A_74] : memref<1024xf32, #tpu.memory_space<vmem>>, vector<512xf32>
    tpu.vector_store %arg11[%swap3A_74], %reshape3A_73 {strides = array<i32>} : memref<1024xf32, #tpu.memory_space<vmem>>, vector<512xf32>,
    return
  }
  func.func @transform_0(%arg0: i32) -> (i32, i32) {
    %mul3A = arith.constant 2 : i32
    %mul3A_0 = arith.muli %mul3A, %arg0 : i32
    %c0_i32 = arith.constant 0 : i32
    %c0_i32_1 = arith.constant 0 : i32
    return %mul3A_0, %c0_i32 : i32, i32
  }
  func.func @transform_1(%arg0: i32) -> (i32, i32) {
    %mul3A = arith.constant 2 : i32
    %mul3A_0 = arith.muli %mul3A, %arg0 : i32
    %add3A = arith.constant 1 : i32
    %add3A_1 = arith.addi %mul3A_0, %add3A : i32
    %c0_i32 = arith.constant 0 : i32
    %c0_i32_2 = arith.constant 0 : i32
    return %add3A_1, %c0_i32 : i32, i32
  }
  func.func @transform_2(%arg0: i32) -> (i32, i32) {
    %c0_i32 = arith.constant 0 : i32
    %c0_i32_0 = arith.constant 0 : i32
    %c0_i32_1 = arith.constant 0 : i32
    return %c0_i32, %c0_i32_0 : i32, i32
  }
  func.func @transform_3(%arg0: i32) -> i32 {
    %c0_i32 = arith.constant 0 : i32
    return %arg0 : i32
  }
  func.func @transform_4(%arg0: i32) -> i32 {
    %c0_i32 = arith.constant 0 : i32
    return %arg0 : i32
  }
  func.func @transform_5(%arg0: i32) -> i32 {
    %c0_i32 = arith.constant 0 : i32
    return %arg0 : i32
  }
  func.func @transform_6(%arg0: i32) -> i32 {
    %c0_i32 = arith.constant 0 : i32
    return %arg0 : i32
  }
  func.func @transform_7(%arg0: i32) -> i32 {
    %c0_i32 = arith.constant 0 : i32
    return %arg0 : i32
  }
  func.func @transform_8(%arg0: i32) -> i32 {
    %c0_i32 = arith.constant 0 : i32
    return %arg0 : i32
  }
  func.func @transform_9(%arg0: i32) -> i32 {
    %c0_i32 = arith.constant 0 : i32
    return %arg0 : i32
  }
  func.func @transform_10(%arg0: i32) -> i32 {
    %c0_i32 = arith.constant 0 : i32
    return %arg0 : i32
  }
}

</mosaic_0001>

<sc_bundles>
// kernel: kernel.4.cloned.1.call-start
scs
__scs_entry_jumppad:
0x0: {  	(pc) =	sbr.rel $0x88, $3  }
0x1: {  	(tag) =	ssettag $0x0;
	lr =	simm.s32 $0x1  }
0x2: {  	[smem:$0x3F9F] =	sst lr;
	_ =	strace $0xD0000000  }
0x3: {  	_ = 	snop  }
0x4: {  	_ = 	snop  }
0x5: {  	_ = 	snop  }
0x6: {  	_ = 	snop  }
0x7: {  	_ = 	snop  }
__scs_overlays_trampoline_lowered:
0x8: {  	[smem:$0x3FAE] =	sst s0  }
0x9: {  	[smem:$0x3FAF] =	sst s1  }
0xa: {  	[smem:$0x3FB0] =	sst s2  }
0xb: {  	[smem:$0x3FB1] =	sst s3  }
0xc: {  	[smem:$0x3FB2] =	sst s4  }
0xd: {  	[smem:$0x3FB3] =	sst s5  }
0xe: {  	[smem:$0x3FB4] =	sst s6  }
0xf: {  	[smem:$0x3FB5] =	sst s7  }
0x10: {  	[smem:$0x3FB6] =	sst s8  }
0x11: {  	[smem:$0x3FB7] =	sst s9;
	s0 =	simm.s32 @!p0 $0x0  }
0x12: {  	s1 =	sld [smem:$0x3F9D];
	s0 =	simm.s32 @p0 $0x1  }
0x13: {  	[smem:$0x3FB8] =	sst s0;
	s0 =	simm.s32 @!p1 $0x0  }
0x14: {  	s2 =	sld [smem:$0x3F9C];
	s0 =	simm.s32 @p1 $0x1  }
0x15: {  	[smem:$0x3FB9] =	sst s0;
	s0 =	simm.s32 @!p2 $0x0  }
0x16: {  	s3 =	sld [smem:$0x3FDB];
	s0 =	simm.s32 @p2 $0x1  }
0x17: {  	s4 =	simm.s32 $0x1BF5;
	[smem:$0x3FBB] =	sst s0  }
0x18: {  	s0 =	sld [smem:$0x3F9E];
	_ =	swait.ge [sflag:s4], $0x0  }
0x19: {  	s7 =	sld [smem:$0x3F9F]  }
0x1a: {  	s8 =	sadd.s32 $0xFFFFE003, lr  }
0x1b: {  	s9 =	sadd.s32 $0xFFFFFEF7, lr;
	s5 =	simm.s32 $0xFFFFFFFF;
	p2 =	slt.u32 s8, $0xFFFFF086  }
0x1c: {  	p1 =	slt.u32 s9, $0xF7A;
	s5 =	simm.s32 @!p2 $0x0  }
0x1d: {  	s5 =	simm.s32 @p1 $0x1;
	p0 =	seq.s32 s7, s2  }
0x1e: {  	s7 =	smul.u32 @!p0 $0xF7A, s2;
	p2 =	seq.s32 @!p0 s5, $0x0  }
0x1f: {  	s9 =	smul.u32 $0xF7A, s1;
	s8 =	simm.s32 @!p0 $0x1BF5;
	p2 =	por !p2, p0  }
0x20: {  	[sflag:s8] =	ssyncset.s32 @!p0 $0xFFFFF086;
	s6 =	sadd.s32 @!p0 s3, s7;
	s7 =	simm.s32 @!p0 $0x108  }
0x21: {  	s3 =	sadd.s32 s3, s9;
	s6 =	sadd.s32 @!p0 $0x88, s6;
	s7 =	simm.s32 @p2 $0x1082  }
0x22: {  	[simem:s7], [sflag:s8] =	dma.local @!p0 [hbm:s6], $0xF7A  }
0x23: {  	s9 =	sor.u32 $0xD0000000, s2;
	s6 =	simm.s32 $0x108;
	_ =	swait.ge @!p0 [sflag:s8], $0x0  }
0x24: {  	s3 =	sadd.s32 $0x88, s3;
	s6 =	simm.s32 @!p1 $0x1082;
	[sflag:s4] =	ssyncset.s32 $0xFFFFF086  }
0x25: {  	[simem:s6], [sflag:s4] =	dma.local [hbm:s3], $0xF7A  }
0x26: {  	[smem:$0x3F9F] =	sst s1;
	(tag) =	ssettag s2;
	_ =	strace s9  }
0x27: {  	s1 =	sld [smem:$0x3FAF]  }
0x28: {  	s2 =	sld [smem:$0x3FB0]  }
0x29: {  	s4 =	sld [smem:$0x3FB2]  }
0x2a: {  	p0 =	seq.s32 s5, $0x0;
	s5 =	sld [smem:$0x3FB3]  }
0x2b: {  	s6 =	sld [smem:$0x3FB4]  }
0x2c: {  	s7 =	sld [smem:$0x3FB5]  }
0x2d: {  	s3 =	simm.s32 $0x108;
	s8 =	sld [smem:$0x3FB6]  }
0x2e: {  	s3 =	simm.s32 @!p0 $0x1082;
	s9 =	sld [smem:$0x3FB7]  }
0x2f: {  	lr =	sadd.s32 s0, s3;
	s0 =	sld [smem:$0x3FAE]  }
0x30: {  	s3 =	sld [smem:$0x3FB1]  }
0x31: {  	[smem:$0x3FBA] =	sst s10  }
0x32: {  	s10 =	sld [smem:$0x3FB8];
	_ =	sdelay $0x3  }
0x33: {  	p0 =	seq.s32 s10, $0x1;
	s10 =	sld [smem:$0x3FBA];
	_ =	sdelay $0x3  }
0x34: {  	[smem:$0x3FBA] =	sst s10  }
0x35: {  	s10 =	sld [smem:$0x3FB9];
	_ =	sdelay $0x3  }
0x36: {  	p1 =	seq.s32 s10, $0x1;
	s10 =	sld [smem:$0x3FBA];
	_ =	sdelay $0x3  }
0x37: {  	[smem:$0x3FBA] =	sst s10  }
0x38: {  	s10 =	sld [smem:$0x3FBB]  }
0x39: {  	_ = 	snop;
	(pc) =	sbr.ind lr, $3  }
0x3a: {  	_ = 	snop  }
0x3b: {  	_ = 	snop  }
0x3c: {  	p2 =	seq.s32 s10, $0x1;
	s10 =	sld [smem:$0x3FBA]  }
0x3d: {  	_ =	shalt  }
0x3e: {  	_ =	shalt  }
0x3f: {  	_ =	shalt  }
0x40: {  	_ =	shalt  }
0x41: {  	_ =	shalt  }
0x42: {  	_ =	shalt  }
0x43: {  	_ =	shalt  }
0x44: {  	_ =	shalt  }
0x45: {  	_ =	shalt  }
0x46: {  	_ =	shalt  }
0x47: {  	_ =	shalt  }
0x48: {  	_ =	shalt  }
0x49: {  	_ =	shalt  }
0x4a: {  	_ =	shalt  }
0x4b: {  	_ =	shalt  }
0x4c: {  	_ =	shalt  }
0x4d: {  	_ =	shalt  }
0x4e: {  	_ =	shalt  }
0x4f: {  	_ =	shalt  }
0x50: {  	_ =	shalt  }
0x51: {  	_ =	shalt  }
0x52: {  	_ =	shalt  }
0x53: {  	_ =	shalt  }
0x54: {  	_ =	shalt  }
0x55: {  	_ =	shalt  }
0x56: {  	_ =	shalt  }
0x57: {  	_ =	shalt  }
0x58: {  	_ =	shalt  }
0x59: {  	_ =	shalt  }
0x5a: {  	_ =	shalt  }
0x5b: {  	_ =	shalt  }
0x5c: {  	_ =	shalt  }
0x5d: {  	_ =	shalt  }
0x5e: {  	_ =	shalt  }
0x5f: {  	_ =	shalt  }
0x60: {  	_ =	shalt  }
0x61: {  	_ =	shalt  }
0x62: {  	_ =	shalt  }
0x63: {  	_ =	shalt  }
0x64: {  	_ =	shalt  }
0x65: {  	_ =	shalt  }
0x66: {  	_ =	shalt  }
0x67: {  	_ =	shalt  }
0x68: {  	_ =	shalt  }
0x69: {  	_ =	shalt  }
0x6a: {  	_ =	shalt  }
0x6b: {  	_ =	shalt  }
0x6c: {  	_ =	shalt  }
0x6d: {  	_ =	shalt  }
0x6e: {  	_ =	shalt  }
0x6f: {  	_ =	shalt  }
0x70: {  	_ =	shalt  }
0x71: {  	_ =	shalt  }
0x72: {  	_ =	shalt  }
0x73: {  	_ =	shalt  }
0x74: {  	_ =	shalt  }
0x75: {  	_ =	shalt  }
0x76: {  	_ =	shalt  }
0x77: {  	_ =	shalt  }
0x78: {  	_ =	shalt  }
0x79: {  	_ =	shalt  }
0x7a: {  	_ =	shalt  }
0x7b: {  	_ =	shalt  }
0x7c: {  	_ =	shalt  }
0x7d: {  	_ =	shalt  }
0x7e: {  	_ =	shalt  }
0x7f: {  	_ =	shalt  }
0x80: {  	_ =	shalt  }
0x81: {  	_ =	shalt  }
0x82: {  	_ =	shalt  }
0x83: {  	_ =	shalt  }
0x84: {  	_ =	shalt  }
0x85: {  	_ =	shalt  }
0x86: {  	_ =	shalt  }
0x87: {  	_ =	shalt  }
.Lfunc_end0:
.L_simem_size_0:
called_computation_lowered:
.L_overlay_start_0:
0x88: {  	s0 =	sld [smem:$0x3FD9]  }
0x89: {  	s1 =	sld [smem:$0x3FFE];
	_ =	sdelay $0x3  }
0x8a: {  	s0 =	sadd.s32 s1, s0  }
0x8b: {  	[smem:$0x3FC6] =	sst s0  }
0x8c: {  	_ = 	snop  }
0x8d: {  	s0 =	sld [smem:$0x3FD0];
	_ =	sdelay $0x2  }
0x8e: {  	s13 =	simm.s32 $0xA;
	s2 =	simm.s32 $0x10  }
0x8f: {  	[smem:s2], [sflag:s13] =	dma.local [hbm:s0], $0x1  }
0x90: {  	_ =	swait.eq [sflag:s13], $0x1  }
0x91: {  	s14 =	sld [smem:$0x10];
	[sflag:s13] =	ssyncset.done $0x0  }
0x92: {  	s15 =	sld [smem:$0x11];
	[sflag:s13] =	ssyncadd.s32 $0xFFFFFFFF  }
0x93: {  	s16 =	sld [smem:$0x12];
	(tm) =	ssettm $0x1  }
0x94: {  	s3 =	sld [smem:$0x3FFB];
	_ =	sdelay $0x3  }
0x95: {  	_ =	strace s3  }
0x96: {  	s3 =	sld [smem:$0x3FFC];
	_ =	sdelay $0x3  }
0x97: {  	_ =	strace s3  }
0x98: {  	s3 =	sld [smem:$0x3FFD];
	_ =	sdelay $0x3  }
0x99: {  	_ =	strace s3  }
0x9a: {  	_ =	strace $0x8FFFFFFF  }
0x9b: {  	s17 =	sld [smem:$0x3FDB];
	_ =	sdelay $0x1  }
0x9c: {  	s4 =	simm.s32 $_scs_section_size  }
0x9d: {  	s5 =	simm.s32 $_size__tile_overlayer_lowered;
	s6 =	simm.s32 $_tile_overlayer_lowered  }
0x9e: {  	s20 =	simm.s32 $0x1BFF;
	s19 =	sshll.u32 s6, $0x1;
	s3 =	sadd.s32 s4, s17  }
0x9f: {  	s7 =	simm.s32 $0x0;
	s18 =	sshll.u32 s5, $0x1;
	s5 =	sadd.s32 s19, s3  }
0xa0: {  	[timem:s7], [sflag:s20] =	dma.local [hbm:s5], s18  }
0xa1: {  	_ =	swait.ge [sflag:s20], s18  }
0xa2: {  	s4 =	ssub.s32 $0x0, s18;
	[sflag:s20] =	ssyncset.done $0x0  }
0xa3: {  	[sflag:s20] =	ssyncadd.s32 s4;
	_ =	sdelay $0x1  }
0xa4: {  	s21 =	simm.s32 $0x1B8B  }
0xa5: {  	_ =	swait.ge [sflag:s21], $0x1  }
0xa6: {  	[sflag:s21] =	ssyncset.done $0x0  }
0xa7: {  	s23 =	simm.s32 $0x1B8E;
	s22 =	sld [smem:$0x3FFE];
	[sflag:s21] =	ssyncadd.s32 $0xFFFFFFFF  }
0xa8: {  	s24 =	simm.s32 $execute0_lowered;
	[smem:$0x3FD2] =	sst s23  }
0xa9: {  	s5 =	sshll.u32 s24, $0x1;
	_ =	strace $0x80000046;
	[dreg:$0x1] =	wrdreg $0xFFFFFFFF  }
0xaa: {  	s25 =	simm.s32 $_size_execute0_lowered;
	s3 =	sadd.s32 s3, s5;
	[dreg:$0x0] =	wrdreg $0x0  }
0xab: {  	s5 =	sshll.u32 s25, $0x1;
	[dreg:$0x2] =	wrdreg s3  }
0xac: {  	[dreg:$0x3] =	wrdreg s5  }
0xad: {  	[dreg:$0x4] =	wrdreg $0xC0  }
0xae: {  	_ =	task [dreg:s7], $0x5FFFF  }
0xaf: {  	[dreg:$0x1] =	wrdreg $0xFFFFFFFF  }
0xb0: {  	[dreg:$0x0] =	wrdreg $0x60  }
0xb1: {  	[dreg:$0x2] =	wrdreg s15  }
0xb2: {  	[dreg:$0x3] =	wrdreg s14  }
0xb3: {  	[dreg:$0x4] =	wrdreg s22  }
0xb4: {  	[dreg:$0x5] =	wrdreg s16  }
0xb5: {  	[dreg:$0x6] =	wrdreg $0x31800  }
0xb6: {  	[dreg:$0x7] =	wrdreg $0x9  }
0xb7: {  	_ =	task.clear_ibuf [dreg:s7], $0x8FFFF;
	_ =	strace $0x90000046  }
0xb8: {  	s26 =	simm.s32 $0x9;
	_ =	strace $0x80000048  }
0xb9: {  	_ =	swait.ge [sflag:s26], $0x1  }
0xba: {  	[sflag:s26] =	ssyncadd.s32 $0xFFFFFFFF  }
0xbb: {  	_ =	strace $0x90000048  }
0xbc: {  	_ =	sfence  }
0xbd: {  	s28 =	sld [smem:$0x0];
	_ =	sdelay $0x1  }
0xbe: {  	s29 =	srdreg.scid  }
0xbf: {  	s30 =	sshll.u32 s29, $0xD;
	s31 =	sshrl.u32 s29, $0x2  }
0xc0: {  	s1 =	sand.u32 $0x1, s29;
	s2 =	sand.u32 $0x4000, s30;
	s0 =	sadd.s32 s31, s28  }
0xc1: {  	s1 =	sor.u32 s2, s1;
	s0 =	sshll.u32 s0, $0x11  }
0xc2: {  	s0 =	sor.u32 s0, s1  }
0xc3: {  	s0 =	sadd.s32 $0x8F2B, s0  }
0xc4: {  	[sflag:s0] =	ssyncadd.remote.s32 $0x1  }
0xc5: {  	_ =	sfence.sel $0xFFFF  }
0xc6: {  	[dreg:$0x0] =	wrdreg $0xFFFFFFFF;
	(pc) =	sbr.abs _section_cstart, $3  }
0xc7: {  	[dreg:$0x1] =	wrdreg $0xFFFFFFFF  }
0xc8: {  	_ =	task.clear_ibuf [dreg:s7], $0x2FFFF;
	_ =	strace $0x9FFFFFFF  }
0xc9: {  	(tm) =	ssettm $0x7FFFFFFF  }
tec
execute0_lowered:
.L_overlay_start_1:
0x0: {  	(tag) =	ssettag $0x1  }
0x1: {  	s5 =	rddreg [dreg:$0x0]  }
0x2: {  	s7 =	rddreg [dreg:$0x1]  }
0x3: {  	s6 =	rddreg [dreg:$0x2]  }
0x4: {  	s1 =	rddreg [dreg:$0x3]  }
0x5: {  	s2 =	rddreg [dreg:$0x4];
	s8 =	simm.s32 $0x0;
	s3 =	stileid.u32  }
0x6: {  	[smem:$0x7FF] =	sst s8;
	s4 =	sshll.u32 s3, $0x7  }
0x7: {  	s0 =	rddreg [dreg:$0x5];
	_ =	strace $0x80000047;
	s5 =	sadd.s32 s5, s4  }
0x8: {  	[tilespmem:s8], [sflag:$0x1] =	stream.linear.gather [hbm4b:s5+s8], $0x400, $0x38;
	[tilespmem:$0x3190] =	vst v63  }
0x9: {  	s9 =	simm.s32 $0x400;
	s17 =	sadd.s32 s4, s6;
	s7 =	sadd.s32 s7, s4  }
0xa: {  	[tilespmem:s9], [sflag:$0x1] =	stream.linear.gather [hbm4b:s7+s8], $0x400, $0x38;
	[tilespmem:$0x3190] =	vst v63  }
0xb: {  	s19 =	simm.s32 $0x800;
	s18 =	sadd.s32 $0x1C00, s17  }
0xc: {  	[tilespmem:s19], [sflag:$0x1] =	stream.linear.gather [hbm4b:s18+s8], $0x400, $0x38;
	[tilespmem:$0x3190] =	vst v63  }
0xd: {  	s21 =	simm.s32 $0xC00;
	s20 =	sadd.s32 $0x2400, s17  }
0xe: {  	[tilespmem:s21], [sflag:$0x1] =	stream.linear.gather [hbm4b:s20+s8], $0x400, $0x38;
	[tilespmem:$0x3190] =	vst v63  }
0xf: {  	s23 =	simm.s32 $0x1000;
	s22 =	sadd.s32 $0x2C00, s17  }
0x10: {  	[tilespmem:s23], [sflag:$0x1] =	stream.linear.gather [hbm4b:s22+s8], $0x400, $0x38;
	[tilespmem:$0x3190] =	vst v63  }
0x11: {  	s25 =	simm.s32 $0x1400;
	s24 =	sadd.s32 $0x3400, s17  }
0x12: {  	[tilespmem:s25], [sflag:$0x1] =	stream.linear.gather [hbm4b:s24+s8], $0x400, $0x38;
	[tilespmem:$0x3190] =	vst v63  }
0x13: {  	s28 =	simm.s32 $0x1800;
	s26 =	sadd.s32 $0x3C00, s17  }
0x14: {  	[tilespmem:s28], [sflag:$0x1] =	stream.linear.gather [hbm4b:s26+s8], $0x400, $0x38;
	[tilespmem:$0x3190] =	vst v63  }
0x15: {  	s29 =	simm.s32 $0x1C00;
	s30 =	simm.s32 $0x1;
	s5 =	sadd.s32 $0x4400, s17  }
0x16: {  	[tilespmem:s29], [sflag:$0x1] =	stream.linear.gather [hbm4b:s5+s8], $0x400, $0x38;
	[tilespmem:$0x3190] =	vst v63  }
0x17: {  	_ =	swait.ge [sflag:s30], $0x400  }
0x18: {  	[sflag:s30] =	ssyncset.done $0x0  }
0x19: {  	[sflag:s30] =	ssyncadd.s32 $0xFFFFFC00  }
0x1a: {  	_ =	swait.ge [sflag:s30], $0x400  }
0x1b: {  	[sflag:s30] =	ssyncset.done $0x0  }
0x1c: {  	[sflag:s30] =	ssyncadd.s32 $0xFFFFFC00  }
0x1d: {  	_ =	swait.ge [sflag:s30], $0x400  }
0x1e: {  	[sflag:s30] =	ssyncset.done $0x0  }
0x1f: {  	[sflag:s30] =	ssyncadd.s32 $0xFFFFFC00  }
0x20: {  	_ =	swait.ge [sflag:s30], $0x400  }
0x21: {  	[sflag:s30] =	ssyncset.done $0x0  }
0x22: {  	[sflag:s30] =	ssyncadd.s32 $0xFFFFFC00  }
0x23: {  	_ =	swait.ge [sflag:s30], $0x400  }
0x24: {  	[sflag:s30] =	ssyncset.done $0x0  }
0x25: {  	[sflag:s30] =	ssyncadd.s32 $0xFFFFFC00  }
0x26: {  	_ =	swait.ge [sflag:s30], $0x400  }
0x27: {  	[sflag:s30] =	ssyncset.done $0x0  }
0x28: {  	[sflag:s30] =	ssyncadd.s32 $0xFFFFFC00  }
0x29: {  	_ =	swait.ge [sflag:s30], $0x400  }
0x2a: {  	[sflag:s30] =	ssyncset.done $0x0  }
0x2b: {  	[sflag:s30] =	ssyncadd.s32 $0xFFFFFC00  }
0x2c: {  	_ =	swait.ge [sflag:s30], $0x400  }
0x2d: {  	[sflag:s30] =	ssyncset.done $0x0  }
0x2e: {  	s31 =	simm.s32 $0x0;
	[sflag:s30] =	ssyncadd.s32 $0xFFFFFC00  }
0x2f: {  	v2 =	vld [tilespmem:s31+$0x70]  }
0x30: {  	v3 =	vld [tilespmem:s31+$0x470]  }
0x31: {  	v4 =	vld [tilespmem:s31+$0x0]  }
0x32: {  	v5 =	vld [tilespmem:s31+$0x400]  }
0x33: {  	v7 =	vld [tilespmem:s31+$0x410]  }
0x34: {  	v10 =	vld [tilespmem:s31+$0x20]  }
0x35: {  	v11 =	vld [tilespmem:s31+$0x420]  }
0x36: {  	v0 =	vimm.s32 $0x0;
	v8 =	vimm.s32 $0x0;
	v39 =	vimm.s32 $0x0;
	v12 =	vld [tilespmem:s31+$0x30]  }
0x37: {  	v41 =	vimm.s32 $0x0;
	v42 =	vimm.s32 $0x0;
	v43 =	vimm.s32 $0x0;
	v13 =	vld [tilespmem:s31+$0x430]  }
0x38: {  	v31 =	vimm.s32 $0x0;
	v34 =	vimm.s32 $0x0;
	v54 =	vimm.s32 $0x0;
	v15 =	vld [tilespmem:s31+$0x440]  }
0x39: {  	v6 =	vld [tilespmem:s31+$0x10];
	vm0 =	vgt.f32 v3, v2;
	vm1 =	vlt.f32 v3, $-Inf;
	vm2 =	vgt.f32 v3, $-Inf  }
0x3a: {  	v40 =	vld [tilespmem:s31+$0x450];
	vm10 =	vgt.f32 v5, v4;
	vm4 =	vlt.f32 v5, $-Inf;
	vm13 =	vgt.f32 v5, $-Inf  }
0x3b: {  	vm6 =	vlt.f32 v7, $-Inf;
	vm7 =	vgt.f32 v11, v10;
	vm8 =	vlt.f32 v11, $-Inf  }
0x3c: {  	vm9 =	vgt.f32 v11, $-Inf;
	vm5 =	vgt.f32 v13, v12;
	vm12 =	vgt.f32 v13, $-Inf  }
0x3d: {  	v16 =	vld [tilespmem:s31+$0x50];
	vm14 =	vgt.f32 v15, $-Inf;
	vm3 =	vmneg vm0;
	vm1 =	vmor vm2, vm1  }
0x3e: {  	v1 =	vsel vm0, $0x1, v0;
	v8 =	vsel vm10, $0xFFFFFFFF, v8;
	vm2 =	vgt.f32 v7, v6  }
0x3f: {  	v17 =	vld [tilespmem:s31+$0x460];
	vm0 =	vgt.f32 v7, $-Inf;
	vm8 =	vmor vm9, vm8;
	vm9 =	vlt.f32 v40, $-Inf  }
0x40: {  	[tilespmem:$0x1FE70] =	vst v8;
	vm11 =	vmand vm3, vm1;
	v8 =	vimm.s32 $0x0;
	vm1 =	vmneg vm10  }
0x41: {  	v14 =	vld [tilespmem:s31+$0x40];
	vm10 =	vmor vm13, vm4;
	vm13 =	vlt.f32 v15, $-Inf;
	vm6 =	vmor vm0, vm6  }
0x42: {  	vm4 =	vgt.f32 v40, v16;
	vm0 =	vgt.f32 v40, $-Inf;
	v8 =	vsel vm11, $0xFFFFFFFF, v8  }
0x43: {  	v9 =	vnsel vm11, $0xFF800000, v3;
	vm11 =	vlt.f32 v13, $-Inf;
	vm14 =	vmor vm14, vm13  }
0x44: {  	vm13 =	vlt.f32 v17, $-Inf;
	vm15 =	vmor vm0, vm9;
	vm0 =	vgt.f32 v17, $-Inf  }
0x45: {  	v18 =	vsel vm1, v4, v5;
	[tilespmem:$0x1FEF0] =	vst v8;
	v8 =	vsel vm3, v2, v3;
	v9 =	vsel vm3, v9, v2  }
0x46: {  	v2 =	vsel vm2, $0xFFFFFFFF, v39;
	v3 =	vsel vm5, $0xFFFFFFFF, v41;
	vm3 =	vgt.f32 v15, v14  }
0x47: {  	vm11 =	vmor vm12, vm11;
	vm13 =	vmor vm0, vm13;
	vm0 =	vmneg vm2  }
0x48: {  	v22 =	vld [tilespmem:s31+$0x800];
	vm12 =	vmand vm1, vm10;
	[tilespmem:$0x1FE90] =	vst v3;
	v3 =	vsel vm3, $0xFFFFFFFF, v42;
	vm9 =	vmand vm0, vm6  }
0x49: {  	v44 =	vnsel vm12, $0xFF800000, v5;
	v20 =	vsel vm0, v6, v7;
	vm6 =	vmneg vm5  }
0x4a: {  	v46 =	vld [tilespmem:s31+$0x60];
	vm10 =	vmneg vm3;
	vm3 =	vmneg vm4;
	[tilespmem:$0x1FEA0] =	vst v3;
	v3 =	vsel vm4, $0xFFFFFFFF, v43  }
0x4b: {  	v19 =	vsel vm1, v44, v4;
	vm1 =	vmneg vm7;
	v45 =	vnsel vm9, $0xFF800000, v7  }
0x4c: {  	vm5 =	vmand vm10, vm14;
	v50 =	vsel vm10, v14, v15;
	v51 =	vsel vm3, v16, v40  }
0x4d: {  	vm4 =	vgt.f32 v22, v18;
	v24 =	vsel vm9, $0x1, v0;
	vm8 =	vmand vm1, vm8  }
0x4e: {  	v21 =	vsel vm0, v45, v6;
	vm0 =	vmand vm6, vm11;
	v49 =	vnsel vm5, $0xFF800000, v15  }
0x4f: {  	vm11 =	vgt.f32 v17, v46;
	vm14 =	vmneg vm4;
	v47 =	vnsel vm8, $0xFF800000, v11  }
0x50: {  	v11 =	vsel vm1, v10, v11;
	v48 =	vnsel vm0, $0xFF800000, v13;
	v7 =	vsel vm10, v49, v14  }
0x51: {  	vm10 =	vgt.f32 v22, v19;
	v23 =	vsel vm1, v47, v10;
	vm1 =	vmneg vm11  }
0x52: {  	v10 =	vsel vm6, v12, v13;
	v12 =	vsel vm6, v48, v12;
	v13 =	vld [tilespmem:s31+$0xC00];
	vm13 =	vmand vm1, vm13  }
0x53: {  	vm6 =	vmand vm3, vm15;
	vm15 =	vmand vm14, vm10;
	v15 =	vnsel vm13, $0xFF800000, v17  }
0x54: {  	v14 =	vld [tilespmem:s31+$0x810];
	v6 =	vnsel vm6, $0xFF800000, v40;
	v4 =	vsel vm1, v15, v46;
	v15 =	vsel vm15, v22, v19  }
0x55: {  	v52 =	vsel vm3, v6, v16;
	v16 =	vsel vm14, v18, v22;
	v15 =	vsel vm14, v15, v18;
	v18 =	vld [tilespmem:$0x1FE70]  }
0x56: {  	v44 =	vimm.s32 $0x0;
	v45 =	vimm.s32 $0x0;
	v30 =	vsel vm0, $0x1, v0  }
0x57: {  	v6 =	vsel vm1, v46, v17;
	v17 =	vsel vm12, $0x1, v0;
	v22 =	vld [tilespmem:s31+$0x1000];
	vm12 =	vgt.f32 v13, v16  }
0x58: {  	v35 =	vsel vm6, $0x1, v0;
	vm10 =	vgt.f32 v13, v15;
	vm12 =	vmneg vm12  }
0x59: {  	v19 =	vld [tilespmem:s31+$0x820];
	v17 =	vsel vm15, $0x2, v17;
	vm15 =	vgt.f32 v14, v20;
	vm1 =	vmand vm12, vm10  }
0x5a: {  	vm9 =	vmneg vm15;
	v15 =	vsel vm1, v13, v15;
	vm4 =	vnez.u8 v18  }
0x5b: {  	[tilespmem:$0x1FE80] =	vst v2;
	v13 =	vsel vm12, v16, v13;
	v15 =	vsel vm12, v15, v16;
	v18 =	vsel vm4, $0x1, v0  }
0x5c: {  	v16 =	vld [tilespmem:$0x1FE80];
	vm15 =	vgt.f32 v22, v13;
	vm4 =	vgt.f32 v14, v21;
	v17 =	vsel vm14, v17, v18  }
0x5d: {  	v25 =	vld [tilespmem:s31+$0xC10];
	v18 =	vnsel vm14, $0x2, v18;
	v17 =	vsel vm1, $0x3, v17;
	vm1 =	vmand vm9, vm4  }
0x5e: {  	vm14 =	vgt.f32 v19, v11;
	vm4 =	vgt.f32 v22, v15;
	v21 =	vsel vm1, v14, v21  }
0x5f: {  	v14 =	vsel vm9, v20, v14;
	v24 =	vsel vm1, $0x2, v24;
	vm1 =	vmneg vm15  }
0x60: {  	v26 =	vld [tilespmem:s31+$0x870];
	v17 =	vsel vm12, v17, v18;
	v18 =	vnsel vm12, $0x3, v18;
	vm12 =	vgt.f32 v19, v23  }
0x61: {  	vm10 =	vnez.u8 v16;
	v20 =	vsel vm9, v21, v20;
	vm2 =	vmand vm1, vm4  }
0x62: {  	v21 =	vsel vm8, $0x1, v0;
	vm15 =	vgt.f32 v25, v14;
	vm8 =	vmneg vm14  }
0x63: {  	v16 =	vsel vm10, $0x1, v0;
	v15 =	vsel vm2, v22, v15;
	v17 =	vsel vm2, $0x4, v17  }
0x64: {  	v29 =	vld [tilespmem:s31+$0xC20];
	vm4 =	vgt.f32 v25, v20;
	vm10 =	vmneg vm15;
	vm12 =	vmand vm8, vm12  }
0x65: {  	v27 =	vld [tilespmem:s31+$0x1010];
	vm2 =	vmand vm10, vm4;
	v24 =	vsel vm9, v24, v16;
	vm4 =	vgt.f32 v26, v8  }
0x66: {  	v23 =	vsel vm12, v19, v23;
	v16 =	vnsel vm9, $0x2, v16;
	v17 =	vsel vm1, v17, v18  }
0x67: {  	v19 =	vsel vm8, v11, v19;
	v18 =	vnsel vm1, $0x4, v18;
	v20 =	vsel vm2, v25, v20  }
0x68: {  	v28 =	vld [tilespmem:s31+$0x1400];
	v24 =	vsel vm2, $0x3, v24;
	vm15 =	vmneg vm4;
	v25 =	vsel vm10, v14, v25  }
0x69: {  	v11 =	vsel vm8, v23, v11;
	vm4 =	vgt.f32 v29, v19;
	v14 =	vsel vm10, v20, v14  }
0x6a: {  	v20 =	vsel vm12, $0x2, v21;
	vm2 =	vgt.f32 v27, v25;
	v21 =	vsel vm1, v13, v22  }
0x6b: {  	v13 =	vsel vm1, v15, v13;
	v15 =	vsel vm7, $0x1, v0;
	v24 =	vsel vm10, v24, v16  }
0x6c: {  	v16 =	vnsel vm10, $0x3, v16;
	v31 =	vsel vm15, $0xFFFFFFFF, v31;
	vm12 =	vgt.f32 v27, v14  }
0x6d: {  	v22 =	vld [tilespmem:s31+$0x830];
	vm9 =	vgt.f32 v28, v21;
	vm7 =	vgt.f32 v28, v13;
	[tilespmem:$0x1FEC0] =	vst v31;
	v31 =	vimm.s32 $0x0  }
0x6e: {  	v20 =	vsel vm8, v20, v15;
	v15 =	vnsel vm8, $0x2, v15;
	vm0 =	vmneg vm9  }
0x6f: {  	vm9 =	vmneg vm2;
	vm2 =	vmneg vm4;
	vm14 =	vmand vm0, vm7  }
0x70: {  	vm7 =	vmand vm9, vm12;
	vm12 =	vgt.f32 v26, v9;
	v13 =	vsel vm14, v28, v13  }
0x71: {  	v17 =	vsel vm14, $0x5, v17;
	v14 =	vsel vm7, v27, v14;
	v24 =	vsel vm7, $0x4, v24  }
0x72: {  	vm7 =	vgt.f32 v29, v11;
	vm12 =	vmand vm15, vm12;
	vm3 =	vgt.f32 v22, v10  }
0x73: {  	v23 =	vld [tilespmem:s31+$0xC70];
	v31 =	vsel vm12, $0xFFFFFFFF, v31;
	vm14 =	vmand vm2, vm7;
	vm7 =	vgt.f32 v22, v12  }
0x74: {  	v9 =	vsel vm12, v26, v9;
	v26 =	vsel vm15, v8, v26;
	v14 =	vsel vm9, v14, v25  }
0x75: {  	v13 =	vsel vm0, v13, v21;
	v24 =	vsel vm9, v24, v16;
	v16 =	vnsel vm9, $0x4, v16  }
0x76: {  	v17 =	vsel vm0, v17, v18;
	v18 =	vnsel vm0, $0x5, v18;
	vm1 =	vmneg vm3  }
0x77: {  	v32 =	vld [tilespmem:s31+$0xC30];
	v11 =	vsel vm14, v29, v11;
	v20 =	vsel vm14, $0x3, v20;
	v8 =	vsel vm15, v9, v8  }
0x78: {  	[tilespmem:$0x1FF00] =	vst v31;
	v31 =	vld [tilespmem:s31+$0x1410];
	vm10 =	vgt.f32 v23, v26;
	v29 =	vsel vm2, v19, v29;
	vm12 =	vmand vm1, vm7  }
0x79: {  	v9 =	vld [tilespmem:s31+$0x1800];
	v11 =	vsel vm2, v11, v19;
	v19 =	vsel vm9, v25, v27;
	v27 =	vsel vm0, v21, v28  }
0x7a: {  	v21 =	vld [tilespmem:$0x1FE90];
	v28 =	vsel vm5, $0x1, v0;
	vm10 =	vmneg vm10;
	v12 =	vsel vm12, v22, v12  }
0x7b: {  	v25 =	vld [tilespmem:s31+$0x1020];
	v30 =	vsel vm12, $0x2, v30;
	v22 =	vsel vm1, v10, v22;
	v10 =	vsel vm1, v12, v10  }
0x7c: {  	v12 =	vsel vm2, v20, v15;
	v20 =	vimm.s32 $0x0;
	v15 =	vnsel vm2, $0x3, v15  }
0x7d: {  	vm7 =	vgt.f32 v32, v10;
	v20 =	vsel vm10, $0xFFFFFFFF, v20;
	vm8 =	vgt.f32 v31, v19  }
0x7e: {  	vm15 =	vgt.f32 v9, v27;
	vm9 =	vgt.f32 v9, v13;
	vm12 =	vgt.f32 v31, v14  }
0x7f: {  	vm14 =	vnez.u8 v21;
	vm3 =	vmneg vm15;
	vm4 =	vmneg vm8  }
0x80: {  	v33 =	vld [tilespmem:s31+$0x840];
	vm15 =	vgt.f32 v25, v11;
	v21 =	vsel vm14, $0x1, v0;
	vm5 =	vmand vm3, vm9  }
0x81: {  	vm12 =	vmand vm4, vm12;
	vm14 =	vgt.f32 v25, v29;
	v13 =	vsel vm5, v9, v13  }
0x82: {  	v17 =	vsel vm5, $0x6, v17;
	v14 =	vsel vm12, v31, v14;
	v24 =	vsel vm12, $0x5, v24  }
0x83: {  	[tilespmem:$0x1FED0] =	vst v20;
	vm8 =	vmneg vm14;
	vm5 =	vgt.f32 v32, v22;
	v20 =	vsel vm1, v30, v21  }
0x84: {  	v21 =	vnsel vm1, $0x2, v21;
	v9 =	vsel vm3, v27, v9;
	vm9 =	vmand vm8, vm15  }
0x85: {  	vm0 =	vmneg vm5;
	vm15 =	vgt.f32 v23, v8;
	vm5 =	vgt.f32 v33, v50  }
0x86: {  	v14 =	vsel vm4, v14, v19;
	v13 =	vsel vm3, v13, v27;
	v17 =	vsel vm3, v17, v18  }
0x87: {  	v18 =	vnsel vm3, $0x6, v18;
	v11 =	vsel vm9, v25, v11;
	v12 =	vsel vm9, $0x4, v12  }
0x88: {  	vm9 =	vmand vm0, vm7;
	vm12 =	vmand vm10, vm15;
	vm7 =	vgt.f32 v33, v7  }
0x89: {  	vm1 =	vmneg vm5;
	v25 =	vsel vm8, v29, v25;
	v10 =	vsel vm9, v32, v10  }
0x8a: {  	v53 =	vld [tilespmem:s31+$0x1420];
	v20 =	vsel vm9, $0x3, v20;
	v34 =	vsel vm12, $0xFFFFFFFF, v34;
	v8 =	vsel vm12, v23, v8  }
0x8b: {  	v30 =	vld [tilespmem:s31+$0x1070];
	v23 =	vsel vm10, v26, v23;
	vm2 =	vmand vm1, vm7;
	v32 =	vsel vm0, v22, v32  }
0x8c: {  	v27 =	vld [tilespmem:s31+$0x1030];
	v11 =	vsel vm8, v11, v29;
	v29 =	vsel vm4, v19, v31;
	v19 =	vnsel vm4, $0x5, v16  }
0x8d: {  	v16 =	vsel vm4, v24, v16;
	v24 =	vld [tilespmem:$0x1FEA0];
	v12 =	vsel vm8, v12, v15;
	v15 =	vnsel vm8, $0x4, v15  }
0x8e: {  	v8 =	vsel vm10, v8, v26;
	v7 =	vsel vm2, v33, v7;
	v26 =	vld [tilespmem:s31+$0x1C00];
	v28 =	vsel vm2, $0x2, v28  }
0x8f: {  	v31 =	vld [tilespmem:s31+$0x1810];
	v33 =	vsel vm1, v50, v33;
	vm10 =	vgt.f32 v53, v25;
	v10 =	vsel vm0, v10, v22  }
0x90: {  	[tilespmem:$0x1FEB0] =	vst v3;
	vm9 =	vgt.f32 v30, v23;
	vm3 =	vmneg vm10;
	v3 =	vsel vm1, v7, v50  }
0x91: {  	v7 =	vsel vm0, v20, v21;
	v21 =	vnsel vm0, $0x3, v21;
	v50 =	vimm.s32 $0x0  }
0x92: {  	v36 =	vld [tilespmem:s31+$0xC40];
	vm10 =	vgt.f32 v27, v32;
	vm9 =	vmneg vm9;
	vm12 =	vnez.u8 v24  }
0x93: {  	v56 =	vsel vm3, v25, v53;
	v24 =	vsel vm12, $0x1, v0;
	vm14 =	vgt.f32 v26, v9  }
0x94: {  	vm15 =	vgt.f32 v26, v13;
	vm12 =	vgt.f32 v31, v29;
	vm4 =	vmneg vm14  }
0x95: {  	vm14 =	vgt.f32 v31, v14;
	vm2 =	vmand vm4, vm15;
	vm15 =	vgt.f32 v53, v11  }
0x96: {  	v13 =	vsel vm2, v26, v13;
	v17 =	vsel vm2, $0x7, v17;
	vm2 =	vmneg vm12  }
0x97: {  	vm6 =	vmand vm3, vm15;
	vm12 =	vgt.f32 v27, v10;
	vm15 =	vgt.f32 v36, v3  }
0x98: {  	v37 =	vld [tilespmem:s31+$0x850];
	vm5 =	vmand vm2, vm14;
	v22 =	vsel vm6, v53, v11;
	v12 =	vsel vm6, $0x5, v12  }
0x99: {  	vm14 =	vgt.f32 v36, v33;
	v11 =	vsel vm4, v9, v26;
	v2 =	vsel vm4, v17, v18  }
0x9a: {  	v14 =	vsel vm5, v31, v14;
	v16 =	vsel vm5, $0x6, v16;
	vm5 =	vmneg vm10  }
0x9b: {  	vm0 =	vmneg vm14;
	vm14 =	vgt.f32 v30, v8;
	v22 =	vsel vm3, v22, v25  }
0x9c: {  	v25 =	vsel vm2, v29, v31;
	v12 =	vsel vm3, v12, v15;
	v31 =	vsel vm13, $0x1, v0  }
0x9d: {  	vm6 =	vmand vm5, vm12;
	vm12 =	vgt.f32 v37, v51;
	v17 =	vsel vm0, v33, v36  }
0x9e: {  	v14 =	vsel vm2, v14, v29;
	v29 =	vnsel vm2, $0x6, v19;
	v16 =	vsel vm2, v16, v19  }
0x9f: {  	v26 =	vld [tilespmem:$0x1FEB0];
	v20 =	vsel vm6, v27, v10;
	v7 =	vsel vm6, $0x4, v7;
	v10 =	vimm.s32 $0x0  }
0xa0: {  	vm6 =	vmand vm0, vm15;
	vm10 =	vmneg vm12;
	vm15 =	vgt.f32 v37, v52  }
0xa1: {  	v19 =	vnsel vm3, $0x5, v15;
	v10 =	vsel vm9, $0xFFFFFFFF, v10;
	vm8 =	vmand vm10, vm15  }
0xa2: {  	v20 =	vsel vm5, v20, v32;
	v7 =	vsel vm5, v7, v21;
	v21 =	vnsel vm5, $0x4, v21  }
0xa3: {  	v39 =	vld [tilespmem:s31+$0x1470];
	[tilespmem:$0x1FEE0] =	vst v10;
	v10 =	vsel vm1, v28, v24;
	v28 =	vsel vm6, v36, v3;
	v24 =	vnsel vm1, $0x2, v24  }
0xa4: {  	v15 =	vld [tilespmem:s31+$0x1040];
	v40 =	vsel vm8, v37, v52;
	v35 =	vsel vm8, $0x2, v35;
	vm12 =	vnez.u8 v26  }
0xa5: {  	v38 =	vsel vm6, $0x3, v10;
	vm6 =	vmand vm9, vm14;
	v10 =	vsel vm4, v13, v9;
	v13 =	vld [tilespmem:s31+$0x1C10]  }
0xa6: {  	v9 =	vsel vm10, v51, v37;
	v26 =	vsel vm12, $0x1, v0;
	v55 =	vsel vm6, v30, v8;
	v8 =	vld [tilespmem:s31+$0x1430]  }
0xa7: {  	v28 =	vsel vm0, v28, v33;
	v5 =	vsel vm10, v40, v51;
	v3 =	vsel vm6, $0xFFFFFFFF, v54  }
0xa8: {  	v10 =	vsub.f32 v10, v11;
	[tilespmem:$0x1FF20] =	vst v3;
	v3 =	vnsel vm4, $0x7, v18;
	v18 =	vsel vm5, v32, v27;
	v27 =	vld [tilespmem:s31+$0x1820]  }
0xa9: {  	v57 =	vld [tilespmem:s31+$0xC50];
	v30 =	vsel vm9, v23, v30;
	vm13 =	vgt.f32 v15, v17;
	v23 =	vsel vm9, v55, v23  }
0xaa: {  	vm6 =	vgt.f32 v39, v30;
	v10 =	vmul.f32 $1.442695020e+00, v10;
	vm14 =	vgt.f32 v13, v25  }
0xab: {  	vm15 =	vgt.f32 v13, v14;
	vm1 =	vgt.f32 v8, v18;
	vm4 =	vmneg vm14  }
0xac: {  	vm12 =	vgt.f32 v8, v20;
	vm14 =	vgt.f32 v15, v28;
	vm2 =	vmand vm4, vm15  }
0xad: {  	vm8 =	vgt.f32 v27, v56;
	vm9 =	vgt.f32 v27, v22;
	vm1 =	vmneg vm1  }
0xae: {  	vm15 =	vgt.f32 v57, v9;
	v14 =	vsel vm2, v13, v14;
	v16 =	vsel vm2, $0x7, v16  }
0xaf: {  	v59 =	vld [tilespmem:s31+$0x860];
	vm2 =	vmneg vm8;
	vm3 =	vmand vm1, vm12;
	vm12 =	vmneg vm6  }
0xb0: {  	v13 =	vsel vm4, v25, v13;
	vm5 =	vmand vm2, vm9;
	v20 =	vsel vm3, v8, v20  }
0xb1: {  	v7 =	vsel vm3, $0x5, v7;
	vm3 =	vmneg vm13;
	vm9 =	vgt.f32 v57, v5  }
0xb2: {  	v8 =	vsel vm1, v18, v8;
	v22 =	vsel vm5, v27, v22;
	v58 =	vsel vm5, $0x6, v12  }
0xb3: {  	vm5 =	vmand vm3, vm14;
	v12 =	vsel vm0, v38, v24;
	v24 =	vnsel vm0, $0x3, v24  }
0xb4: {  	vm0 =	vmneg vm15;
	vm14 =	vgt.f32 v59, v6;
	vm15 =	vgt.f32 v39, v23  }
0xb5: {  	v18 =	vsel vm1, v20, v18;
	v20 =	vsel vm2, v56, v27;
	v27 =	vnsel vm2, $0x6, v19  }
0xb6: {  	v7 =	vsel vm1, v7, v21;
	v28 =	vsel vm5, v15, v28;
	v60 =	vsel vm5, $0x4, v12  }
0xb7: {  	vm5 =	vmand vm0, vm9;
	v12 =	vsel vm10, v35, v26;
	vm13 =	vmneg vm14  }
0xb8: {  	vm9 =	vgt.f32 v59, v4;
	v26 =	vnsel vm10, $0x2, v26;
	vm10 =	vmand vm12, vm15  }
0xb9: {  	v61 =	vld [tilespmem:s31+$0x1870];
	v15 =	vsel vm3, v17, v15;
	v22 =	vsel vm2, v22, v56;
	v19 =	vsel vm2, v58, v19  }
0xba: {  	v47 =	vsel vm0, v9, v57;
	v62 =	vsel vm5, v57, v5;
	v63 =	vsel vm5, $0x3, v12  }
0xbb: {  	v5 =	vsel vm10, $0xFFFFFFFF, v44;
	vm14 =	vmand vm13, vm9;
	v23 =	vsel vm10, v39, v23  }
0xbc: {  	v39 =	vsel vm12, v30, v39;
	v12 =	vsel vm4, v14, v25;
	v17 =	vsel vm3, v28, v17  }
0xbd: {  	v36 =	vsel vm13, v6, v59;
	v41 =	vsel vm14, v59, v4;
	v31 =	vsel vm14, $0x2, v31  }
0xbe: {  	[tilespmem:$0x1FF30] =	vst v5;
	v5 =	vnsel vm4, $0x7, v29;
	v4 =	vsel vm4, v16, v29;
	vm15 =	vgt.f32 v61, v39  }
0xbf: {  	v14 =	vld [tilespmem:s31+$0x1C20];
	v16 =	vsel vm12, v23, v30;
	v23 =	vsel vm11, $0x1, v0;
	v29 =	vnsel vm1, $0x5, v21  }
0xc0: {  	v25 =	vld [tilespmem:s31+$0x1830];
	v21 =	vsel vm3, v60, v24;
	v24 =	vnsel vm3, $0x4, v24;
	v9 =	vsel vm0, v62, v9  }
0xc1: {  	v28 =	vld [tilespmem:s31+$0x1440];
	v49 =	vsel vm0, v63, v26;
	v26 =	vnsel vm0, $0x3, v26;
	v12 =	vsub.f32 v12, v13  }
0xc2: {  	v30 =	vld [tilespmem:s31+$0x1050];
	vm10 =	vmneg vm15;
	vm8 =	vgt.f32 v61, v16;
	v6 =	vsel vm13, v41, v6  }
0xc3: {  	vm7 =	vmand vm10, vm8;
	v35 =	vsel vm10, v39, v61;
	v12 =	vmul.f32 $1.442695020e+00, v12  }
0xc4: {  	v48 =	vld [tilespmem:s31+$0xC60];
	v32 =	vsel vm7, $0xFFFFFFFF, v45;
	v16 =	vsel vm7, v61, v16;
	vm9 =	vgt.f32 v14, v20  }
0xc5: {  	vm11 =	vgt.f32 v14, v22;
	vm14 =	vgt.f32 v25, v8;
	vm15 =	vgt.f32 v25, v18  }
0xc6: {  	v16 =	vsel vm10, v16, v39;
	vm2 =	vmneg vm9;
	vm3 =	vmneg vm14  }
0xc7: {  	vm9 =	vgt.f32 v28, v15;
	vm14 =	vgt.f32 v30, v47;
	vm1 =	vmand vm2, vm11  }
0xc8: {  	vm8 =	vmand vm3, vm15;
	vm4 =	vmneg vm9;
	vm11 =	vgt.f32 v28, v17  }
0xc9: {  	vm5 =	vmneg vm14;
	vm15 =	vgt.f32 v30, v9;
	vm14 =	vgt.f32 v48, v36  }
0xca: {  	v22 =	vsel vm1, v14, v22;
	v19 =	vsel vm1, $0x7, v19;
	v18 =	vsel vm8, v25, v18  }
0xcb: {  	v46 =	vsel vm8, $0x6, v7;
	vm1 =	vmand vm4, vm11;
	vm6 =	vmand vm5, vm15  }
0xcc: {  	v7 =	vld [tilespmem:s31+$0x1C70];
	vm15 =	vgt.f32 v48, v6;
	v14 =	vsel vm2, v20, v14;
	v17 =	vsel vm1, v28, v17  }
0xcd: {  	v21 =	vsel vm1, $0x5, v21;
	v9 =	vsel vm6, v30, v9;
	v37 =	vsel vm6, $0x4, v49  }
0xce: {  	vm1 =	vmneg vm14;
	v22 =	vsel vm2, v22, v20;
	v20 =	vsel vm3, v8, v25  }
0xcf: {  	v8 =	vsel vm3, v18, v8;
	v18 =	vnsel vm3, $0x6, v29;
	v25 =	vsel vm3, v46, v29  }
0xd0: {  	v52 =	vld [tilespmem:s31+$0x1C30];
	v28 =	vsel vm4, v15, v28;
	v9 =	vsel vm5, v9, v47;
	v15 =	vsel vm4, v17, v15  }
0xd1: {  	v17 =	vnsel vm4, $0x5, v24;
	v21 =	vsel vm4, v21, v24;
	vm7 =	vgt.f32 v7, v35  }
0xd2: {  	v14 =	vsub.f32 v22, v14;
	vm8 =	vgt.f32 v7, v16;
	vm11 =	vmneg vm7  }
0xd3: {  	v29 =	vsel vm5, v37, v26;
	v26 =	vnsel vm5, $0x4, v26;
	vm9 =	vmand vm11, vm8  }
0xd4: {  	v14 =	vmul.f32 $1.442695020e+00, v14;
	v38 =	vsel vm9, $0xFFFFFFFF, v50;
	v16 =	vsel vm9, v7, v16  }
0xd5: {  	v24 =	vld [tilespmem:s31+$0x1450];
	vm9 =	vmand vm1, vm15;
	v7 =	vsel vm11, v35, v7;
	vm15 =	vgt.f32 v52, v8  }
0xd6: {  	v16 =	vsel vm11, v16, v35;
	v51 =	vsel vm9, v48, v6;
	v6 =	vsel vm13, v31, v23  }
0xd7: {  	v23 =	vnsel vm13, $0x2, v23;
	vm13 =	vgt.f32 v52, v20;
	v31 =	vsel vm9, $0x3, v6  }
0xd8: {  	v16 =	vsub.f32 v16, v7;
	v7 =	vnsel vm2, $0x7, v27;
	v6 =	vsel vm2, v19, v27;
	v19 =	vld [tilespmem:s31+$0x1840]  }
0xd9: {  	v27 =	vsel vm5, v47, v30;
	v30 =	vld [tilespmem:s31+$0x1060];
	vm4 =	vmneg vm13;
	v53 =	vsel vm1, v51, v36  }
0xda: {  	vm6 =	vmand vm4, vm15;
	vm9 =	vgt.f32 v24, v27;
	v16 =	vmul.f32 $1.442695020e+00, v16  }
0xdb: {  	v8 =	vsel vm6, v52, v8;
	v25 =	vsel vm6, $0x7, v25;
	vm2 =	vmneg vm9  }
0xdc: {  	v57 =	vsel vm4, v8, v20;
	v20 =	vsel vm4, v20, v52;
	v8 =	vsel vm4, v25, v18  }
0xdd: {  	(erf) = vpow2.f32 v16;
	v16 =	vsel vm1, v36, v48;
	vm14 =	vgt.f32 v19, v28  }
0xde: {  	vm7 =	vgt.f32 v19, v15;
	vm13 =	vgt.f32 v30, v16;
	vm15 =	vgt.f32 v30, v53  }
0xdf: {  	vm0 =	vmneg vm14;
	vm14 =	vgt.f32 v24, v9;
	vm3 =	vmneg vm13  }
0xe0: {  	v54 =	vld [tilespmem:s31+$0x1460];
	vm8 =	vmand vm0, vm7;
	vm5 =	vmand vm2, vm14;
	vm6 =	vmand vm3, vm15  }
0xe1: {  	v15 =	vsel vm8, v19, v15;
	v21 =	vsel vm8, $0x6, v21;
	v55 =	vsel vm5, v24, v9  }
0xe2: {  	v9 =	vsel vm1, v31, v23;
	v29 =	vsel vm5, $0x5, v29;
	v31 =	vsel vm6, v30, v53  }
0xe3: {  	v58 =	vld [tilespmem:s31+$0x1C40];
	v23 =	vnsel vm1, $0x3, v23;
	v30 =	vsel vm3, v16, v30;
	v19 =	vsel vm0, v28, v19  }
0xe4: {  	v25 =	vld [tilespmem:s31+$0x1860];
	v24 =	vsel vm2, v27, v24;
	v56 =	vsel vm6, $0x4, v9;
	v9 =	vnsel vm4, $0x7, v18  }
0xe5: {  	vm9 =	vgt.f32 v54, v30;
	v16 =	vsel vm3, v31, v16;
	v15 =	vsel vm0, v15, v28  }
0xe6: {  	v18 =	vld [tilespmem:s31+$0x1850];
	v28 =	vnsel vm0, $0x6, v17;
	v17 =	vsel vm0, v21, v17;
	v27 =	vsel vm2, v55, v27  }
0xe7: {  	v31 =	vnsel vm2, $0x5, v26;
	vm14 =	vmneg vm9;
	vm13 =	vgt.f32 v54, v16  }
0xe8: {  	v26 =	vsel vm2, v29, v26;
	vm8 =	vmand vm14, vm13;
	v33 =	vsel vm14, v30, v54  }
0xe9: {  	vm7 =	vgt.f32 v58, v19;
	v16 =	vsel vm8, v54, v16;
	vm4 =	vgt.f32 v25, v33  }
0xea: {  	vm0 =	vmneg vm7;
	v21 =	vpop (erf);
	v16 =	vsel vm14, v16, v30;
	vm13 =	vmneg vm4  }
0xeb: {  	v59 =	vld [tilespmem:s31+$0x1C50];
	vm4 =	vgt.f32 v58, v15;
	v29 =	vadd.f32 $1.000000000e+00, v21;
	vm15 =	vgt.f32 v18, v24  }
0xec: {  	vm5 =	vgt.f32 v18, v27;
	vm6 =	vgt.f32 v25, v16;
	vm4 =	vmand vm0, vm4  }
0xed: {  	vm1 =	vmneg vm15;
	vm9 =	vmand vm13, vm6;
	v11 =	vsel vm4, v58, v15  }
0xee: {  	v15 =	vsel vm0, v19, v58;
	vm5 =	vmand vm1, vm5;
	(erf) = vrcp.f32 v29  }
0xef: {  	v16 =	vsel vm9, v25, v16;
	v27 =	vsel vm5, v18, v27;
	v18 =	vsel vm1, v24, v18  }
0xf0: {  	v30 =	vld [tilespmem:s31+$0x1C60];
	v25 =	vsel vm13, v33, v25;
	v24 =	vsel vm1, v27, v24;
	vm2 =	vgt.f32 v59, v18  }
0xf1: {  	v11 =	vsel vm0, v11, v19;
	vm2 =	vmneg vm2;
	vm6 =	vgt.f32 v59, v24  }
0xf2: {  	v16 =	vsel vm13, v16, v33;
	(erf) = vpow2.f32 v10;
	vm6 =	vmand vm2, vm6  }
0xf3: {  	v11 =	vsub.f32 v11, v15;
	(erf) = vpow2.f32 v12;
	v13 =	vsel vm6, v59, v24  }
0xf4: {  	v10 =	vsel vm2, v18, v59;
	v13 =	vsel vm2, v13, v18;
	v18 =	vsub.f32 v57, v20  }
0xf5: {  	vm15 =	vgt.f32 v30, v25;
	vm7 =	vgt.f32 v30, v16;
	(erf) = vpow2.f32 v14  }
0xf6: {  	vm15 =	vmneg vm15;
	v10 =	vsub.f32 v13, v10;
	v13 =	vmul.f32 $1.442695020e+00, v18  }
0xf7: {  	vm7 =	vmand vm15, vm7  }
0xf8: {  	v11 =	vmul.f32 $1.442695020e+00, v11;
	v15 =	vsel vm7, v30, v16;
	v12 =	vpop (erf);
	(erf) = vpow2.f32 v13  }
0xf9: {  	v14 =	vmul.f32 v12, v21;
	[tilespmem:s31+$0x2070] =	vst v12;
	v12 =	vsel vm15, v15, v25;
	v13 =	vsel vm15, v25, v30  }
0xfa: {  	v10 =	vmul.f32 $1.442695020e+00, v10;
	v12 =	vsub.f32 v12, v13  }
0xfb: {  	(erf) = vpow2.f32 v11;
	v11 =	vsel vm3, v56, v23;
	[tilespmem:s31+$0x2470] =	vst v14;
	v14 =	vnsel vm3, $0x4, v23  }
0xfc: {  	[tilespmem:$0x1FF10] =	vst v34;
	(erf) = vpow2.f32 v10;
	v10 =	vsel vm4, $0x7, v17;
	v17 =	vpop (erf);
	v12 =	vmul.f32 $1.442695020e+00, v12  }
0xfd: {  	[tilespmem:s31+$0x2C00] =	vst v2;
	v15 =	vsel vm8, $0x5, v11;
	v18 =	vpop (erf);
	v19 =	vadd.f32 $1.000000000e+00, v17;
	v21 =	vnsel vm14, $0x5, v14  }
0xfe: {  	[tilespmem:s31+$0x2800] =	vst v3;
	v14 =	vsel vm14, v15, v14;
	v20 =	vpop (erf);
	(erf) = vpow2.f32 v12;
	v12 =	vadd.f32 $1.000000000e+00, v18  }
0xff: {  	[tilespmem:s31+$0x2810] =	vst v5;
	v22 =	vsel vm9, $0x6, v14;
	v14 =	vld [tilespmem:$0x1FED0];
	v15 =	vadd.f32 $1.000000000e+00, v20;
	(erf) = vrcp.f32 v19  }
0x100: {  	[tilespmem:s31+$0x2C10] =	vst v4;
	v13 =	vsel vm5, $0x6, v26;
	(erf) = vrcp.f32 v12;
	v12 =	vld [tilespmem:$0x1FEC0]  }
0x101: {  	[tilespmem:s31+$0x2820] =	vst v7;
	v13 =	vsel vm1, v13, v31;
	v23 =	vpop (erf);
	(erf) = vrcp.f32 v15  }
0x102: {  	[tilespmem:s31+$0x2C20] =	vst v6;
	v16 =	vnsel vm1, $0x6, v31;
	v19 =	vsel vm6, $0x7, v13  }
0x103: {  	[tilespmem:s31+$0x2C30] =	vst v8;
	v11 =	vnsel vm0, $0x7, v28;
	v27 =	vnsel vm13, $0x6, v21;
	v21 =	vsel vm13, v22, v21  }
0x104: {  	[tilespmem:s31+$0x2830] =	vst v9;
	v10 =	vsel vm0, v10, v28;
	v21 =	vsel vm7, $0x7, v21;
	vm14 =	vnez.u8 v14;
	v14 =	vld [tilespmem:$0x1FEE0]  }
0x105: {  	[tilespmem:s31+$0x2840] =	vst v11;
	v15 =	vadd.f32 $1.000000000e+00, v23;
	vm1 =	vnez.u8 v12;
	v12 =	vsel vm2, v19, v16;
	v19 =	vpop (erf)  }
0x106: {  	[tilespmem:s31+$0x2C40] =	vst v10;
	v13 =	vnsel vm2, $0x7, v16;
	v24 =	vnsel vm1, $0x2, v1;
	v26 =	vpop (erf);
	v16 =	vadd.f32 $1.000000000e+00, v19  }
0x107: {  	[tilespmem:s31+$0x2850] =	vst v13;
	(erf) = vrcp.f32 v15;
	v25 =	vnsel vm14, $0x3, v24;
	v31 =	vpop (erf)  }
0x108: {  	[tilespmem:s31+$0x2C50] =	vst v12;
	v29 =	vadd.f32 $1.000000000e+00, v26;
	(erf) = vrcp.f32 v16;
	v16 =	vsel vm15, v21, v27;
	v21 =	vpop (erf)  }
0x109: {  	vm6 =	vnez.u8 v14;
	v14 =	vnsel vm15, $0x7, v27;
	[tilespmem:s31+$0x2000] =	vst v21;
	v17 =	vmul.f32 v21, v17;
	v21 =	vpop (erf)  }
0x10a: {  	v28 =	vnsel vm6, $0x4, v25;
	(erf) = vrcp.f32 v29;
	[tilespmem:s31+$0x2010] =	vst v21;
	v18 =	vmul.f32 v21, v18;
	v21 =	vpop (erf)  }
0x10b: {  	v30 =	vnsel vm12, $0x5, v28;
	[tilespmem:s31+$0x2400] =	vst v17;
	v17 =	vmul.f32 v21, v20;
	v20 =	vadd.f32 $1.000000000e+00, v31  }
0x10c: {  	[tilespmem:s31+$0x2860] =	vst v14;
	v22 =	vnsel vm10, $0x6, v30  }
0x10d: {  	[tilespmem:s31+$0x2C60] =	vst v16;
	v15 =	vnsel vm11, $0x7, v22;
	(erf) = vrcp.f32 v20;
	v20 =	vld [tilespmem:$0x1FEF0]  }
0x10e: {  	v29 =	vld [tilespmem:$0x1FF00];
	[tilespmem:s31+$0x2870] =	vst v15  }
0x10f: {  	[tilespmem:s31+$0x2410] =	vst v18  }
0x110: {  	[tilespmem:s31+$0x2020] =	vst v21  }
0x111: {  	[tilespmem:s31+$0x2420] =	vst v17;
	v17 =	vpop (erf)  }
0x112: {  	v18 =	vpop (erf);
	[tilespmem:s31+$0x2030] =	vst v17;
	vm8 =	vnez.u8 v20  }
0x113: {  	s5 =	simm.s32 $0x80;
	vm9 =	vnez.u8 v29;
	v17 =	vmul.f32 v17, v23;
	v23 =	vld [tilespmem:$0x1FF10];
	[tilespmem:s31+$0x2040] =	vst v18;
	v21 =	vpop (erf);
	v20 =	vsel vm8, $0x1, v0  }
0x114: {  	v27 =	vld [tilespmem:s5+$0x70];
	[tilespmem:s31+$0x2050] =	vst v21;
	v20 =	vsel vm9, $0x2, v20  }
0x115: {  	v1 =	vsel vm1, v20, v1;
	v20 =	vld [tilespmem:s5+$0x470]  }
0x116: {  	[tilespmem:s31+$0x2430] =	vst v17;
	v17 =	vld [tilespmem:$0x1FF20];
	_ =	sdelay $0x2  }
0x117: {  	v18 =	vmul.f32 v18, v19;
	vm13 =	vnez.u8 v23  }
0x118: {  	v1 =	vsel vm13, $0x3, v1  }
0x119: {  	v19 =	vld [tilespmem:s5+$0x0];
	[tilespmem:s31+$0x2440] =	vst v18;
	v1 =	vsel vm14, v1, v24;
	vm14 =	vnez.u8 v17;
	v17 =	vmul.f32 v21, v26  }
0x11a: {  	[tilespmem:$0x1FF40] =	vst v32;
	v23 =	vld [tilespmem:s5+$0x400]  }
0x11b: {  	[tilespmem:s31+$0x2450] =	vst v17;
	v17 =	vld [tilespmem:$0x1FF40]  }
0x11c: {  	v21 =	vld [tilespmem:$0x1FF30];
	_ =	sdelay $0x2  }
0x11d: {  	[tilespmem:$0x1FF50] =	vst v38  }
0x11e: {  	v1 =	vsel vm14, $0x4, v1;
	vm4 =	vnez.u8 v17;
	v17 =	vld [tilespmem:$0x1FF50]  }
0x11f: {  	v1 =	vsel vm6, v1, v25;
	vm15 =	vnez.u8 v21  }
0x120: {  	v1 =	vsel vm15, $0x5, v1  }
0x121: {  	v18 =	vpop (erf);
	v1 =	vsel vm12, v1, v28  }
0x122: {  	v21 =	vmul.f32 v18, v31;
	v1 =	vsel vm4, $0x6, v1  }
0x123: {  	v1 =	vsel vm10, v1, v30;
	vm5 =	vnez.u8 v17  }
0x124: {  	v24 =	vld [tilespmem:s5+$0x10];
	[tilespmem:s31+$0x2460] =	vst v21;
	v1 =	vsel vm5, $0x7, v1  }
0x125: {  	v2 =	vshll.u32 v2, $0x2;
	v21 =	vld [tilespmem:s5+$0x870];
	[tilespmem:s31+$0x2060] =	vst v18;
	v17 =	vsel vm11, v1, v22  }
0x126: {  	v3 =	vshll.u32 v3, $0x2;
	v5 =	vshll.u32 v5, $0x2;
	vm7 =	vlt.f32 v20, $-Inf;
	v18 =	vld [tilespmem:s5+$0x410];
	[tilespmem:s31+$0x2C70] =	vst v17  }
0x127: {  	vm8 =	vgt.f32 v20, $-Inf;
	v25 =	vimm.s32 $0x0;
	vm10 =	vgt.f32 v23, v19;
	v22 =	vld [tilespmem:s5+$0x20]  }
0x128: {  	vm1 =	vmor vm8, vm7;
	vm6 =	vgt.f32 v20, v27;
	v25 =	vsel vm10, $0xFFFFFFFF, v25;
	v28 =	vld [tilespmem:s5+$0x420]  }
0x129: {  	vm14 =	vgt.f32 v23, $-Inf;
	vm9 =	vmneg vm6;
	[tilespmem:$0x1FF60] =	vst v25;
	v25 =	vimm.s32 $0x0;
	v29 =	vld [tilespmem:s5+$0x30]  }
0x12a: {  	vm5 =	vlt.f32 v23, $-Inf;
	v1 =	vsel vm6, $0x1, v0;
	vm11 =	vmand vm9, vm1;
	v30 =	vld [tilespmem:s5+$0x430]  }
0x12b: {  	vm1 =	vmneg vm10;
	vm0 =	vgt.f32 v18, v24;
	vm6 =	vlt.f32 v18, $-Inf;
	v31 =	vld [tilespmem:s5+$0x40]  }
0x12c: {  	vm7 =	vgt.f32 v18, $-Inf;
	v25 =	vsel vm11, $0xFFFFFFFF, v25;
	v26 =	vnsel vm11, $0xFF800000, v20;
	v60 =	vld [tilespmem:s5+$0x440]  }
0x12d: {  	[tilespmem:$0x1FFA0] =	vst v25;
	v25 =	vsel vm9, v27, v20;
	v20 =	vld [tilespmem:s5+$0x50];
	v26 =	vsel vm9, v26, v27;
	v27 =	vimm.s32 $0x0  }
0x12e: {  	vm11 =	vmor vm14, vm5;
	vm7 =	vmor vm7, vm6;
	v61 =	vld [tilespmem:s5+$0x450];
	v27 =	vsel vm0, $0xFFFFFFFF, v27  }
0x12f: {  	v63 =	vsel vm1, v19, v23;
	vm0 =	vmneg vm0;
	[tilespmem:$0x1FF70] =	vst v27;
	v27 =	vimm.s32 $0x0  }
0x130: {  	v62 =	vld [tilespmem:s5+$0x460];
	v45 =	vsel vm0, v24, v18;
	vm8 =	vgt.f32 v28, v22;
	vm9 =	vlt.f32 v28, $-Inf  }
0x131: {  	vm10 =	vgt.f32 v28, $-Inf;
	vm4 =	vgt.f32 v30, v29;
	vm12 =	vlt.f32 v30, $-Inf  }
0x132: {  	vm13 =	vgt.f32 v30, $-Inf;
	vm3 =	vgt.f32 v60, v31;
	vm14 =	vlt.f32 v60, $-Inf  }
0x133: {  	vm15 =	vgt.f32 v60, $-Inf;
	vm5 =	vgt.f32 v61, v20;
	vm6 =	vlt.f32 v61, $-Inf  }
0x134: {  	vm2 =	vgt.f32 v61, $-Inf;
	v27 =	vsel vm3, $0xFFFFFFFF, v27;
	vm10 =	vmor vm10, vm9  }
0x135: {  	vm13 =	vmor vm13, vm12;
	vm14 =	vmor vm15, vm14;
	vm12 =	vlt.f32 v62, $-Inf  }
0x136: {  	vm15 =	vmor vm2, vm6;
	vm2 =	vgt.f32 v62, $-Inf;
	vm9 =	vmand vm0, vm7  }
0x137: {  	vm7 =	vmneg vm8;
	[tilespmem:$0x1FF80] =	vst v27;
	v27 =	vimm.s32 $0x0;
	vm6 =	vmor vm2, vm12  }
0x138: {  	vm12 =	vmand vm1, vm11;
	vm2 =	vmand vm7, vm10;
	v27 =	vsel vm5, $0xFFFFFFFF, v27  }
0x139: {  	v47 =	vld [tilespmem:s5+$0x800];
	vm11 =	vmneg vm5;
	v56 =	vsel vm9, $0x1, v0;
	[tilespmem:$0x1FF90] =	vst v27;
	v27 =	vnsel vm12, $0xFF800000, v23  }
0x13a: {  	v53 =	vld [tilespmem:s5+$0x820];
	v52 =	vsel vm12, $0x1, v0;
	v58 =	vsel vm2, $0x1, v0;
	v44 =	vsel vm1, v27, v19  }
0x13b: {  	v19 =	vnsel vm9, $0xFF800000, v18;
	v18 =	vnsel vm2, $0xFF800000, v28;
	v28 =	vsel vm7, v22, v28  }
0x13c: {  	v23 =	vld [tilespmem:s5+$0x60];
	vm1 =	vmneg vm3;
	v46 =	vsel vm0, v19, v24;
	vm0 =	vmneg vm4  }
0x13d: {  	v48 =	vsel vm7, v18, v22;
	vm7 =	vmand vm1, vm14;
	vm14 =	vmand vm11, vm15  }
0x13e: {  	v19 =	vsel vm1, v31, v60;
	v24 =	vsel vm11, v20, v61;
	vm10 =	vmand vm0, vm13  }
0x13f: {  	vm15 =	vgt.f32 v47, v63;
	vm9 =	vgt.f32 v53, v28;
	v18 =	vnsel vm10, $0xFF800000, v30  }
0x140: {  	v27 =	vsel vm0, v29, v30;
	v30 =	vld [tilespmem:s5+$0xC00];
	v29 =	vsel vm0, v18, v29;
	v18 =	vnsel vm7, $0xFF800000, v60  }
0x141: {  	v54 =	vld [tilespmem:$0x1FF60];
	vm13 =	vgt.f32 v62, v23;
	v22 =	vsel vm1, v18, v31;
	v18 =	vimm.s32 $0x0  }
0x142: {  	vm0 =	vmneg vm13;
	vm1 =	vmneg vm15;
	v18 =	vsel vm13, $0xFFFFFFFF, v18  }
0x143: {  	v31 =	vld [tilespmem:s5+$0x810];
	vm6 =	vmand vm0, vm6;
	v51 =	vsel vm1, v63, v47;
	[tilespmem:$0x1FFB0] =	vst v18;
	v18 =	vnsel vm14, $0xFF800000, v61  }
0x144: {  	v49 =	vnsel vm6, $0xFF800000, v62;
	v18 =	vsel vm11, v18, v20;
	vm11 =	vgt.f32 v47, v44  }
0x145: {  	v20 =	vsel vm0, v23, v62;
	v23 =	vsel vm0, v49, v23;
	vm15 =	vgt.f32 v30, v51  }
0x146: {  	v57 =	vld [tilespmem:$0x1FF70];
	v62 =	vsel vm8, $0x1, v0;
	vm13 =	vmand vm1, vm11;
	vm11 =	vnez.u8 v54  }
0x147: {  	v50 =	vsel vm13, v47, v44;
	v35 =	vsel vm11, $0x1, v0;
	vm11 =	vmneg vm15  }
0x148: {  	v34 =	vsel vm13, $0x2, v52;
	vm15 =	vgt.f32 v31, v45;
	vm5 =	vgt.f32 v31, v46  }
0x149: {  	v47 =	vimm.s32 $0x0;
	v52 =	vimm.s32 $0x0;
	v32 =	vsel vm1, v50, v63  }
0x14a: {  	v55 =	vld [tilespmem:s5+$0x1000];
	v34 =	vsel vm1, v34, v35;
	vm13 =	vmneg vm15;
	v35 =	vnsel vm1, $0x2, v35  }
0x14b: {  	vm15 =	vnez.u8 v57;
	v57 =	vsel vm4, $0x1, v0;
	vm12 =	vgt.f32 v30, v32  }
0x14c: {  	v50 =	vimm.s32 $0x0;
	v33 =	vsel vm15, $0x1, v0;
	vm0 =	vmand vm11, vm12  }
0x14d: {  	v32 =	vsel vm0, v30, v32;
	v34 =	vsel vm0, $0x3, v34;
	vm0 =	vmand vm13, vm5  }
0x14e: {  	v42 =	vld [tilespmem:s5+$0xC10];
	v30 =	vsel vm11, v51, v30;
	v38 =	vsel vm0, v31, v46;
	v31 =	vsel vm13, v45, v31  }
0x14f: {  	v32 =	vsel vm11, v32, v51;
	vm5 =	vgt.f32 v55, v30;
	v41 =	vsel vm0, $0x2, v56  }
0x150: {  	v34 =	vsel vm11, v34, v35;
	v35 =	vnsel vm11, $0x3, v35;
	vm11 =	vmneg vm9  }
0x151: {  	vm9 =	vgt.f32 v21, v25;
	v46 =	vsel vm10, $0x1, v0;
	v51 =	vsel vm14, $0x1, v0  }
0x152: {  	vm12 =	vgt.f32 v55, v32;
	vm1 =	vmneg vm5;
	v37 =	vsel vm13, v38, v45  }
0x153: {  	v44 =	vld [tilespmem:s5+$0x1400];
	vm15 =	vgt.f32 v42, v31;
	vm5 =	vgt.f32 v53, v48;
	v41 =	vsel vm13, v41, v33  }
0x154: {  	v49 =	vld [tilespmem:s5+$0x840];
	vm9 =	vmneg vm9;
	v33 =	vnsel vm13, $0x2, v33;
	v36 =	vsel vm11, v28, v53  }
0x155: {  	vm0 =	vmand vm1, vm12;
	vm12 =	vmneg vm15;
	vm2 =	vmand vm11, vm5  }
0x156: {  	v60 =	vsel vm1, v30, v55;
	v47 =	vsel vm9, $0xFFFFFFFF, v47;
	v32 =	vsel vm0, v55, v32  }
0x157: {  	v34 =	vsel vm0, $0x4, v34;
	vm0 =	vgt.f32 v42, v37;
	v40 =	vsel vm2, v53, v48  }
0x158: {  	v43 =	vld [tilespmem:s5+$0x1010];
	v59 =	vsel vm2, $0x2, v58;
	vm5 =	vgt.f32 v44, v60;
	vm2 =	vgt.f32 v21, v26  }
0x159: {  	v45 =	vld [tilespmem:s5+$0xC20];
	v58 =	vsel vm7, $0x1, v0;
	vm7 =	vgt.f32 v49, v19;
	vm0 =	vmand vm12, vm0  }
0x15a: {  	v30 =	vsel vm1, v32, v30;
	v34 =	vsel vm1, v34, v35;
	v28 =	vsel vm11, v40, v28  }
0x15b: {  	v35 =	vnsel vm1, $0x4, v35;
	v32 =	vnsel vm11, $0x2, v62;
	v37 =	vsel vm0, v42, v37  }
0x15c: {  	v41 =	vsel vm0, $0x3, v41;
	v42 =	vsel vm12, v31, v42;
	vm13 =	vgt.f32 v44, v30  }
0x15d: {  	vm0 =	vmneg vm5;
	v31 =	vsel vm12, v37, v31;
	vm15 =	vgt.f32 v43, v42  }
0x15e: {  	v61 =	vld [tilespmem:s5+$0x830];
	v41 =	vsel vm12, v41, v33;
	vm8 =	vgt.f32 v45, v36;
	v33 =	vnsel vm12, $0x3, v33  }
0x15f: {  	vm12 =	vgt.f32 v45, v28;
	v37 =	vsel vm11, v59, v62;
	v56 =	vsel vm0, v60, v44  }
0x160: {  	vm3 =	vgt.f32 v43, v31;
	vm10 =	vmneg vm15;
	vm15 =	vmand vm0, vm13  }
0x161: {  	vm8 =	vmneg vm8;
	vm13 =	vmand vm9, vm2;
	vm3 =	vmand vm10, vm3  }
0x162: {  	[tilespmem:$0x1FFD0] =	vst v47;
	v53 =	vld [tilespmem:s5+$0x1410];
	v30 =	vsel vm15, v44, v30;
	v34 =	vsel vm15, $0x5, v34;
	v47 =	vsel vm13, $0xFFFFFFFF, v52  }
0x163: {  	vm15 =	vmand vm8, vm12;
	vm12 =	vgt.f32 v61, v29;
	v26 =	vsel vm13, v21, v26  }
0x164: {  	v21 =	vsel vm9, v25, v21;
	v54 =	vsel vm10, v42, v43;
	v31 =	vsel vm3, v43, v31  }
0x165: {  	v63 =	vld [tilespmem:s5+$0xC70];
	v41 =	vsel vm3, $0x4, v41;
	vm3 =	vgt.f32 v61, v27;
	v28 =	vsel vm15, v45, v28  }
0x166: {  	v55 =	vld [tilespmem:s5+$0x1020];
	v37 =	vsel vm15, $0x3, v37;
	v25 =	vsel vm9, v26, v25;
	v45 =	vsel vm8, v36, v45  }
0x167: {  	vm15 =	vgt.f32 v53, v54;
	v30 =	vsel vm0, v30, v60;
	v34 =	vsel vm0, v34, v35  }
0x168: {  	v35 =	vnsel vm0, $0x5, v35;
	vm1 =	vmneg vm3;
	v28 =	vsel vm8, v28, v36  }
0x169: {  	v26 =	vld [tilespmem:s5+$0x1800];
	v31 =	vsel vm10, v31, v42;
	v41 =	vsel vm10, v41, v33;
	v33 =	vnsel vm10, $0x4, v33  }
0x16a: {  	vm4 =	vgt.f32 v63, v25;
	vm13 =	vmand vm1, vm12;
	v39 =	vsel vm1, v27, v61  }
0x16b: {  	vm11 =	vgt.f32 v53, v31;
	vm12 =	vmneg vm15;
	vm15 =	vgt.f32 v55, v28  }
0x16c: {  	v38 =	vnsel vm1, $0x2, v57;
	v29 =	vsel vm13, v61, v29;
	v46 =	vsel vm13, $0x2, v46  }
0x16d: {  	vm13 =	vgt.f32 v63, v21;
	v36 =	vnsel vm12, $0x5, v33;
	v27 =	vsel vm1, v29, v27  }
0x16e: {  	v48 =	vld [tilespmem:s5+$0xC30];
	v29 =	vsel vm8, v37, v32;
	v59 =	vsel vm1, v46, v57;
	vm9 =	vgt.f32 v26, v56  }
0x16f: {  	v32 =	vnsel vm8, $0x3, v32;
	vm10 =	vgt.f32 v26, v30;
	vm3 =	vmneg vm9  }
0x170: {  	vm8 =	vgt.f32 v49, v22;
	vm9 =	vmand vm3, vm10;
	vm10 =	vmand vm12, vm11  }
0x171: {  	vm11 =	vgt.f32 v55, v45;
	v30 =	vsel vm9, v26, v30;
	v34 =	vsel vm9, $0x6, v34  }
0x172: {  	v31 =	vsel vm10, v53, v31;
	v41 =	vsel vm10, $0x5, v41;
	vm11 =	vmneg vm11  }
0x173: {  	vm10 =	vgt.f32 v48, v39;
	vm9 =	vmneg vm13;
	v26 =	vsel vm3, v56, v26  }
0x174: {  	vm2 =	vmand vm11, vm15;
	vm15 =	vgt.f32 v48, v27;
	vm10 =	vmneg vm10  }
0x175: {  	vm5 =	vmand vm9, vm4;
	v40 =	vsel vm9, v21, v63;
	v42 =	vsel vm11, v45, v55  }
0x176: {  	v60 =	vld [tilespmem:$0x1FF80];
	v31 =	vsel vm12, v31, v54;
	v33 =	vsel vm12, v41, v33;
	v30 =	vsel vm3, v30, v56  }
0x177: {  	v34 =	vsel vm3, v34, v35;
	v35 =	vnsel vm3, $0x6, v35;
	v28 =	vsel vm2, v55, v28  }
0x178: {  	v46 =	vld [tilespmem:s5+$0x1070];
	v29 =	vsel vm2, $0x4, v29;
	vm0 =	vmand vm10, vm15;
	v50 =	vsel vm5, $0xFFFFFFFF, v50  }
0x179: {  	[tilespmem:$0x1FFC0] =	vst v47;
	v47 =	vld [tilespmem:s5+$0x1810];
	v25 =	vsel vm5, v63, v25;
	v27 =	vsel vm0, v48, v27;
	v37 =	vsel vm0, $0x3, v59  }
0x17a: {  	v61 =	vld [tilespmem:s5+$0x1030];
	vm0 =	vmneg vm7;
	v21 =	vsel vm9, v25, v21;
	v48 =	vsel vm10, v39, v48  }
0x17b: {  	[tilespmem:$0x1FFE0] =	vst v50;
	v50 =	vld [tilespmem:s5+$0x1420];
	v28 =	vsel vm11, v28, v45;
	v45 =	vsel vm12, v54, v53;
	vm12 =	vnez.u8 v60  }
0x17c: {  	v25 =	vld [tilespmem:s5+$0x1C00];
	v29 =	vsel vm11, v29, v32;
	v32 =	vnsel vm11, $0x4, v32;
	v60 =	vsel vm6, $0x1, v0  }
0x17d: {  	vm1 =	vmand vm0, vm8;
	vm8 =	vgt.f32 v46, v40;
	v41 =	vsel vm12, $0x1, v0  }
0x17e: {  	vm12 =	vgt.f32 v47, v45;
	v27 =	vsel vm10, v27, v39;
	v22 =	vsel vm1, v49, v22  }
0x17f: {  	v62 =	vld [tilespmem:s5+$0x850];
	v44 =	vsel vm1, $0x2, v58;
	v49 =	vsel vm0, v19, v49;
	vm11 =	vgt.f32 v61, v27  }
0x180: {  	vm8 =	vmneg vm8;
	v19 =	vsel vm0, v22, v19;
	v22 =	vsel vm10, v37, v38  }
0x181: {  	v38 =	vnsel vm10, $0x3, v38;
	vm2 =	vgt.f32 v50, v42;
	vm13 =	vgt.f32 v25, v26  }
0x182: {  	v52 =	vld [tilespmem:s5+$0xC40];
	vm15 =	vgt.f32 v25, v30;
	vm14 =	vgt.f32 v50, v28;
	vm3 =	vmneg vm13  }
0x183: {  	vm13 =	vgt.f32 v47, v31;
	vm2 =	vmneg vm2;
	vm1 =	vmand vm3, vm15  }
0x184: {  	vm4 =	vmand vm2, vm14;
	vm15 =	vgt.f32 v61, v48;
	vm14 =	vgt.f32 v62, v24  }
0x185: {  	v43 =	vsel vm2, v42, v50;
	v30 =	vsel vm1, v25, v30;
	v34 =	vsel vm1, $0x7, v34  }
0x186: {  	vm1 =	vmneg vm12;
	v28 =	vsel vm4, v50, v28;
	v29 =	vsel vm4, $0x5, v29  }
0x187: {  	vm12 =	vmneg vm15;
	vm15 =	vgt.f32 v52, v49;
	vm5 =	vmand vm1, vm13  }
0x188: {  	v59 =	vld [tilespmem:$0x1FF90];
	vm4 =	vmand vm12, vm11;
	vm13 =	vgt.f32 v52, v19;
	vm10 =	vmneg vm15  }
0x189: {  	vm11 =	vmneg vm14;
	v28 =	vsel vm2, v28, v42;
	v42 =	vsel vm1, v45, v47  }
0x18a: {  	v29 =	vsel vm2, v29, v32;
	v31 =	vsel vm5, v47, v31;
	v33 =	vsel vm5, $0x6, v33  }
0x18b: {  	v27 =	vsel vm4, v61, v27;
	v37 =	vsel vm4, $0x4, v22;
	vm4 =	vmand vm10, vm13  }
0x18c: {  	v22 =	vsel vm0, v44, v41;
	vm13 =	vgt.f32 v62, v18;
	v41 =	vnsel vm0, $0x2, v41  }
0x18d: {  	vm5 =	vnez.u8 v59;
	v63 =	vsel vm4, v52, v19;
	v53 =	vsel vm4, $0x3, v22  }
0x18e: {  	v39 =	vld [tilespmem:s5+$0x1820];
	vm4 =	vgt.f32 v46, v21;
	v19 =	vimm.s32 $0x0;
	vm15 =	vmand vm11, vm13  }
0x18f: {  	v22 =	vsel vm3, v26, v25;
	v25 =	vsel vm11, v24, v62;
	v27 =	vsel vm12, v27, v48  }
0x190: {  	v31 =	vsel vm1, v31, v45;
	v45 =	vnsel vm1, $0x6, v36;
	v33 =	vsel vm1, v33, v36  }
0x191: {  	v54 =	vld [tilespmem:s5+$0x1470];
	v36 =	vnsel vm2, $0x5, v32;
	v37 =	vsel vm12, v37, v38;
	vm4 =	vmand vm8, vm4  }
0x192: {  	v55 =	vsel vm15, v62, v18;
	v18 =	vsel vm4, v46, v21;
	v21 =	vsel vm3, v30, v26;
	v30 =	vld [tilespmem:s5+$0x1C10]  }
0x193: {  	v56 =	vld [tilespmem:s5+$0x1430];
	v38 =	vnsel vm12, $0x4, v38;
	v51 =	vsel vm15, $0x2, v51;
	vm15 =	vgt.f32 v39, v43  }
0x194: {  	v44 =	vsel vm10, v63, v49;
	v19 =	vsel vm4, $0xFFFFFFFF, v19;
	v46 =	vsel vm8, v40, v46  }
0x195: {  	v26 =	vsel vm10, v49, v52;
	v24 =	vsel vm11, v55, v24;
	v40 =	vsel vm8, v18, v40  }
0x196: {  	[tilespmem:$0x1FFF0] =	vst v19;
	v19 =	vnsel vm3, $0x7, v35;
	v18 =	vsel vm3, v34, v35;
	v34 =	vsel vm12, v48, v61;
	v48 =	vld [tilespmem:s5+$0xC50]  }
0x197: {  	v32 =	vld [tilespmem:s5+$0x1040];
	vm13 =	vgt.f32 v54, v46;
	v35 =	vsel vm5, $0x1, v0;
	vm7 =	vgt.f32 v30, v42  }
0x198: {  	vm0 =	vgt.f32 v56, v34;
	vm14 =	vgt.f32 v30, v31;
	vm1 =	vmneg vm7  }
0x199: {  	vm12 =	vgt.f32 v39, v28;
	vm3 =	vmneg vm0;
	vm2 =	vmand vm1, vm14  }
0x19a: {  	v31 =	vsel vm2, v30, v31;
	v33 =	vsel vm2, $0x7, v33;
	vm2 =	vmneg vm15  }
0x19b: {  	vm6 =	vgt.f32 v48, v24;
	vm14 =	vgt.f32 v56, v27;
	vm15 =	vmand vm2, vm12  }
0x19c: {  	vm12 =	vmand vm3, vm14;
	vm14 =	vgt.f32 v32, v26;
	v61 =	vsel vm15, v39, v28  }
0x19d: {  	v50 =	vsel vm15, $0x6, v29;
	v27 =	vsel vm12, v56, v27;
	v37 =	vsel vm12, $0x5, v37  }
0x19e: {  	vm15 =	vgt.f32 v32, v44;
	vm0 =	vmneg vm14;
	v28 =	vsel vm10, v53, v41  }
0x19f: {  	vm12 =	vgt.f32 v48, v25;
	v41 =	vnsel vm10, $0x3, v41;
	vm10 =	vmneg vm13  }
0x1a0: {  	v29 =	vld [tilespmem:s5+$0x1870];
	vm13 =	vgt.f32 v54, v40;
	vm4 =	vmand vm0, vm15;
	vm14 =	vmneg vm12  }
0x1a1: {  	v53 =	vld [tilespmem:s5+$0x860];
	vm13 =	vmand vm10, vm13;
	v61 =	vsel vm2, v61, v43;
	v27 =	vsel vm3, v27, v34  }
0x1a2: {  	v44 =	vsel vm4, v32, v44;
	v52 =	vsel vm4, $0x4, v28;
	vm4 =	vmand vm14, vm6  }
0x1a3: {  	v28 =	vsel vm10, v46, v54;
	v55 =	vsel vm4, v48, v24;
	v24 =	vsel vm11, v51, v35  }
0x1a4: {  	v35 =	vnsel vm11, $0x2, v35;
	v51 =	vsel vm4, $0x3, v24;
	v24 =	vsel vm13, v54, v40  }
0x1a5: {  	v48 =	vsel vm14, v25, v48;
	v25 =	vsel vm14, v55, v25;
	v24 =	vsel vm10, v24, v46  }
0x1a6: {  	v62 =	vld [tilespmem:s5+$0x1C70];
	vm15 =	vgt.f32 v29, v28;
	vm7 =	vgt.f32 v53, v20;
	vm12 =	vgt.f32 v53, v23  }
0x1a7: {  	v46 =	vsel vm0, v26, v32;
	v26 =	vsel vm0, v44, v26;
	v44 =	vsel vm3, v34, v56  }
0x1a8: {  	vm6 =	vmneg vm15;
	vm11 =	vgt.f32 v29, v24;
	vm15 =	vmneg vm7  }
0x1a9: {  	v34 =	vnsel vm3, $0x5, v38;
	vm11 =	vmand vm6, vm11;
	vm4 =	vmand vm15, vm12  }
0x1aa: {  	v63 =	vsel vm6, v28, v29;
	v24 =	vsel vm11, v29, v24;
	v57 =	vsel vm4, v53, v23  }
0x1ab: {  	v40 =	vld [tilespmem:s5+$0x1C20];
	vm7 =	vgt.f32 v62, v63;
	v47 =	vsel vm4, $0x2, v60;
	v29 =	vsel vm1, v42, v30  }
0x1ac: {  	v23 =	vsel vm1, v33, v45;
	v60 =	vld [tilespmem:$0x1FFB0];
	v33 =	vsel vm2, v43, v39;
	v54 =	vsel vm6, v24, v28  }
0x1ad: {  	vm7 =	vmneg vm7;
	v28 =	vsel vm1, v31, v42;
	v31 =	vld [tilespmem:$0x1FFA0];
	vm5 =	vgt.f32 v62, v54  }
0x1ae: {  	v56 =	vld [tilespmem:$0x1FFC0];
	v43 =	vnsel vm2, $0x6, v36;
	v36 =	vsel vm2, v50, v36;
	vm12 =	vmand vm7, vm5  }
0x1af: {  	v24 =	vnsel vm1, $0x7, v45;
	v59 =	vsel vm7, v63, v62;
	v30 =	vsel vm12, v62, v54  }
0x1b0: {  	v45 =	vld [tilespmem:s5+$0x1830];
	v62 =	vsel vm3, v37, v38;
	v38 =	vnsel vm0, $0x4, v41;
	v30 =	vsel vm7, v30, v63  }
0x1b1: {  	vm5 =	vnez.u8 v60;
	v63 =	vsel vm0, v52, v41;
	vm0 =	vgt.f32 v40, v61  }
0x1b2: {  	vm4 =	vnez.u8 v31;
	v42 =	vsel vm5, $0x1, v0;
	v30 =	vsub.f32 v30, v59  }
0x1b3: {  	v49 =	vld [tilespmem:s5+$0x1440];
	vm5 =	vnez.u8 v56;
	v31 =	vsel vm4, $0x1, v0;
	vm4 =	vgt.f32 v40, v33  }
0x1b4: {  	v47 =	vsel vm15, v47, v42;
	v42 =	vnsel vm15, $0x2, v42;
	v30 =	vmul.f32 $1.442695020e+00, v30  }
0x1b5: {  	v41 =	vld [tilespmem:s5+$0x1050];
	vm3 =	vmneg vm4;
	v31 =	vsel vm5, $0x2, v31;
	vm4 =	vgt.f32 v45, v44  }
0x1b6: {  	vm5 =	vmand vm3, vm0;
	vm0 =	vmneg vm4;
	vm4 =	vgt.f32 v45, v27  }
0x1b7: {  	v39 =	vsel vm5, v40, v61;
	v36 =	vsel vm5, $0x7, v36;
	(erf) = vpow2.f32 v30  }
0x1b8: {  	v50 =	vld [tilespmem:s5+$0x1C30];
	vm1 =	vmand vm0, vm4;
	vm5 =	vgt.f32 v49, v46;
	vm4 =	vgt.f32 v49, v26  }
0x1b9: {  	v30 =	vsel vm1, v45, v27;
	v58 =	vsel vm1, $0x6, v62;
	vm2 =	vmneg vm5  }
0x1ba: {  	vm5 =	vgt.f32 v41, v25;
	v27 =	vsel vm14, v51, v35;
	v32 =	vsel vm3, v39, v33  }
0x1bb: {  	v33 =	vsel vm3, v33, v40;
	v62 =	vsel vm15, v20, v53;
	v20 =	vsel vm15, v57, v20  }
0x1bc: {  	v39 =	vsel vm0, v44, v45;
	vm1 =	vmand vm2, vm4;
	vm4 =	vgt.f32 v41, v48  }
0x1bd: {  	v35 =	vnsel vm14, $0x3, v35;
	vm15 =	vgt.f32 v50, v39;
	vm4 =	vmneg vm4  }
0x1be: {  	v59 =	vld [tilespmem:s5+$0xC60];
	v26 =	vsel vm1, v49, v26;
	v37 =	vsel vm1, $0x5, v63;
	v63 =	vsel vm0, v30, v44  }
0x1bf: {  	v44 =	vnsel vm0, $0x6, v34;
	v34 =	vsel vm0, v58, v34;
	v49 =	vsel vm2, v46, v49  }
0x1c0: {  	vm5 =	vmand vm4, vm5;
	v26 =	vsel vm2, v26, v46;
	v46 =	vnsel vm2, $0x5, v38  }
0x1c1: {  	v40 =	vld [tilespmem:s5+$0x1060];
	v37 =	vsel vm2, v37, v38;
	v52 =	vsel vm4, v48, v41;
	vm14 =	vgt.f32 v50, v63  }
0x1c2: {  	v45 =	vld [tilespmem:s5+$0x1450];
	v60 =	vsel vm5, v41, v25;
	v61 =	vsel vm5, $0x4, v27;
	v27 =	vnsel vm3, $0x7, v43  }
0x1c3: {  	v58 =	vld [tilespmem:$0x1FFD0];
	v25 =	vsel vm3, v36, v43;
	vm5 =	vgt.f32 v59, v62;
	vm3 =	vmneg vm15  }
0x1c4: {  	vm0 =	vmneg vm5;
	vm5 =	vgt.f32 v59, v20;
	v56 =	vsel vm4, v60, v48  }
0x1c5: {  	v48 =	vld [tilespmem:s5+$0x1840];
	v57 =	vsel vm4, v61, v35;
	v35 =	vnsel vm4, $0x4, v35;
	vm1 =	vmand vm0, vm5  }
0x1c6: {  	vm4 =	vmand vm3, vm14;
	v38 =	vsel vm0, v62, v59;
	v20 =	vsel vm1, v59, v20;
	v59 =	vld [tilespmem:$0x1FFE0]  }
0x1c7: {  	v34 =	vsel vm4, $0x7, v34;
	v0 =	vnsel vm0, $0x3, v42;
	vm2 =	vgt.f32 v40, v38  }
0x1c8: {  	v47 =	vsel vm1, $0x3, v47;
	vm1 =	vgt.f32 v45, v52;
	vm15 =	vnez.u8 v58  }
0x1c9: {  	v20 =	vsel vm0, v20, v62;
	v31 =	vsel vm15, v31, v1;
	v1 =	vnsel vm15, $0x2, v1  }
0x1ca: {  	vm1 =	vmneg vm1;
	vm2 =	vmneg vm2;
	v60 =	vsel vm0, v47, v42  }
0x1cb: {  	v30 =	vpop (erf);
	v42 =	vsel vm3, v39, v50;
	vm5 =	vgt.f32 v48, v49;
	vm14 =	vnez.u8 v59  }
0x1cc: {  	v36 =	vadd.f32 $1.000000000e+00, v30;
	vm5 =	vmneg vm5;
	v53 =	vsel vm14, $0x3, v31  }
0x1cd: {  	vm14 =	vgt.f32 v48, v26;
	v31 =	vsel vm4, v50, v63;
	vm4 =	vgt.f32 v45, v56  }
0x1ce: {  	(erf) = vrcp.f32 v36;
	vm14 =	vmand vm5, vm14;
	vm4 =	vmand vm1, vm4  }
0x1cf: {  	v41 =	vsel vm3, v31, v39;
	v31 =	vnsel vm3, $0x7, v44;
	v39 =	vsel vm2, v38, v40  }
0x1d0: {  	v26 =	vsel vm14, v48, v26;
	v37 =	vsel vm14, $0x6, v37;
	vm14 =	vgt.f32 v40, v20  }
0x1d1: {  	v36 =	vld [tilespmem:s5+$0x1C40];
	v43 =	vsel vm4, v45, v56;
	v61 =	vsel vm4, $0x5, v57;
	vm14 =	vmand vm2, vm14  }
0x1d2: {  	v55 =	vld [tilespmem:s5+$0x1850];
	v59 =	vsel vm1, v43, v52;
	v43 =	vsel vm5, v49, v48;
	v26 =	vsel vm5, v26, v49  }
0x1d3: {  	v37 =	vsel vm5, v37, v46;
	v48 =	vnsel vm1, $0x5, v35;
	v35 =	vsel vm1, v61, v35  }
0x1d4: {  	v49 =	vnsel vm2, $0x4, v0;
	v62 =	vsel vm14, v40, v20;
	v63 =	vsel vm14, $0x4, v60  }
0x1d5: {  	v20 =	vsel vm3, v34, v44;
	v44 =	vsel vm1, v52, v45;
	v45 =	vnsel vm5, $0x6, v46  }
0x1d6: {  	vm14 =	vgt.f32 v36, v43;
	vm15 =	vgt.f32 v36, v26;
	v38 =	vsel vm2, v62, v38  }
0x1d7: {  	v60 =	vld [tilespmem:s5+$0x1460];
	vm0 =	vgt.f32 v55, v44;
	v61 =	vsel vm2, v63, v0;
	vm1 =	vmneg vm14  }
0x1d8: {  	v62 =	vsel vm9, v53, v1;
	vm14 =	vgt.f32 v55, v59;
	v63 =	vld [tilespmem:$0x1FFF0];
	vm0 =	vmneg vm0  }
0x1d9: {  	v1 =	vnsel vm9, $0x3, v1;
	v53 =	vld [tilespmem:s5+$0x1C50];
	vm2 =	vmand vm1, vm15;
	vm3 =	vmand vm0, vm14  }
0x1da: {  	v26 =	vsel vm2, v36, v26;
	v37 =	vsel vm2, $0x7, v37;
	v52 =	vsel vm3, v55, v59  }
0x1db: {  	v0 =	vsel vm3, $0x6, v35;
	v56 =	vsel vm1, v26, v43;
	v43 =	vsel vm1, v43, v36  }
0x1dc: {  	v51 =	vld [tilespmem:s5+$0x1860];
	v35 =	vnsel vm1, $0x7, v45;
	v34 =	vsel vm1, v37, v45;
	v59 =	vsel vm0, v44, v55  }
0x1dd: {  	vm9 =	vgt.f32 v60, v39;
	vm14 =	vgt.f32 v60, v38;
	vm15 =	vnez.u8 v63  }
0x1de: {  	vm2 =	vmneg vm9;
	vm5 =	vgt.f32 v53, v59;
	v50 =	vsel vm15, $0x4, v62  }
0x1df: {  	vm3 =	vmand vm2, vm14;
	v57 =	vsel vm2, v39, v60;
	v62 =	vsel vm0, v0, v48  }
0x1e0: {  	v63 =	vnsel vm2, $0x5, v49;
	v0 =	vimm.s32 $0x1;
	v26 =	vsel vm3, v60, v38  }
0x1e1: {  	v58 =	vsel vm3, $0x5, v61;
	vm15 =	vgt.f32 v51, v57;
	v60 =	vsel vm0, v52, v44  }
0x1e2: {  	v61 =	vnsel vm0, $0x6, v48;
	v52 =	vsel vm8, v50, v1;
	vm0 =	vmneg vm5  }
0x1e3: {  	v1 =	vnsel vm8, $0x4, v1;
	v3 =	vshll.u32 v0, v3;
	v5 =	vshll.u32 v0, v5  }
0x1e4: {  	v2 =	vshll.u32 v0, v2;
	v44 =	vshll.u32 v6, $0x2;
	v48 =	vshll.u32 v11, $0x2  }
0x1e5: {  	v6 =	vsub.f32 v32, v33;
	v26 =	vsel vm2, v26, v39;
	v37 =	vsel vm2, v58, v49  }
0x1e6: {  	vm9 =	vgt.f32 v53, v60;
	v47 =	vsel vm13, $0x5, v52;
	vm1 =	vmneg vm15  }
0x1e7: {  	v54 =	vld [tilespmem:s5+$0x1C60];
	v38 =	vnsel vm0, $0x7, v61;
	v3 =	vadd.s32 v3, v5;
	v49 =	vshll.u32 v8, $0x2  }
0x1e8: {  	v52 =	vshll.u32 v13, $0x2;
	v8 =	vsub.f32 v41, v42;
	vm13 =	vgt.f32 v51, v26  }
0x1e9: {  	vm2 =	vmand vm0, vm9;
	v55 =	vsel vm1, v57, v51;
	v47 =	vsel vm10, v47, v1  }
0x1ea: {  	v1 =	vnsel vm10, $0x5, v1;
	v2 =	vadd.s32 v2, v3;
	v6 =	vmul.f32 $1.442695020e+00, v6  }
0x1eb: {  	vm3 =	vmand vm1, vm13;
	v39 =	vsel vm2, v53, v60;
	v45 =	vsel vm2, $0x7, v62  }
0x1ec: {  	vm14 =	vgt.f32 v54, v55;
	v58 =	vsel vm11, $0x6, v47;
	v60 =	vshll.u32 v7, $0x2  }
0x1ed: {  	v8 =	vmul.f32 $1.442695020e+00, v8;
	v26 =	vsel vm3, v51, v26;
	v37 =	vsel vm3, $0x6, v37  }
0x1ee: {  	v50 =	vsel vm0, v39, v59;
	v51 =	vsel vm0, v59, v53;
	v36 =	vsel vm0, v45, v61  }
0x1ef: {  	vm2 =	vmneg vm14;
	v59 =	vnsel vm6, $0x6, v1;
	v1 =	vsel vm6, v58, v1  }
0x1f0: {  	v61 =	vshll.u32 v4, $0x2;
	v62 =	vshll.u32 v0, v60;
	v53 =	vshll.u32 v10, $0x2  }
0x1f1: {  	v58 =	vshll.u32 v16, $0x2;
	v60 =	vsub.f32 v21, v22;
	v26 =	vsel vm1, v26, v57  }
0x1f2: {  	v57 =	vnsel vm1, $0x6, v63;
	v37 =	vsel vm1, v37, v63;
	v47 =	vsel vm2, v55, v54  }
0x1f3: {  	v2 =	vadd.s32 v62, v2;
	v3 =	vshll.u32 v0, v61;
	v63 =	vshll.u32 v9, $0x2  }
0x1f4: {  	v7 =	vnsel vm7, $0x7, v59;
	v61 =	vsub.f32 v28, v29;
	v9 =	vsub.f32 v56, v43  }
0x1f5: {  	v10 =	vsub.f32 v50, v51;
	vm15 =	vgt.f32 v54, v26;
	v39 =	vnsel vm2, $0x7, v57  }
0x1f6: {  	v2 =	vadd.s32 v3, v2;
	v4 =	vshll.u32 v0, v63;
	v3 =	vshll.u32 v0, v44  }
0x1f7: {  	[tilespmem:s5+$0x2870] =	vst v7;
	v7 =	vshll.u32 v7, $0x2;
	vm0 =	vmand vm2, vm15;
	v2 =	vadd.s32 v4, v2  }
0x1f8: {  	v4 =	vshll.u32 v0, v48;
	v5 =	vmul.f32 $1.442695020e+00, v61;
	v9 =	vmul.f32 $1.442695020e+00, v9  }
0x1f9: {  	v10 =	vmul.f32 $1.442695020e+00, v10;
	v7 =	vshll.u32 v0, v7;
	v26 =	vsel vm0, v54, v26  }
0x1fa: {  	v37 =	vsel vm0, $0x7, v37;
	v2 =	vadd.s32 v3, v2;
	v3 =	vshll.u32 v0, v49  }
0x1fb: {  	v54 =	vshll.u32 v14, $0x2;
	v46 =	vsel vm2, v26, v55;
	v2 =	vadd.s32 v4, v2  }
0x1fc: {  	v37 =	vsel vm2, v37, v57;
	v4 =	vshll.u32 v0, v52;
	v2 =	vadd.s32 v3, v2  }
0x1fd: {  	v26 =	vsel vm12, $0x7, v1;
	v3 =	vshll.u32 v0, v53;
	v2 =	vadd.s32 v4, v2  }
0x1fe: {  	v55 =	vshll.u32 v12, $0x2;
	v4 =	vshll.u32 v0, v54;
	v2 =	vadd.s32 v3, v2  }
0x1ff: {  	v57 =	vshll.u32 v15, $0x2;
	v3 =	vshll.u32 v0, v55;
	v2 =	vadd.s32 v4, v2  }
0x200: {  	v26 =	vsel vm7, v26, v59;
	v4 =	vshll.u32 v0, v57;
	v2 =	vadd.s32 v3, v2  }
0x201: {  	v59 =	vshll.u32 v17, $0x2;
	v3 =	vshll.u32 v0, v58;
	v2 =	vadd.s32 v4, v2  }
0x202: {  	v4 =	vmul.f32 $1.442695020e+00, v60;
	v2 =	vadd.s32 v3, v2;
	v3 =	vshll.u32 v0, v59  }
0x203: {  	v12 =	vsub.f32 v46, v47;
	v55 =	vimm.f32 $0.0e+00;
	v2 =	vadd.s32 v3, v2  }
0x204: {  	(erf) = vpow2.f32 v4;
	v11 =	vshrl.u32 v2, $0x4;
	v62 =	vshrl.u32 v2, $0x8  }
0x205: {  	(erf) = vpow2.f32 v5;
	v63 =	vshrl.u32 v2, $0xC;
	v13 =	vshrl.u32 v2, $0x10  }
0x206: {  	v15 =	vshrl.u32 v2, $0x1C;
	(erf) = vpow2.f32 v6;
	v6 =	vshrl.u32 v2, $0x14  }
0x207: {  	v11 =	vand.u32 $0xF, v11;
	v4 =	vand.u32 $0xF, v62;
	v5 =	vand.u32 $0xF, v63  }
0x208: {  	(erf) = vpow2.f32 v8;
	v8 =	vshrl.u32 v2, $0x18;
	v11 =	vcvt.s32.f32 v11  }
0x209: {  	v14 =	vcvt.s32.f32 v5;
	(erf) = vpow2.f32 v9;
	v9 =	vand.u32 $0xF, v2  }
0x20a: {  	v8 =	vand.u32 $0xF, v8;
	v57 =	vadd.f32 v11, v55;
	v58 =	vcvt.s32.f32 v9  }
0x20b: {  	v40 =	vpop (erf);
	v9 =	vcvt.s32.f32 v8;
	v8 =	vmul.f32 $1.442695020e+00, v12;
	v54 =	vadd.f32 v14, v55  }
0x20c: {  	v11 =	vmul.f32 v40, v30;
	(erf) = vpow2.f32 v10;
	v10 =	vshll.u32 v24, $0x2  }
0x20d: {  	v12 =	vshll.u32 v18, $0x2;
	(erf) = vpow2.f32 v8;
	v8 =	vshll.u32 v19, $0x2  }
0x20e: {  	[tilespmem:s5+$0x2C00] =	vst v18;
	v18 =	vshll.u32 v20, $0x2;
	v10 =	vshll.u32 v0, v10;
	v8 =	vshll.u32 v0, v8  }
0x20f: {  	v12 =	vshll.u32 v0, v12;
	v8 =	vadd.s32 v8, v10;
	v10 =	vshll.u32 v27, $0x2  }
0x210: {  	[tilespmem:s5+$0x2470] =	vst v11;
	v11 =	vshll.u32 v23, $0x2;
	v8 =	vadd.s32 v12, v8;
	v10 =	vshll.u32 v0, v10  }
0x211: {  	v8 =	vadd.s32 v10, v8;
	v10 =	vshll.u32 v0, v11;
	v11 =	vshll.u32 v31, $0x2  }
0x212: {  	v8 =	vadd.s32 v10, v8;
	v10 =	vshll.u32 v25, $0x2;
	v11 =	vshll.u32 v0, v11  }
0x213: {  	v12 =	vpop (erf);
	v10 =	vshll.u32 v0, v10;
	v8 =	vadd.s32 v11, v8;
	v11 =	vshll.u32 v35, $0x2  }
0x214: {  	[tilespmem:s5+$0x2800] =	vst v19;
	v14 =	vpop (erf);
	v8 =	vadd.s32 v10, v8;
	v10 =	vshll.u32 v0, v11;
	v11 =	vadd.f32 $1.000000000e+00, v12  }
0x215: {  	[tilespmem:s5+$0x2810] =	vst v24;
	v18 =	vshll.u32 v0, v18;
	v17 =	vpop (erf);
	v8 =	vadd.s32 v10, v8;
	v10 =	vadd.f32 $1.000000000e+00, v14  }
0x216: {  	[tilespmem:s5+$0x2820] =	vst v27;
	v22 =	vpop (erf);
	(erf) = vrcp.f32 v11;
	v11 =	vadd.f32 $1.000000000e+00, v17;
	v8 =	vadd.s32 v18, v8  }
0x217: {  	[tilespmem:s5+$0x2C10] =	vst v23;
	v23 =	vpop (erf);
	v18 =	vshll.u32 v38, $0x2;
	(erf) = vrcp.f32 v10;
	v10 =	vadd.f32 $1.000000000e+00, v22  }
0x218: {  	[tilespmem:s5+$0x2C20] =	vst v25;
	v29 =	vpop (erf);
	v18 =	vshll.u32 v0, v18;
	(erf) = vrcp.f32 v11;
	v11 =	vadd.f32 $1.000000000e+00, v23  }
0x219: {  	[tilespmem:s5+$0x2830] =	vst v31;
	v21 =	vpop (erf);
	v8 =	vadd.s32 v18, v8;
	(erf) = vrcp.f32 v10;
	v10 =	vshll.u32 v34, $0x2  }
0x21a: {  	[tilespmem:s5+$0x2C30] =	vst v20;
	v10 =	vshll.u32 v0, v10;
	(erf) = vrcp.f32 v11;
	v11 =	vshll.u32 v39, $0x2  }
0x21b: {  	[tilespmem:s5+$0x2070] =	vst v40;
	v8 =	vadd.s32 v10, v8;
	v10 =	vshll.u32 v0, v11;
	v11 =	vshll.u32 v36, $0x2  }
0x21c: {  	[tilespmem:s5+$0x2840] =	vst v35;
	v8 =	vadd.s32 v10, v8;
	v10 =	vshll.u32 v0, v11;
	v11 =	vshll.u32 v37, $0x2  }
0x21d: {  	[tilespmem:s5+$0x2C40] =	vst v34;
	v13 =	vand.u32 $0xF, v13;
	v61 =	vcvt.s32.f32 v15;
	v6 =	vand.u32 $0xF, v6  }
0x21e: {  	[tilespmem:s5+$0x2850] =	vst v38;
	v4 =	vcvt.s32.f32 v4;
	v13 =	vcvt.s32.f32 v13;
	v18 =	vadd.f32 $1.000000000e+00, v29  }
0x21f: {  	[tilespmem:s5+$0x2C50] =	vst v36;
	v19 =	vadd.f32 $1.000000000e+00, v21;
	v8 =	vadd.s32 v10, v8;
	v10 =	vshll.u32 v0, v11;
	v11 =	vpop (erf)  }
0x220: {  	(erf) = vrcp.f32 v18;
	[tilespmem:s5+$0x2000] =	vst v11;
	v11 =	vmul.f32 v11, v12;
	v12 =	vshll.u32 v26, $0x2  }
0x221: {  	[tilespmem:s5+$0x2860] =	vst v39;
	v16 =	vcvt.s32.f32 v6;
	v56 =	vadd.f32 v4, v55;
	(erf) = vrcp.f32 v19  }
0x222: {  	[tilespmem:s5+$0x2C60] =	vst v37;
	v59 =	vadd.f32 v13, v55;
	v62 =	vadd.f32 v9, v55;
	v7 =	vadd.s32 v7, v8;
	v8 =	vpop (erf)  }
0x223: {  	v10 =	vadd.s32 v10, v7;
	[tilespmem:s5+$0x2010] =	vst v8;
	v14 =	vmul.f32 v8, v14;
	v8 =	vshll.u32 v0, v12;
	v12 =	vpop (erf)  }
0x224: {  	v9 =	vimm.f32 $0.0e+00;
	[tilespmem:s5+$0x2400] =	vst v11;
	v24 =	vadd.s32 v8, v10;
	v11 =	vmul.f32 v12, v17  }
0x225: {  	v8 =	vadd.f32 v16, v55;
	[tilespmem:s5+$0x2410] =	vst v14;
	v13 =	vshrl.u32 v24, $0x4;
	v14 =	vshrl.u32 v24, $0x8  }
0x226: {  	v15 =	vshrl.u32 v24, $0xC;
	v25 =	vshrl.u32 v24, $0x14;
	[tilespmem:s5+$0x2420] =	vst v11;
	v11 =	vshrl.u32 v24, $0x10  }
0x227: {  	v27 =	vshrl.u32 v24, $0x18;
	v60 =	vshrl.u32 v24, $0x1C;
	v17 =	vpop (erf);
	[tilespmem:s5+$0x2020] =	vst v12;
	v20 =	vand.u32 $0xF, v13  }
0x228: {  	v19 =	vand.u32 $0xF, v14;
	v18 =	vand.u32 $0xF, v15;
	v13 =	vand.u32 $0xF, v25;
	v12 =	vpop (erf);
	[tilespmem:s5+$0x2030] =	vst v17  }
0x229: {  	s11 =	simm.s32 $0x100;
	s10 =	simm.s32 $0x600;
	s9 =	sadd.s32 $0x4C00, s6;
	v15 =	vand.u32 $0xF, v27;
	v27 =	vmul.f32 v17, v22;
	[tilespmem:s5+$0x2040] =	vst v12;
	v16 =	vand.u32 $0xF, v11;
	v11 =	vpop (erf)  }
0x22a: {  	s7 =	sadd.s32 $0x5C00, s6;
	s8 =	sadd.s32 $0x5400, s6;
	s6 =	sadd.s32 $0x6400, s6;
	v17 =	vand.u32 $0xF, v24;
	v28 =	vmul.f32 v12, v23;
	v25 =	vld [tilespmem:s11+$0x70];
	v24 =	vpop (erf);
	[tilespmem:s5+$0x2050] =	vst v11;
	v22 =	vmul.f32 v11, v29  }
.LBB2_1:
0x22b: {  	v12 =	vmul.f32 v24, v21  }
0x22c: {  	v21 =	vcvt.s32.f32 v20;
	v19 =	vcvt.s32.f32 v19  }
0x22d: {  	v10 =	vcvt.s32.f32 v16;
	v0 =	vcvt.s32.f32 v13  }
0x22e: {  	v4 =	vcvt.s32.f32 v17;
	v5 =	vcvt.s32.f32 v15  }
0x22f: {  	v32 =	vcvt.s32.f32 v60;
	v34 =	vimm.s32 $0x0;
	v35 =	vimm.s32 $0x0  }
0x230: {  	v36 =	vimm.s32 $0x0;
	v37 =	vimm.s32 $0x0;
	v38 =	vimm.s32 $0x0  }
0x231: {  	v39 =	vimm.s32 $0x0;
	v40 =	vimm.s32 $0x0;
	v41 =	vimm.s32 $0x0  }
0x232: {  	v42 =	vimm.s32 $0x0;
	v43 =	vimm.s32 $0x0;
	v44 =	vimm.s32 $0x0  }
0x233: {  	v45 =	vimm.s32 $0x0;
	v46 =	vimm.s32 $0x0;
	v47 =	vimm.s32 $0x0;
	[tilespmem:$0x1FBB0] =	vst v8  }
0x234: {  	v23 =	vld [tilespmem:s11+$0x470];
	v48 =	vimm.s32 $0x0;
	v49 =	vimm.s32 $0x0;
	v50 =	vimm.s32 $0x0;
	[tilespmem:s5+$0x2430] =	vst v27  }
0x235: {  	v51 =	vimm.s32 $0x0;
	v52 =	vimm.s32 $0x0;
	v53 =	vimm.s32 $0x0;
	v20 =	vld [tilespmem:s11+$0x0];
	[tilespmem:s5+$0x2440] =	vst v28  }
0x236: {  	v27 =	vcvt.s32.f32 v18;
	v8 =	vimm.s32 $0x0;
	v7 =	vadd.f32 v21, v57;
	[tilespmem:$0x1F730] =	vst v4  }
0x237: {  	v11 =	vadd.f32 v19, v56;
	[tilespmem:$0x1FE60] =	vst v5;
	v1 =	vadd.f32 v10, v59;
	v56 =	vimm.s32 $0x0  }
0x238: {  	v57 =	vimm.s32 $0x0;
	v59 =	vimm.s32 $0x0;
	v4 =	vimm.s32 $0x0;
	v18 =	vld [tilespmem:s11+$0x400];
	[tilespmem:s5+$0x2450] =	vst v22  }
0x239: {  	v5 =	vimm.s32 $0x0;
	v14 =	vadd.f32 v27, v54;
	v54 =	vimm.s32 $0x0;
	v16 =	vld [tilespmem:s11+$0x10];
	[tilespmem:s5+$0x2460] =	vst v12  }
0x23a: {  	v55 =	vadd.f32 v58, v55;
	v9 =	vadd.f32 v61, v9;
	v58 =	vimm.s32 $0x0;
	v15 =	vld [tilespmem:s11+$0x870];
	[tilespmem:s5+$0x2060] =	vst v24  }
0x23b: {  	vm0 =	vgt.f32 v23, v25;
	vm1 =	vlt.f32 v23, $-Inf;
	vm2 =	vgt.f32 v23, $-Inf;
	v22 =	vld [tilespmem:s11+$0x410];
	[tilespmem:s5+$0x2C70] =	vst v26;
	s5 =	smov.u32 s11  }
0x23c: {  	v61 =	vimm.s32 $0x0;
	vm3 =	vmneg vm0;
	vm2 =	vmor vm2, vm1;
	v17 =	vld [tilespmem:s5+$0x20]  }
0x23d: {  	[tilespmem:$0x1FE50] =	vst v0;
	v33 =	vsel vm0, $0x1, v8;
	v24 =	vld [tilespmem:s5+$0x420];
	vm5 =	vmand vm3, vm2;
	v21 =	vsel vm3, v25, v23  }
0x23e: {  	[tilespmem:$0x1F740] =	vst v32;
	v26 =	vld [tilespmem:s5+$0x430];
	vm4 =	vgt.f32 v18, v20;
	vm1 =	vlt.f32 v18, $-Inf;
	vm2 =	vgt.f32 v18, $-Inf  }
0x23f: {  	[tilespmem:$0x1FC70] =	vst v33;
	v32 =	vld [tilespmem:s5+$0x60];
	v19 =	vnsel vm5, $0xFF800000, v23;
	v0 =	vsel vm4, $0xFFFFFFFF, v34;
	vm6 =	vmneg vm4  }
0x240: {  	v33 =	vld [tilespmem:s5+$0x460];
	v19 =	vsel vm3, v19, v25;
	[tilespmem:$0x1F7A0] =	vst v0;
	v0 =	vsel vm5, $0xFFFFFFFF, v35;
	vm7 =	vgt.f32 v15, v21  }
0x241: {  	vm8 =	vgt.f32 v15, v19;
	[tilespmem:$0x1FB90] =	vst v0;
	v0 =	vsel vm6, $0xFFFFFFFF, v36;
	vm12 =	vgt.f32 v22, v16  }
0x242: {  	v23 =	vld [tilespmem:s5+$0x30];
	vm6 =	vmneg vm7;
	vm13 =	vlt.f32 v22, $-Inf;
	vm4 =	vgt.f32 v22, $-Inf  }
0x243: {  	v30 =	vld [tilespmem:s5+$0xC70];
	[tilespmem:$0x1F6D0] =	vst v0;
	v0 =	vsel vm12, $0xFFFFFFFF, v37;
	vm0 =	vmand vm6, vm8;
	vm10 =	vgt.f32 v24, v17  }
0x244: {  	v28 =	vld [tilespmem:s5+$0x440];
	vm9 =	vlt.f32 v24, $-Inf;
	vm14 =	vgt.f32 v24, $-Inf;
	vm3 =	vlt.f32 v26, $-Inf  }
0x245: {  	v25 =	vld [tilespmem:s5+$0x40];
	vm8 =	vmor vm2, vm1;
	vm2 =	vgt.f32 v33, v32;
	v37 =	vimm.s32 $0x0  }
0x246: {  	[tilespmem:$0x1F7F0] =	vst v0;
	v0 =	vsel vm6, $0xFFFFFFFF, v38;
	v19 =	vsel vm0, v15, v19;
	v15 =	vsel vm6, v21, v15  }
0x247: {  	v31 =	vld [tilespmem:s5+$0x1070];
	vm5 =	vgt.f32 v26, v23;
	[tilespmem:$0x1FC80] =	vst v0;
	v0 =	vsel vm0, $0xFFFFFFFF, v39;
	v19 =	vsel vm6, v19, v21  }
0x248: {  	vm11 =	vgt.f32 v30, v15;
	vm6 =	vgt.f32 v26, $-Inf;
	[tilespmem:$0x1FC00] =	vst v0;
	v0 =	vsel vm10, $0xFFFFFFFF, v40  }
0x249: {  	v29 =	vld [tilespmem:s5+$0x450];
	vm15 =	vgt.f32 v30, v19;
	[tilespmem:$0x1F8A0] =	vst v0;
	v0 =	vsel vm9, $0xFFFFFFFF, v41;
	vm9 =	vmneg vm11  }
0x24a: {  	v27 =	vld [tilespmem:s5+$0x50];
	vm7 =	vgt.f32 v28, v25;
	[tilespmem:$0x1F680] =	vst v0;
	v0 =	vsel vm9, $0xFFFFFFFF, v42;
	vm0 =	vmand vm9, vm15  }
0x24b: {  	v21 =	vsel vm9, v15, v30;
	[tilespmem:$0x1FD20] =	vst v0;
	v0 =	vsel vm5, $0xFFFFFFFF, v43;
	v19 =	vsel vm0, v30, v19  }
0x24c: {  	v30 =	vld [tilespmem:s5+$0x1470];
	vm11 =	vgt.f32 v31, v21;
	[tilespmem:$0x1F940] =	vst v0;
	v0 =	vsel vm0, $0xFFFFFFFF, v44;
	v19 =	vsel vm9, v19, v15  }
0x24d: {  	vm1 =	vmneg vm11;
	vm9 =	vlt.f32 v28, $-Inf;
	[tilespmem:$0x1FCC0] =	vst v0;
	v0 =	vsel vm8, $0xFFFFFFFF, v45  }
0x24e: {  	vm11 =	vlt.f32 v29, $-Inf;
	vm15 =	vgt.f32 v31, v19;
	[tilespmem:$0x1F6E0] =	vst v0;
	v0 =	vsel vm7, $0xFFFFFFFF, v46  }
0x24f: {  	v60 =	vld [tilespmem:$0x1F680];
	vm8 =	vgt.f32 v29, v27;
	vm0 =	vmand vm1, vm15;
	[tilespmem:$0x1FA00] =	vst v0;
	v0 =	vsel vm1, $0xFFFFFFFF, v47  }
0x250: {  	v34 =	vsel vm0, v31, v19;
	v31 =	vsel vm1, v21, v31;
	[tilespmem:$0x1FDA0] =	vst v0;
	v0 =	vsel vm9, $0xFFFFFFFF, v48  }
0x251: {  	vm9 =	vgt.f32 v28, $-Inf;
	v34 =	vsel vm1, v34, v21;
	vm15 =	vgt.f32 v30, v31  }
0x252: {  	[tilespmem:$0x1F690] =	vst v0;
	v0 =	vsel vm0, $0xFFFFFFFF, v49;
	vm1 =	vmneg vm15;
	vm15 =	vgt.f32 v30, v34  }
0x253: {  	v49 =	vimm.s32 $0x0;
	[tilespmem:$0x1FD50] =	vst v0;
	v0 =	vsel vm8, $0xFFFFFFFF, v50;
	vm0 =	vmand vm1, vm15  }
0x254: {  	vm15 =	vmneg vm12;
	vm12 =	vnez.u8 v60;
	v60 =	vimm.s32 $0x0  }
0x255: {  	v35 =	vld [tilespmem:s5+$0x1870];
	[tilespmem:$0x1FAD0] =	vst v0;
	v0 =	vsel vm11, $0xFFFFFFFF, v51;
	vm11 =	vgt.f32 v29, $-Inf;
	v34 =	vsel vm0, v30, v34  }
0x256: {  	v30 =	vsel vm1, v31, v30;
	vm14 =	vmor vm14, vm12;
	[tilespmem:$0x1F6A0] =	vst v0;
	v0 =	vsel vm11, $0xFFFFFFFF, v52  }
0x257: {  	vm12 =	vmneg vm5;
	vm5 =	vmneg vm7;
	[tilespmem:$0x1F6B0] =	vst v0;
	v0 =	vsel vm1, $0xFFFFFFFF, v53  }
0x258: {  	v41 =	vld [tilespmem:$0x1F6D0];
	vm11 =	vlt.f32 v33, $-Inf;
	v31 =	vsel vm1, v34, v31;
	[tilespmem:$0x1FDF0] =	vst v0;
	v0 =	vsel vm2, $0xFFFFFFFF, v54  }
0x259: {  	[tilespmem:$0x1FBA0] =	vst v0;
	v0 =	vsel vm11, $0xFFFFFFFF, v56;
	vm11 =	vgt.f32 v33, $-Inf;
	v56 =	vimm.s32 $0x0  }
0x25a: {  	v36 =	vld [tilespmem:s5+$0x1C70];
	[tilespmem:$0x1F6C0] =	vst v0;
	v0 =	vsel vm0, $0xFFFFFFFF, v57;
	vm0 =	vgt.f32 v35, v30;
	v57 =	vimm.s32 $0x0  }
0x25b: {  	v42 =	vld [tilespmem:$0x1F6E0];
	[tilespmem:$0x1FDC0] =	vst v0;
	v0 =	vsel vm15, $0xFFFFFFFF, v58;
	vm15 =	vmor vm4, vm13;
	vm0 =	vmneg vm0  }
0x25c: {  	vm4 =	vgt.f32 v35, v31;
	vm13 =	vmneg vm10;
	vm10 =	vmor vm6, vm3  }
0x25d: {  	v39 =	vld [tilespmem:$0x1F6B0];
	vm3 =	vnez.u8 v41;
	[tilespmem:$0x1F6F0] =	vst v0;
	v0 =	vsel vm0, $0xFFFFFFFF, v59;
	vm4 =	vmand vm0, vm4  }
0x25e: {  	v63 =	vsel vm0, v30, v35;
	vm14 =	vmand vm13, vm14;
	v59 =	vimm.s32 $0x0  }
0x25f: {  	[tilespmem:$0x1FE10] =	vst v0;
	v0 =	vsel vm4, $0xFFFFFFFF, v61;
	v31 =	vsel vm4, v35, v31;
	vm1 =	vgt.f32 v36, v63;
	v35 =	vld [tilespmem:$0x1F690]  }
0x260: {  	vm4 =	vnez.u8 v42;
	v54 =	vld [tilespmem:$0x1F6F0];
	v61 =	vimm.s32 $0x0;
	v30 =	vsel vm0, v31, v30  }
0x261: {  	[tilespmem:$0x1FE00] =	vst v0;
	v0 =	vsel vm10, $0xFFFFFFFF, v4;
	vm0 =	vmneg vm1;
	vm7 =	vgt.f32 v36, v30  }
0x262: {  	v38 =	vld [tilespmem:$0x1F6A0];
	vm10 =	vnez.u8 v39;
	[tilespmem:$0x1F700] =	vst v0;
	v0 =	vsel vm0, $0xFFFFFFFF, v5;
	vm1 =	vmand vm0, vm7  }
0x263: {  	v31 =	vsel vm0, v63, v36;
	vm7 =	vmneg vm2;
	v30 =	vsel vm1, v36, v30  }
0x264: {  	v40 =	vld [tilespmem:$0x1F6C0];
	[tilespmem:$0x1FE30] =	vst v0;
	v0 =	vsel vm1, $0xFFFFFFFF, v37;
	vm6 =	vnez.u8 v35;
	v30 =	vsel vm0, v30, v63  }
0x265: {  	vm0 =	vmand vm3, vm4;
	vm4 =	vnez.u8 v54;
	v63 =	vimm.s32 $0x0  }
0x266: {  	v15 =	vld [tilespmem:s5+$0x800];
	v35 =	vimm.s32 $0x0;
	vm9 =	vmor vm9, vm6;
	vm6 =	vmneg vm8  }
0x267: {  	v58 =	vld [tilespmem:$0x1F700];
	[tilespmem:$0x1FE40] =	vst v0;
	vm8 =	vnez.u8 v38;
	v0 =	vsel vm0, $0xFFFFFFFF, v49;
	vm15 =	vmand vm4, vm15  }
0x268: {  	v30 =	vsub.f32 v30, v31;
	v31 =	vnsel vm0, $0xFF800000, v18;
	v18 =	vsel vm3, v20, v18  }
0x269: {  	vm10 =	vmor vm10, vm8;
	vm8 =	vnez.u8 v40;
	[tilespmem:$0x1F790] =	vst v0;
	v0 =	vsel vm15, $0xFFFFFFFF, v56  }
0x26a: {  	v13 =	vmovc v62;
	vm2 =	vmand vm5, vm9;
	v34 =	vnsel vm15, $0xFF800000, v22;
	v62 =	vsel vm6, v27, v29  }
0x26b: {  	v19 =	vld [tilespmem:s5+$0x810];
	v20 =	vsel vm3, v31, v20;
	vm0 =	vgt.f32 v15, v18;
	vm11 =	vmor vm11, vm8  }
0x26c: {  	[tilespmem:$0x1F7D0] =	vst v0;
	v0 =	vsel vm14, $0xFFFFFFFF, v57;
	vm8 =	vnez.u8 v58;
	vm1 =	vmand vm6, vm10  }
0x26d: {  	v52 =	vld [tilespmem:s5+$0x850];
	v30 =	vmul.f32 $1.442695020e+00, v30;
	v3 =	vnsel vm2, $0xFF800000, v28;
	v58 =	vsel vm4, v16, v22  }
0x26e: {  	v51 =	vld [tilespmem:s5+$0x840];
	v16 =	vsel vm4, v34, v16;
	v57 =	vimm.s32 $0x0;
	vm8 =	vmand vm12, vm8  }
0x26f: {  	v21 =	vld [tilespmem:s5+$0x820];
	vm9 =	vmand vm7, vm11;
	v4 =	vnsel vm1, $0xFF800000, v29;
	v54 =	vsel vm5, v3, v25  }
0x270: {  	[tilespmem:$0x1F860] =	vst v0;
	vm4 =	vgt.f32 v19, v16;
	v3 =	vimm.s32 $0x0;
	v0 =	vsel vm8, $0xFFFFFFFF, v59  }
0x271: {  	v50 =	vld [tilespmem:s5+$0x830];
	v2 =	vnsel vm8, $0xFF800000, v26;
	(erf) = vpow2.f32 v30;
	v5 =	vnsel vm9, $0xFF800000, v33  }
0x272: {  	v12 =	vmovc v55;
	v53 =	vld [tilespmem:s5+$0x860];
	v59 =	vsel vm13, v17, v24;
	v55 =	vsel vm6, v4, v27;
	vm6 =	vgt.f32 v52, v62  }
0x273: {  	vm11 =	vgt.f32 v51, v54;
	vm8 =	vmneg vm0;
	[tilespmem:$0x1F8E0] =	vst v0;
	v0 =	vsel vm2, $0xFFFFFFFF, v60  }
0x274: {  	v60 =	vsel vm12, v23, v26;
	v56 =	vsel vm7, v5, v32;
	vm2 =	vgt.f32 v21, v59  }
0x275: {  	v5 =	vimm.s32 $0x0;
	[tilespmem:$0x1F980] =	vst v0;
	v0 =	vsel vm1, $0xFFFFFFFF, v61;
	v61 =	vsel vm5, v25, v28  }
0x276: {  	v28 =	vsel vm12, v2, v23;
	vm1 =	vgt.f32 v19, v58;
	vm3 =	vgt.f32 v50, v60  }
0x277: {  	vm12 =	vgt.f32 v52, v55;
	vm10 =	vgt.f32 v53, v56;
	[tilespmem:$0x1FA60] =	vst v0;
	v0 =	vsel vm9, $0xFFFFFFFF, v63  }
0x278: {  	v2 =	vimm.s32 $0x0;
	[tilespmem:$0x1FB20] =	vst v0;
	v0 =	vnsel vm14, $0xFF800000, v24;
	vm14 =	vgt.f32 v15, v20  }
0x279: {  	v63 =	vsel vm7, v32, v33;
	v17 =	vsel vm13, v0, v17;
	v0 =	vsel vm14, $0xFFFFFFFF, v35  }
0x27a: {  	vm9 =	vgt.f32 v51, v61;
	vm15 =	vgt.f32 v50, v28;
	v2 =	vsel vm8, $0xFFFFFFFF, v2;
	[tilespmem:$0x1F710] =	vst v0  }
0x27b: {  	vm7 =	vgt.f32 v53, v63;
	vm9 =	vmneg vm9;
	[tilespmem:$0x1F7C0] =	vst v2;
	v2 =	vsel vm8, v18, v15;
	v4 =	vld [tilespmem:$0x1F710]  }
0x27c: {  	vm14 =	vmneg vm2;
	vm13 =	vmneg vm3;
	vm2 =	vmneg vm6  }
0x27d: {  	vm3 =	vmneg vm7;
	v0 =	vsel vm15, $0xFFFFFFFF, v57;
	vm15 =	vmneg vm1;
	v57 =	vpop (erf)  }
0x27e: {  	vm0 =	vmand vm15, vm4;
	v3 =	vsel vm15, $0xFFFFFFFF, v3;
	v24 =	vadd.f32 $1.000000000e+00, v57  }
0x27f: {  	vm5 =	vgt.f32 v21, v17;
	v6 =	vsel vm0, v19, v16;
	[tilespmem:$0x1F840] =	vst v3;
	v3 =	vsel vm15, v58, v19  }
0x280: {  	v6 =	vsel vm15, v6, v58;
	(erf) = vrcp.f32 v24;
	vm7 =	vnez.u8 v4  }
0x281: {  	v44 =	vld [tilespmem:s5+$0xC10];
	v4 =	vimm.s32 $0x0;
	vm1 =	vmand vm8, vm7;
	vm7 =	vmand vm14, vm5  }
0x282: {  	vm5 =	vmand vm9, vm11;
	vm11 =	vmand vm2, vm12;
	vm12 =	vmand vm3, vm10  }
0x283: {  	v48 =	vld [tilespmem:s5+$0xC50];
	[tilespmem:$0x1F720] =	vst v0;
	v0 =	vsel vm1, $0xFFFFFFFF, v5;
	v5 =	vimm.s32 $0x0;
	v20 =	vsel vm1, v15, v20  }
0x284: {  	v10 =	vsel vm7, v21, v17;
	v54 =	vsel vm5, v51, v54;
	[tilespmem:$0x1F7B0] =	vst v0;
	v0 =	vsel vm0, $0xFFFFFFFF, v4;
	v4 =	vld [tilespmem:$0x1F720]  }
0x285: {  	v55 =	vsel vm11, v52, v55;
	v56 =	vsel vm12, v53, v56;
	v51 =	vsel vm9, v61, v51  }
0x286: {  	v49 =	vld [tilespmem:s5+$0xC60];
	v52 =	vsel vm2, v62, v52;
	v53 =	vsel vm3, v63, v53;
	vm1 =	vgt.f32 v44, v3  }
0x287: {  	v10 =	vsel vm14, v10, v59;
	v54 =	vsel vm9, v54, v61;
	v55 =	vsel vm2, v55, v62  }
0x288: {  	v43 =	vld [tilespmem:s5+$0xC00];
	v56 =	vsel vm3, v56, v63;
	vm15 =	vgt.f32 v48, v52;
	v62 =	vimm.s32 $0x0  }
0x289: {  	vm0 =	vgt.f32 v44, v6;
	v63 =	vimm.s32 $0x0;
	vm4 =	vnez.u8 v4  }
0x28a: {  	v47 =	vld [tilespmem:s5+$0xC40];
	[tilespmem:$0x1F800] =	vst v0;
	v0 =	vsel vm7, $0xFFFFFFFF, v5;
	v5 =	vimm.s32 $0x0;
	vm6 =	vmand vm13, vm4  }
0x28b: {  	vm7 =	vgt.f32 v49, v53;
	[tilespmem:$0x1F890] =	vst v0;
	v4 =	vimm.s32 $0x0;
	v0 =	vsel vm6, $0xFFFFFFFF, v5  }
0x28c: {  	vm10 =	vgt.f32 v49, v56;
	v5 =	vimm.s32 $0x0;
	[tilespmem:$0x1F920] =	vst v0;
	v0 =	vsel vm5, $0xFFFFFFFF, v4  }
0x28d: {  	v45 =	vld [tilespmem:s5+$0xC20];
	vm4 =	vgt.f32 v43, v2;
	v4 =	vimm.s32 $0x0;
	[tilespmem:$0x1F9E0] =	vst v0;
	v0 =	vsel vm11, $0xFFFFFFFF, v5  }
0x28e: {  	v46 =	vld [tilespmem:s5+$0xC30];
	v5 =	vimm.s32 $0x0;
	[tilespmem:$0x1FAC0] =	vst v0;
	v0 =	vsel vm2, $0xFFFFFFFF, v4;
	v4 =	vimm.s32 $0x0  }
0x28f: {  	vm5 =	vgt.f32 v47, v51;
	[tilespmem:$0x1FB10] =	vst v0;
	v0 =	vsel vm12, $0xFFFFFFFF, v5;
	v4 =	vsel vm14, $0xFFFFFFFF, v4  }
0x290: {  	v5 =	vimm.s32 $0x0;
	vm12 =	vgt.f32 v47, v54;
	[tilespmem:$0x1FB80] =	vst v0;
	v0 =	vsel vm6, v50, v28  }
0x291: {  	[tilespmem:$0x1F8D0] =	vst v4;
	v4 =	vsel vm14, v59, v21;
	v5 =	vsel vm13, $0xFFFFFFFF, v5;
	v50 =	vsel vm13, v60, v50  }
0x292: {  	v59 =	vmovc v1;
	v1 =	vsel vm15, $0xFFFFFFFF, v62;
	vm6 =	vgt.f32 v45, v10;
	v62 =	vimm.s32 $0x0  }
0x293: {  	[tilespmem:$0x1F970] =	vst v5;
	v5 =	vimm.s32 $0x0;
	v0 =	vsel vm13, v0, v60;
	vm14 =	vgt.f32 v46, v50  }
0x294: {  	vm13 =	vgt.f32 v48, v55;
	v5 =	vsel vm9, $0xFFFFFFFF, v5;
	vm11 =	vgt.f32 v46, v0  }
0x295: {  	vm9 =	vmneg vm4;
	vm4 =	vmneg vm1;
	vm14 =	vmneg vm14  }
0x296: {  	vm1 =	vmneg vm7;
	[tilespmem:$0x1FA40] =	vst v5;
	v5 =	vimm.s32 $0x0;
	vm0 =	vmand vm4, vm0  }
0x297: {  	vm10 =	vmand vm1, vm10;
	v5 =	vsel vm3, $0xFFFFFFFF, v5;
	vm3 =	vgt.f32 v45, v4  }
0x298: {  	v6 =	vsel vm0, v44, v6;
	v44 =	vsel vm4, v3, v44;
	v56 =	vsel vm10, v49, v56  }
0x299: {  	[tilespmem:$0x1FBF0] =	vst v5;
	v5 =	vsel vm8, v20, v18;
	v20 =	vpop (erf);
	vm15 =	vmneg vm3;
	vm3 =	vmneg vm5  }
0x29a: {  	v3 =	vsel vm4, v6, v3;
	v60 =	vmul.f32 v20, v57;
	vm2 =	vgt.f32 v43, v5  }
0x29b: {  	v36 =	vld [tilespmem:s5+$0x1000];
	vm7 =	vmand vm15, vm6;
	vm6 =	vmand vm14, vm11;
	vm8 =	vmand vm9, vm2  }
0x29c: {  	v37 =	vld [tilespmem:s5+$0x1010];
	[tilespmem:$0x1F750] =	vst v1;
	v10 =	vsel vm7, v45, v10;
	v0 =	vsel vm6, v46, v0;
	v45 =	vsel vm15, v4, v45  }
0x29d: {  	v46 =	vsel vm14, v50, v46;
	[tilespmem:s5+$0x2470] =	vst v60;
	v1 =	vsel vm8, $0xFFFFFFFF, v63;
	v60 =	vld [tilespmem:$0x1F750];
	v63 =	vimm.s32 $0x0  }
0x29e: {  	v38 =	vld [tilespmem:s5+$0x1020];
	v5 =	vsel vm8, v43, v5;
	vm8 =	vmmov vm9;
	v43 =	vsel vm9, v2, v43  }
0x29f: {  	v4 =	vsel vm15, v10, v4;
	v0 =	vsel vm14, v0, v50;
	v50 =	vimm.s32 $0x0  }
0x2a0: {  	[tilespmem:$0x1F7E0] =	vst v1;
	v1 =	vsel vm0, $0xFFFFFFFF, v62;
	v62 =	vimm.s32 $0x0;
	v2 =	vsel vm8, v5, v2  }
0x2a1: {  	vm0 =	vgt.f32 v36, v43;
	vm8 =	vgt.f32 v37, v3;
	[tilespmem:$0x1F880] =	vst v1;
	v1 =	vsel vm7, $0xFFFFFFFF, v63  }
0x2a2: {  	v63 =	vimm.s32 $0x0;
	vm5 =	vnez.u8 v60;
	v60 =	vimm.s32 $0x0  }
0x2a3: {  	v41 =	vld [tilespmem:s5+$0x1050];
	vm7 =	vgt.f32 v38, v4;
	[tilespmem:$0x1F910] =	vst v1;
	vm2 =	vmneg vm5;
	v1 =	vsel vm6, $0xFFFFFFFF, v60  }
0x2a4: {  	v40 =	vld [tilespmem:s5+$0x1040];
	vm5 =	vmand vm3, vm12;
	vm12 =	vmmov vm3;
	v60 =	vimm.s32 $0x0  }
0x2a5: {  	v39 =	vld [tilespmem:s5+$0x1030];
	vm3 =	vgt.f32 v38, v45;
	[tilespmem:$0x1F9D0] =	vst v1;
	v1 =	vsel vm5, $0xFFFFFFFF, v62;
	vm13 =	vmand vm2, vm13  }
0x2a6: {  	v62 =	vimm.s32 $0x0;
	v54 =	vsel vm5, v47, v54;
	v47 =	vsel vm12, v51, v47  }
0x2a7: {  	v42 =	vld [tilespmem:s5+$0x1060];
	v5 =	vsel vm2, v52, v48;
	[tilespmem:$0x1FAB0] =	vst v1;
	v1 =	vsel vm13, $0xFFFFFFFF, v63;
	v55 =	vsel vm13, v48, v55  }
0x2a8: {  	v63 =	vimm.s32 $0x0;
	v48 =	vsel vm1, v53, v49;
	v6 =	vsel vm12, v54, v51  }
0x2a9: {  	v49 =	vsel vm1, v56, v53;
	vm5 =	vgt.f32 v40, v47;
	vm6 =	vgt.f32 v41, v5  }
0x2aa: {  	vm13 =	vgt.f32 v39, v0;
	v51 =	vimm.s32 $0x0;
	v53 =	vimm.s32 $0x0  }
0x2ab: {  	[tilespmem:$0x1FB70] =	vst v1;
	v1 =	vsel vm10, $0xFFFFFFFF, v60;
	v60 =	vimm.s32 $0x0;
	v10 =	vsel vm2, v55, v52  }
0x2ac: {  	vm10 =	vgt.f32 v39, v46;
	vm11 =	vgt.f32 v42, v49;
	vm5 =	vmneg vm5  }
0x2ad: {  	v52 =	vimm.s32 $0x0;
	[tilespmem:$0x1FC60] =	vst v1;
	v1 =	vsel vm1, $0xFFFFFFFF, v62;
	v62 =	vimm.s32 $0x0  }
0x2ae: {  	vm1 =	vgt.f32 v37, v44;
	vm10 =	vmneg vm10;
	[tilespmem:$0x1FCB0] =	vst v1;
	v1 =	vsel vm9, $0xFFFFFFFF, v63  }
0x2af: {  	v63 =	vimm.s32 $0x0;
	vm9 =	vgt.f32 v42, v48;
	[tilespmem:$0x1F830] =	vst v1;
	v1 =	vsel vm4, $0xFFFFFFFF, v60  }
0x2b0: {  	v60 =	vimm.s32 $0x0;
	vm4 =	vmneg vm0;
	[tilespmem:$0x1F8C0] =	vst v1;
	v1 =	vsel vm15, $0xFFFFFFFF, v62  }
0x2b1: {  	v62 =	vimm.s32 $0x0;
	vm15 =	vgt.f32 v40, v6;
	[tilespmem:$0x1F960] =	vst v1;
	v1 =	vsel vm14, $0xFFFFFFFF, v63  }
0x2b2: {  	v63 =	vimm.s32 $0x0;
	vm14 =	vmneg vm1;
	vm1 =	vmneg vm9  }
0x2b3: {  	[tilespmem:$0x1FA30] =	vst v1;
	v1 =	vsel vm12, $0xFFFFFFFF, v60;
	vm12 =	vgt.f32 v41, v10;
	vm9 =	vmand vm14, vm8  }
0x2b4: {  	v60 =	vimm.s32 $0x0;
	[tilespmem:$0x1FB00] =	vst v1;
	v1 =	vsel vm2, $0xFFFFFFFF, v62;
	vm2 =	vgt.f32 v36, v2  }
0x2b5: {  	v3 =	vsel vm9, v37, v3;
	v37 =	vsel vm14, v44, v37;
	[tilespmem:$0x1FBE0] =	vst v1;
	v1 =	vsel vm11, $0xFFFFFFFF, v63  }
0x2b6: {  	vm11 =	vmneg vm3;
	vm3 =	vmneg vm6;
	vm0 =	vmand vm4, vm2  }
0x2b7: {  	vm2 =	vmmov vm4;
	vm6 =	vmand vm5, vm15;
	v63 =	vimm.s32 $0x0  }
0x2b8: {  	v3 =	vsel vm14, v3, v44;
	v44 =	vimm.s32 $0x0;
	[tilespmem:$0x1F760] =	vst v1;
	v1 =	vsel vm0, $0xFFFFFFFF, v50  }
0x2b9: {  	v33 =	vld [tilespmem:s5+$0x1440];
	vm8 =	vmand vm11, vm7;
	vm7 =	vmand vm10, vm13;
	vm13 =	vmand vm3, vm12  }
0x2ba: {  	v2 =	vsel vm0, v36, v2;
	v6 =	vsel vm6, v40, v6;
	v36 =	vsel vm2, v43, v36  }
0x2bb: {  	v40 =	vsel vm5, v47, v40;
	[tilespmem:$0x1F870] =	vst v1;
	v1 =	vsel vm9, $0xFFFFFFFF, v51;
	v51 =	vimm.s32 $0x0  }
0x2bc: {  	v34 =	vld [tilespmem:s5+$0x1450];
	v4 =	vsel vm8, v38, v4;
	v0 =	vsel vm7, v39, v0;
	v10 =	vsel vm13, v41, v10  }
0x2bd: {  	v29 =	vld [tilespmem:s5+$0x1400];
	v38 =	vsel vm11, v45, v38;
	v39 =	vsel vm10, v46, v39;
	v41 =	vsel vm3, v5, v41  }
0x2be: {  	v30 =	vld [tilespmem:s5+$0x1410];
	v2 =	vsel vm2, v2, v43;
	v6 =	vsel vm5, v6, v47;
	vm4 =	vgt.f32 v33, v40  }
0x2bf: {  	v50 =	vld [tilespmem:$0x1F760];
	v47 =	vimm.s32 $0x0;
	[tilespmem:$0x1F900] =	vst v1;
	v1 =	vsel vm8, $0xFFFFFFFF, v52;
	v52 =	vimm.s32 $0x0  }
0x2c0: {  	v4 =	vsel vm11, v4, v45;
	v0 =	vsel vm10, v0, v46;
	v5 =	vsel vm3, v10, v5  }
0x2c1: {  	v31 =	vld [tilespmem:s5+$0x1420];
	vm8 =	vgt.f32 v34, v41;
	vm4 =	vmneg vm4;
	v45 =	vimm.s32 $0x0  }
0x2c2: {  	v46 =	vimm.s32 $0x0;
	[tilespmem:$0x1F9B0] =	vst v1;
	v1 =	vsel vm7, $0xFFFFFFFF, v53;
	v53 =	vimm.s32 $0x0  }
0x2c3: {  	vm7 =	vgt.f32 v29, v2;
	[tilespmem:$0x1FAA0] =	vst v1;
	v1 =	vsel vm6, $0xFFFFFFFF, v60;
	v60 =	vimm.s32 $0x0  }
0x2c4: {  	vm6 =	vgt.f32 v30, v37;
	[tilespmem:$0x1FB50] =	vst v1;
	v1 =	vsel vm13, $0xFFFFFFFF, v63;
	vm15 =	vnez.u8 v50  }
0x2c5: {  	v63 =	vimm.s32 $0x0;
	vm13 =	vgt.f32 v30, v3;
	vm0 =	vmand vm1, vm15  }
0x2c6: {  	[tilespmem:$0x1FC40] =	vst v1;
	v50 =	vimm.s32 $0x0;
	vm15 =	vgt.f32 v31, v4;
	v1 =	vsel vm0, $0xFFFFFFFF, v51  }
0x2c7: {  	v49 =	vsel vm0, v42, v49;
	v51 =	vimm.s32 $0x0;
	v42 =	vsel vm1, v48, v42  }
0x2c8: {  	vm0 =	vgt.f32 v29, v36;
	[tilespmem:$0x1FD10] =	vst v1;
	v1 =	vsel vm1, $0xFFFFFFFF, v52;
	v52 =	vimm.s32 $0x0  }
0x2c9: {  	v35 =	vld [tilespmem:s5+$0x1460];
	v10 =	vsel vm1, v49, v48;
	vm1 =	vgt.f32 v33, v6;
	vm9 =	vmneg vm0  }
0x2ca: {  	v48 =	vimm.s32 $0x0;
	v49 =	vimm.s32 $0x0;
	[tilespmem:$0x1FD40] =	vst v1;
	v1 =	vsel vm2, $0xFFFFFFFF, v53  }
0x2cb: {  	vm2 =	vgt.f32 v31, v38;
	v53 =	vimm.s32 $0x0;
	vm0 =	vmand vm9, vm7  }
0x2cc: {  	[tilespmem:$0x1F8B0] =	vst v1;
	v1 =	vsel vm14, $0xFFFFFFFF, v60;
	vm14 =	vmneg vm6;
	vm12 =	vmneg vm2  }
0x2cd: {  	v60 =	vimm.s32 $0x0;
	v2 =	vsel vm0, v29, v2;
	v29 =	vsel vm9, v36, v29  }
0x2ce: {  	v32 =	vld [tilespmem:s5+$0x1430];
	[tilespmem:$0x1F950] =	vst v1;
	v1 =	vsel vm11, $0xFFFFFFFF, v63;
	vm11 =	vgt.f32 v35, v10;
	vm13 =	vmand vm14, vm13  }
0x2cf: {  	v63 =	vimm.s32 $0x0;
	v2 =	vsel vm9, v2, v36;
	[tilespmem:$0x1FA20] =	vst v1;
	v1 =	vsel vm10, $0xFFFFFFFF, v50  }
0x2d0: {  	vm10 =	vgt.f32 v34, v5;
	v3 =	vsel vm13, v30, v3;
	[tilespmem:$0x1FAF0] =	vst v1;
	v1 =	vsel vm5, $0xFFFFFFFF, v51  }
0x2d1: {  	v50 =	vimm.s32 $0x0;
	vm5 =	vgt.f32 v35, v42;
	[tilespmem:$0x1FBD0] =	vst v1;
	v1 =	vsel vm3, $0xFFFFFFFF, v52  }
0x2d2: {  	v30 =	vsel vm14, v37, v30;
	v51 =	vimm.s32 $0x0;
	[tilespmem:$0x1FCA0] =	vst v1;
	v1 =	vsel vm5, $0xFFFFFFFF, v53  }
0x2d3: {  	v22 =	vld [tilespmem:s5+$0x1800];
	v3 =	vsel vm14, v3, v37;
	vm3 =	vgt.f32 v32, v39;
	v52 =	vimm.s32 $0x0;
	[tilespmem:$0x1F770] =	vst v1  }
0x2d4: {  	vm5 =	vgt.f32 v32, v0;
	vm6 =	vmneg vm3;
	vm3 =	vmneg vm8;
	v43 =	vld [tilespmem:$0x1F770]  }
0x2d5: {  	v53 =	vimm.s32 $0x0;
	v1 =	vsel vm0, $0xFFFFFFFF, v60;
	vm7 =	vmand vm6, vm5  }
0x2d6: {  	v25 =	vld [tilespmem:s5+$0x1830];
	vm10 =	vmand vm3, vm10;
	v60 =	vimm.s32 $0x0;
	[tilespmem:$0x1F8F0] =	vst v1;
	v1 =	vsel vm13, $0xFFFFFFFF, v63  }
0x2d7: {  	v0 =	vsel vm7, v32, v0;
	v5 =	vsel vm10, v34, v5;
	v32 =	vsel vm6, v39, v32  }
0x2d8: {  	v63 =	vimm.s32 $0x0;
	v34 =	vsel vm3, v41, v34;
	vm13 =	vgt.f32 v22, v2  }
0x2d9: {  	v0 =	vsel vm6, v0, v39;
	v5 =	vsel vm3, v5, v41;
	vm8 =	vnez.u8 v43  }
0x2da: {  	v41 =	vimm.s32 $0x0;
	v43 =	vimm.s32 $0x0;
	vm2 =	vmneg vm8  }
0x2db: {  	v26 =	vld [tilespmem:s5+$0x1840];
	vm8 =	vmand vm12, vm15;
	vm15 =	vmand vm4, vm1;
	vm1 =	vgt.f32 v25, v0  }
0x2dc: {  	[tilespmem:$0x1F9A0] =	vst v1;
	v1 =	vsel vm8, $0xFFFFFFFF, v44;
	vm11 =	vmand vm2, vm11;
	v4 =	vsel vm8, v31, v4  }
0x2dd: {  	v6 =	vsel vm15, v33, v6;
	v31 =	vsel vm12, v38, v31;
	v33 =	vsel vm4, v40, v33  }
0x2de: {  	v24 =	vld [tilespmem:s5+$0x1820];
	v44 =	vimm.s32 $0x0;
	[tilespmem:$0x1FA80] =	vst v1;
	v1 =	vsel vm7, $0xFFFFFFFF, v45;
	v10 =	vsel vm11, v35, v10  }
0x2df: {  	v28 =	vld [tilespmem:s5+$0x1860];
	v35 =	vsel vm2, v42, v35;
	v4 =	vsel vm12, v4, v38;
	v6 =	vsel vm4, v6, v40  }
0x2e0: {  	vm7 =	vgt.f32 v25, v32;
	vm8 =	vgt.f32 v26, v33;
	v40 =	vimm.s32 $0x0  }
0x2e1: {  	v38 =	vimm.s32 $0x0;
	[tilespmem:$0x1FB40] =	vst v1;
	v1 =	vsel vm15, $0xFFFFFFFF, v46;
	v10 =	vsel vm2, v10, v42  }
0x2e2: {  	v23 =	vld [tilespmem:s5+$0x1810];
	vm5 =	vgt.f32 v26, v6;
	vm8 =	vmneg vm8;
	v46 =	vimm.s32 $0x0  }
0x2e3: {  	v42 =	vimm.s32 $0x0;
	[tilespmem:$0x1FC30] =	vst v1;
	v1 =	vsel vm10, $0xFFFFFFFF, v47;
	vm10 =	vgt.f32 v24, v4  }
0x2e4: {  	vm0 =	vgt.f32 v28, v10;
	v47 =	vimm.s32 $0x0;
	vm5 =	vmand vm8, vm5  }
0x2e5: {  	[tilespmem:$0x1FCF0] =	vst v1;
	v1 =	vsel vm11, $0xFFFFFFFF, v48;
	vm11 =	vgt.f32 v28, v35;
	v48 =	vimm.s32 $0x0  }
0x2e6: {  	v27 =	vld [tilespmem:s5+$0x1850];
	v6 =	vsel vm5, v26, v6;
	v26 =	vsel vm8, v33, v26;
	[tilespmem:$0x1FD80] =	vst v1;
	v1 =	vsel vm2, $0xFFFFFFFF, v49  }
0x2e7: {  	vm2 =	vgt.f32 v23, v30;
	v49 =	vimm.s32 $0x0;
	v6 =	vsel vm8, v6, v33  }
0x2e8: {  	[tilespmem:$0x1FD90] =	vst v1;
	v1 =	vsel vm9, $0xFFFFFFFF, v50;
	vm9 =	vgt.f32 v22, v29;
	v50 =	vimm.s32 $0x0  }
0x2e9: {  	[tilespmem:$0x1F930] =	vst v1;
	v1 =	vsel vm14, $0xFFFFFFFF, v51;
	vm15 =	vmneg vm9;
	vm14 =	vmneg vm2  }
0x2ea: {  	vm9 =	vmneg vm7;
	v51 =	vimm.s32 $0x0;
	[tilespmem:$0x1F9C0] =	vst v1;
	v1 =	vsel vm12, $0xFFFFFFFF, v52  }
0x2eb: {  	vm12 =	vgt.f32 v27, v34;
	vm2 =	vmand vm15, vm13;
	[tilespmem:$0x1FA90] =	vst v1;
	v1 =	vsel vm6, $0xFFFFFFFF, v53  }
0x2ec: {  	v52 =	vimm.s32 $0x0;
	vm6 =	vgt.f32 v27, v5;
	[tilespmem:$0x1FB60] =	vst v1;
	v1 =	vsel vm4, $0xFFFFFFFF, v60  }
0x2ed: {  	v53 =	vimm.s32 $0x0;
	v2 =	vsel vm2, v22, v2;
	[tilespmem:$0x1FC50] =	vst v1;
	v1 =	vsel vm3, $0xFFFFFFFF, v63  }
0x2ee: {  	v22 =	vsel vm15, v29, v22;
	vm4 =	vgt.f32 v24, v31;
	[tilespmem:$0x1FD00] =	vst v1;
	v1 =	vsel vm12, $0xFFFFFFFF, v43  }
0x2ef: {  	v2 =	vsel vm15, v2, v29;
	vm3 =	vgt.f32 v23, v3;
	vm12 =	vmneg vm4;
	[tilespmem:$0x1F780] =	vst v1  }
0x2f0: {  	vm4 =	vmneg vm11;
	v43 =	vimm.s32 $0x0;
	v1 =	vsel vm2, $0xFFFFFFFF, v44;
	v45 =	vld [tilespmem:$0x1F780]  }
0x2f1: {  	v18 =	vld [tilespmem:s5+$0x1C30];
	vm11 =	vmand vm12, vm10;
	vm10 =	vmand vm9, vm1;
	vm0 =	vmand vm4, vm0  }
0x2f2: {  	v60 =	vld [tilespmem:$0x1F790];
	v44 =	vimm.s32 $0x0;
	v4 =	vsel vm11, v24, v4;
	v0 =	vsel vm10, v25, v0  }
0x2f3: {  	v10 =	vsel vm0, v28, v10;
	v24 =	vsel vm12, v31, v24;
	v25 =	vsel vm9, v32, v25  }
0x2f4: {  	v16 =	vld [tilespmem:s5+$0x1C10];
	v28 =	vsel vm4, v35, v28;
	v4 =	vsel vm12, v4, v31;
	v0 =	vsel vm9, v0, v32  }
0x2f5: {  	v17 =	vld [tilespmem:s5+$0x1C20];
	v10 =	vsel vm4, v10, v35;
	v35 =	vimm.s32 $0x0;
	vm13 =	vnez.u8 v45  }
0x2f6: {  	v21 =	vld [tilespmem:s5+$0x1C60];
	vm2 =	vgt.f32 v18, v0;
	vm7 =	vmneg vm13;
	vm13 =	vmand vm14, vm3  }
0x2f7: {  	[tilespmem:$0x1F990] =	vst v1;
	v45 =	vld [tilespmem:$0x1F7A0];
	v1 =	vsel vm13, $0xFFFFFFFF, v46;
	vm3 =	vmand vm7, vm6;
	vm6 =	vnez.u8 v60  }
0x2f8: {  	v3 =	vsel vm13, v23, v3;
	v23 =	vsel vm14, v30, v23;
	[tilespmem:$0x1FA70] =	vst v1;
	v1 =	vsel vm11, $0xFFFFFFFF, v47  }
0x2f9: {  	[tilespmem:s5+$0x2070] =	vst v20;
	v20 =	vld [tilespmem:s5+$0x1C50];
	v63 =	vsel vm6, $0x1, v8;
	v5 =	vsel vm3, v27, v5;
	v27 =	vsel vm7, v34, v27  }
0x2fa: {  	v3 =	vsel vm14, v3, v30;
	vm1 =	vgt.f32 v16, v23;
	[tilespmem:$0x1FB30] =	vst v1;
	v1 =	vsel vm10, $0xFFFFFFFF, v48  }
0x2fb: {  	v47 =	vld [tilespmem:$0x1F7B0];
	v5 =	vsel vm7, v5, v34;
	vm10 =	vgt.f32 v21, v28;
	v34 =	vimm.s32 $0x0  }
0x2fc: {  	v19 =	vld [tilespmem:s5+$0x1C40];
	[tilespmem:$0x1FC20] =	vst v1;
	v1 =	vsel vm5, $0xFFFFFFFF, v49;
	vm11 =	vnez.u8 v45;
	vm5 =	vgt.f32 v17, v24  }
0x2fd: {  	v48 =	vld [tilespmem:$0x1F7C0];
	vm10 =	vmneg vm10;
	[tilespmem:$0x1FCE0] =	vst v1;
	v1 =	vsel vm3, $0xFFFFFFFF, v50;
	v46 =	vsel vm11, $0x1, v8  }
0x2fe: {  	vm3 =	vgt.f32 v18, v25;
	v50 =	vimm.s32 $0x0;
	vm11 =	vgt.f32 v20, v5  }
0x2ff: {  	v60 =	vld [tilespmem:$0x1F7F0];
	[tilespmem:$0x1FD70] =	vst v1;
	v1 =	vsel vm7, $0xFFFFFFFF, v51;
	vm7 =	vgt.f32 v20, v27;
	v51 =	vimm.s32 $0x0  }
0x300: {  	v49 =	vld [tilespmem:$0x1F7D0];
	[tilespmem:$0x1FD30] =	vst v1;
	v1 =	vsel vm0, $0xFFFFFFFF, v52;
	vm13 =	vnez.u8 v47;
	v52 =	vimm.s32 $0x0  }
0x301: {  	v15 =	vld [tilespmem:s5+$0x1C00];
	[tilespmem:$0x1FDE0] =	vst v1;
	v1 =	vsel vm4, $0xFFFFFFFF, v53;
	v36 =	vsel vm13, $0x2, v63;
	vm4 =	vgt.f32 v19, v26  }
0x302: {  	vm0 =	vnez.u8 v48;
	vm13 =	vgt.f32 v16, v3;
	[tilespmem:$0x1FDB0] =	vst v1;
	v1 =	vsel vm15, $0xFFFFFFFF, v40  }
0x303: {  	v29 =	vsel vm0, v36, v46;
	vm15 =	vgt.f32 v19, v6;
	v31 =	vnsel vm0, $0x2, v46  }
0x304: {  	v53 =	vld [tilespmem:$0x1F7E0];
	vm0 =	vnez.u8 v60;
	v36 =	vimm.s32 $0x0;
	v40 =	vimm.s32 $0x0  }
0x305: {  	[tilespmem:$0x1F9F0] =	vst v1;
	v1 =	vsel vm14, $0xFFFFFFFF, v41;
	vm14 =	vnez.u8 v49;
	v63 =	vsel vm0, $0x1, v8  }
0x306: {  	[tilespmem:$0x1FA10] =	vst v1;
	v1 =	vsel vm12, $0xFFFFFFFF, v42;
	vm12 =	vgt.f32 v15, v22;
	v30 =	vsel vm14, $0x1, v8  }
0x307: {  	[tilespmem:$0x1FAE0] =	vst v1;
	v1 =	vsel vm9, $0xFFFFFFFF, v43;
	vm9 =	vgt.f32 v15, v2;
	vm6 =	vmneg vm12  }
0x308: {  	v33 =	vld [tilespmem:$0x1F800];
	vm12 =	vgt.f32 v21, v10;
	[tilespmem:$0x1FBC0] =	vst v1;
	v1 =	vsel vm8, $0xFFFFFFFF, v44;
	vm8 =	vgt.f32 v17, v4  }
0x309: {  	vm14 =	vnez.u8 v53;
	vm0 =	vmand vm6, vm9;
	v44 =	vimm.s32 $0x0  }
0x30a: {  	[tilespmem:$0x1FC90] =	vst v1;
	v1 =	vsel vm15, $0xFFFFFFFF, v50;
	vm15 =	vmneg vm3;
	vm3 =	vmneg vm4  }
0x30b: {  	v29 =	vsel vm14, $0x3, v29;
	vm14 =	vmneg vm7;
	v2 =	vsel vm0, v15, v2  }
0x30c: {  	v45 =	vld [tilespmem:$0x1F860];
	v15 =	vsel vm6, v22, v15;
	[tilespmem:$0x1F810] =	vst v1;
	v1 =	vsel vm11, $0xFFFFFFFF, v51;
	vm11 =	vmneg vm1  }
0x30d: {  	vm1 =	vnez.u8 v33;
	vm7 =	vmmov vm3;
	v2 =	vsel vm6, v2, v22  }
0x30e: {  	v47 =	vld [tilespmem:$0x1F870];
	[tilespmem:$0x1F820] =	vst v1;
	v1 =	vsel vm12, $0xFFFFFFFF, v52;
	vm12 =	vmneg vm5;
	v30 =	vsel vm1, $0x2, v30  }
0x30f: {  	vm13 =	vmand vm11, vm13;
	v2 =	vsub.f32 v2, v15;
	[tilespmem:$0x1F850] =	vst v1;
	v1 =	vsel vm0, $0xFFFFFFFF, v34  }
0x310: {  	v49 =	vld [tilespmem:$0x1F890];
	vm9 =	vmand vm12, vm8;
	vm8 =	vmand vm15, vm2;
	v3 =	vsel vm13, v16, v3  }
0x311: {  	vm0 =	vnez.u8 v45;
	v16 =	vsel vm11, v23, v16;
	[tilespmem:$0x1FA50] =	vst v1;
	v1 =	vsel vm9, $0xFFFFFFFF, v35  }
0x312: {  	v37 =	vld [tilespmem:$0x1F810];
	v46 =	vsel vm0, $0x1, v8;
	v4 =	vsel vm9, v17, v4;
	v0 =	vsel vm8, v18, v0  }
0x313: {  	v41 =	vld [tilespmem:$0x1F830];
	vm9 =	vnez.u8 v47;
	v3 =	vsel vm11, v3, v23;
	v17 =	vsel vm12, v24, v17  }
0x314: {  	v39 =	vld [tilespmem:$0x1F820];
	v18 =	vsel vm15, v25, v18;
	v2 =	vmul.f32 $1.442695020e+00, v2;
	[tilespmem:$0x1FC10] =	vst v1;
	v1 =	vsel vm8, $0xFFFFFFFF, v36  }
0x315: {  	v42 =	vld [tilespmem:$0x1F840];
	vm8 =	vnez.u8 v49;
	v4 =	vsel vm12, v4, v24;
	v0 =	vsel vm15, v0, v25  }
0x316: {  	v43 =	vld [tilespmem:$0x1F850];
	v3 =	vsub.f32 v3, v16;
	v33 =	vsel vm8, $0x2, v46;
	vm8 =	vmmov vm11  }
0x317: {  	v48 =	vld [tilespmem:$0x1F880];
	v4 =	vsub.f32 v4, v17;
	v0 =	vsub.f32 v0, v18;
	vm4 =	vnez.u8 v37  }
0x318: {  	v60 =	vld [tilespmem:$0x1F8D0];
	(erf) = vpow2.f32 v2;
	v3 =	vmul.f32 $1.442695020e+00, v3;
	vm2 =	vmand vm3, vm4  }
0x319: {  	vm5 =	vnez.u8 v39;
	vm4 =	vnez.u8 v41;
	v4 =	vmul.f32 $1.442695020e+00, v4  }
0x31a: {  	[tilespmem:$0x1FCD0] =	vst v1;
	v0 =	vmul.f32 $1.442695020e+00, v0;
	v1 =	vsel vm2, $0xFFFFFFFF, v38;
	vm3 =	vmand vm14, vm5  }
0x31b: {  	v50 =	vld [tilespmem:$0x1F8A0];
	v29 =	vsel vm4, v29, v31;
	vm5 =	vnez.u8 v42;
	vm1 =	vnez.u8 v43  }
0x31c: {  	v53 =	vld [tilespmem:$0x1F8C0];
	v6 =	vsel vm2, v19, v6;
	v31 =	vnsel vm4, $0x3, v31;
	vm4 =	vnez.u8 v48  }
0x31d: {  	v52 =	vld [tilespmem:$0x1F8B0];
	v19 =	vsel vm7, v26, v19;
	vm2 =	vnez.u8 v60;
	(erf) = vpow2.f32 v3  }
0x31e: {  	v45 =	vld [tilespmem:$0x1F9A0];
	[tilespmem:$0x1FD60] =	vst v1;
	v1 =	vsel vm3, $0xFFFFFFFF, v40;
	v30 =	vsel vm5, v30, v63;
	vm1 =	vmand vm10, vm1  }
0x31f: {  	v35 =	vld [tilespmem:$0x1F900];
	v29 =	vsel vm9, $0x4, v29;
	v5 =	vsel vm3, v20, v5;
	v32 =	vnsel vm5, $0x2, v63  }
0x320: {  	v47 =	vld [tilespmem:$0x1F9C0];
	vm9 =	vnez.u8 v50;
	v6 =	vsel vm7, v6, v26;
	(erf) = vpow2.f32 v4  }
0x321: {  	v36 =	vld [tilespmem:$0x1F910];
	[tilespmem:$0x1FDD0] =	vst v1;
	v1 =	vsel vm1, $0xFFFFFFFF, v44;
	v10 =	vsel vm1, v21, v10;
	v30 =	vsel vm4, $0x3, v30  }
0x322: {  	v37 =	vld [tilespmem:$0x1F920];
	v51 =	vsel vm9, $0x1, v8;
	vm9 =	vmmov vm14;
	v5 =	vsel vm14, v5, v27  }
0x323: {  	v38 =	vld [tilespmem:$0x1F930];
	vm14 =	vmmov vm6;
	vm6 =	vmmov vm7;
	vm1 =	vnez.u8 v52  }
0x324: {  	v42 =	vld [tilespmem:$0x1F970];
	vm4 =	vnez.u8 v53;
	v21 =	vsel vm10, v28, v21;
	vm7 =	vnez.u8 v35  }
0x325: {  	v63 =	vld [tilespmem:$0x1F8E0];
	v6 =	vsub.f32 v6, v19;
	(erf) = vpow2.f32 v0;
	v10 =	vsel vm10, v10, v28  }
0x326: {  	v40 =	vld [tilespmem:$0x1F950];
	v20 =	vsel vm9, v27, v20;
	v22 =	vsel vm1, v29, v31;
	v23 =	vsel vm4, v30, v32  }
0x327: {  	v49 =	vld [tilespmem:$0x1F9E0];
	v15 =	vsel vm2, v33, v51;
	v17 =	vnsel vm1, $0x4, v31;
	v18 =	vnsel vm4, $0x3, v32  }
0x328: {  	v41 =	vld [tilespmem:$0x1F960];
	vm4 =	vnez.u8 v37;
	v16 =	vsel vm7, $0x4, v23;
	v5 =	vsub.f32 v5, v20  }
0x329: {  	v33 =	vld [tilespmem:$0x1F8F0];
	v10 =	vsub.f32 v10, v21;
	v21 =	vnsel vm2, $0x2, v51;
	v6 =	vmul.f32 $1.442695020e+00, v6  }
0x32a: {  	v43 =	vld [tilespmem:$0x1F980];
	vm1 =	vnez.u8 v38;
	vm2 =	vnez.u8 v42;
	vm11 =	vnez.u8 v63  }
0x32b: {  	v46 =	vld [tilespmem:$0x1F9B0];
	vm7 =	vnez.u8 v40;
	v5 =	vmul.f32 $1.442695020e+00, v5;
	v10 =	vmul.f32 $1.442695020e+00, v10  }
0x32c: {  	v39 =	vld [tilespmem:$0x1F940];
	(erf) = vpow2.f32 v6;
	v24 =	vsel vm11, $0x1, v8;
	vm11 =	vnez.u8 v36  }
0x32d: {  	v51 =	vld [tilespmem:$0x1FA00];
	v16 =	vsel vm7, v16, v18;
	v18 =	vnsel vm7, $0x4, v18;
	vm7 =	vnez.u8 v45  }
0x32e: {  	v44 =	vld [tilespmem:$0x1F990];
	vm5 =	vnez.u8 v33;
	v15 =	vsel vm11, $0x3, v15;
	v19 =	vsel vm4, $0x2, v24  }
0x32f: {  	v50 =	vld [tilespmem:$0x1F9F0];
	vm4 =	vnez.u8 v41;
	vm11 =	vnez.u8 v43;
	v16 =	vsel vm7, $0x5, v16  }
0x330: {  	v32 =	vld [tilespmem:$0x1FA50];
	vm7 =	vnez.u8 v49;
	(erf) = vpow2.f32 v5;
	v22 =	vsel vm5, $0x5, v22  }
0x331: {  	v57 =	vmovc v7;
	v7 =	vld [tilespmem:$0x1FB30];
	vm5 =	vnez.u8 v39;
	v15 =	vsel vm4, v15, v21;
	v23 =	vsel vm11, $0x1, v8  }
0x332: {  	v48 =	vld [tilespmem:$0x1F9D0];
	vm11 =	vnez.u8 v46;
	v21 =	vnsel vm4, $0x3, v21;
	vm4 =	vnez.u8 v51  }
0x333: {  	v60 =	vld [tilespmem:$0x1FA30];
	v20 =	vsel vm1, v22, v17;
	v22 =	vsel vm5, $0x1, v8;
	vm5 =	vnez.u8 v44  }
0x334: {  	v53 =	vld [tilespmem:$0x1FA20];
	v15 =	vsel vm11, $0x4, v15;
	v17 =	vnsel vm1, $0x5, v17;
	vm1 =	vnez.u8 v47  }
0x335: {  	v37 =	vld [tilespmem:$0x1FA80];
	v23 =	vsel vm7, $0x2, v23;
	vm11 =	vnez.u8 v50;
	vm7 =	vnez.u8 v32  }
0x336: {  	v33 =	vld [tilespmem:$0x1FA60];
	v19 =	vsel vm2, v19, v22;
	v20 =	vsel vm5, $0x6, v20;
	v24 =	vnsel vm1, $0x5, v18  }
0x337: {  	v63 =	vld [tilespmem:$0x1FA40];
	vm5 =	vnez.u8 v48;
	v22 =	vnsel vm2, $0x2, v22;
	v20 =	vsel vm11, v20, v17  }
0x338: {  	v43 =	vld [tilespmem:$0x1FAC0];
	v16 =	vsel vm1, v16, v18;
	v17 =	vnsel vm11, $0x6, v17;
	v20 =	vsel vm7, $0x7, v20  }
0x339: {  	v34 =	vnsel vm14, $0x7, v17;
	v44 =	vsel vm14, v20, v17;
	vm14 =	vnez.u8 v7;
	v7 =	vld [tilespmem:$0x1FB40]  }
0x33a: {  	v52 =	vld [tilespmem:$0x1FA10];
	v18 =	vsel vm4, $0x1, v8;
	v19 =	vsel vm5, $0x3, v19;
	vm5 =	vnez.u8 v53  }
0x33b: {  	v35 =	vld [tilespmem:$0x1FA70];
	v15 =	vsel vm5, v15, v21;
	v21 =	vnsel vm5, $0x4, v21;
	vm5 =	vnez.u8 v33  }
0x33c: {  	v40 =	vld [tilespmem:$0x1FAA0];
	vm2 =	vnez.u8 v63;
	v26 =	vsel vm5, $0x1, v8;
	vm5 =	vnez.u8 v37  }
0x33d: {  	v47 =	vld [tilespmem:$0x1FAF0];
	v23 =	vsel vm2, v23, v18;
	v15 =	vsel vm5, $0x5, v15;
	vm5 =	vnez.u8 v43  }
0x33e: {  	v6 =	vnsel vm2, $0x2, v18;
	v18 =	vsel vm5, $0x2, v26;
	vm5 =	vnez.u8 v7;
	v7 =	vld [tilespmem:$0x1FB50]  }
0x33f: {  	(erf) = vpow2.f32 v10;
	vm4 =	vnez.u8 v60;
	vm11 =	vnez.u8 v52  }
0x340: {  	v41 =	vnsel vm4, $0x3, v22;
	v25 =	vnsel vm11, $0x6, v24;
	vm7 =	vnez.u8 v35  }
0x341: {  	v42 =	vld [tilespmem:$0x1FAB0];
	v19 =	vsel vm4, v19, v22;
	v16 =	vsel vm7, $0x6, v16;
	vm7 =	vnez.u8 v40  }
0x342: {  	v50 =	vld [tilespmem:$0x1FB20];
	v19 =	vsel vm7, $0x4, v19;
	v10 =	vsel vm11, v16, v24;
	vm11 =	vnez.u8 v47  }
0x343: {  	v17 =	vsel vm11, v19, v41;
	v0 =	vnsel vm11, $0x4, v41;
	vm11 =	vnez.u8 v7;
	v7 =	vld [tilespmem:$0x1FB60];
	_ =	sdelay $0x2  }
0x344: {  	v38 =	vld [tilespmem:$0x1FA90]  }
0x345: {  	vm4 =	vnez.u8 v42;
	v10 =	vsel vm13, $0x7, v10;
	vm13 =	vnez.u8 v50  }
0x346: {  	v22 =	vsel vm4, $0x3, v23;
	v23 =	vsel vm13, $0x1, v8;
	vm13 =	vnez.u8 v7;
	v7 =	vld [tilespmem:$0x1FB70];
	_ =	sdelay $0x2  }
0x347: {  	vm1 =	vnez.u8 v38  }
0x348: {  	v48 =	vld [tilespmem:$0x1FB00];
	v15 =	vsel vm1, v15, v21  }
0x349: {  	v26 =	vsel vm14, $0x6, v15;
	vm14 =	vnez.u8 v7;
	v7 =	vld [tilespmem:$0x1FB80];
	_ =	sdelay $0x3  }
0x34a: {  	vm4 =	vnez.u8 v48  }
0x34b: {  	v19 =	vsel vm4, v22, v6;
	v6 =	vnsel vm4, $0x3, v6;
	vm4 =	vnez.u8 v7;
	v7 =	vld [tilespmem:$0x1FB90];
	_ =	sdelay $0x4  }
0x34c: {  	v28 =	vsel vm5, $0x5, v17;
	vm5 =	vnez.u8 v7;
	v7 =	vld [tilespmem:$0x1FBA0];
	_ =	sdelay $0x4  }
0x34d: {  	v36 =	vnsel vm8, $0x7, v25;
	v10 =	vsel vm8, v10, v25;
	vm8 =	vnez.u8 v7;
	v7 =	vld [tilespmem:$0x1FBD0];
	_ =	sdelay $0x2  }
0x34e: {  	v45 =	vld [tilespmem:$0x1FAD0]  }
0x34f: {  	v49 =	vld [tilespmem:$0x1FB10]  }
0x350: {  	v19 =	vsel vm11, $0x4, v19;
	vm11 =	vnez.u8 v7;
	v7 =	vld [tilespmem:$0x1FBE0];
	_ =	sdelay $0x2  }
0x351: {  	vm7 =	vnez.u8 v45  }
0x352: {  	vm2 =	vnez.u8 v49;
	v39 =	vnsel vm1, $0x5, v21;
	v20 =	vsel vm7, $0x1, v8  }
0x353: {  	v21 =	vsel vm2, v18, v20;
	v20 =	vnsel vm2, $0x2, v20;
	vm2 =	vnez.u8 v7;
	v7 =	vld [tilespmem:$0x1FBF0];
	_ =	sdelay $0x4  }
0x354: {  	vm1 =	vnez.u8 v7;
	v7 =	vld [tilespmem:$0x1FC00];
	_ =	sdelay $0x4  }
0x355: {  	v29 =	vnsel vm13, $0x5, v0;
	v0 =	vsel vm13, v28, v0;
	vm13 =	vnez.u8 v7;
	v7 =	vld [tilespmem:$0x1FC20];
	_ =	sdelay $0x4  }
0x356: {  	v31 =	vsel vm4, $0x2, v23;
	vm4 =	vnez.u8 v7;
	v7 =	vld [tilespmem:$0x1FC30];
	_ =	sdelay $0x4  }
0x357: {  	v52 =	vsel vm5, $0x1, v8;
	vm5 =	vnez.u8 v7;
	v7 =	vld [tilespmem:$0x1FC40];
	_ =	sdelay $0x4  }
0x358: {  	v25 =	vsel vm8, $0x1, v8;
	vm8 =	vnez.u8 v7;
	v7 =	vld [tilespmem:$0x1FC50]  }
0x359: {  	v46 =	vld [tilespmem:$0x1FAE0];
	_ =	sdelay $0x3  }
0x35a: {  	v19 =	vsel vm11, v19, v6;
	v6 =	vnsel vm11, $0x4, v6;
	vm11 =	vnez.u8 v7;
	v7 =	vld [tilespmem:$0x1FC60]  }
0x35b: {  	vm7 =	vnez.u8 v46  }
0x35c: {  	v24 =	vnsel vm7, $0x6, v39  }
0x35d: {  	v60 =	vld [tilespmem:$0x1FC10];
	v27 =	vnsel vm12, $0x7, v24  }
0x35e: {  	v56 =	vmovc v11;
	v11 =	vld [tilespmem:$0x1FC80];
	v4 =	vsel vm7, v26, v39;
	v26 =	vshll.u32 v27, $0x2;
	v30 =	vsel vm14, $0x3, v21  }
0x35f: {  	[tilespmem:s5+$0x2820] =	vst v27;
	v27 =	vsel vm2, v30, v20;
	v30 =	vsel vm13, $0x2, v52;
	vm13 =	vnez.u8 v7;
	v7 =	vld [tilespmem:$0x1FC70];
	_ =	sdelay $0x2  }
0x360: {  	vm14 =	vnez.u8 v60  }
0x361: {  	v53 =	vld [tilespmem:$0x1FBC0];
	v4 =	vsel vm14, $0x7, v4;
	vm14 =	vnez.u8 v11  }
0x362: {  	v54 =	vmov v14;
	v30 =	vsel vm14, v30, v7;
	v14 =	vnsel vm14, $0x2, v7;
	v7 =	vld [tilespmem:$0x1FCC0];
	_ =	sdelay $0x1  }
0x363: {  	v51 =	vimm.s32 $0x1;
	v2 =	vshll.u32 v34, $0x2;
	v3 =	vshll.u32 v36, $0x2  }
0x364: {  	v2 =	vshll.u32 v51, v2;
	v3 =	vshll.u32 v51, v3  }
0x365: {  	v2 =	vadd.s32 v2, v3;
	vm7 =	vnez.u8 v53;
	v0 =	vsel vm4, $0x6, v0  }
0x366: {  	v3 =	vnsel vm7, $0x6, v29;
	v0 =	vsel vm7, v0, v29;
	vm7 =	vnez.u8 v7;
	v7 =	vld [tilespmem:$0x1FCF0];
	_ =	sdelay $0x4  }
0x367: {  	v4 =	vsel vm12, v4, v24;
	vm12 =	vnez.u8 v7;
	v7 =	vld [tilespmem:$0x1FD00];
	_ =	sdelay $0x3  }
0x368: {  	v11 =	vld [tilespmem:$0x1FC90];
	v28 =	vsel vm1, v31, v25  }
0x369: {  	v28 =	vsel vm13, $0x3, v28;
	vm13 =	vnez.u8 v7;
	v7 =	vld [tilespmem:$0x1FD10];
	_ =	sdelay $0x3  }
0x36a: {  	vm3 =	vnez.u8 v11;
	v11 =	vld [tilespmem:$0x1FCA0]  }
0x36b: {  	vm14 =	vnez.u8 v7;
	v7 =	vld [tilespmem:$0x1FD20];
	_ =	sdelay $0x3  }
0x36c: {  	v20 =	vnsel vm2, $0x3, v20;
	vm4 =	vnez.u8 v11;
	v11 =	vld [tilespmem:$0x1FCB0];
	v27 =	vsel vm8, $0x4, v27  }
0x36d: {  	v24 =	vsel vm4, v27, v20;
	v20 =	vnsel vm4, $0x4, v20;
	vm4 =	vnez.u8 v7;
	v7 =	vld [tilespmem:$0x1FD30];
	_ =	sdelay $0x1  }
0x36e: {  	[tilespmem:s5+$0x2C10] =	vst v10;
	v10 =	vshll.u32 v10, $0x2;
	v63 =	vshll.u32 v51, v26;
	v26 =	vnsel vm15, $0x7, v3  }
0x36f: {  	v32 =	vshll.u32 v51, v10;
	v10 =	vshll.u32 v26, $0x2  }
0x370: {  	v25 =	vnsel vm1, $0x2, v25;
	v19 =	vsel vm5, $0x5, v19;
	vm5 =	vnez.u8 v11  }
0x371: {  	[tilespmem:s5+$0x2830] =	vst v26;
	v26 =	vsel vm5, v28, v25;
	v25 =	vnsel vm5, $0x3, v25;
	vm5 =	vnez.u8 v7;
	v7 =	vld [tilespmem:$0x1FD40];
	_ =	sdelay $0x3  }
0x372: {  	v33 =	vld [tilespmem:$0x1FCD0]  }
0x373: {  	v27 =	vsel vm7, $0x3, v30;
	vm7 =	vnez.u8 v7;
	v7 =	vld [tilespmem:$0x1FD50];
	_ =	sdelay $0x3  }
0x374: {  	[tilespmem:s5+$0x2800] =	vst v34;
	v34 =	vld [tilespmem:$0x1FCE0];
	vm8 =	vnez.u8 v33  }
0x375: {  	v0 =	vsel vm8, $0x7, v0;
	vm8 =	vnez.u8 v7;
	v7 =	vld [tilespmem:$0x1FD60];
	_ =	sdelay $0x1  }
0x376: {  	v5 =	vshll.u32 v44, $0x2  }
0x377: {  	v5 =	vshll.u32 v51, v5  }
0x378: {  	v31 =	vnsel vm11, $0x5, v6;
	v6 =	vsel vm11, v19, v6;
	vm11 =	vnez.u8 v34  }
0x379: {  	v2 =	vadd.s32 v5, v2;
	v5 =	vsel vm11, $0x6, v6;
	vm11 =	vnez.u8 v7;
	v7 =	vld [tilespmem:$0x1FD80];
	_ =	sdelay $0x1  }
0x37a: {  	v2 =	vadd.s32 v63, v2  }
0x37b: {  	v2 =	vadd.s32 v32, v2;
	v6 =	vshll.u32 v51, v10  }
0x37c: {  	v2 =	vadd.s32 v6, v2;
	v24 =	vsel vm12, $0x5, v24  }
0x37d: {  	v28 =	vnsel vm13, $0x5, v20;
	v6 =	vsel vm13, v24, v20;
	vm13 =	vnez.u8 v7;
	v7 =	vld [tilespmem:$0x1FD90];
	_ =	sdelay $0x1  }
0x37e: {  	v38 =	vld [tilespmem:$0x1FD70]  }
0x37f: {  	v63 =	vld [tilespmem:$0x1FE60]  }
0x380: {  	v8 =	vld [tilespmem:$0x1FBB0]  }
0x381: {  	v26 =	vsel vm14, $0x4, v26;
	vm14 =	vnez.u8 v7;
	v7 =	vld [tilespmem:$0x1FDA0]  }
0x382: {  	v18 =	vpop (erf);
	v52 =	vld [tilespmem:$0x1FE50]  }
0x383: {  	v16 =	vpop (erf)  }
0x384: {  	v62 =	vmov v13;
	v15 =	vpop (erf);
	[tilespmem:s5+$0x2C20] =	vst v4;
	v4 =	vshll.u32 v4, $0x2  }
0x385: {  	v39 =	vadd.f32 $1.000000000e+00, v15;
	v62 =	vadd.f32 v63, v62;
	v4 =	vshll.u32 v51, v4  }
0x386: {  	v0 =	vsel vm15, v0, v3;
	v19 =	vnsel vm3, $0x6, v31;
	vm15 =	vnez.u8 v7;
	v7 =	vld [tilespmem:$0x1FDB0]  }
0x387: {  	v8 =	vadd.f32 v52, v8;
	v10 =	vnsel vm6, $0x7, v19;
	vm12 =	vnez.u8 v38  }
0x388: {  	[tilespmem:s5+$0x2810] =	vst v36;
	v35 =	vsel vm3, v5, v31;
	v36 =	vshll.u32 v10, $0x2;
	v5 =	vsel vm12, $0x6, v6  }
0x389: {  	[tilespmem:s5+$0x2840] =	vst v10;
	v27 =	vsel vm4, v27, v14;
	v14 =	vnsel vm4, $0x3, v14;
	v10 =	vnsel vm5, $0x6, v28  }
0x38a: {  	v17 =	vpop (erf);
	v6 =	vnsel vm9, $0x7, v10;
	v20 =	vsel vm7, v26, v25;
	v24 =	vnsel vm7, $0x4, v25  }
0x38b: {  	v22 =	vpop (erf);
	[tilespmem:s5+$0x2C30] =	vst v0;
	v25 =	vsel vm8, $0x4, v27;
	v27 =	vadd.f32 $1.000000000e+00, v18;
	vm4 =	vnez.u8 v7;
	v7 =	vld [tilespmem:$0x1FDC0]  }
0x38c: {  	v43 =	vld [tilespmem:$0x1FE10];
	v23 =	vpop (erf);
	v29 =	vadd.f32 $1.000000000e+00, v16;
	v0 =	vshll.u32 v0, $0x2;
	[tilespmem:s5+$0x2850] =	vst v6;
	v6 =	vshll.u32 v6, $0x2  }
0x38d: {  	v21 =	vpop (erf);
	v0 =	vshll.u32 v51, v0;
	v41 =	vshll.u32 v51, v6;
	v6 =	vld [tilespmem:$0x1FDE0];
	(erf) = vrcp.f32 v27  }
0x38e: {  	v40 =	vld [tilespmem:$0x1FDD0];
	v2 =	vadd.s32 v4, v2;
	v37 =	vshll.u32 v51, v36;
	(erf) = vrcp.f32 v29  }
0x38f: {  	v31 =	vadd.f32 $1.000000000e+00, v23;
	v2 =	vadd.s32 v37, v2;
	(erf) = vrcp.f32 v39  }
0x390: {  	v0 =	vadd.s32 v0, v2;
	v5 =	vsel vm5, v5, v28;
	vm5 =	vnez.u8 v7;
	v7 =	vld [tilespmem:$0x1FDF0]  }
0x391: {  	[tilespmem:$0x1FE20] =	vst v1;
	v30 =	vadd.f32 $1.000000000e+00, v17;
	vm12 =	vnez.u8 v43;
	v28 =	vadd.f32 $1.000000000e+00, v21  }
0x392: {  	[tilespmem:s5+$0x2C00] =	vst v44;
	v44 =	vld [tilespmem:$0x1FE20];
	v0 =	vadd.s32 v41, v0;
	vm7 =	vnez.u8 v6;
	v3 =	vsel vm11, $0x7, v35  }
0x393: {  	(erf) = vrcp.f32 v30;
	v3 =	vsel vm6, v3, v19;
	vm6 =	vnez.u8 v40  }
0x394: {  	v19 =	vadd.f32 $1.000000000e+00, v22;
	[tilespmem:s5+$0x2C40] =	vst v3;
	v3 =	vshll.u32 v3, $0x2;
	v2 =	vsel vm6, $0x7, v5  }
0x395: {  	v3 =	vshll.u32 v51, v3;
	v2 =	vsel vm9, v2, v10;
	vm8 =	vnez.u8 v7;
	v7 =	vld [tilespmem:$0x1FE00]  }
0x396: {  	v46 =	vld [tilespmem:$0x1FE40];
	(erf) = vrcp.f32 v19;
	[tilespmem:s5+$0x2C50] =	vst v2;
	v0 =	vadd.s32 v3, v0;
	v2 =	vshll.u32 v2, $0x2;
	v47 =	vpop (erf)  }
0x397: {  	(erf) = vrcp.f32 v31;
	v20 =	vsel vm13, $0x5, v20;
	vm13 =	vnez.u8 v44;
	v48 =	vpop (erf)  }
0x398: {  	(erf) = vrcp.f32 v28;
	v2 =	vshll.u32 v51, v2;
	v49 =	vpop (erf);
	v20 =	vsel vm14, v20, v24  }
0x399: {  	v50 =	vmul.f32 v49, v15;
	v26 =	vnsel vm14, $0x5, v24;
	v6 =	vsel vm7, $0x6, v20  }
0x39a: {  	v25 =	vsel vm15, v25, v14;
	v14 =	vnsel vm15, $0x4, v14;
	vm11 =	vnez.u8 v7;
	v7 =	vld [tilespmem:$0x1FE30]  }
0x39b: {  	vm15 =	vnez.u8 v46;
	v24 =	vnsel vm4, $0x6, v26;
	v42 =	vsel vm4, v6, v26  }
0x39c: {  	v20 =	vnsel vm10, $0x7, v24;
	v3 =	vsel vm13, $0x7, v42;
	v25 =	vsel vm5, $0x5, v25  }
0x39d: {  	v6 =	vshll.u32 v20, $0x2;
	v3 =	vsel vm10, v3, v24;
	v25 =	vsel vm8, v25, v14  }
0x39e: {  	v45 =	vshll.u32 v51, v6;
	v14 =	vnsel vm8, $0x5, v14;
	v10 =	vsel vm11, $0x6, v25  }
0x39f: {  	[tilespmem:s5+$0x2000] =	vst v47;
	v4 =	vnsel vm12, $0x6, v14;
	v6 =	vsel vm12, v10, v14;
	vm14 =	vnez.u8 v7  }
0x3a0: {  	[tilespmem:s5+$0x2010] =	vst v48;
	v11 =	vshll.u32 v3, $0x2;
	v5 =	vsel vm15, $0x7, v6;
	v10 =	vnsel vm14, $0x7, v4  }
0x3a1: {  	[tilespmem:s5+$0x2020] =	vst v49;
	v0 =	vadd.s32 v45, v0;
	v26 =	vsel vm14, v5, v4;
	v6 =	vshll.u32 v10, $0x2  }
0x3a2: {  	v0 =	vadd.s32 v2, v0;
	[tilespmem:s5+$0x2870] =	vst v10;
	v10 =	vshll.u32 v26, $0x2;
	v6 =	vshll.u32 v51, v6  }
0x3a3: {  	[tilespmem:s5+$0x2420] =	vst v50;
	v7 =	vshll.u32 v51, v11;
	v1 =	vshll.u32 v51, v10;
	v51 =	vpop (erf);
	v0 =	vadd.s32 v6, v0  }
0x3a4: {  	[tilespmem:s5+$0x2C60] =	vst v3;
	v3 =	vmul.f32 v48, v16;
	v4 =	vmul.f32 v47, v18;
	v28 =	vpop (erf);
	v0 =	vadd.s32 v7, v0  }
0x3a5: {  	p0 =	sne.s32 s10, $0xE00;
	v27 =	vmul.f32 v51, v17;
	v29 =	vpop (erf);
	[tilespmem:s5+$0x2040] =	vst v28;
	v28 =	vmul.f32 v28, v22;
	v0 =	vadd.s32 v1, v0  }
.Ltmp0:
0x3a6: {  	[tilespmem:s5+$0x2860] =	vst v20;
	v22 =	vmul.f32 v29, v23;
	v53 =	vshrl.u32 v0, $0x4;
	v6 =	vshrl.u32 v0, $0x8;
	(pc) =	sbr.rel @p0 .LBB2_1-.Ltmp0, $4  }
0x3a7: {  	[tilespmem:s5+$0x2410] =	vst v3;
	v10 =	vshrl.u32 v0, $0xC;
	v60 =	vshrl.u32 v0, $0x10;
	v13 =	vshrl.u32 v0, $0x14  }
0x3a8: {  	v58 =	vld [tilespmem:$0x1F730];
	[tilespmem:s5+$0x2400] =	vst v4;
	v14 =	vshrl.u32 v0, $0x18;
	v17 =	vand.u32 $0xF, v0;
	v20 =	vand.u32 $0xF, v53  }
0x3a9: {  	s11 =	sshra.s32 s10, $0x2;
	v61 =	vld [tilespmem:$0x1F740];
	v55 =	vmovc v12;
	[tilespmem:s5+$0x2030] =	vst v51;
	v19 =	vand.u32 $0xF, v6;
	v18 =	vand.u32 $0xF, v10;
	v16 =	vand.u32 $0xF, v60  }
0x3aa: {  	s10 =	sadd.s32 $0x200, s10;
	v24 =	vpop (erf);
	v25 =	vld [tilespmem:s11+$0x70];
	[tilespmem:s5+$0x2050] =	vst v29;
	v13 =	vand.u32 $0xF, v13;
	v15 =	vand.u32 $0xF, v14;
	v60 =	vshrl.u32 v0, $0x1C  }
0x3ab: {  	v0 =	vld [tilespmem:s11+$0x470];
	[tilespmem:s5+$0x2430] =	vst v27  }
0x3ac: {  	v4 =	vmul.f32 v24, v21;
	v2 =	vld [tilespmem:s11+$0x0];
	[tilespmem:s5+$0x2440] =	vst v28  }
0x3ad: {  	v3 =	vld [tilespmem:s11+$0x400];
	[tilespmem:s5+$0x2450] =	vst v22  }
0x3ae: {  	v5 =	vld [tilespmem:s11+$0x10];
	[tilespmem:s5+$0x2460] =	vst v4  }
0x3af: {  	v23 =	vld [tilespmem:s11+$0x870];
	[tilespmem:s5+$0x2060] =	vst v24  }
0x3b0: {  	v7 =	vimm.s32 $0x0;
	v4 =	vld [tilespmem:s11+$0x410];
	[tilespmem:s5+$0x2C70] =	vst v26  }
0x3b1: {  	v1 =	vimm.s32 $0x0;
	v38 =	vimm.s32 $0x0;
	v41 =	vimm.s32 $0x0;
	v6 =	vld [tilespmem:s11+$0x20]  }
0x3b2: {  	v42 =	vimm.s32 $0x0;
	v43 =	vimm.s32 $0x0;
	v48 =	vimm.s32 $0x0;
	v10 =	vld [tilespmem:s11+$0x420]  }
0x3b3: {  	vm0 =	vgt.f32 v0, v25;
	vm1 =	vlt.f32 v0, $-Inf;
	vm2 =	vgt.f32 v0, $-Inf;
	v37 =	vld [tilespmem:s11+$0x30]  }
0x3b4: {  	v22 =	vld [tilespmem:s11+$0x430];
	vm3 =	vmneg vm0;
	vm1 =	vmor vm2, vm1;
	v12 =	vsel vm0, $0x1, v7  }
0x3b5: {  	v24 =	vld [tilespmem:s11+$0x40];
	vm9 =	vgt.f32 v3, v2;
	vm10 =	vmand vm3, vm1;
	vm4 =	vlt.f32 v3, $-Inf  }
0x3b6: {  	v26 =	vld [tilespmem:s11+$0x440];
	vm5 =	vgt.f32 v3, $-Inf;
	v28 =	vsel vm3, v25, v0;
	v1 =	vsel vm9, $0xFFFFFFFF, v1  }
0x3b7: {  	v30 =	vld [tilespmem:s11+$0x50];
	v39 =	vnsel vm10, $0xFF800000, v0;
	vm1 =	vmneg vm9;
	vm4 =	vmor vm5, vm4  }
0x3b8: {  	v40 =	vld [tilespmem:s11+$0x450];
	[tilespmem:$0x1F5C0] =	vst v1;
	v1 =	vsel vm10, $0xFFFFFFFF, v38;
	v29 =	vsel vm3, v39, v25;
	vm0 =	vgt.f32 v4, v5  }
0x3b9: {  	vm6 =	vlt.f32 v4, $-Inf;
	vm9 =	vgt.f32 v4, $-Inf;
	vm2 =	vgt.f32 v10, v6  }
0x3ba: {  	v31 =	vld [tilespmem:s11+$0x460];
	vm8 =	vlt.f32 v10, $-Inf;
	vm10 =	vgt.f32 v10, $-Inf;
	vm7 =	vgt.f32 v22, v37  }
0x3bb: {  	vm12 =	vlt.f32 v22, $-Inf;
	vm13 =	vgt.f32 v22, $-Inf;
	vm3 =	vgt.f32 v26, v24  }
0x3bc: {  	vm5 =	vlt.f32 v26, $-Inf;
	vm14 =	vgt.f32 v26, $-Inf;
	vm6 =	vmor vm9, vm6  }
0x3bd: {  	[tilespmem:$0x1F600] =	vst v1;
	vm9 =	vgt.f32 v40, v30;
	vm11 =	vgt.f32 v40, $-Inf;
	v1 =	vsel vm2, $0xFFFFFFFF, v41  }
0x3be: {  	vm10 =	vmor vm10, vm8;
	vm8 =	vlt.f32 v40, $-Inf;
	vm13 =	vmor vm13, vm12  }
0x3bf: {  	vm5 =	vmor vm14, vm5;
	vm14 =	vlt.f32 v31, $-Inf;
	vm12 =	vgt.f32 v31, $-Inf  }
0x3c0: {  	[tilespmem:$0x1F5D0] =	vst v1;
	v1 =	vsel vm3, $0xFFFFFFFF, v42;
	vm15 =	vmor vm11, vm8;
	vm8 =	vmand vm1, vm4  }
0x3c1: {  	vm11 =	vmor vm12, vm14;
	vm4 =	vmneg vm0;
	vm14 =	vmmov vm0  }
0x3c2: {  	v36 =	vld [tilespmem:s11+$0x810];
	[tilespmem:$0x1F5E0] =	vst v1;
	v1 =	vsel vm9, $0xFFFFFFFF, v43;
	v44 =	vnsel vm8, $0xFF800000, v3;
	vm12 =	vmand vm4, vm6  }
0x3c3: {  	v3 =	vsel vm1, v2, v3;
	vm6 =	vmneg vm7;
	v53 =	vsel vm8, $0x1, v7  }
0x3c4: {  	v2 =	vsel vm1, v44, v2;
	vm1 =	vmneg vm2;
	v45 =	vnsel vm12, $0xFF800000, v4  }
0x3c5: {  	v32 =	vld [tilespmem:s11+$0x60];
	v4 =	vsel vm4, v5, v4;
	v34 =	vsel vm6, v37, v22;
	v5 =	vsel vm4, v45, v5  }
0x3c6: {  	vm4 =	vmand vm1, vm10;
	vm10 =	vmand vm6, vm13;
	vm13 =	vmneg vm9  }
0x3c7: {  	v33 =	vld [tilespmem:s11+$0x800];
	vm2 =	vgt.f32 v36, v4;
	v46 =	vnsel vm4, $0xFF800000, v10;
	v10 =	vsel vm1, v6, v10  }
0x3c8: {  	v47 =	vnsel vm10, $0xFF800000, v22;
	v25 =	vsel vm13, v30, v40;
	vm8 =	vmneg vm2  }
0x3c9: {  	v6 =	vsel vm1, v46, v6;
	vm1 =	vmneg vm3;
	v35 =	vsel vm6, v47, v37  }
0x3ca: {  	v63 =	vld [tilespmem:$0x1F5C0];
	vm6 =	vmand vm13, vm15;
	vm15 =	vgt.f32 v31, v32;
	v37 =	vsel vm12, $0x1, v7  }
0x3cb: {  	[tilespmem:$0x1F5F0] =	vst v1;
	v46 =	vsel vm14, $0x1, v7;
	vm5 =	vmand vm1, vm5;
	v1 =	vsel vm15, $0xFFFFFFFF, v48  }
0x3cc: {  	vm9 =	vmneg vm15;
	v50 =	vnsel vm6, $0xFF800000, v40;
	vm15 =	vgt.f32 v33, v3  }
0x3cd: {  	v48 =	vsel vm4, $0x1, v7;
	v49 =	vnsel vm5, $0xFF800000, v26;
	v26 =	vsel vm1, v24, v26  }
0x3ce: {  	v51 =	vld [tilespmem:s11+$0xC00];
	v22 =	vsel vm13, v50, v30;
	v21 =	vsel vm9, v32, v31;
	vm13 =	vgt.f32 v33, v2  }
0x3cf: {  	v14 =	vld [tilespmem:s11+$0x820];
	vm0 =	vmneg vm15;
	vm15 =	vnez.u8 v63;
	v27 =	vsel vm1, v49, v24  }
0x3d0: {  	vm1 =	vmand vm9, vm11;
	v11 =	vsel vm15, $0x1, v7;
	vm3 =	vmand vm0, vm13  }
0x3d1: {  	v49 =	vnsel vm8, $0x2, v46;
	v52 =	vnsel vm1, $0xFF800000, v31;
	v2 =	vsel vm3, v33, v2  }
0x3d2: {  	v33 =	vsel vm0, v3, v33;
	v44 =	vsel vm3, $0x2, v53;
	v31 =	vnsel vm0, $0x2, v11  }
0x3d3: {  	v24 =	vsel vm9, v52, v32;
	v2 =	vsel vm0, v2, v3;
	vm2 =	vgt.f32 v51, v33  }
0x3d4: {  	v38 =	vld [tilespmem:s11+$0xC10];
	v3 =	vsel vm0, v44, v11;
	vm9 =	vgt.f32 v36, v5;
	vm0 =	vgt.f32 v14, v10  }
0x3d5: {  	v45 =	vld [tilespmem:s11+$0x1000];
	v52 =	vsel vm10, $0x1, v7;
	v11 =	vimm.s32 $0x0;
	vm3 =	vgt.f32 v51, v2  }
0x3d6: {  	vm13 =	vmneg vm2;
	vm15 =	vmand vm8, vm9;
	vm4 =	vmneg vm0  }
0x3d7: {  	vm11 =	vmand vm13, vm3;
	v5 =	vsel vm15, v36, v5;
	v36 =	vsel vm8, v4, v36  }
0x3d8: {  	v0 =	vsel vm13, v33, v51;
	v47 =	vsel vm15, $0x2, v37;
	v32 =	vsel vm4, v10, v14  }
0x3d9: {  	v2 =	vsel vm11, v51, v2;
	v3 =	vsel vm11, $0x3, v3;
	v4 =	vsel vm8, v5, v4  }
0x3da: {  	vm9 =	vgt.f32 v45, v0;
	vm15 =	vgt.f32 v38, v36;
	v2 =	vsel vm13, v2, v33  }
0x3db: {  	v39 =	vld [tilespmem:s11+$0x1400];
	vm11 =	vmneg vm9;
	v3 =	vsel vm13, v3, v31;
	vm9 =	vgt.f32 v38, v4  }
0x3dc: {  	vm12 =	vmneg vm15;
	v31 =	vnsel vm13, $0x3, v31;
	vm13 =	vgt.f32 v23, v28  }
0x3dd: {  	v42 =	vld [tilespmem:s11+$0x830];
	v33 =	vsel vm8, v47, v46;
	vm3 =	vgt.f32 v45, v2;
	vm0 =	vmand vm12, vm9  }
0x3de: {  	v40 =	vld [tilespmem:s11+$0x1010];
	vm9 =	vgt.f32 v14, v6;
	v30 =	vsel vm11, v0, v45;
	vm2 =	vmand vm11, vm3  }
0x3df: {  	v51 =	vld [tilespmem:$0x1F5D0];
	v4 =	vsel vm0, v38, v4;
	v33 =	vsel vm0, $0x3, v33;
	vm14 =	vmand vm4, vm9  }
0x3e0: {  	vm0 =	vgt.f32 v23, v29;
	v38 =	vsel vm12, v36, v38;
	vm8 =	vgt.f32 v39, v30  }
0x3e1: {  	v2 =	vsel vm2, v45, v2;
	v3 =	vsel vm2, $0x4, v3;
	vm2 =	vmneg vm13  }
0x3e2: {  	v6 =	vsel vm14, v14, v6;
	v37 =	vsel vm14, $0x2, v48;
	vm9 =	vmneg vm8  }
0x3e3: {  	v4 =	vsel vm12, v4, v36;
	vm10 =	vgt.f32 v40, v38;
	v53 =	vsel vm12, v33, v49  }
0x3e4: {  	v50 =	vld [tilespmem:s11+$0xC20];
	vm14 =	vgt.f32 v42, v34;
	v0 =	vsel vm11, v2, v0;
	vm15 =	vnez.u8 v51  }
0x3e5: {  	v3 =	vsel vm11, v3, v31;
	v6 =	vsel vm4, v6, v10;
	v31 =	vnsel vm11, $0x4, v31  }
0x3e6: {  	vm13 =	vmand vm2, vm0;
	v2 =	vnsel vm12, $0x3, v49;
	vm0 =	vgt.f32 v42, v35  }
0x3e7: {  	vm12 =	vmneg vm14;
	v48 =	vsel vm9, v30, v39;
	v49 =	vsel vm7, $0x1, v7  }
0x3e8: {  	v51 =	vsel vm5, $0x1, v7;
	v41 =	vsel vm15, $0x1, v7;
	vm3 =	vgt.f32 v39, v0  }
0x3e9: {  	vm15 =	vgt.f32 v50, v32;
	v29 =	vsel vm13, v23, v29;
	v23 =	vsel vm2, v28, v23  }
0x3ea: {  	vm0 =	vmand vm12, vm0;
	vm8 =	vmand vm9, vm3;
	vm3 =	vgt.f32 v40, v4  }
0x3eb: {  	v37 =	vsel vm4, v37, v41;
	v28 =	vsel vm2, v29, v28;
	v35 =	vsel vm0, v42, v35  }
0x3ec: {  	v42 =	vsel vm12, v34, v42;
	v63 =	vsel vm0, $0x2, v52;
	v14 =	vnsel vm4, $0x2, v41  }
0x3ed: {  	v0 =	vsel vm8, v39, v0;
	v3 =	vsel vm8, $0x5, v3;
	vm8 =	vmneg vm10  }
0x3ee: {  	v43 =	vld [tilespmem:s11+$0x1410];
	v34 =	vsel vm12, v35, v34;
	vm10 =	vmand vm8, vm3;
	vm3 =	vgt.f32 v50, v6  }
0x3ef: {  	v33 =	vld [tilespmem:s11+$0x1020];
	v35 =	vsel vm8, v38, v40;
	v0 =	vsel vm9, v0, v30;
	v3 =	vsel vm9, v3, v31  }
0x3f0: {  	v29 =	vld [tilespmem:s11+$0x1800];
	v31 =	vnsel vm9, $0x5, v31;
	v30 =	vnsel vm12, $0x2, v49;
	v4 =	vsel vm10, v40, v4  }
0x3f1: {  	v10 =	vsel vm10, $0x4, v53;
	vm10 =	vmneg vm15;
	v53 =	vimm.s32 $0x0  }
0x3f2: {  	v52 =	vld [tilespmem:s11+$0xC70];
	vm15 =	vmand vm10, vm3;
	v5 =	vsel vm10, v32, v50;
	v4 =	vsel vm8, v4, v38  }
0x3f3: {  	v44 =	vld [tilespmem:s11+$0x840];
	v10 =	vsel vm8, v10, v2;
	v2 =	vnsel vm8, $0x4, v2;
	v36 =	vnsel vm10, $0x3, v14  }
0x3f4: {  	v6 =	vsel vm15, v50, v6;
	v37 =	vsel vm15, $0x3, v37;
	vm11 =	vgt.f32 v33, v5  }
0x3f5: {  	vm15 =	vgt.f32 v43, v35;
	vm7 =	vgt.f32 v29, v48;
	vm8 =	vgt.f32 v29, v0  }
0x3f6: {  	vm14 =	vgt.f32 v43, v4;
	v6 =	vsel vm10, v6, v32;
	vm0 =	vmneg vm7  }
0x3f7: {  	vm4 =	vmneg vm11;
	v37 =	vsel vm10, v37, v14;
	vm7 =	vgt.f32 v52, v23  }
0x3f8: {  	v32 =	vsel vm12, v63, v49;
	vm10 =	vgt.f32 v44, v27;
	vm3 =	vmand vm0, vm8  }
0x3f9: {  	v50 =	vld [tilespmem:s11+$0xC30];
	vm8 =	vmneg vm15;
	vm15 =	vgt.f32 v33, v6;
	v0 =	vsel vm3, v29, v0  }
0x3fa: {  	v40 =	vld [tilespmem:s11+$0x1420];
	v3 =	vsel vm3, $0x6, v3;
	vm5 =	vmand vm8, vm14;
	vm3 =	vmand vm4, vm15  }
0x3fb: {  	v29 =	vsel vm0, v48, v29;
	v4 =	vsel vm5, v43, v4;
	v10 =	vsel vm5, $0x5, v10  }
0x3fc: {  	v6 =	vsel vm3, v33, v6;
	v37 =	vsel vm3, $0x4, v37;
	v33 =	vsel vm4, v5, v33  }
0x3fd: {  	v0 =	vsel vm0, v0, v48;
	v3 =	vsel vm0, v3, v31;
	v31 =	vnsel vm0, $0x6, v31  }
0x3fe: {  	vm14 =	vgt.f32 v50, v42;
	vm15 =	vgt.f32 v50, v34;
	v5 =	vsel vm4, v6, v5  }
0x3ff: {  	v4 =	vsel vm8, v4, v35;
	vm0 =	vgt.f32 v40, v33;
	vm5 =	vmneg vm14  }
0x400: {  	v45 =	vld [tilespmem:s11+$0x1030];
	vm14 =	vgt.f32 v44, v26;
	vm3 =	vmand vm5, vm15;
	vm15 =	vmneg vm7  }
0x401: {  	vm7 =	vgt.f32 v52, v28;
	vm11 =	vmneg vm14;
	v34 =	vsel vm3, v50, v34  }
0x402: {  	v6 =	vld [tilespmem:s11+$0x1810];
	v32 =	vsel vm3, $0x3, v32;
	vm12 =	vmand vm15, vm7;
	vm3 =	vmand vm11, vm10  }
0x403: {  	v37 =	vsel vm4, v37, v36;
	v28 =	vsel vm12, v52, v28;
	v14 =	vsel vm3, $0x2, v51;
	v51 =	vld [tilespmem:$0x1F5E0]  }
0x404: {  	v39 =	vsel vm5, v42, v50;
	v41 =	vsel vm15, v23, v52;
	v23 =	vsel vm15, v28, v23;
	v28 =	vld [tilespmem:s11+$0x1C00]  }
0x405: {  	[tilespmem:$0x1F610] =	vst v1;
	v36 =	vnsel vm4, $0x4, v36;
	v1 =	vsel vm15, $0xFFFFFFFF, v53;
	vm9 =	vgt.f32 v45, v39  }
0x406: {  	v53 =	vsel vm6, $0x1, v7;
	v27 =	vsel vm3, v44, v27;
	v44 =	vsel vm11, v26, v44  }
0x407: {  	v63 =	vsel vm5, v34, v42;
	v42 =	vsel vm8, v35, v43;
	v35 =	vnsel vm8, $0x5, v2  }
0x408: {  	v2 =	vsel vm8, v10, v2;
	v26 =	vsel vm11, v27, v26;
	vm15 =	vnez.u8 v51  }
0x409: {  	vm4 =	vgt.f32 v6, v42;
	vm14 =	vgt.f32 v28, v29;
	v52 =	vsel vm15, $0x1, v7  }
0x40a: {  	v46 =	vld [tilespmem:s11+$0x850];
	vm8 =	vgt.f32 v28, v0;
	vm15 =	vmneg vm14;
	vm14 =	vgt.f32 v6, v4  }
0x40b: {  	[tilespmem:$0x1F620] =	vst v1;
	v1 =	vsel vm11, v14, v52;
	v10 =	vnsel vm11, $0x2, v52;
	vm3 =	vmand vm15, vm8  }
0x40c: {  	v14 =	vimm.s32 $0x0;
	v0 =	vsel vm3, v28, v0;
	v3 =	vsel vm3, $0x7, v3  }
0x40d: {  	v38 =	vld [tilespmem:s11+$0xC40];
	vm3 =	vmneg vm4;
	vm4 =	vgt.f32 v40, v5;
	v28 =	vsel vm15, v29, v28  }
0x40e: {  	vm8 =	vmand vm3, vm14;
	vm14 =	vmneg vm0;
	vm0 =	vmneg vm9  }
0x40f: {  	vm9 =	vgt.f32 v46, v25;
	v4 =	vsel vm8, v6, v4;
	v2 =	vsel vm8, $0x6, v2  }
0x410: {  	vm8 =	vgt.f32 v45, v63;
	vm4 =	vmand vm14, vm4;
	vm9 =	vmneg vm9  }
0x411: {  	v6 =	vsel vm3, v42, v6;
	vm8 =	vmand vm0, vm8;
	v5 =	vsel vm4, v40, v5  }
0x412: {  	v47 =	vld [tilespmem:s11+$0x1070];
	v37 =	vsel vm4, $0x5, v37;
	vm4 =	vgt.f32 v38, v44;
	v40 =	vsel vm14, v33, v40  }
0x413: {  	v4 =	vsel vm3, v4, v42;
	v2 =	vsel vm3, v2, v35;
	v48 =	vsel vm8, v45, v63  }
0x414: {  	v63 =	vsel vm5, v32, v30;
	vm10 =	vmneg vm4;
	v30 =	vnsel vm5, $0x3, v30  }
0x415: {  	vm5 =	vgt.f32 v46, v22;
	v32 =	vsel vm8, $0x4, v63;
	vm8 =	vgt.f32 v38, v26  }
0x416: {  	v5 =	vsel vm14, v5, v33;
	v63 =	vsel vm0, v48, v39;
	vm4 =	vmand vm10, vm8  }
0x417: {  	v26 =	vsel vm4, v38, v26;
	v34 =	vsel vm4, $0x3, v1;
	vm4 =	vgt.f32 v47, v41  }
0x418: {  	v42 =	vnsel vm0, $0x4, v30;
	v32 =	vsel vm0, v32, v30;
	vm8 =	vmneg vm4  }
0x419: {  	vm4 =	vmand vm9, vm5;
	vm5 =	vgt.f32 v47, v23;
	v26 =	vsel vm10, v26, v44  }
0x41a: {  	v49 =	vld [tilespmem:s11+$0x1470];
	v1 =	vsel vm8, $0xFFFFFFFF, v11;
	vm5 =	vmand vm8, vm5;
	v50 =	vsel vm4, v46, v22  }
0x41b: {  	v51 =	vld [tilespmem:s11+$0x1430];
	v43 =	vsel vm4, $0x2, v53;
	v22 =	vsel vm15, v3, v31;
	v3 =	vsel vm10, v44, v38  }
0x41c: {  	v11 =	vld [tilespmem:$0x1F5F0];
	v44 =	vsel vm1, $0x1, v7;
	v46 =	vsel vm9, v25, v46;
	[tilespmem:$0x1F630] =	vst v1;
	v1 =	vsel vm5, $0xFFFFFFFF, v14  }
0x41d: {  	v27 =	vsel vm5, v47, v23;
	v23 =	vnsel vm15, $0x7, v31;
	v31 =	vsel vm0, v39, v45;
	v39 =	vld [tilespmem:s11+$0x1820]  }
0x41e: {  	v47 =	vsel vm8, v41, v47;
	v41 =	vsel vm8, v27, v41;
	v27 =	vsel vm15, v0, v29;
	v0 =	vld [tilespmem:s11+$0x1C10]  }
0x41f: {  	v14 =	vnsel vm3, $0x6, v35;
	v35 =	vnsel vm14, $0x5, v36;
	v36 =	vsel vm14, v37, v36  }
0x420: {  	vm11 =	vgt.f32 v49, v47;
	vm5 =	vgt.f32 v51, v31;
	v27 =	vsub.f32 v27, v28  }
0x421: {  	v50 =	vsel vm9, v50, v25;
	vm8 =	vmneg vm11;
	vm1 =	vmneg vm5  }
0x422: {  	vm15 =	vnez.u8 v11;
	v11 =	vimm.s32 $0x0;
	v27 =	vmul.f32 $1.442695020e+00, v27  }
0x423: {  	v37 =	vld [tilespmem:s11+$0x1040];
	v38 =	vsel vm15, $0x1, v7;
	vm15 =	vgt.f32 v39, v40;
	vm11 =	vgt.f32 v0, v6  }
0x424: {  	vm14 =	vgt.f32 v0, v4;
	vm4 =	vmneg vm11;
	vm11 =	vgt.f32 v39, v5  }
0x425: {  	v45 =	vld [tilespmem:s11+$0xC50];
	vm3 =	vmand vm4, vm14;
	vm14 =	vgt.f32 v51, v63;
	v30 =	vsel vm4, v6, v0  }
0x426: {  	v4 =	vsel vm3, v0, v4;
	v2 =	vsel vm3, $0x7, v2;
	vm3 =	vmneg vm15  }
0x427: {  	vm0 =	vmand vm1, vm14;
	vm14 =	vgt.f32 v49, v41;
	vm15 =	vmand vm3, vm11  }
0x428: {  	vm11 =	vgt.f32 v37, v3;
	v48 =	vsel vm0, v51, v63;
	v32 =	vsel vm0, $0x5, v32  }
0x429: {  	vm7 =	vmand vm8, vm14;
	v63 =	vimm.s32 $0x0;
	v29 =	vsel vm4, v4, v6  }
0x42a: {  	v52 =	vld [tilespmem:s11+$0x1870];
	v25 =	vsel vm4, v2, v14;
	vm14 =	vgt.f32 v45, v50;
	v5 =	vsel vm15, v39, v5  }
0x42b: {  	v36 =	vsel vm15, $0x6, v36;
	vm0 =	vmneg vm11;
	vm15 =	vgt.f32 v37, v26  }
0x42c: {  	[tilespmem:$0x1F650] =	vst v1;
	v1 =	vsel vm7, $0xFFFFFFFF, v63;
	v41 =	vsel vm7, v49, v41;
	v49 =	vsel vm8, v47, v49  }
0x42d: {  	v39 =	vsel vm3, v40, v39;
	v32 =	vsel vm1, v32, v42;
	[tilespmem:s11+$0x2C10] =	vst v25;
	v25 =	vshll.u32 v25, $0x2  }
0x42e: {  	[tilespmem:$0x1F660] =	vst v1;
	vm5 =	vmand vm0, vm15;
	v1 =	vsel vm10, v34, v10;
	v10 =	vnsel vm10, $0x3, v10  }
0x42f: {  	vm10 =	vgt.f32 v45, v46;
	vm11 =	vgt.f32 v52, v49;
	v5 =	vsel vm3, v5, v40  }
0x430: {  	v40 =	vnsel vm3, $0x6, v35;
	v35 =	vsel vm3, v36, v35;
	v36 =	vnsel vm9, $0x2, v38  }
0x431: {  	v0 =	vld [tilespmem:s11+$0x1C70];
	v34 =	vsel vm5, v37, v26;
	v53 =	vsel vm5, $0x4, v1;
	v1 =	vsel vm8, $0xFFFFFFFF, v11  }
0x432: {  	v4 =	vld [tilespmem:s11+$0x860];
	v26 =	vnsel vm4, $0x7, v14;
	vm15 =	vmneg vm10;
	v14 =	vsel vm8, v41, v47  }
0x433: {  	vm10 =	vmneg vm11;
	v47 =	vsel vm9, v43, v38;
	vm8 =	vmand vm15, vm14  }
0x434: {  	vm11 =	vgt.f32 v52, v14;
	v63 =	vsel vm10, v49, v52;
	v53 =	vsel vm0, v53, v10  }
0x435: {  	v11 =	vld [tilespmem:$0x1F600];
	v10 =	vnsel vm0, $0x4, v10;
	v6 =	vsel vm8, v45, v50;
	v33 =	vsel vm8, $0x3, v47  }
0x436: {  	vm14 =	vmand vm10, vm11;
	v50 =	vimm.s32 $0x0;
	vm6 =	vgt.f32 v0, v63  }
0x437: {  	vm7 =	vgt.f32 v4, v21;
	vm4 =	vgt.f32 v4, v24;
	v45 =	vsel vm15, v46, v45  }
0x438: {  	[tilespmem:$0x1F640] =	vst v1;
	v1 =	vsel vm14, $0xFFFFFFFF, v50;
	v2 =	vsel vm14, v52, v14;
	vm11 =	vmneg vm6  }
0x439: {  	vm14 =	vmneg vm7;
	v52 =	vld [tilespmem:$0x1F610];
	v33 =	vsel vm15, v33, v36;
	v2 =	vsel vm10, v2, v49  }
0x43a: {  	v36 =	vnsel vm15, $0x3, v36;
	vm8 =	vgt.f32 v0, v2;
	vm6 =	vnez.u8 v11  }
0x43b: {  	vm9 =	vmand vm11, vm8;
	vm8 =	vmand vm14, vm4;
	v14 =	vsel vm6, $0x1, v7  }
0x43c: {  	v38 =	vld [tilespmem:s11+$0x1830];
	v24 =	vsel vm8, v4, v24;
	v43 =	vsel vm8, $0x2, v44;
	v2 =	vsel vm9, v0, v2  }
0x43d: {  	v0 =	vsel vm11, v63, v0;
	v47 =	vsel vm13, $0x2, v14;
	v4 =	vsel vm14, v21, v4  }
0x43e: {  	v44 =	vld [tilespmem:s11+$0x1C20];
	v2 =	vsel vm11, v2, v63;
	vm7 =	vnez.u8 v52;
	v63 =	vsel vm15, v6, v46  }
0x43f: {  	v24 =	vsel vm14, v24, v21;
	v41 =	vsel vm7, $0x1, v7;
	v0 =	vsub.f32 v2, v0  }
0x440: {  	v2 =	vsel vm0, v3, v37;
	v3 =	vsel vm0, v34, v3;
	v34 =	vsel vm1, v31, v51;
	v37 =	vld [tilespmem:s11+$0x1440]  }
0x441: {  	v49 =	vld [tilespmem:s11+$0x1050];
	v31 =	vsel vm1, v48, v31;
	v48 =	vnsel vm1, $0x5, v42;
	vm1 =	vgt.f32 v38, v34  }
0x442: {  	v43 =	vsel vm14, v43, v41;
	v41 =	vnsel vm14, $0x2, v41;
	v0 =	vmul.f32 $1.442695020e+00, v0  }
0x443: {  	vm0 =	vmneg vm1;
	vm8 =	vgt.f32 v44, v39;
	vm13 =	vgt.f32 v44, v5  }
0x444: {  	vm4 =	vmneg vm8;
	vm8 =	vgt.f32 v38, v31;
	(erf) = vpow2.f32 v0  }
0x445: {  	vm7 =	vmand vm4, vm13;
	vm13 =	vmand vm0, vm8;
	vm6 =	vgt.f32 v37, v2  }
0x446: {  	vm8 =	vgt.f32 v49, v45;
	v21 =	vnsel vm4, $0x7, v40;
	v5 =	vsel vm7, v44, v5  }
0x447: {  	v35 =	vsel vm7, $0x7, v35;
	v31 =	vsel vm13, v38, v31;
	v32 =	vsel vm13, $0x6, v32  }
0x448: {  	v14 =	vld [tilespmem:s11+$0xC60];
	vm1 =	vmneg vm6;
	vm7 =	vgt.f32 v37, v3;
	vm13 =	vgt.f32 v49, v63  }
0x449: {  	[tilespmem:s11+$0x2820] =	vst v21;
	v21 =	vshll.u32 v21, $0x2;
	vm3 =	vmand vm1, vm7;
	v5 =	vsel vm4, v5, v39  }
0x44a: {  	v39 =	vsel vm4, v39, v44;
	v0 =	vsel vm4, v35, v40;
	v35 =	vsel vm0, v34, v38  }
0x44b: {  	v34 =	vsel vm0, v31, v34;
	v38 =	vnsel vm0, $0x6, v48;
	v40 =	vsel vm0, v32, v48  }
0x44c: {  	v31 =	vnsel vm2, $0x2, v12;
	v3 =	vsel vm3, v37, v3;
	v11 =	vsel vm3, $0x5, v53  }
0x44d: {  	v50 =	vld [tilespmem:s11+$0x1840];
	vm3 =	vmneg vm8;
	vm8 =	vgt.f32 v14, v4;
	v37 =	vsel vm1, v2, v37  }
0x44e: {  	v5 =	vsub.f32 v5, v39;
	[tilespmem:s11+$0x2C20] =	vst v0;
	v0 =	vshll.u32 v0, $0x2;
	vm5 =	vmand vm3, vm13  }
0x44f: {  	vm6 =	vmneg vm8;
	vm13 =	vgt.f32 v14, v24;
	v2 =	vsel vm1, v3, v2  }
0x450: {  	v53 =	vld [tilespmem:s11+$0x1060];
	v3 =	vnsel vm1, $0x5, v10;
	v6 =	vsel vm1, v11, v10;
	v52 =	vsel vm5, v49, v63  }
0x451: {  	v33 =	vsel vm5, $0x4, v33;
	vm15 =	vmand vm6, vm13;
	v63 =	vsel vm6, v4, v14  }
0x452: {  	v49 =	vsel vm3, v45, v49;
	vm13 =	vgt.f32 v50, v37;
	v5 =	vmul.f32 $1.442695020e+00, v5  }
0x453: {  	v24 =	vsel vm15, v14, v24;
	v43 =	vsel vm15, $0x3, v43;
	v42 =	vsel vm3, v52, v45  }
0x454: {  	v33 =	vsel vm3, v33, v36;
	v36 =	vnsel vm3, $0x4, v36;
	v52 =	vld [tilespmem:s11+$0x1460];
	vm1 =	vmneg vm13  }
0x455: {  	v4 =	vsel vm6, v24, v4;
	v24 =	vld [tilespmem:s11+$0x1C30];
	v48 =	vnsel vm1, $0x6, v3;
	v44 =	vpop (erf);
	vm7 =	vgt.f32 v53, v63  }
0x456: {  	vm8 =	vgt.f32 v53, v4;
	v14 =	vadd.f32 $1.000000000e+00, v44;
	vm5 =	vmneg vm7  }
0x457: {  	v51 =	vld [tilespmem:s11+$0x1450];
	v43 =	vsel vm6, v43, v41;
	v41 =	vnsel vm6, $0x3, v41;
	vm0 =	vmand vm5, vm8  }
0x458: {  	v46 =	vsel vm5, v63, v53;
	vm8 =	vgt.f32 v50, v2;
	(erf) = vrcp.f32 v14  }
0x459: {  	v4 =	vsel vm0, v53, v4;
	v53 =	vsel vm2, v47, v12;
	vm4 =	vmand vm1, vm8  }
0x45a: {  	vm13 =	vgt.f32 v52, v46;
	v43 =	vsel vm0, $0x4, v43;
	vm14 =	vgt.f32 v24, v35  }
0x45b: {  	vm15 =	vgt.f32 v24, v34;
	v32 =	vsel vm12, $0x3, v53;
	v4 =	vsel vm5, v4, v63  }
0x45c: {  	vm12 =	vgt.f32 v51, v49;
	v2 =	vsel vm4, v50, v2;
	v6 =	vsel vm4, $0x6, v6  }
0x45d: {  	(erf) = vpow2.f32 v27;
	vm3 =	vmneg vm14;
	vm14 =	vgt.f32 v51, v42  }
0x45e: {  	v2 =	vsel vm1, v2, v37;
	v3 =	vsel vm1, v6, v3;
	vm2 =	vmand vm3, vm15  }
0x45f: {  	v14 =	vld [tilespmem:s11+$0x1850];
	vm15 =	vgt.f32 v52, v4;
	v63 =	vsel vm2, v24, v34;
	v11 =	vsel vm2, $0x7, v40  }
0x460: {  	vm2 =	vmneg vm12;
	v34 =	vsel vm1, v37, v50;
	v40 =	vsel vm3, v63, v35  }
0x461: {  	v35 =	vsel vm3, v35, v24;
	v24 =	vnsel vm3, $0x7, v38;
	v12 =	vsel vm3, v11, v38  }
0x462: {  	vm3 =	vmneg vm13;
	vm8 =	vmand vm2, vm14;
	v10 =	vsel vm2, v49, v51  }
0x463: {  	v50 =	vld [tilespmem:s11+$0x1860];
	vm12 =	vmand vm3, vm15;
	v42 =	vsel vm8, v51, v42;
	v45 =	vsel vm3, v46, v52  }
0x464: {  	v53 =	vld [tilespmem:s11+$0x1C50];
	v33 =	vsel vm8, $0x5, v33;
	vm8 =	vgt.f32 v14, v10;
	v35 =	vsub.f32 v40, v35  }
0x465: {  	[tilespmem:s11+$0x2830] =	vst v24;
	v24 =	vshll.u32 v24, $0x2;
	v42 =	vsel vm2, v42, v49;
	v4 =	vsel vm12, v52, v4  }
0x466: {  	v33 =	vsel vm2, v33, v36;
	v36 =	vnsel vm2, $0x5, v36;
	vm2 =	vmneg vm8  }
0x467: {  	v4 =	vsel vm3, v4, v46;
	vm14 =	vgt.f32 v14, v42;
	v38 =	vsel vm2, v10, v14  }
0x468: {  	v40 =	vmul.f32 $1.442695020e+00, v35;
	v49 =	vnsel vm2, $0x6, v36;
	vm13 =	vgt.f32 v50, v45  }
0x469: {  	v52 =	vld [tilespmem:s11+$0x1C40];
	v51 =	vpop (erf);
	vm15 =	vgt.f32 v50, v4;
	vm8 =	vmand vm2, vm14;
	vm14 =	vgt.f32 v53, v38  }
0x46a: {  	v63 =	vld [tilespmem:s11+$0x1C60];
	v44 =	vmul.f32 v51, v44;
	vm6 =	vmneg vm13;
	v42 =	vsel vm8, v14, v42  }
0x46b: {  	v14 =	vsub.f32 v29, v30;
	vm1 =	vmneg vm14;
	v46 =	vsel vm8, $0x6, v33  }
0x46c: {  	vm13 =	vmand vm6, vm15;
	v10 =	vsel vm2, v42, v10;
	v6 =	vsel vm6, v45, v50  }
0x46d: {  	v39 =	vsel vm1, v38, v53;
	v42 =	vsel vm5, v43, v41;
	v43 =	vnsel vm5, $0x4, v41  }
0x46e: {  	vm4 =	vgt.f32 v52, v34;
	vm7 =	vgt.f32 v52, v2;
	v4 =	vsel vm13, v50, v4  }
0x46f: {  	vm15 =	vgt.f32 v53, v10;
	v28 =	vmul.f32 $1.442695020e+00, v14;
	vm14 =	vgt.f32 v63, v6  }
0x470: {  	v47 =	vsel vm12, $0x5, v42;
	vm0 =	vmneg vm4;
	v4 =	vsel vm6, v4, v45  }
0x471: {  	vm14 =	vmneg vm14;
	vm4 =	vmand vm0, vm7;
	(erf) = vpow2.f32 v28  }
0x472: {  	vm7 =	vmand vm1, vm15;
	vm15 =	vgt.f32 v63, v4;
	v2 =	vsel vm4, v52, v2  }
0x473: {  	v10 =	vsel vm7, v53, v10;
	(erf) = vpow2.f32 v5;
	vm15 =	vmand vm14, vm15  }
0x474: {  	v2 =	vsel vm0, v2, v34;
	v34 =	vsel vm0, v34, v52;
	v10 =	vsel vm1, v10, v38  }
0x475: {  	v4 =	vsel vm15, v63, v4;
	(erf) = vpow2.f32 v40;
	v2 =	vsub.f32 v2, v34  }
0x476: {  	v5 =	vsub.f32 v10, v39;
	v4 =	vsel vm14, v4, v6;
	v6 =	vsel vm14, v6, v63  }
0x477: {  	[tilespmem:s11+$0x2070] =	vst v51;
	v51 =	vnsel vm3, $0x5, v43;
	v4 =	vsub.f32 v4, v6;
	v2 =	vmul.f32 $1.442695020e+00, v2  }
0x478: {  	v11 =	vnsel vm6, $0x6, v51;
	v27 =	vnsel vm0, $0x7, v48;
	v5 =	vmul.f32 $1.442695020e+00, v5  }
0x479: {  	[tilespmem:s11+$0x2470] =	vst v44;
	v44 =	vsel vm4, $0x7, v3;
	v53 =	vld [tilespmem:$0x1F620];
	v45 =	vmul.f32 $1.442695020e+00, v4;
	v6 =	vpop (erf);
	(erf) = vpow2.f32 v2  }
0x47a: {  	[tilespmem:s11+$0x2800] =	vst v23;
	v2 =	vsel vm0, v44, v48;
	v48 =	vadd.f32 $1.000000000e+00, v6;
	(erf) = vpow2.f32 v5;
	v3 =	vpop (erf)  }
0x47b: {  	[tilespmem:s11+$0x2C00] =	vst v22;
	v10 =	vnsel vm1, $0x7, v49;
	v44 =	vld [tilespmem:$0x1F630];
	(erf) = vpow2.f32 v45;
	v50 =	vadd.f32 $1.000000000e+00, v3  }
0x47c: {  	[tilespmem:s11+$0x2810] =	vst v26;
	v39 =	vnsel vm14, $0x7, v11;
	v5 =	vsel vm3, v47, v43;
	v47 =	vld [tilespmem:$0x1F640];
	v30 =	vpop (erf);
	(erf) = vrcp.f32 v48  }
0x47d: {  	[tilespmem:$0x1F670] =	vst v1;
	v4 =	vsel vm2, v46, v36;
	v52 =	vadd.f32 $1.000000000e+00, v30;
	(erf) = vrcp.f32 v50  }
0x47e: {  	[tilespmem:s11+$0x2C30] =	vst v12;
	vm12 =	vnez.u8 v53;
	v4 =	vsel vm7, $0x7, v4;
	v5 =	vsel vm13, $0x6, v5;
	v28 =	vpop (erf)  }
0x47f: {  	[tilespmem:s11+$0x2840] =	vst v27;
	v5 =	vsel vm6, v5, v51;
	v14 =	vadd.f32 $1.000000000e+00, v28;
	(erf) = vrcp.f32 v52  }
0x480: {  	[tilespmem:s11+$0x2850] =	vst v10;
	v63 =	vnsel vm12, $0x3, v31;
	v5 =	vsel vm15, $0x7, v5;
	vm13 =	vnez.u8 v44;
	v52 =	vld [tilespmem:$0x1F650]  }
0x481: {  	[tilespmem:s11+$0x2860] =	vst v39;
	v45 =	vnsel vm13, $0x4, v63;
	vm4 =	vnez.u8 v47;
	(erf) = vrcp.f32 v14  }
0x482: {  	v4 =	vsel vm1, v4, v49;
	[tilespmem:s11+$0x2C40] =	vst v2;
	v5 =	vsel vm14, v5, v11;
	v11 =	vld [tilespmem:$0x1F660];
	v48 =	vnsel vm4, $0x5, v45;
	v34 =	vpop (erf)  }
0x483: {  	v12 =	vshll.u32 v12, $0x2;
	[tilespmem:s11+$0x2C50] =	vst v4;
	v35 =	vnsel vm10, $0x6, v48;
	v37 =	vpop (erf);
	v46 =	vadd.f32 $1.000000000e+00, v34  }
0x484: {  	v31 =	vsel vm12, v32, v31;
	v44 =	vld [tilespmem:$0x1F670];
	[tilespmem:s11+$0x2C60] =	vst v5;
	v38 =	vnsel vm11, $0x7, v35;
	v49 =	vadd.f32 $1.000000000e+00, v37;
	v42 =	vpop (erf)  }
0x485: {  	[tilespmem:s11+$0x2870] =	vst v38;
	vm5 =	vnez.u8 v52;
	(erf) = vrcp.f32 v46;
	v50 =	vadd.f32 $1.000000000e+00, v42;
	v51 =	vpop (erf)  }
0x486: {  	v31 =	vsel vm5, $0x4, v31;
	(erf) = vrcp.f32 v49;
	[tilespmem:s11+$0x2000] =	vst v51;
	v6 =	vmul.f32 v51, v6;
	v53 =	vpop (erf)  }
0x487: {  	v33 =	vshll.u32 v26, $0x2;
	vm6 =	vnez.u8 v11;
	v29 =	vsel vm13, v31, v63;
	[tilespmem:s11+$0x2010] =	vst v53  }
0x488: {  	(erf) = vrcp.f32 v50;
	v29 =	vsel vm6, $0x5, v29;
	v3 =	vmul.f32 v53, v3;
	v63 =	vpop (erf);
	[tilespmem:s11+$0x2400] =	vst v6  }
0x489: {  	v41 =	vimm.s32 $0x1;
	vm7 =	vnez.u8 v44;
	v29 =	vsel vm4, v29, v45;
	[tilespmem:s11+$0x2020] =	vst v63  }
0x48a: {  	v36 =	vshll.u32 v22, $0x2;
	v14 =	vmul.f32 v63, v30;
	v45 =	vsel vm7, $0x6, v29;
	v46 =	vpop (erf);
	[tilespmem:s11+$0x2410] =	vst v3  }
0x48b: {  	v32 =	vshll.u32 v23, $0x2;
	v23 =	vsel vm10, v45, v48;
	[tilespmem:s11+$0x2030] =	vst v46;
	v22 =	vmul.f32 v46, v28  }
0x48c: {  	v21 =	vshll.u32 v41, v21;
	v0 =	vshll.u32 v41, v0;
	[tilespmem:s11+$0x2420] =	vst v14;
	v23 =	vsel vm9, $0x7, v23  }
0x48d: {  	v43 =	vshll.u32 v41, v33;
	v3 =	vshll.u32 v41, v32;
	[tilespmem:s11+$0x2430] =	vst v22;
	v26 =	vsel vm11, v23, v35  }
0x48e: {  	v40 =	vcvt.s32.f32 v17;
	v6 =	vshll.u32 v41, v36;
	v3 =	vadd.s32 v3, v43;
	[tilespmem:s11+$0x2C70] =	vst v26;
	v47 =	vpop (erf)  }
0x48f: {  	v10 =	vshll.u32 v10, $0x2;
	v3 =	vadd.s32 v6, v3;
	v48 =	vpop (erf);
	[tilespmem:s11+$0x2040] =	vst v47;
	v6 =	vmul.f32 v47, v34  }
0x490: {  	v10 =	vshll.u32 v41, v10;
	v2 =	vshll.u32 v2, $0x2;
	v4 =	vshll.u32 v4, $0x2;
	[tilespmem:s11+$0x2050] =	vst v48  }
0x491: {  	v2 =	vshll.u32 v41, v2;
	v33 =	vshll.u32 v41, v4;
	v50 =	vmul.f32 v48, v37;
	v51 =	vpop (erf);
	[tilespmem:s11+$0x2440] =	vst v6  }
0x492: {  	v11 =	vadd.f32 v61, v9;
	v52 =	vshll.u32 v41, v24;
	v53 =	vmul.f32 v51, v42;
	[tilespmem:s11+$0x2060] =	vst v51  }
0x493: {  	v49 =	vshll.u32 v41, v25;
	v25 =	vshll.u32 v27, $0x2;
	v3 =	vadd.s32 v21, v3;
	[tilespmem:s11+$0x2450] =	vst v50  }
0x494: {  	s18 =	sadd.s32 s9, s4;
	s19 =	simm.s32 $0x0;
	s10 =	simm.s32 $0x2000;
	v27 =	vshll.u32 v41, v12;
	v31 =	vshll.u32 v39, $0x2;
	v3 =	vadd.s32 v49, v3;
	[tilespmem:s11+$0x2460] =	vst v53  }
0x495: {  	v39 =	vcvt.s32.f32 v13;
	v36 =	vshll.u32 v5, $0x2;
	v3 =	vadd.s32 v52, v3;
	[hbm4b:s18+s19] =	stream.linear.scatter [tilespmem:s10], [sflag:$0x1], $0x400, $0x38;
	[tilespmem:$0x3190] =	vst v63  }
0x496: {  	s20 =	sadd.s32 s8, s4;
	s21 =	simm.s32 $0x2400;
	v29 =	vcvt.s32.f32 v19;
	v0 =	vadd.s32 v0, v3;
	v3 =	vshll.u32 v41, v25  }
0x497: {  	v63 =	vadd.f32 v58, v55;
	v32 =	vcvt.s32.f32 v18;
	v0 =	vadd.s32 v3, v0;
	[hbm4b:s20+s19] =	stream.linear.scatter [tilespmem:s21], [sflag:$0x1], $0x400, $0x38;
	[tilespmem:$0x3190] =	vst v63  }
0x498: {  	s22 =	sadd.s32 s7, s4;
	s23 =	simm.s32 $0x2800;
	v28 =	vcvt.s32.f32 v20;
	v30 =	vadd.f32 v29, v56;
	v0 =	vadd.s32 v27, v0  }
0x499: {  	v5 =	vadd.f32 v40, v63;
	v12 =	vadd.f32 v32, v54;
	v0 =	vadd.s32 v10, v0;
	[hbm4b:s22+s19] =	stream.linear.scatter [tilespmem:s23], [sflag:$0x1], $0x400, $0x38;
	[tilespmem:$0x3190] =	vst v63  }
0x49a: {  	s24 =	sadd.s32 s6, s4;
	s25 =	simm.s32 $0x2C00;
	s26 =	simm.s32 $0x1;
	v34 =	vshll.u32 v38, $0x2;
	v0 =	vadd.s32 v2, v0;
	v2 =	vshll.u32 v41, v31  }
0x49b: {  	v38 =	vcvt.s32.f32 v16;
	v52 =	vcvt.s32.f32 v60;
	v0 =	vadd.s32 v2, v0;
	[hbm4b:s24+s19] =	stream.linear.scatter [tilespmem:s25], [sflag:$0x1], $0x400, $0x38;
	[tilespmem:$0x3190] =	vst v63  }
0x49c: {  	v35 =	vshll.u32 v41, v34;
	v37 =	vshll.u32 v26, $0x2;
	v0 =	vadd.s32 v33, v0;
	_ =	swait.ge [sflag:s26], $0x400  }
0x49d: {  	v3 =	vadd.f32 v28, v57;
	v2 =	vshll.u32 v41, v36;
	v0 =	vadd.s32 v35, v0;
	[sflag:s26] =	ssyncset.done $0x0  }
0x49e: {  	v1 =	vshll.u32 v41, v37;
	v41 =	vcvt.s32.f32 v15;
	v0 =	vadd.s32 v2, v0;
	[sflag:s26] =	ssyncadd.s32 $0xFFFFFC00  }
0x49f: {  	v4 =	vadd.f32 v38, v59;
	v42 =	vadd.f32 v39, v8;
	v0 =	vadd.s32 v1, v0;
	_ =	swait.ge [sflag:s26], $0x400  }
0x4a0: {  	v47 =	vadd.f32 v41, v62;
	v43 =	vshrl.u32 v0, $0x4;
	v44 =	vshrl.u32 v0, $0x8;
	[sflag:s26] =	ssyncset.done $0x0  }
0x4a1: {  	v45 =	vshrl.u32 v0, $0xC;
	v46 =	vand.u32 $0xF, v0;
	v49 =	vshrl.u32 v0, $0x10;
	[sflag:s26] =	ssyncadd.s32 $0xFFFFFC00  }
0x4a2: {  	v50 =	vshrl.u32 v0, $0x14;
	v2 =	vand.u32 $0xF, v43;
	v6 =	vcvt.s32.f32 v46;
	_ =	swait.ge [sflag:s26], $0x400  }
0x4a3: {  	v51 =	vshrl.u32 v0, $0x18;
	v7 =	vand.u32 $0xF, v44;
	v2 =	vcvt.s32.f32 v2;
	[sflag:s26] =	ssyncset.done $0x0  }
0x4a4: {  	v8 =	vand.u32 $0xF, v45;
	v7 =	vcvt.s32.f32 v7;
	v5 =	vadd.f32 v6, v5;
	[sflag:s26] =	ssyncadd.s32 $0xFFFFFC00  }
0x4a5: {  	v48 =	vcvt.s32.f32 v8;
	v6 =	vand.u32 $0xF, v49;
	v2 =	vadd.f32 v2, v3;
	_ =	swait.ge [sflag:s26], $0x400  }
0x4a6: {  	v8 =	vand.u32 $0xF, v50;
	v7 =	vadd.f32 v7, v30;
	v6 =	vcvt.s32.f32 v6;
	(xrf2) =	vadd.scan.msk.f32 $0xffff, v5  }
0x4a7: {  	v8 =	vcvt.s32.f32 v8;
	v3 =	vadd.f32 v48, v12;
	v5 =	vand.u32 $0xF, v51;
	(xrf2) =	vadd.scan.msk.f32 $0xffff, v2  }
0x4a8: {  	v0 =	vshrl.u32 v0, $0x1C;
	v4 =	vadd.f32 v6, v4;
	v5 =	vcvt.s32.f32 v5;
	(xrf2) =	vadd.scan.msk.f32 $0xffff, v7  }
0x4a9: {  	v0 =	vcvt.s32.f32 v0;
	v1 =	vadd.f32 v8, v42;
	v2 =	vadd.f32 v52, v11;
	(xrf2) =	vadd.scan.msk.f32 $0xffff, v3  }
0x4aa: {  	v53 =	vadd.f32 v5, v47;
	(xrf2) =	vadd.scan.msk.f32 $0xffff, v4  }
0x4ab: {  	v0 =	vadd.f32 v0, v2;
	(xrf2) =	vadd.scan.msk.f32 $0xffff, v1  }
0x4ac: {  	(xrf2) =	vadd.scan.msk.f32 $0xffff, v53  }
0x4ad: {  	(xrf2) =	vadd.scan.msk.f32 $0xffff, v0;
	_ =	sdelay $0x2  }
0x4ae: {  	v54, _, _ =	vpop (xrf2)  }
0x4af: {  	v55, _, _ =	vpop (xrf2);
	v0 =	vbroadcast v54, $0xF  }
0x4b0: {  	vm8 =	vmmov $0x1;
	v56, _, _ =	vpop (xrf2);
	v1 =	vbroadcast v55, $0xF  }
0x4b1: {  	vm9 =	vcmask $0x320;
	v57, _, _ =	vpop (xrf2);
	v0 =	vnsel vm8, $0x0, v0;
	v2 =	vbroadcast v56, $0xF  }
0x4b2: {  	vm10 =	vcmask $0x720;
	v0 =	vsel vm9, v0, v1;
	v58, _, _ =	vpop (xrf2);
	v3 =	vbroadcast v57, $0xF  }
0x4b3: {  	vm11 =	vcmask $0xB20;
	v0 =	vsel vm10, v0, v2;
	v59, _, _ =	vpop (xrf2);
	v1 =	vbroadcast v58, $0xF  }
0x4b4: {  	vm12 =	vcmask $0xF20;
	v0 =	vsel vm11, v0, v3;
	v60, _, _ =	vpop (xrf2);
	v2 =	vbroadcast v59, $0xF  }
0x4b5: {  	vm13 =	vcmask $0x1320;
	v0 =	vsel vm12, v0, v1;
	v61 =	vbroadcast v60, $0xF;
	v62, _, _ =	vpop (xrf2)  }
0x4b6: {  	vm14 =	vcmask $0x1720;
	v0 =	vsel vm13, v0, v2;
	v63 =	vbroadcast v62, $0xF  }
0x4b7: {  	vm15 =	vcmask $0x1B20;
	[sflag:s26] =	ssyncset.done $0x0;
	v0 =	vsel vm14, v0, v61  }
0x4b8: {  	s28 =	sshll.u32 s3, $0x4;
	[sflag:s26] =	ssyncadd.s32 $0xFFFFFC00;
	v0 =	vsel vm15, v0, v63  }
0x4b9: {  	s30 =	simm.s32 $0x3000;
	s31 =	simm.s32 $0x2;
	s29 =	sadd.s32 s28, s2;
	[tilespmem:$0x3000] =	vst v0  }
0x4ba: {  	[spmem:s29] =	stream.linear.scatter [tilespmem:s30], [sflag:$0x2], $0x10, $0x38;
	[tilespmem:$0x3190] =	vst v63  }
0x4bb: {  	_ =	swait.ge [sflag:s31], $0x10  }
0x4bc: {  	[sflag:s31] =	ssyncset.done $0x0  }
0x4bd: {  	[sflag:s31] =	ssyncadd.s32 $0xFFFFFFF0  }
0x4be: {  	p0 =	sne.s32 s3, $0x0;
	[bflag:$0x0] =	sbarrier.arrive $0xFFFF  }
0x4bf: {  	_ =	sfence.sel @p0 $0x180000  }
0x4c0: {  	[bflag:$0x0] =	sbarrier.arrive @p0 $0xFFFF  }
0x4c1: {  	_ =	strace @p0 $0x90000047  }
0x4c2: {  	s3 =	simm.s32 @!p0 $0x3080;
	[bflag:$0x2] =	sbarrier.arrive @p0 $0xFFFF  }
0x4c3: {  	[tilespmem:s3], [sflag:$0x2] =	stream.linear.gather @!p0 [spmem:s2], $0x100, $0x38;
	[tilespmem:$0x3190] =	vst v63  }
0x4c4: {  	s2 =	simm.s32 @!p0 $0x2  }
0x4c5: {  	_ =	swait.ge @!p0 [sflag:s2], $0x100  }
0x4c6: {  	[sflag:s2] =	ssyncset.done @!p0 $0x0  }
0x4c7: {  	[sflag:s2] =	ssyncadd.s32 @!p0 $0xFFFFFF00  }
0x4c8: {  	v0 =	vld @!p0 [tilespmem:$0x3080]  }
0x4c9: {  	v1 =	vld @!p0 [tilespmem:$0x3090];
	_ =	sdelay $0x1  }
0x4ca: {  	v2 =	vld @!p0 [tilespmem:$0x30A0];
	_ =	sdelay $0x1  }
0x4cb: {  	v3 =	vld @!p0 [tilespmem:$0x30B0]  }
0x4cc: {  	v0 =	vadd.f32 @!p0 v1, v0  }
0x4cd: {  	v1 =	vld @!p0 [tilespmem:$0x30C0]  }
0x4ce: {  	v0 =	vadd.f32 @!p0 v2, v0  }
0x4cf: {  	v2 =	vld @!p0 [tilespmem:$0x30D0]  }
0x4d0: {  	v0 =	vadd.f32 @!p0 v3, v0  }
0x4d1: {  	v3 =	vld @!p0 [tilespmem:$0x30E0]  }
0x4d2: {  	v0 =	vadd.f32 @!p0 v1, v0  }
0x4d3: {  	v1 =	vld @!p0 [tilespmem:$0x30F0]  }
0x4d4: {  	v0 =	vadd.f32 @!p0 v2, v0  }
0x4d5: {  	v2 =	vld @!p0 [tilespmem:$0x3100]  }
0x4d6: {  	v0 =	vadd.f32 @!p0 v3, v0  }
0x4d7: {  	v3 =	vld @!p0 [tilespmem:$0x3110]  }
0x4d8: {  	v0 =	vadd.f32 @!p0 v1, v0  }
0x4d9: {  	v1 =	vld @!p0 [tilespmem:$0x3120]  }
0x4da: {  	v0 =	vadd.f32 @!p0 v2, v0  }
0x4db: {  	v2 =	vld @!p0 [tilespmem:$0x3130]  }
0x4dc: {  	v0 =	vadd.f32 @!p0 v3, v0  }
0x4dd: {  	v3 =	vld @!p0 [tilespmem:$0x3140]  }
0x4de: {  	v0 =	vadd.f32 @!p0 v1, v0  }
0x4df: {  	v1 =	vld @!p0 [tilespmem:$0x3150]  }
0x4e0: {  	v0 =	vadd.f32 @!p0 v2, v0  }
0x4e1: {  	v2 =	vld @!p0 [tilespmem:$0x3160]  }
0x4e2: {  	v0 =	vadd.f32 @!p0 v3, v0  }
0x4e3: {  	v3 =	vld @!p0 [tilespmem:$0x3170]  }
0x4e4: {  	v0 =	vadd.f32 @!p0 v1, v0;
	_ =	sdelay $0x1  }
0x4e5: {  	v0 =	vadd.f32 @!p0 v2, v0;
	_ =	sdelay $0x1  }
0x4e6: {  	v0 =	vadd.f32 @!p0 v3, v0;
	_ =	sdelay $0x1  }
0x4e7: {  	s4 =	simm.s32 @!p0 $0x3000;
	s3 =	simm.s32 @!p0 $0x0;
	[tilespmem:$0x3000] =	vst @!p0 v0  }
0x4e8: {  	[hbm4b:s1+s3] =	stream.linear.scatter @!p0 [tilespmem:s4], [sflag:$0x2], $0x80, $0x38;
	[tilespmem:$0x3190] =	vst v63  }
0x4e9: {  	_ =	swait.ge @!p0 [sflag:s2], $0x80  }
0x4ea: {  	[sflag:s2] =	ssyncset.done @!p0 $0x0  }
0x4eb: {  	[sflag:s2] =	ssyncadd.s32 @!p0 $0xFFFFFF80  }
0x4ec: {  	_ =	sfence.sel @!p0 $0x180000  }
0x4ed: {  	[bflag:$0x0] =	sbarrier.arrive @!p0 $0xFFFF  }
0x4ee: {  	_ =	strace @!p0 $0x90000047  }
0x4ef: {  	s0 =	sadd.s32 @!p0 $0x100000, s0;
	[bflag:$0x2] =	sbarrier.arrive @!p0 $0xFFFF  }
0x4f0: {  	[sflag:s0] =	ssyncadd.tile.s32 @!p0 $0x1;
	_ =	shalt  }
.Lfunc_end2:
_tile_overlayer_lowered:
.L_overlay_start_2:
0x4f1: {  	(tag) =	ssettag $0x2  }
0x4f2: {  	s0 =	rddreg [dreg:$0x0];
	s2 =	stileid.u32  }
0x4f3: {  	s1 =	rddreg [dreg:$0x1];
	p0 =	sne.s32 s2, $0x0  }
0x4f4: {  	s3 =	rddreg [dreg:$0x2];
	[bflag:$0x3] =	sbarrier.arrive $0xFFFF;
	s2 =	simm.s32 @!p0 $0x1C02  }
0x4f5: {  	[timem:s3], [sflag:s2] =	dma.local @!p0 [hbm:s0], s1  }
0x4f6: {  	s0 =	simm.s32 @!p0 $0x2  }
0x4f7: {  	_ =	swait.ge @!p0 [sflag:s0], s1  }
0x4f8: {  	s1 =	ssub.s32 @!p0 $0x0, s1;
	[sflag:s0] =	ssyncset.done @!p0 $0x0  }
0x4f9: {  	[sflag:s0] =	ssyncadd.s32 @!p0 s1  }
0x4fa: {  	[bflag:$0x3] =	sbarrier.arrive $0xFFFF  }
0x4fb: {  	_ =	shalt  }

</sc_bundles>
